<compile_context>
chip_gen: v7x
topology: tpu7x:2x2x1
jax: 0.10.2.dev20260603
libtpu: 0.0.44.dev20260713+nightly
codegen_flags: <defaults>
</compile_context>

<pallas_src>
import functools

import jax
import jax.numpy as jnp
from jax import lax
from jax.experimental import pallas as pl
from jax.experimental.pallas import tpu as pltpu
from jax.experimental.pallas import tpu_sc as plsc

K = 32
ITERS = 10
L = 16


def _kmeans_body(x_hbm, c0_hbm, out_hbm, xv, consts, acc2, red, cents, g4,
                 out96, shared):
    c = lax.axis_index("c")
    s = lax.axis_index("s")
    img = c * 4 + s // 4
    part = s % 4
    NP = xv.shape[0] // 3
    N = NP * 4
    n_groups = NP // L

    for j in range(3):
        pltpu.sync_copy(
            x_hbm.at[pl.ds(img * 3 * N + j * N + part * NP, NP)],
            xv.at[pl.ds(j * NP, NP)])
    pltpu.sync_copy(c0_hbm.at[pl.ds(img * 96, 96)], cents.at[pl.ds(0, 96)])

    lane = lax.iota(jnp.int32, L)
    ones = jnp.full((L,), 1.0, jnp.float32)
    big = jnp.full((L,), 3.4e38, jnp.float32)

    for h in range(2):
        c0 = cents[pl.ds(h * L, L)]
        c1 = cents[pl.ds(32 + h * L, L)]
        c2 = cents[pl.ds(64 + h * L, L)]
        cents[pl.ds(96 + h * L, L)] = c0 * c0 + c1 * c1 + c2 * c2

    def iter_body(it, carry):
        for h in range(2):
            av = cents[pl.ds(96 + h * L, L)]
            bv = [cents[pl.ds(j * 32 + h * L, L)] * (-2.0) for j in range(3)]
            for kk in range(L):
                k = h * L + kk
                consts[pl.ds(k * 64, L)] = jnp.broadcast_to(av[kk], (L,))
                for j in range(3):
                    consts[pl.ds(k * 64 + (1 + j) * L, L)] = (
                        jnp.broadcast_to(bv[j][kk], (L,)))

        zero = jnp.zeros((L,), jnp.float32)
        for r in range(L):
            for cc in range(8):
                acc2[pl.ds(r * 128 + cc * L, L)] = zero

        def gbody(g, _):
            xa = [xv[pl.ds(j * NP + 2 * g * L, L)] for j in range(3)]
            xb = [xv[pl.ds(j * NP + 2 * g * L + L, L)] for j in range(3)]
            besta = big
            bestb = big
            bidxa = jnp.zeros((L,), jnp.int32)
            bidxb = jnp.zeros((L,), jnp.int32)
            for k in range(K):
                a = consts[pl.ds(k * 64, L)]
                b0 = consts[pl.ds(k * 64 + L, L)]
                b1 = consts[pl.ds(k * 64 + 2 * L, L)]
                b2 = consts[pl.ds(k * 64 + 3 * L, L)]
                kv = jnp.full((L,), k, jnp.int32)
                sa = xa[0] * b0 + (xa[1] * b1 + (xa[2] * b2 + a))
                sb = xb[0] * b0 + (xb[1] * b1 + (xb[2] * b2 + a))
                ma = sa < besta
                mb = sb < bestb
                besta = jnp.where(ma, sa, besta)
                bestb = jnp.where(mb, sb, bestb)
                bidxa = jnp.where(ma, kv, bidxa)
                bidxb = jnp.where(mb, kv, bidxb)
            for bidx, x in ((bidxa, xa), (bidxb, xb)):
                fl = lane * 128 + bidx
                plsc.addupdate_scatter(acc2, [fl], x[0])
                plsc.addupdate_scatter(acc2, [fl + 32], x[1])
                plsc.addupdate_scatter(acc2, [fl + 64], x[2])
                plsc.addupdate_scatter(acc2, [fl + 96], ones)
            return 0

        lax.fori_loop(0, n_groups // 2, gbody, 0)

        for cc in range(8):
            t = acc2[pl.ds(cc * L, L)]
            for r in range(1, L):
                t = t + acc2[pl.ds(r * 128 + cc * L, L)]
            red[pl.ds(cc * L, L)] = t

        pltpu.sync_copy(red, shared.at[pl.ds(s * 128, 128)])
        plsc.subcore_barrier()
        pltpu.sync_copy(shared.at[pl.ds((s // 4) * 4 * 128, 512)], g4)

        for h in range(2):
            sums = []
            for j in range(4):
                o = j * 32 + h * L
                sums.append(g4[pl.ds(o, L)] + g4[pl.ds(128 + o, L)]
                            + g4[pl.ds(256 + o, L)] + g4[pl.ds(384 + o, L)])
            cnt = sums[3]
            denom = jnp.maximum(cnt, 1.0)
            m = cnt > 0.0
            newc = []
            for j in range(3):
                o = j * 32 + h * L
                nc = jnp.where(m, sums[j] / denom, cents[pl.ds(o, L)])
                newc.append(nc)
                cents[pl.ds(o, L)] = nc
            cents[pl.ds(96 + h * L, L)] = (
                newc[0] * newc[0] + newc[1] * newc[1] + newc[2] * newc[2])
        plsc.subcore_barrier()
        return carry

    lax.fori_loop(0, ITERS, iter_body, 0)

    @pl.when(part == 0)
    def _():
        for j in range(3):
            for h in range(2):
                idx = (lane + h * L) * 3 + j
                plsc.store_scatter(out96, [idx],
                                   cents[pl.ds(j * 32 + h * L, L)])
        pltpu.sync_copy(out96, out_hbm.at[pl.ds(img * 96, 96)])


@jax.jit
def _sc_kmeans(x_flat, c_flat):
    B = 8
    N = x_flat.shape[0] // (3 * B)
    NP = N // 4
    mesh = plsc.VectorSubcoreMesh(core_axis_name="c", subcore_axis_name="s")
    f = functools.partial(
        pl.kernel,
        mesh=mesh,
        out_type=jax.ShapeDtypeStruct((B * K * 3,), jnp.float32),
        compiler_params=pltpu.CompilerParams(needs_layout_passes=False),
        scratch_types=[
            pltpu.VMEM((3 * NP,), jnp.float32),
            pltpu.VMEM((K * 4 * L,), jnp.float32),
            pltpu.VMEM((L * 8 * L,), jnp.float32),
            pltpu.VMEM((8 * L,), jnp.float32),
            pltpu.VMEM((8 * L,), jnp.float32),
            pltpu.VMEM((4 * 8 * L,), jnp.float32),
            pltpu.VMEM((K * 3,), jnp.float32),
            pltpu.VMEM_SHARED((L * 8 * L,), jnp.float32),
        ],
    )(_kmeans_body)
    return f(x_flat, c_flat)


def _perm_first_k(skey, n):
    key, sub1 = jax.random.split(skey)
    k1 = jax.random.bits(sub1, (n,), jnp.uint32)
    key, sub2 = jax.random.split(key)
    k2 = jax.random.bits(sub2, (n,), jnp.uint32)
    _, x1 = lax.sort_key_val(k1, jnp.arange(n, dtype=jnp.int32))
    t = jnp.bitwise_xor(jnp.bitwise_not(k2), jnp.uint32(0x80000000))
    _, idx = lax.top_k(lax.bitcast_convert_type(t, jnp.int32), K)
    return x1[idx]


def kernel(inputs):
    B, H, W, C = inputs.shape
    N = H * W
    x = inputs.reshape(B, N, C)
    skeys = jax.random.split(jax.random.key(42), B)
    perms = jax.vmap(lambda k: _perm_first_k(k, N))(skeys)
    cents0 = jnp.take_along_axis(x, perms[:, :, None], axis=1)
    x_flat = x.transpose(0, 2, 1).reshape(-1)
    c_flat = cents0.transpose(0, 2, 1).reshape(-1)
    out = _sc_kmeans(x_flat, c_flat)
    return out.reshape(B, K * 3)

# --- scband reference (transcript-rebuilt; emitter-appended) ---
"""Pipeline reference for scband-color-extractor-64742337019920 (READ-ONLY COPY).

The authoritative reference and input builder live on the scoring server;
editing this copy changes nothing except your own understanding.
"""

import jax, jax.numpy as jnp
import numpy as np

NUM_CLUSTERS = 32
NUM_ITERATIONS = 10


def setup_inputs(seed: int = 0) -> dict:
    key = jax.random.key(seed)
    inputs = jax.random.uniform(key, (8, 384, 384, 3), dtype=jnp.float32)
    return {"inputs": inputs}


def reference(inputs):
    B, H, W, C = inputs.shape
    N = H * W
    K = NUM_CLUSTERS
    # per-image shuffle keys (tf.random.shuffle analog, fixed seed for determinism)
    shuffle_keys = jax.random.split(jax.random.key(42), B)

    def extract_color(x, skey):
        x = x.reshape(N, C)
        perm = jax.random.permutation(skey, N)
        centroids = x[perm[:K]]  # initial centroids = first K of shuffled pixels

        def update_centroids(cents):
            # distances: [K, N]
            d = jnp.sum(jnp.square(x[None, :, :] - cents[:, None, :]), axis=2)
            assignments = jnp.argmin(d, axis=0)  # [N]
            sums = jax.ops.segment_sum(x, assignments, num_segments=K)
            counts = jax.ops.segment_sum(jnp.ones((N,), jnp.float32), assignments, num_segments=K)
            new_c = sums / jnp.maximum(counts, 1.0)[:, None]
            # empty cluster keeps its old centroid (matches tf.size(ruc)==0 branch)
            return jnp.where(counts[:, None] > 0, new_c, cents)

        for _ in range(NUM_ITERATIONS):
            centroids = update_centroids(centroids)
        return centroids.reshape(K * C)

    return jax.vmap(extract_color)(inputs, shuffle_keys)

if __name__ == "__main__":
    import jax
    _d = setup_inputs()
    print(jax.jit(kernel)(*tuple(_d.values())))

</pallas_src>

<mosaic_0001>
#map = affine_map<(d0, d1) -> (0)>
module attributes {stable_mosaic.version = 14 : i64} {
  func.func @_kmeans_body(%arg0: i32, %arg1: i32, %arg2: memref<3538944xf32, #tpu.memory_space<hbm>>, %arg3: memref<768xf32, #tpu.memory_space<hbm>>, %arg4: memref<768xf32, #tpu.memory_space<hbm>>, %arg5: memref<110592xf32, #tpu.memory_space<vmem>>, %arg6: memref<2048xf32, #tpu.memory_space<vmem>>, %arg7: memref<2048xf32, #tpu.memory_space<vmem>>, %arg8: memref<128xf32, #tpu.memory_space<vmem>>, %arg9: memref<128xf32, #tpu.memory_space<vmem>>, %arg10: memref<512xf32, #tpu.memory_space<vmem>>, %arg11: memref<96xf32, #tpu.memory_space<vmem>>, %arg12: memref<2048xf32, #tpu.memory_space<vmem_shared>>) attributes {dimension_semantics = [#tpu.dimension_semantics<core_parallel>, #tpu.dimension_semantics<subcore_parallel>], iteration_bounds = array<i64: 2, 16>, scalar_prefetch = 0 : i64, scratch_operands = 8 : i64, tpu.core_type = #tpu.core_type<sc_vector_subcore>, window_params = [{transform_indices = #map}, {transform_indices = #map}, {transform_indices = #map}]} {
    %mul3A = arith.constant 4 : i32
    %mul3A_0 = arith.muli %arg0, %mul3A : i32
    %jit3A = arith.constant 4 : i32
    %div3A = arith.divsi %arg1, %jit3A : i32
    %sign3A = arith.constant 0 : i32
    %sign3A_1 = arith.cmpi sgt, %arg1, %sign3A : i32
    %sign3A_2 = arith.extui %sign3A_1 : i1 to i32
    %sign3A_3 = arith.constant 0 : i32
    %sign3A_4 = arith.cmpi slt, %arg1, %sign3A_3 : i32
    %sign3A_5 = arith.extui %sign3A_4 : i1 to i32
    %sign3A_6 = arith.subi %sign3A_2, %sign3A_5 : i32
    %sign3A_7 = arith.constant 0 : i32
    %sign3A_8 = arith.cmpi sgt, %jit3A, %sign3A_7 : i32
    %sign3A_9 = arith.extui %sign3A_8 : i1 to i32
    %sign3A_10 = arith.constant 0 : i32
    %sign3A_11 = arith.cmpi slt, %jit3A, %sign3A_10 : i32
    %sign3A_12 = arith.extui %sign3A_11 : i1 to i32
    %sign3A_13 = arith.subi %sign3A_9, %sign3A_12 : i32
    %ne3A = arith.cmpi ne, %sign3A_6, %sign3A_13 : i32
    %rem3A = arith.remsi %arg1, %jit3A : i32
    %ne3A_14 = arith.constant 0 : i32
    %ne3A_15 = arith.cmpi ne, %rem3A, %ne3A_14 : i32
    %and3A = arith.andi %ne3A, %ne3A_15 : i1
    %sub3A = arith.constant 1 : i32
    %sub3A_16 = arith.subi %div3A, %sub3A : i32
    %select_n3A = arith.select %and3A, %sub3A_16, %div3A : i32
    %add3A = arith.addi %mul3A_0, %select_n3A : i32
    %jit3A_17 = arith.constant 4 : i32
    %eq3A = arith.constant 0 : i32
    %eq3A_18 = arith.cmpi eq, %jit3A_17, %eq3A : i32
    %jit3A_19 = arith.constant 1 : i32
    %select_n3A_20 = arith.select %eq3A_18, %jit3A_19, %jit3A_17 : i32
    %rem3A_21 = arith.remsi %arg1, %select_n3A_20 : i32
    %ne3A_22 = arith.constant 0 : i32
    %ne3A_23 = arith.cmpi ne, %rem3A_21, %ne3A_22 : i32
    %lt3A = arith.constant 0 : i32
    %lt3A_24 = arith.cmpi slt, %rem3A_21, %lt3A : i32
    %lt3A_25 = arith.constant 0 : i32
    %lt3A_26 = arith.cmpi slt, %select_n3A_20, %lt3A_25 : i32
    %ne3A_27 = arith.xori %lt3A_24, %lt3A_26 : i1
    %and3A_28 = arith.andi %ne3A_27, %ne3A_23 : i1
    %add3A_29 = arith.addi %rem3A_21, %select_n3A_20 : i32
    %select_n3A_30 = arith.select %and3A_28, %add3A_29, %rem3A_21 : i32
    %mul3A_31 = arith.constant 3 : i32
    %mul3A_32 = arith.muli %add3A, %mul3A_31 : i32
    %mul3A_33 = arith.constant 147456 : i32
    %mul3A_34 = arith.muli %mul3A_32, %mul3A_33 : i32
    %add3A_35 = arith.constant 0 : i32
    %add3A_36 = arith.addi %mul3A_34, %add3A_35 : i32
    %mul3A_37 = arith.constant 36864 : i32
    %mul3A_38 = arith.muli %select_n3A_30, %mul3A_37 : i32
    %add3A_39 = arith.addi %add3A_36, %mul3A_38 : i32
    "tpu.region"() ({
      %run_scoped3A = tpu.sem_alloc : memref<!tpu.dma_semaphore, #tpu.memory_space<semaphore_mem>>
      %dma_start3A = arith.constant 0 : i32
      %dma_start3A_95 = tpu.memref_slice %arg5[%dma_start3A] : memref<110592xf32, #tpu.memory_space<vmem>> -> memref<36864xf32, #tpu.memory_space<vmem>>
      %dma_start3A_96 = tpu.memref_slice %arg2[%add3A_39] : memref<3538944xf32, #tpu.memory_space<hbm>> -> memref<36864xf32, #tpu.memory_space<hbm>>
      %dma_start3A_97 = arith.constant 0 : i32
      %dma_start3A_98 = tpu.memref_slice %arg5[%dma_start3A_97] : memref<110592xf32, #tpu.memory_space<vmem>> -> memref<36864xf32, #tpu.memory_space<vmem>>
      %dma_start3A_99 = tpu.memref_slice %arg2[%add3A_39] : memref<3538944xf32, #tpu.memory_space<hbm>> -> memref<36864xf32, #tpu.memory_space<hbm>>
      tpu.enqueue_dma source(%dma_start3A_99 : memref<36864xf32, #tpu.memory_space<hbm>>) target(%dma_start3A_98 : memref<36864xf32, #tpu.memory_space<vmem>>) target_semaphore(%run_scoped3A : memref<!tpu.dma_semaphore, #tpu.memory_space<semaphore_mem>>)
      %dma_wait3A = arith.constant 0 : i32
      %dma_wait3A_100 = tpu.memref_slice %arg5[%dma_wait3A] : memref<110592xf32, #tpu.memory_space<vmem>> -> memref<36864xf32, #tpu.memory_space<vmem>>
      %dma_wait3A_101 = tpu.memref_slice %arg2[%add3A_39] : memref<3538944xf32, #tpu.memory_space<hbm>> -> memref<36864xf32, #tpu.memory_space<hbm>>
      %dma_wait3A_102 = arith.constant 0 : i32
      %dma_wait3A_103 = tpu.memref_slice %arg5[%dma_wait3A_102] : memref<110592xf32, #tpu.memory_space<vmem>> -> memref<36864xf32, #tpu.memory_space<vmem>>
      %dma_wait3A_104 = tpu.memref_slice %arg2[%add3A_39] : memref<3538944xf32, #tpu.memory_space<hbm>> -> memref<36864xf32, #tpu.memory_space<hbm>>
      tpu.wait_dma2 semaphore(%run_scoped3A : memref<!tpu.dma_semaphore, #tpu.memory_space<semaphore_mem>>) src(%dma_wait3A_104 : memref<36864xf32, #tpu.memory_space<hbm>>) dst(%dma_wait3A_103 : memref<36864xf32, #tpu.memory_space<vmem>>)
      tpu.yield
    }) : () -> ()
    %mul3A_40 = arith.constant 3 : i32
    %mul3A_41 = arith.muli %add3A, %mul3A_40 : i32
    %mul3A_42 = arith.constant 147456 : i32
    %mul3A_43 = arith.muli %mul3A_41, %mul3A_42 : i32
    %add3A_44 = arith.constant 147456 : i32
    %add3A_45 = arith.addi %mul3A_43, %add3A_44 : i32
    %mul3A_46 = arith.constant 36864 : i32
    %mul3A_47 = arith.muli %select_n3A_30, %mul3A_46 : i32
    %add3A_48 = arith.addi %add3A_45, %mul3A_47 : i32
    "tpu.region"() ({
      %run_scoped3A = tpu.sem_alloc : memref<!tpu.dma_semaphore, #tpu.memory_space<semaphore_mem>>
      %dma_start3A = arith.constant 36864 : i32
      %dma_start3A_95 = tpu.memref_slice %arg5[%dma_start3A] : memref<110592xf32, #tpu.memory_space<vmem>> -> memref<36864xf32, #tpu.memory_space<vmem>>
      %dma_start3A_96 = tpu.memref_slice %arg2[%add3A_48] : memref<3538944xf32, #tpu.memory_space<hbm>> -> memref<36864xf32, #tpu.memory_space<hbm>>
      %dma_start3A_97 = arith.constant 36864 : i32
      %dma_start3A_98 = tpu.memref_slice %arg5[%dma_start3A_97] : memref<110592xf32, #tpu.memory_space<vmem>> -> memref<36864xf32, #tpu.memory_space<vmem>>
      %dma_start3A_99 = tpu.memref_slice %arg2[%add3A_48] : memref<3538944xf32, #tpu.memory_space<hbm>> -> memref<36864xf32, #tpu.memory_space<hbm>>
      tpu.enqueue_dma source(%dma_start3A_99 : memref<36864xf32, #tpu.memory_space<hbm>>) target(%dma_start3A_98 : memref<36864xf32, #tpu.memory_space<vmem>>) target_semaphore(%run_scoped3A : memref<!tpu.dma_semaphore, #tpu.memory_space<semaphore_mem>>)
      %dma_wait3A = arith.constant 36864 : i32
      %dma_wait3A_100 = tpu.memref_slice %arg5[%dma_wait3A] : memref<110592xf32, #tpu.memory_space<vmem>> -> memref<36864xf32, #tpu.memory_space<vmem>>
      %dma_wait3A_101 = tpu.memref_slice %arg2[%add3A_48] : memref<3538944xf32, #tpu.memory_space<hbm>> -> memref<36864xf32, #tpu.memory_space<hbm>>
      %dma_wait3A_102 = arith.constant 36864 : i32
      %dma_wait3A_103 = tpu.memref_slice %arg5[%dma_wait3A_102] : memref<110592xf32, #tpu.memory_space<vmem>> -> memref<36864xf32, #tpu.memory_space<vmem>>
      %dma_wait3A_104 = tpu.memref_slice %arg2[%add3A_48] : memref<3538944xf32, #tpu.memory_space<hbm>> -> memref<36864xf32, #tpu.memory_space<hbm>>
      tpu.wait_dma2 semaphore(%run_scoped3A : memref<!tpu.dma_semaphore, #tpu.memory_space<semaphore_mem>>) src(%dma_wait3A_104 : memref<36864xf32, #tpu.memory_space<hbm>>) dst(%dma_wait3A_103 : memref<36864xf32, #tpu.memory_space<vmem>>)
      tpu.yield
    }) : () -> ()
    %mul3A_49 = arith.constant 3 : i32
    %mul3A_50 = arith.muli %add3A, %mul3A_49 : i32
    %mul3A_51 = arith.constant 147456 : i32
    %mul3A_52 = arith.muli %mul3A_50, %mul3A_51 : i32
    %add3A_53 = arith.constant 294912 : i32
    %add3A_54 = arith.addi %mul3A_52, %add3A_53 : i32
    %mul3A_55 = arith.constant 36864 : i32
    %mul3A_56 = arith.muli %select_n3A_30, %mul3A_55 : i32
    %add3A_57 = arith.addi %add3A_54, %mul3A_56 : i32
    "tpu.region"() ({
      %run_scoped3A = tpu.sem_alloc : memref<!tpu.dma_semaphore, #tpu.memory_space<semaphore_mem>>
      %dma_start3A = arith.constant 73728 : i32
      %dma_start3A_95 = tpu.memref_slice %arg5[%dma_start3A] : memref<110592xf32, #tpu.memory_space<vmem>> -> memref<36864xf32, #tpu.memory_space<vmem>>
      %dma_start3A_96 = tpu.memref_slice %arg2[%add3A_57] : memref<3538944xf32, #tpu.memory_space<hbm>> -> memref<36864xf32, #tpu.memory_space<hbm>>
      %dma_start3A_97 = arith.constant 73728 : i32
      %dma_start3A_98 = tpu.memref_slice %arg5[%dma_start3A_97] : memref<110592xf32, #tpu.memory_space<vmem>> -> memref<36864xf32, #tpu.memory_space<vmem>>
      %dma_start3A_99 = tpu.memref_slice %arg2[%add3A_57] : memref<3538944xf32, #tpu.memory_space<hbm>> -> memref<36864xf32, #tpu.memory_space<hbm>>
      tpu.enqueue_dma source(%dma_start3A_99 : memref<36864xf32, #tpu.memory_space<hbm>>) target(%dma_start3A_98 : memref<36864xf32, #tpu.memory_space<vmem>>) target_semaphore(%run_scoped3A : memref<!tpu.dma_semaphore, #tpu.memory_space<semaphore_mem>>)
      %dma_wait3A = arith.constant 73728 : i32
      %dma_wait3A_100 = tpu.memref_slice %arg5[%dma_wait3A] : memref<110592xf32, #tpu.memory_space<vmem>> -> memref<36864xf32, #tpu.memory_space<vmem>>
      %dma_wait3A_101 = tpu.memref_slice %arg2[%add3A_57] : memref<3538944xf32, #tpu.memory_space<hbm>> -> memref<36864xf32, #tpu.memory_space<hbm>>
      %dma_wait3A_102 = arith.constant 73728 : i32
      %dma_wait3A_103 = tpu.memref_slice %arg5[%dma_wait3A_102] : memref<110592xf32, #tpu.memory_space<vmem>> -> memref<36864xf32, #tpu.memory_space<vmem>>
      %dma_wait3A_104 = tpu.memref_slice %arg2[%add3A_57] : memref<3538944xf32, #tpu.memory_space<hbm>> -> memref<36864xf32, #tpu.memory_space<hbm>>
      tpu.wait_dma2 semaphore(%run_scoped3A : memref<!tpu.dma_semaphore, #tpu.memory_space<semaphore_mem>>) src(%dma_wait3A_104 : memref<36864xf32, #tpu.memory_space<hbm>>) dst(%dma_wait3A_103 : memref<36864xf32, #tpu.memory_space<vmem>>)
      tpu.yield
    }) : () -> ()
    %mul3A_58 = arith.constant 96 : i32
    %mul3A_59 = arith.muli %add3A, %mul3A_58 : i32
    "tpu.region"() ({
      %run_scoped3A = tpu.sem_alloc : memref<!tpu.dma_semaphore, #tpu.memory_space<semaphore_mem>>
      %dma_start3A = arith.constant 0 : i32
      %dma_start3A_95 = tpu.memref_slice %arg9[%dma_start3A] : memref<128xf32, #tpu.memory_space<vmem>> -> memref<96xf32, #tpu.memory_space<vmem>>
      %dma_start3A_96 = tpu.memref_slice %arg3[%mul3A_59] : memref<768xf32, #tpu.memory_space<hbm>> -> memref<96xf32, #tpu.memory_space<hbm>>
      %dma_start3A_97 = arith.constant 0 : i32
      %dma_start3A_98 = tpu.memref_slice %arg9[%dma_start3A_97] : memref<128xf32, #tpu.memory_space<vmem>> -> memref<96xf32, #tpu.memory_space<vmem>>
      %dma_start3A_99 = tpu.memref_slice %arg3[%mul3A_59] : memref<768xf32, #tpu.memory_space<hbm>> -> memref<96xf32, #tpu.memory_space<hbm>>
      tpu.enqueue_dma source(%dma_start3A_99 : memref<96xf32, #tpu.memory_space<hbm>>) target(%dma_start3A_98 : memref<96xf32, #tpu.memory_space<vmem>>) target_semaphore(%run_scoped3A : memref<!tpu.dma_semaphore, #tpu.memory_space<semaphore_mem>>)
      %dma_wait3A = arith.constant 0 : i32
      %dma_wait3A_100 = tpu.memref_slice %arg9[%dma_wait3A] : memref<128xf32, #tpu.memory_space<vmem>> -> memref<96xf32, #tpu.memory_space<vmem>>
      %dma_wait3A_101 = tpu.memref_slice %arg3[%mul3A_59] : memref<768xf32, #tpu.memory_space<hbm>> -> memref<96xf32, #tpu.memory_space<hbm>>
      %dma_wait3A_102 = arith.constant 0 : i32
      %dma_wait3A_103 = tpu.memref_slice %arg9[%dma_wait3A_102] : memref<128xf32, #tpu.memory_space<vmem>> -> memref<96xf32, #tpu.memory_space<vmem>>
      %dma_wait3A_104 = tpu.memref_slice %arg3[%mul3A_59] : memref<768xf32, #tpu.memory_space<hbm>> -> memref<96xf32, #tpu.memory_space<hbm>>
      tpu.wait_dma2 semaphore(%run_scoped3A : memref<!tpu.dma_semaphore, #tpu.memory_space<semaphore_mem>>) src(%dma_wait3A_104 : memref<96xf32, #tpu.memory_space<hbm>>) dst(%dma_wait3A_103 : memref<96xf32, #tpu.memory_space<vmem>>)
      tpu.yield
    }) : () -> ()
    %iota3A = tpu.iota {dimensions = array<i32: 0>} : vector<16xi32>
    %broadcast_in_dim3A = arith.constant 1.000000e+00 : f32
    %broadcast_in_dim3A_60 = vector.broadcast %broadcast_in_dim3A : f32 to vector<16xf32>
    %broadcast_in_dim3A_61 = arith.constant 3.400000e+38 : f32
    %broadcast_in_dim3A_62 = vector.broadcast %broadcast_in_dim3A_61 : f32 to vector<16xf32>
    %get3A = arith.constant 0 : index
    %get3A_63 = tpu.vector_load %arg9[%get3A] {strides = array<i32>} : memref<128xf32, #tpu.memory_space<vmem>>, vector<16xf32>,
    %get3A_64 = arith.constant 32 : index
    %get3A_65 = tpu.vector_load %arg9[%get3A_64] {strides = array<i32>} : memref<128xf32, #tpu.memory_space<vmem>>, vector<16xf32>,
    %get3A_66 = arith.constant 64 : index
    %get3A_67 = tpu.vector_load %arg9[%get3A_66] {strides = array<i32>} : memref<128xf32, #tpu.memory_space<vmem>>, vector<16xf32>,
    %mul3A_68 = arith.mulf %get3A_63, %get3A_63 : vector<16xf32>
    %mul3A_69 = arith.mulf %get3A_65, %get3A_65 : vector<16xf32>
    %add3A_70 = arith.addf %mul3A_68, %mul3A_69 : vector<16xf32>
    %mul3A_71 = arith.mulf %get3A_67, %get3A_67 : vector<16xf32>
    %add3A_72 = arith.addf %add3A_70, %mul3A_71 : vector<16xf32>
    %swap3A = arith.constant 96 : index
    %swap3A_73 = tpu.vector_load %arg9[%swap3A] {strides = array<i32>} : memref<128xf32, #tpu.memory_space<vmem>>, vector<16xf32>,
    tpu.vector_store %arg9[%swap3A], %add3A_72 {strides = array<i32>} : memref<128xf32, #tpu.memory_space<vmem>>, vector<16xf32>,
    %get3A_74 = arith.constant 16 : index
    %get3A_75 = tpu.vector_load %arg9[%get3A_74] {strides = array<i32>} : memref<128xf32, #tpu.memory_space<vmem>>, vector<16xf32>,
    %get3A_76 = arith.constant 48 : index
    %get3A_77 = tpu.vector_load %arg9[%get3A_76] {strides = array<i32>} : memref<128xf32, #tpu.memory_space<vmem>>, vector<16xf32>,
    %get3A_78 = arith.constant 80 : index
    %get3A_79 = tpu.vector_load %arg9[%get3A_78] {strides = array<i32>} : memref<128xf32, #tpu.memory_space<vmem>>, vector<16xf32>,
    %mul3A_80 = arith.mulf %get3A_75, %get3A_75 : vector<16xf32>
    %mul3A_81 = arith.mulf %get3A_77, %get3A_77 : vector<16xf32>
    %add3A_82 = arith.addf %mul3A_80, %mul3A_81 : vector<16xf32>
    %mul3A_83 = arith.mulf %get3A_79, %get3A_79 : vector<16xf32>
    %add3A_84 = arith.addf %add3A_82, %mul3A_83 : vector<16xf32>
    %swap3A_85 = arith.constant 112 : index
    %swap3A_86 = tpu.vector_load %arg9[%swap3A_85] {strides = array<i32>} : memref<128xf32, #tpu.memory_space<vmem>>, vector<16xf32>,
    tpu.vector_store %arg9[%swap3A_85], %add3A_84 {strides = array<i32>} : memref<128xf32, #tpu.memory_space<vmem>>, vector<16xf32>,
    %scan3A = arith.constant 0 : i32
    %scan3A_87 = arith.constant 0 : i32
    %scan3A_88 = arith.constant 10 : i32
    %scan3A_89 = arith.addi %scan3A_87, %scan3A_88 : i32
    %scan3A_90 = arith.constant 1 : i32
    scf.for %scan3A_95 = %scan3A_87 to %scan3A_89 step %scan3A_90  : i32 {
      %get3A_96 = arith.constant 96 : index
      %get3A_97 = tpu.vector_load %arg9[%get3A_96] {strides = array<i32>} : memref<128xf32, #tpu.memory_space<vmem>>, vector<16xf32>,
      %get3A_98 = arith.constant 0 : index
      %get3A_99 = tpu.vector_load %arg9[%get3A_98] {strides = array<i32>} : memref<128xf32, #tpu.memory_space<vmem>>, vector<16xf32>,
      %mul3A_100 = arith.constant -2.000000e+00 : f32
      %mul3A_101 = vector.broadcast %mul3A_100 : f32 to vector<16xf32>
      %mul3A_102 = arith.mulf %get3A_99, %mul3A_101 : vector<16xf32>
      %get3A_103 = arith.constant 32 : index
      %get3A_104 = tpu.vector_load %arg9[%get3A_103] {strides = array<i32>} : memref<128xf32, #tpu.memory_space<vmem>>, vector<16xf32>,
      %mul3A_105 = arith.constant -2.000000e+00 : f32
      %mul3A_106 = vector.broadcast %mul3A_105 : f32 to vector<16xf32>
      %mul3A_107 = arith.mulf %get3A_104, %mul3A_106 : vector<16xf32>
      %get3A_108 = arith.constant 64 : index
      %get3A_109 = tpu.vector_load %arg9[%get3A_108] {strides = array<i32>} : memref<128xf32, #tpu.memory_space<vmem>>, vector<16xf32>,
      %mul3A_110 = arith.constant -2.000000e+00 : f32
      %mul3A_111 = vector.broadcast %mul3A_110 : f32 to vector<16xf32>
      %mul3A_112 = arith.mulf %get3A_109, %mul3A_111 : vector<16xf32>
      %slice3A = vector.extract_strided_slice %get3A_97 {offsets = [0], sizes = [1], strides = [1]} : vector<16xf32> to vector<1xf32>
      %squeeze3A = vector.extract %slice3A[0] : f32 from vector<1xf32>
      %broadcast_in_dim3A_113 = vector.broadcast %squeeze3A : f32 to vector<16xf32>
      %swap3A_114 = arith.constant 0 : index
      %swap3A_115 = tpu.vector_load %arg6[%swap3A_114] {strides = array<i32>} : memref<2048xf32, #tpu.memory_space<vmem>>, vector<16xf32>,
      tpu.vector_store %arg6[%swap3A_114], %broadcast_in_dim3A_113 {strides = array<i32>} : memref<2048xf32, #tpu.memory_space<vmem>>, vector<16xf32>,
      %slice3A_116 = vector.extract_strided_slice %mul3A_102 {offsets = [0], sizes = [1], strides = [1]} : vector<16xf32> to vector<1xf32>
      %squeeze3A_117 = vector.extract %slice3A_116[0] : f32 from vector<1xf32>
      %broadcast_in_dim3A_118 = vector.broadcast %squeeze3A_117 : f32 to vector<16xf32>
      %swap3A_119 = arith.constant 16 : index
      %swap3A_120 = tpu.vector_load %arg6[%swap3A_119] {strides = array<i32>} : memref<2048xf32, #tpu.memory_space<vmem>>, vector<16xf32>,
      tpu.vector_store %arg6[%swap3A_119], %broadcast_in_dim3A_118 {strides = array<i32>} : memref<2048xf32, #tpu.memory_space<vmem>>, vector<16xf32>,
      %slice3A_121 = vector.extract_strided_slice %mul3A_107 {offsets = [0], sizes = [1], strides = [1]} : vector<16xf32> to vector<1xf32>
      %squeeze3A_122 = vector.extract %slice3A_121[0] : f32 from vector<1xf32>
      %broadcast_in_dim3A_123 = vector.broadcast %squeeze3A_122 : f32 to vector<16xf32>
      %swap3A_124 = arith.constant 32 : index
      %swap3A_125 = tpu.vector_load %arg6[%swap3A_124] {strides = array<i32>} : memref<2048xf32, #tpu.memory_space<vmem>>, vector<16xf32>,
      tpu.vector_store %arg6[%swap3A_124], %broadcast_in_dim3A_123 {strides = array<i32>} : memref<2048xf32, #tpu.memory_space<vmem>>, vector<16xf32>,
      %slice3A_126 = vector.extract_strided_slice %mul3A_112 {offsets = [0], sizes = [1], strides = [1]} : vector<16xf32> to vector<1xf32>
      %squeeze3A_127 = vector.extract %slice3A_126[0] : f32 from vector<1xf32>
      %broadcast_in_dim3A_128 = vector.broadcast %squeeze3A_127 : f32 to vector<16xf32>
      %swap3A_129 = arith.constant 48 : index
      %swap3A_130 = tpu.vector_load %arg6[%swap3A_129] {strides = array<i32>} : memref<2048xf32, #tpu.memory_space<vmem>>, vector<16xf32>,
      tpu.vector_store %arg6[%swap3A_129], %broadcast_in_dim3A_128 {strides = array<i32>} : memref<2048xf32, #tpu.memory_space<vmem>>, vector<16xf32>,
      %slice3A_131 = vector.extract_strided_slice %get3A_97 {offsets = [1], sizes = [1], strides = [1]} : vector<16xf32> to vector<1xf32>
      %squeeze3A_132 = vector.extract %slice3A_131[0] : f32 from vector<1xf32>
      %broadcast_in_dim3A_133 = vector.broadcast %squeeze3A_132 : f32 to vector<16xf32>
      %swap3A_134 = arith.constant 64 : index
      %swap3A_135 = tpu.vector_load %arg6[%swap3A_134] {strides = array<i32>} : memref<2048xf32, #tpu.memory_space<vmem>>, vector<16xf32>,
      tpu.vector_store %arg6[%swap3A_134], %broadcast_in_dim3A_133 {strides = array<i32>} : memref<2048xf32, #tpu.memory_space<vmem>>, vector<16xf32>,
      %slice3A_136 = vector.extract_strided_slice %mul3A_102 {offsets = [1], sizes = [1], strides = [1]} : vector<16xf32> to vector<1xf32>
      %squeeze3A_137 = vector.extract %slice3A_136[0] : f32 from vector<1xf32>
      %broadcast_in_dim3A_138 = vector.broadcast %squeeze3A_137 : f32 to vector<16xf32>
      %swap3A_139 = arith.constant 80 : index
      %swap3A_140 = tpu.vector_load %arg6[%swap3A_139] {strides = array<i32>} : memref<2048xf32, #tpu.memory_space<vmem>>, vector<16xf32>,
      tpu.vector_store %arg6[%swap3A_139], %broadcast_in_dim3A_138 {strides = array<i32>} : memref<2048xf32, #tpu.memory_space<vmem>>, vector<16xf32>,
      %slice3A_141 = vector.extract_strided_slice %mul3A_107 {offsets = [1], sizes = [1], strides = [1]} : vector<16xf32> to vector<1xf32>
      %squeeze3A_142 = vector.extract %slice3A_141[0] : f32 from vector<1xf32>
      %broadcast_in_dim3A_143 = vector.broadcast %squeeze3A_142 : f32 to vector<16xf32>
      %swap3A_144 = arith.constant 96 : index
      %swap3A_145 = tpu.vector_load %arg6[%swap3A_144] {strides = array<i32>} : memref<2048xf32, #tpu.memory_space<vmem>>, vector<16xf32>,
      tpu.vector_store %arg6[%swap3A_144], %broadcast_in_dim3A_143 {strides = array<i32>} : memref<2048xf32, #tpu.memory_space<vmem>>, vector<16xf32>,
      %slice3A_146 = vector.extract_strided_slice %mul3A_112 {offsets = [1], sizes = [1], strides = [1]} : vector<16xf32> to vector<1xf32>
      %squeeze3A_147 = vector.extract %slice3A_146[0] : f32 from vector<1xf32>
      %broadcast_in_dim3A_148 = vector.broadcast %squeeze3A_147 : f32 to vector<16xf32>
      %swap3A_149 = arith.constant 112 : index
      %swap3A_150 = tpu.vector_load %arg6[%swap3A_149] {strides = array<i32>} : memref<2048xf32, #tpu.memory_space<vmem>>, vector<16xf32>,
      tpu.vector_store %arg6[%swap3A_149], %broadcast_in_dim3A_148 {strides = array<i32>} : memref<2048xf32, #tpu.memory_space<vmem>>, vector<16xf32>,
      %slice3A_151 = vector.extract_strided_slice %get3A_97 {offsets = [2], sizes = [1], strides = [1]} : vector<16xf32> to vector<1xf32>
      %squeeze3A_152 = vector.extract %slice3A_151[0] : f32 from vector<1xf32>
      %broadcast_in_dim3A_153 = vector.broadcast %squeeze3A_152 : f32 to vector<16xf32>
      %swap3A_154 = arith.constant 128 : index
      %swap3A_155 = tpu.vector_load %arg6[%swap3A_154] {strides = array<i32>} : memref<2048xf32, #tpu.memory_space<vmem>>, vector<16xf32>,
      tpu.vector_store %arg6[%swap3A_154], %broadcast_in_dim3A_153 {strides = array<i32>} : memref<2048xf32, #tpu.memory_space<vmem>>, vector<16xf32>,
      %slice3A_156 = vector.extract_strided_slice %mul3A_102 {offsets = [2], sizes = [1], strides = [1]} : vector<16xf32> to vector<1xf32>
      %squeeze3A_157 = vector.extract %slice3A_156[0] : f32 from vector<1xf32>
      %broadcast_in_dim3A_158 = vector.broadcast %squeeze3A_157 : f32 to vector<16xf32>
      %swap3A_159 = arith.constant 144 : index
      %swap3A_160 = tpu.vector_load %arg6[%swap3A_159] {strides = array<i32>} : memref<2048xf32, #tpu.memory_space<vmem>>, vector<16xf32>,
      tpu.vector_store %arg6[%swap3A_159], %broadcast_in_dim3A_158 {strides = array<i32>} : memref<2048xf32, #tpu.memory_space<vmem>>, vector<16xf32>,
      %slice3A_161 = vector.extract_strided_slice %mul3A_107 {offsets = [2], sizes = [1], strides = [1]} : vector<16xf32> to vector<1xf32>
      %squeeze3A_162 = vector.extract %slice3A_161[0] : f32 from vector<1xf32>
      %broadcast_in_dim3A_163 = vector.broadcast %squeeze3A_162 : f32 to vector<16xf32>
      %swap3A_164 = arith.constant 160 : index
      %swap3A_165 = tpu.vector_load %arg6[%swap3A_164] {strides = array<i32>} : memref<2048xf32, #tpu.memory_space<vmem>>, vector<16xf32>,
      tpu.vector_store %arg6[%swap3A_164], %broadcast_in_dim3A_163 {strides = array<i32>} : memref<2048xf32, #tpu.memory_space<vmem>>, vector<16xf32>,
      %slice3A_166 = vector.extract_strided_slice %mul3A_112 {offsets = [2], sizes = [1], strides = [1]} : vector<16xf32> to vector<1xf32>
      %squeeze3A_167 = vector.extract %slice3A_166[0] : f32 from vector<1xf32>
      %broadcast_in_dim3A_168 = vector.broadcast %squeeze3A_167 : f32 to vector<16xf32>
      %swap3A_169 = arith.constant 176 : index
      %swap3A_170 = tpu.vector_load %arg6[%swap3A_169] {strides = array<i32>} : memref<2048xf32, #tpu.memory_space<vmem>>, vector<16xf32>,
      tpu.vector_store %arg6[%swap3A_169], %broadcast_in_dim3A_168 {strides = array<i32>} : memref<2048xf32, #tpu.memory_space<vmem>>, vector<16xf32>,
      %slice3A_171 = vector.extract_strided_slice %get3A_97 {offsets = [3], sizes = [1], strides = [1]} : vector<16xf32> to vector<1xf32>
      %squeeze3A_172 = vector.extract %slice3A_171[0] : f32 from vector<1xf32>
      %broadcast_in_dim3A_173 = vector.broadcast %squeeze3A_172 : f32 to vector<16xf32>
      %swap3A_174 = arith.constant 192 : index
      %swap3A_175 = tpu.vector_load %arg6[%swap3A_174] {strides = array<i32>} : memref<2048xf32, #tpu.memory_space<vmem>>, vector<16xf32>,
      tpu.vector_store %arg6[%swap3A_174], %broadcast_in_dim3A_173 {strides = array<i32>} : memref<2048xf32, #tpu.memory_space<vmem>>, vector<16xf32>,
      %slice3A_176 = vector.extract_strided_slice %mul3A_102 {offsets = [3], sizes = [1], strides = [1]} : vector<16xf32> to vector<1xf32>
      %squeeze3A_177 = vector.extract %slice3A_176[0] : f32 from vector<1xf32>
      %broadcast_in_dim3A_178 = vector.broadcast %squeeze3A_177 : f32 to vector<16xf32>
      %swap3A_179 = arith.constant 208 : index
      %swap3A_180 = tpu.vector_load %arg6[%swap3A_179] {strides = array<i32>} : memref<2048xf32, #tpu.memory_space<vmem>>, vector<16xf32>,
      tpu.vector_store %arg6[%swap3A_179], %broadcast_in_dim3A_178 {strides = array<i32>} : memref<2048xf32, #tpu.memory_space<vmem>>, vector<16xf32>,
      %slice3A_181 = vector.extract_strided_slice %mul3A_107 {offsets = [3], sizes = [1], strides = [1]} : vector<16xf32> to vector<1xf32>
      %squeeze3A_182 = vector.extract %slice3A_181[0] : f32 from vector<1xf32>
      %broadcast_in_dim3A_183 = vector.broadcast %squeeze3A_182 : f32 to vector<16xf32>
      %swap3A_184 = arith.constant 224 : index
      %swap3A_185 = tpu.vector_load %arg6[%swap3A_184] {strides = array<i32>} : memref<2048xf32, #tpu.memory_space<vmem>>, vector<16xf32>,
      tpu.vector_store %arg6[%swap3A_184], %broadcast_in_dim3A_183 {strides = array<i32>} : memref<2048xf32, #tpu.memory_space<vmem>>, vector<16xf32>,
      %slice3A_186 = vector.extract_strided_slice %mul3A_112 {offsets = [3], sizes = [1], strides = [1]} : vector<16xf32> to vector<1xf32>
      %squeeze3A_187 = vector.extract %slice3A_186[0] : f32 from vector<1xf32>
      %broadcast_in_dim3A_188 = vector.broadcast %squeeze3A_187 : f32 to vector<16xf32>
      %swap3A_189 = arith.constant 240 : index
      %swap3A_190 = tpu.vector_load %arg6[%swap3A_189] {strides = array<i32>} : memref<2048xf32, #tpu.memory_space<vmem>>, vector<16xf32>,
      tpu.vector_store %arg6[%swap3A_189], %broadcast_in_dim3A_188 {strides = array<i32>} : memref<2048xf32, #tpu.memory_space<vmem>>, vector<16xf32>,
      %slice3A_191 = vector.extract_strided_slice %get3A_97 {offsets = [4], sizes = [1], strides = [1]} : vector<16xf32> to vector<1xf32>
      %squeeze3A_192 = vector.extract %slice3A_191[0] : f32 from vector<1xf32>
      %broadcast_in_dim3A_193 = vector.broadcast %squeeze3A_192 : f32 to vector<16xf32>
      %swap3A_194 = arith.constant 256 : index
      %swap3A_195 = tpu.vector_load %arg6[%swap3A_194] {strides = array<i32>} : memref<2048xf32, #tpu.memory_space<vmem>>, vector<16xf32>,
      tpu.vector_store %arg6[%swap3A_194], %broadcast_in_dim3A_193 {strides = array<i32>} : memref<2048xf32, #tpu.memory_space<vmem>>, vector<16xf32>,
      %slice3A_196 = vector.extract_strided_slice %mul3A_102 {offsets = [4], sizes = [1], strides = [1]} : vector<16xf32> to vector<1xf32>
      %squeeze3A_197 = vector.extract %slice3A_196[0] : f32 from vector<1xf32>
      %broadcast_in_dim3A_198 = vector.broadcast %squeeze3A_197 : f32 to vector<16xf32>
      %swap3A_199 = arith.constant 272 : index
      %swap3A_200 = tpu.vector_load %arg6[%swap3A_199] {strides = array<i32>} : memref<2048xf32, #tpu.memory_space<vmem>>, vector<16xf32>,
      tpu.vector_store %arg6[%swap3A_199], %broadcast_in_dim3A_198 {strides = array<i32>} : memref<2048xf32, #tpu.memory_space<vmem>>, vector<16xf32>,
      %slice3A_201 = vector.extract_strided_slice %mul3A_107 {offsets = [4], sizes = [1], strides = [1]} : vector<16xf32> to vector<1xf32>
      %squeeze3A_202 = vector.extract %slice3A_201[0] : f32 from vector<1xf32>
      %broadcast_in_dim3A_203 = vector.broadcast %squeeze3A_202 : f32 to vector<16xf32>
      %swap3A_204 = arith.constant 288 : index
      %swap3A_205 = tpu.vector_load %arg6[%swap3A_204] {strides = array<i32>} : memref<2048xf32, #tpu.memory_space<vmem>>, vector<16xf32>,
      tpu.vector_store %arg6[%swap3A_204], %broadcast_in_dim3A_203 {strides = array<i32>} : memref<2048xf32, #tpu.memory_space<vmem>>, vector<16xf32>,
      %slice3A_206 = vector.extract_strided_slice %mul3A_112 {offsets = [4], sizes = [1], strides = [1]} : vector<16xf32> to vector<1xf32>
      %squeeze3A_207 = vector.extract %slice3A_206[0] : f32 from vector<1xf32>
      %broadcast_in_dim3A_208 = vector.broadcast %squeeze3A_207 : f32 to vector<16xf32>
      %swap3A_209 = arith.constant 304 : index
      %swap3A_210 = tpu.vector_load %arg6[%swap3A_209] {strides = array<i32>} : memref<2048xf32, #tpu.memory_space<vmem>>, vector<16xf32>,
      tpu.vector_store %arg6[%swap3A_209], %broadcast_in_dim3A_208 {strides = array<i32>} : memref<2048xf32, #tpu.memory_space<vmem>>, vector<16xf32>,
      %slice3A_211 = vector.extract_strided_slice %get3A_97 {offsets = [5], sizes = [1], strides = [1]} : vector<16xf32> to vector<1xf32>
      %squeeze3A_212 = vector.extract %slice3A_211[0] : f32 from vector<1xf32>
      %broadcast_in_dim3A_213 = vector.broadcast %squeeze3A_212 : f32 to vector<16xf32>
      %swap3A_214 = arith.constant 320 : index
      %swap3A_215 = tpu.vector_load %arg6[%swap3A_214] {strides = array<i32>} : memref<2048xf32, #tpu.memory_space<vmem>>, vector<16xf32>,
      tpu.vector_store %arg6[%swap3A_214], %broadcast_in_dim3A_213 {strides = array<i32>} : memref<2048xf32, #tpu.memory_space<vmem>>, vector<16xf32>,
      %slice3A_216 = vector.extract_strided_slice %mul3A_102 {offsets = [5], sizes = [1], strides = [1]} : vector<16xf32> to vector<1xf32>
      %squeeze3A_217 = vector.extract %slice3A_216[0] : f32 from vector<1xf32>
      %broadcast_in_dim3A_218 = vector.broadcast %squeeze3A_217 : f32 to vector<16xf32>
      %swap3A_219 = arith.constant 336 : index
      %swap3A_220 = tpu.vector_load %arg6[%swap3A_219] {strides = array<i32>} : memref<2048xf32, #tpu.memory_space<vmem>>, vector<16xf32>,
      tpu.vector_store %arg6[%swap3A_219], %broadcast_in_dim3A_218 {strides = array<i32>} : memref<2048xf32, #tpu.memory_space<vmem>>, vector<16xf32>,
      %slice3A_221 = vector.extract_strided_slice %mul3A_107 {offsets = [5], sizes = [1], strides = [1]} : vector<16xf32> to vector<1xf32>
      %squeeze3A_222 = vector.extract %slice3A_221[0] : f32 from vector<1xf32>
      %broadcast_in_dim3A_223 = vector.broadcast %squeeze3A_222 : f32 to vector<16xf32>
      %swap3A_224 = arith.constant 352 : index
      %swap3A_225 = tpu.vector_load %arg6[%swap3A_224] {strides = array<i32>} : memref<2048xf32, #tpu.memory_space<vmem>>, vector<16xf32>,
      tpu.vector_store %arg6[%swap3A_224], %broadcast_in_dim3A_223 {strides = array<i32>} : memref<2048xf32, #tpu.memory_space<vmem>>, vector<16xf32>,
      %slice3A_226 = vector.extract_strided_slice %mul3A_112 {offsets = [5], sizes = [1], strides = [1]} : vector<16xf32> to vector<1xf32>
      %squeeze3A_227 = vector.extract %slice3A_226[0] : f32 from vector<1xf32>
      %broadcast_in_dim3A_228 = vector.broadcast %squeeze3A_227 : f32 to vector<16xf32>
      %swap3A_229 = arith.constant 368 : index
      %swap3A_230 = tpu.vector_load %arg6[%swap3A_229] {strides = array<i32>} : memref<2048xf32, #tpu.memory_space<vmem>>, vector<16xf32>,
      tpu.vector_store %arg6[%swap3A_229], %broadcast_in_dim3A_228 {strides = array<i32>} : memref<2048xf32, #tpu.memory_space<vmem>>, vector<16xf32>,
      %slice3A_231 = vector.extract_strided_slice %get3A_97 {offsets = [6], sizes = [1], strides = [1]} : vector<16xf32> to vector<1xf32>
      %squeeze3A_232 = vector.extract %slice3A_231[0] : f32 from vector<1xf32>
      %broadcast_in_dim3A_233 = vector.broadcast %squeeze3A_232 : f32 to vector<16xf32>
      %swap3A_234 = arith.constant 384 : index
      %swap3A_235 = tpu.vector_load %arg6[%swap3A_234] {strides = array<i32>} : memref<2048xf32, #tpu.memory_space<vmem>>, vector<16xf32>,
      tpu.vector_store %arg6[%swap3A_234], %broadcast_in_dim3A_233 {strides = array<i32>} : memref<2048xf32, #tpu.memory_space<vmem>>, vector<16xf32>,
      %slice3A_236 = vector.extract_strided_slice %mul3A_102 {offsets = [6], sizes = [1], strides = [1]} : vector<16xf32> to vector<1xf32>
      %squeeze3A_237 = vector.extract %slice3A_236[0] : f32 from vector<1xf32>
      %broadcast_in_dim3A_238 = vector.broadcast %squeeze3A_237 : f32 to vector<16xf32>
      %swap3A_239 = arith.constant 400 : index
      %swap3A_240 = tpu.vector_load %arg6[%swap3A_239] {strides = array<i32>} : memref<2048xf32, #tpu.memory_space<vmem>>, vector<16xf32>,
      tpu.vector_store %arg6[%swap3A_239], %broadcast_in_dim3A_238 {strides = array<i32>} : memref<2048xf32, #tpu.memory_space<vmem>>, vector<16xf32>,
      %slice3A_241 = vector.extract_strided_slice %mul3A_107 {offsets = [6], sizes = [1], strides = [1]} : vector<16xf32> to vector<1xf32>
      %squeeze3A_242 = vector.extract %slice3A_241[0] : f32 from vector<1xf32>
      %broadcast_in_dim3A_243 = vector.broadcast %squeeze3A_242 : f32 to vector<16xf32>
      %swap3A_244 = arith.constant 416 : index
      %swap3A_245 = tpu.vector_load %arg6[%swap3A_244] {strides = array<i32>} : memref<2048xf32, #tpu.memory_space<vmem>>, vector<16xf32>,
      tpu.vector_store %arg6[%swap3A_244], %broadcast_in_dim3A_243 {strides = array<i32>} : memref<2048xf32, #tpu.memory_space<vmem>>, vector<16xf32>,
      %slice3A_246 = vector.extract_strided_slice %mul3A_112 {offsets = [6], sizes = [1], strides = [1]} : vector<16xf32> to vector<1xf32>
      %squeeze3A_247 = vector.extract %slice3A_246[0] : f32 from vector<1xf32>
      %broadcast_in_dim3A_248 = vector.broadcast %squeeze3A_247 : f32 to vector<16xf32>
      %swap3A_249 = arith.constant 432 : index
      %swap3A_250 = tpu.vector_load %arg6[%swap3A_249] {strides = array<i32>} : memref<2048xf32, #tpu.memory_space<vmem>>, vector<16xf32>,
      tpu.vector_store %arg6[%swap3A_249], %broadcast_in_dim3A_248 {strides = array<i32>} : memref<2048xf32, #tpu.memory_space<vmem>>, vector<16xf32>,
      %slice3A_251 = vector.extract_strided_slice %get3A_97 {offsets = [7], sizes = [1], strides = [1]} : vector<16xf32> to vector<1xf32>
      %squeeze3A_252 = vector.extract %slice3A_251[0] : f32 from vector<1xf32>
      %broadcast_in_dim3A_253 = vector.broadcast %squeeze3A_252 : f32 to vector<16xf32>
      %swap3A_254 = arith.constant 448 : index
      %swap3A_255 = tpu.vector_load %arg6[%swap3A_254] {strides = array<i32>} : memref<2048xf32, #tpu.memory_space<vmem>>, vector<16xf32>,
      tpu.vector_store %arg6[%swap3A_254], %broadcast_in_dim3A_253 {strides = array<i32>} : memref<2048xf32, #tpu.memory_space<vmem>>, vector<16xf32>,
      %slice3A_256 = vector.extract_strided_slice %mul3A_102 {offsets = [7], sizes = [1], strides = [1]} : vector<16xf32> to vector<1xf32>
      %squeeze3A_257 = vector.extract %slice3A_256[0] : f32 from vector<1xf32>
      %broadcast_in_dim3A_258 = vector.broadcast %squeeze3A_257 : f32 to vector<16xf32>
      %swap3A_259 = arith.constant 464 : index
      %swap3A_260 = tpu.vector_load %arg6[%swap3A_259] {strides = array<i32>} : memref<2048xf32, #tpu.memory_space<vmem>>, vector<16xf32>,
      tpu.vector_store %arg6[%swap3A_259], %broadcast_in_dim3A_258 {strides = array<i32>} : memref<2048xf32, #tpu.memory_space<vmem>>, vector<16xf32>,
      %slice3A_261 = vector.extract_strided_slice %mul3A_107 {offsets = [7], sizes = [1], strides = [1]} : vector<16xf32> to vector<1xf32>
      %squeeze3A_262 = vector.extract %slice3A_261[0] : f32 from vector<1xf32>
      %broadcast_in_dim3A_263 = vector.broadcast %squeeze3A_262 : f32 to vector<16xf32>
      %swap3A_264 = arith.constant 480 : index
      %swap3A_265 = tpu.vector_load %arg6[%swap3A_264] {strides = array<i32>} : memref<2048xf32, #tpu.memory_space<vmem>>, vector<16xf32>,
      tpu.vector_store %arg6[%swap3A_264], %broadcast_in_dim3A_263 {strides = array<i32>} : memref<2048xf32, #tpu.memory_space<vmem>>, vector<16xf32>,
      %slice3A_266 = vector.extract_strided_slice %mul3A_112 {offsets = [7], sizes = [1], strides = [1]} : vector<16xf32> to vector<1xf32>
      %squeeze3A_267 = vector.extract %slice3A_266[0] : f32 from vector<1xf32>
      %broadcast_in_dim3A_268 = vector.broadcast %squeeze3A_267 : f32 to vector<16xf32>
      %swap3A_269 = arith.constant 496 : index
      %swap3A_270 = tpu.vector_load %arg6[%swap3A_269] {strides = array<i32>} : memref<2048xf32, #tpu.memory_space<vmem>>, vector<16xf32>,
      tpu.vector_store %arg6[%swap3A_269], %broadcast_in_dim3A_268 {strides = array<i32>} : memref<2048xf32, #tpu.memory_space<vmem>>, vector<16xf32>,
      %slice3A_271 = vector.extract_strided_slice %get3A_97 {offsets = [8], sizes = [1], strides = [1]} : vector<16xf32> to vector<1xf32>
      %squeeze3A_272 = vector.extract %slice3A_271[0] : f32 from vector<1xf32>
      %broadcast_in_dim3A_273 = vector.broadcast %squeeze3A_272 : f32 to vector<16xf32>
      %swap3A_274 = arith.constant 512 : index
      %swap3A_275 = tpu.vector_load %arg6[%swap3A_274] {strides = array<i32>} : memref<2048xf32, #tpu.memory_space<vmem>>, vector<16xf32>,
      tpu.vector_store %arg6[%swap3A_274], %broadcast_in_dim3A_273 {strides = array<i32>} : memref<2048xf32, #tpu.memory_space<vmem>>, vector<16xf32>,
      %slice3A_276 = vector.extract_strided_slice %mul3A_102 {offsets = [8], sizes = [1], strides = [1]} : vector<16xf32> to vector<1xf32>
      %squeeze3A_277 = vector.extract %slice3A_276[0] : f32 from vector<1xf32>
      %broadcast_in_dim3A_278 = vector.broadcast %squeeze3A_277 : f32 to vector<16xf32>
      %swap3A_279 = arith.constant 528 : index
      %swap3A_280 = tpu.vector_load %arg6[%swap3A_279] {strides = array<i32>} : memref<2048xf32, #tpu.memory_space<vmem>>, vector<16xf32>,
      tpu.vector_store %arg6[%swap3A_279], %broadcast_in_dim3A_278 {strides = array<i32>} : memref<2048xf32, #tpu.memory_space<vmem>>, vector<16xf32>,
      %slice3A_281 = vector.extract_strided_slice %mul3A_107 {offsets = [8], sizes = [1], strides = [1]} : vector<16xf32> to vector<1xf32>
      %squeeze3A_282 = vector.extract %slice3A_281[0] : f32 from vector<1xf32>
      %broadcast_in_dim3A_283 = vector.broadcast %squeeze3A_282 : f32 to vector<16xf32>
      %swap3A_284 = arith.constant 544 : index
      %swap3A_285 = tpu.vector_load %arg6[%swap3A_284] {strides = array<i32>} : memref<2048xf32, #tpu.memory_space<vmem>>, vector<16xf32>,
      tpu.vector_store %arg6[%swap3A_284], %broadcast_in_dim3A_283 {strides = array<i32>} : memref<2048xf32, #tpu.memory_space<vmem>>, vector<16xf32>,
      %slice3A_286 = vector.extract_strided_slice %mul3A_112 {offsets = [8], sizes = [1], strides = [1]} : vector<16xf32> to vector<1xf32>
      %squeeze3A_287 = vector.extract %slice3A_286[0] : f32 from vector<1xf32>
      %broadcast_in_dim3A_288 = vector.broadcast %squeeze3A_287 : f32 to vector<16xf32>
      %swap3A_289 = arith.constant 560 : index
      %swap3A_290 = tpu.vector_load %arg6[%swap3A_289] {strides = array<i32>} : memref<2048xf32, #tpu.memory_space<vmem>>, vector<16xf32>,
      tpu.vector_store %arg6[%swap3A_289], %broadcast_in_dim3A_288 {strides = array<i32>} : memref<2048xf32, #tpu.memory_space<vmem>>, vector<16xf32>,
      %slice3A_291 = vector.extract_strided_slice %get3A_97 {offsets = [9], sizes = [1], strides = [1]} : vector<16xf32> to vector<1xf32>
      %squeeze3A_292 = vector.extract %slice3A_291[0] : f32 from vector<1xf32>
      %broadcast_in_dim3A_293 = vector.broadcast %squeeze3A_292 : f32 to vector<16xf32>
      %swap3A_294 = arith.constant 576 : index
      %swap3A_295 = tpu.vector_load %arg6[%swap3A_294] {strides = array<i32>} : memref<2048xf32, #tpu.memory_space<vmem>>, vector<16xf32>,
      tpu.vector_store %arg6[%swap3A_294], %broadcast_in_dim3A_293 {strides = array<i32>} : memref<2048xf32, #tpu.memory_space<vmem>>, vector<16xf32>,
      %slice3A_296 = vector.extract_strided_slice %mul3A_102 {offsets = [9], sizes = [1], strides = [1]} : vector<16xf32> to vector<1xf32>
      %squeeze3A_297 = vector.extract %slice3A_296[0] : f32 from vector<1xf32>
      %broadcast_in_dim3A_298 = vector.broadcast %squeeze3A_297 : f32 to vector<16xf32>
      %swap3A_299 = arith.constant 592 : index
      %swap3A_300 = tpu.vector_load %arg6[%swap3A_299] {strides = array<i32>} : memref<2048xf32, #tpu.memory_space<vmem>>, vector<16xf32>,
      tpu.vector_store %arg6[%swap3A_299], %broadcast_in_dim3A_298 {strides = array<i32>} : memref<2048xf32, #tpu.memory_space<vmem>>, vector<16xf32>,
      %slice3A_301 = vector.extract_strided_slice %mul3A_107 {offsets = [9], sizes = [1], strides = [1]} : vector<16xf32> to vector<1xf32>
      %squeeze3A_302 = vector.extract %slice3A_301[0] : f32 from vector<1xf32>
      %broadcast_in_dim3A_303 = vector.broadcast %squeeze3A_302 : f32 to vector<16xf32>
      %swap3A_304 = arith.constant 608 : index
      %swap3A_305 = tpu.vector_load %arg6[%swap3A_304] {strides = array<i32>} : memref<2048xf32, #tpu.memory_space<vmem>>, vector<16xf32>,
      tpu.vector_store %arg6[%swap3A_304], %broadcast_in_dim3A_303 {strides = array<i32>} : memref<2048xf32, #tpu.memory_space<vmem>>, vector<16xf32>,
      %slice3A_306 = vector.extract_strided_slice %mul3A_112 {offsets = [9], sizes = [1], strides = [1]} : vector<16xf32> to vector<1xf32>
      %squeeze3A_307 = vector.extract %slice3A_306[0] : f32 from vector<1xf32>
      %broadcast_in_dim3A_308 = vector.broadcast %squeeze3A_307 : f32 to vector<16xf32>
      %swap3A_309 = arith.constant 624 : index
      %swap3A_310 = tpu.vector_load %arg6[%swap3A_309] {strides = array<i32>} : memref<2048xf32, #tpu.memory_space<vmem>>, vector<16xf32>,
      tpu.vector_store %arg6[%swap3A_309], %broadcast_in_dim3A_308 {strides = array<i32>} : memref<2048xf32, #tpu.memory_space<vmem>>, vector<16xf32>,
      %slice3A_311 = vector.extract_strided_slice %get3A_97 {offsets = [10], sizes = [1], strides = [1]} : vector<16xf32> to vector<1xf32>
      %squeeze3A_312 = vector.extract %slice3A_311[0] : f32 from vector<1xf32>
      %broadcast_in_dim3A_313 = vector.broadcast %squeeze3A_312 : f32 to vector<16xf32>
      %swap3A_314 = arith.constant 640 : index
      %swap3A_315 = tpu.vector_load %arg6[%swap3A_314] {strides = array<i32>} : memref<2048xf32, #tpu.memory_space<vmem>>, vector<16xf32>,
      tpu.vector_store %arg6[%swap3A_314], %broadcast_in_dim3A_313 {strides = array<i32>} : memref<2048xf32, #tpu.memory_space<vmem>>, vector<16xf32>,
      %slice3A_316 = vector.extract_strided_slice %mul3A_102 {offsets = [10], sizes = [1], strides = [1]} : vector<16xf32> to vector<1xf32>
      %squeeze3A_317 = vector.extract %slice3A_316[0] : f32 from vector<1xf32>
      %broadcast_in_dim3A_318 = vector.broadcast %squeeze3A_317 : f32 to vector<16xf32>
      %swap3A_319 = arith.constant 656 : index
      %swap3A_320 = tpu.vector_load %arg6[%swap3A_319] {strides = array<i32>} : memref<2048xf32, #tpu.memory_space<vmem>>, vector<16xf32>,
      tpu.vector_store %arg6[%swap3A_319], %broadcast_in_dim3A_318 {strides = array<i32>} : memref<2048xf32, #tpu.memory_space<vmem>>, vector<16xf32>,
      %slice3A_321 = vector.extract_strided_slice %mul3A_107 {offsets = [10], sizes = [1], strides = [1]} : vector<16xf32> to vector<1xf32>
      %squeeze3A_322 = vector.extract %slice3A_321[0] : f32 from vector<1xf32>
      %broadcast_in_dim3A_323 = vector.broadcast %squeeze3A_322 : f32 to vector<16xf32>
      %swap3A_324 = arith.constant 672 : index
      %swap3A_325 = tpu.vector_load %arg6[%swap3A_324] {strides = array<i32>} : memref<2048xf32, #tpu.memory_space<vmem>>, vector<16xf32>,
      tpu.vector_store %arg6[%swap3A_324], %broadcast_in_dim3A_323 {strides = array<i32>} : memref<2048xf32, #tpu.memory_space<vmem>>, vector<16xf32>,
      %slice3A_326 = vector.extract_strided_slice %mul3A_112 {offsets = [10], sizes = [1], strides = [1]} : vector<16xf32> to vector<1xf32>
      %squeeze3A_327 = vector.extract %slice3A_326[0] : f32 from vector<1xf32>
      %broadcast_in_dim3A_328 = vector.broadcast %squeeze3A_327 : f32 to vector<16xf32>
      %swap3A_329 = arith.constant 688 : index
      %swap3A_330 = tpu.vector_load %arg6[%swap3A_329] {strides = array<i32>} : memref<2048xf32, #tpu.memory_space<vmem>>, vector<16xf32>,
      tpu.vector_store %arg6[%swap3A_329], %broadcast_in_dim3A_328 {strides = array<i32>} : memref<2048xf32, #tpu.memory_space<vmem>>, vector<16xf32>,
      %slice3A_331 = vector.extract_strided_slice %get3A_97 {offsets = [11], sizes = [1], strides = [1]} : vector<16xf32> to vector<1xf32>
      %squeeze3A_332 = vector.extract %slice3A_331[0] : f32 from vector<1xf32>
      %broadcast_in_dim3A_333 = vector.broadcast %squeeze3A_332 : f32 to vector<16xf32>
      %swap3A_334 = arith.constant 704 : index
      %swap3A_335 = tpu.vector_load %arg6[%swap3A_334] {strides = array<i32>} : memref<2048xf32, #tpu.memory_space<vmem>>, vector<16xf32>,
      tpu.vector_store %arg6[%swap3A_334], %broadcast_in_dim3A_333 {strides = array<i32>} : memref<2048xf32, #tpu.memory_space<vmem>>, vector<16xf32>,
      %slice3A_336 = vector.extract_strided_slice %mul3A_102 {offsets = [11], sizes = [1], strides = [1]} : vector<16xf32> to vector<1xf32>
      %squeeze3A_337 = vector.extract %slice3A_336[0] : f32 from vector<1xf32>
      %broadcast_in_dim3A_338 = vector.broadcast %squeeze3A_337 : f32 to vector<16xf32>
      %swap3A_339 = arith.constant 720 : index
      %swap3A_340 = tpu.vector_load %arg6[%swap3A_339] {strides = array<i32>} : memref<2048xf32, #tpu.memory_space<vmem>>, vector<16xf32>,
      tpu.vector_store %arg6[%swap3A_339], %broadcast_in_dim3A_338 {strides = array<i32>} : memref<2048xf32, #tpu.memory_space<vmem>>, vector<16xf32>,
      %slice3A_341 = vector.extract_strided_slice %mul3A_107 {offsets = [11], sizes = [1], strides = [1]} : vector<16xf32> to vector<1xf32>
      %squeeze3A_342 = vector.extract %slice3A_341[0] : f32 from vector<1xf32>
      %broadcast_in_dim3A_343 = vector.broadcast %squeeze3A_342 : f32 to vector<16xf32>
      %swap3A_344 = arith.constant 736 : index
      %swap3A_345 = tpu.vector_load %arg6[%swap3A_344] {strides = array<i32>} : memref<2048xf32, #tpu.memory_space<vmem>>, vector<16xf32>,
      tpu.vector_store %arg6[%swap3A_344], %broadcast_in_dim3A_343 {strides = array<i32>} : memref<2048xf32, #tpu.memory_space<vmem>>, vector<16xf32>,
      %slice3A_346 = vector.extract_strided_slice %mul3A_112 {offsets = [11], sizes = [1], strides = [1]} : vector<16xf32> to vector<1xf32>
      %squeeze3A_347 = vector.extract %slice3A_346[0] : f32 from vector<1xf32>
      %broadcast_in_dim3A_348 = vector.broadcast %squeeze3A_347 : f32 to vector<16xf32>
      %swap3A_349 = arith.constant 752 : index
      %swap3A_350 = tpu.vector_load %arg6[%swap3A_349] {strides = array<i32>} : memref<2048xf32, #tpu.memory_space<vmem>>, vector<16xf32>,
      tpu.vector_store %arg6[%swap3A_349], %broadcast_in_dim3A_348 {strides = array<i32>} : memref<2048xf32, #tpu.memory_space<vmem>>, vector<16xf32>,
      %slice3A_351 = vector.extract_strided_slice %get3A_97 {offsets = [12], sizes = [1], strides = [1]} : vector<16xf32> to vector<1xf32>
      %squeeze3A_352 = vector.extract %slice3A_351[0] : f32 from vector<1xf32>
      %broadcast_in_dim3A_353 = vector.broadcast %squeeze3A_352 : f32 to vector<16xf32>
      %swap3A_354 = arith.constant 768 : index
      %swap3A_355 = tpu.vector_load %arg6[%swap3A_354] {strides = array<i32>} : memref<2048xf32, #tpu.memory_space<vmem>>, vector<16xf32>,
      tpu.vector_store %arg6[%swap3A_354], %broadcast_in_dim3A_353 {strides = array<i32>} : memref<2048xf32, #tpu.memory_space<vmem>>, vector<16xf32>,
      %slice3A_356 = vector.extract_strided_slice %mul3A_102 {offsets = [12], sizes = [1], strides = [1]} : vector<16xf32> to vector<1xf32>
      %squeeze3A_357 = vector.extract %slice3A_356[0] : f32 from vector<1xf32>
      %broadcast_in_dim3A_358 = vector.broadcast %squeeze3A_357 : f32 to vector<16xf32>
      %swap3A_359 = arith.constant 784 : index
      %swap3A_360 = tpu.vector_load %arg6[%swap3A_359] {strides = array<i32>} : memref<2048xf32, #tpu.memory_space<vmem>>, vector<16xf32>,
      tpu.vector_store %arg6[%swap3A_359], %broadcast_in_dim3A_358 {strides = array<i32>} : memref<2048xf32, #tpu.memory_space<vmem>>, vector<16xf32>,
      %slice3A_361 = vector.extract_strided_slice %mul3A_107 {offsets = [12], sizes = [1], strides = [1]} : vector<16xf32> to vector<1xf32>
      %squeeze3A_362 = vector.extract %slice3A_361[0] : f32 from vector<1xf32>
      %broadcast_in_dim3A_363 = vector.broadcast %squeeze3A_362 : f32 to vector<16xf32>
      %swap3A_364 = arith.constant 800 : index
      %swap3A_365 = tpu.vector_load %arg6[%swap3A_364] {strides = array<i32>} : memref<2048xf32, #tpu.memory_space<vmem>>, vector<16xf32>,
      tpu.vector_store %arg6[%swap3A_364], %broadcast_in_dim3A_363 {strides = array<i32>} : memref<2048xf32, #tpu.memory_space<vmem>>, vector<16xf32>,
      %slice3A_366 = vector.extract_strided_slice %mul3A_112 {offsets = [12], sizes = [1], strides = [1]} : vector<16xf32> to vector<1xf32>
      %squeeze3A_367 = vector.extract %slice3A_366[0] : f32 from vector<1xf32>
      %broadcast_in_dim3A_368 = vector.broadcast %squeeze3A_367 : f32 to vector<16xf32>
      %swap3A_369 = arith.constant 816 : index
      %swap3A_370 = tpu.vector_load %arg6[%swap3A_369] {strides = array<i32>} : memref<2048xf32, #tpu.memory_space<vmem>>, vector<16xf32>,
      tpu.vector_store %arg6[%swap3A_369], %broadcast_in_dim3A_368 {strides = array<i32>} : memref<2048xf32, #tpu.memory_space<vmem>>, vector<16xf32>,
      %slice3A_371 = vector.extract_strided_slice %get3A_97 {offsets = [13], sizes = [1], strides = [1]} : vector<16xf32> to vector<1xf32>
      %squeeze3A_372 = vector.extract %slice3A_371[0] : f32 from vector<1xf32>
      %broadcast_in_dim3A_373 = vector.broadcast %squeeze3A_372 : f32 to vector<16xf32>
      %swap3A_374 = arith.constant 832 : index
      %swap3A_375 = tpu.vector_load %arg6[%swap3A_374] {strides = array<i32>} : memref<2048xf32, #tpu.memory_space<vmem>>, vector<16xf32>,
      tpu.vector_store %arg6[%swap3A_374], %broadcast_in_dim3A_373 {strides = array<i32>} : memref<2048xf32, #tpu.memory_space<vmem>>, vector<16xf32>,
      %slice3A_376 = vector.extract_strided_slice %mul3A_102 {offsets = [13], sizes = [1], strides = [1]} : vector<16xf32> to vector<1xf32>
      %squeeze3A_377 = vector.extract %slice3A_376[0] : f32 from vector<1xf32>
      %broadcast_in_dim3A_378 = vector.broadcast %squeeze3A_377 : f32 to vector<16xf32>
      %swap3A_379 = arith.constant 848 : index
      %swap3A_380 = tpu.vector_load %arg6[%swap3A_379] {strides = array<i32>} : memref<2048xf32, #tpu.memory_space<vmem>>, vector<16xf32>,
      tpu.vector_store %arg6[%swap3A_379], %broadcast_in_dim3A_378 {strides = array<i32>} : memref<2048xf32, #tpu.memory_space<vmem>>, vector<16xf32>,
      %slice3A_381 = vector.extract_strided_slice %mul3A_107 {offsets = [13], sizes = [1], strides = [1]} : vector<16xf32> to vector<1xf32>
      %squeeze3A_382 = vector.extract %slice3A_381[0] : f32 from vector<1xf32>
      %broadcast_in_dim3A_383 = vector.broadcast %squeeze3A_382 : f32 to vector<16xf32>
      %swap3A_384 = arith.constant 864 : index
      %swap3A_385 = tpu.vector_load %arg6[%swap3A_384] {strides = array<i32>} : memref<2048xf32, #tpu.memory_space<vmem>>, vector<16xf32>,
      tpu.vector_store %arg6[%swap3A_384], %broadcast_in_dim3A_383 {strides = array<i32>} : memref<2048xf32, #tpu.memory_space<vmem>>, vector<16xf32>,
      %slice3A_386 = vector.extract_strided_slice %mul3A_112 {offsets = [13], sizes = [1], strides = [1]} : vector<16xf32> to vector<1xf32>
      %squeeze3A_387 = vector.extract %slice3A_386[0] : f32 from vector<1xf32>
      %broadcast_in_dim3A_388 = vector.broadcast %squeeze3A_387 : f32 to vector<16xf32>
      %swap3A_389 = arith.constant 880 : index
      %swap3A_390 = tpu.vector_load %arg6[%swap3A_389] {strides = array<i32>} : memref<2048xf32, #tpu.memory_space<vmem>>, vector<16xf32>,
      tpu.vector_store %arg6[%swap3A_389], %broadcast_in_dim3A_388 {strides = array<i32>} : memref<2048xf32, #tpu.memory_space<vmem>>, vector<16xf32>,
      %slice3A_391 = vector.extract_strided_slice %get3A_97 {offsets = [14], sizes = [1], strides = [1]} : vector<16xf32> to vector<1xf32>
      %squeeze3A_392 = vector.extract %slice3A_391[0] : f32 from vector<1xf32>
      %broadcast_in_dim3A_393 = vector.broadcast %squeeze3A_392 : f32 to vector<16xf32>
      %swap3A_394 = arith.constant 896 : index
      %swap3A_395 = tpu.vector_load %arg6[%swap3A_394] {strides = array<i32>} : memref<2048xf32, #tpu.memory_space<vmem>>, vector<16xf32>,
      tpu.vector_store %arg6[%swap3A_394], %broadcast_in_dim3A_393 {strides = array<i32>} : memref<2048xf32, #tpu.memory_space<vmem>>, vector<16xf32>,
      %slice3A_396 = vector.extract_strided_slice %mul3A_102 {offsets = [14], sizes = [1], strides = [1]} : vector<16xf32> to vector<1xf32>
      %squeeze3A_397 = vector.extract %slice3A_396[0] : f32 from vector<1xf32>
      %broadcast_in_dim3A_398 = vector.broadcast %squeeze3A_397 : f32 to vector<16xf32>
      %swap3A_399 = arith.constant 912 : index
      %swap3A_400 = tpu.vector_load %arg6[%swap3A_399] {strides = array<i32>} : memref<2048xf32, #tpu.memory_space<vmem>>, vector<16xf32>,
      tpu.vector_store %arg6[%swap3A_399], %broadcast_in_dim3A_398 {strides = array<i32>} : memref<2048xf32, #tpu.memory_space<vmem>>, vector<16xf32>,
      %slice3A_401 = vector.extract_strided_slice %mul3A_107 {offsets = [14], sizes = [1], strides = [1]} : vector<16xf32> to vector<1xf32>
      %squeeze3A_402 = vector.extract %slice3A_401[0] : f32 from vector<1xf32>
      %broadcast_in_dim3A_403 = vector.broadcast %squeeze3A_402 : f32 to vector<16xf32>
      %swap3A_404 = arith.constant 928 : index
      %swap3A_405 = tpu.vector_load %arg6[%swap3A_404] {strides = array<i32>} : memref<2048xf32, #tpu.memory_space<vmem>>, vector<16xf32>,
      tpu.vector_store %arg6[%swap3A_404], %broadcast_in_dim3A_403 {strides = array<i32>} : memref<2048xf32, #tpu.memory_space<vmem>>, vector<16xf32>,
      %slice3A_406 = vector.extract_strided_slice %mul3A_112 {offsets = [14], sizes = [1], strides = [1]} : vector<16xf32> to vector<1xf32>
      %squeeze3A_407 = vector.extract %slice3A_406[0] : f32 from vector<1xf32>
      %broadcast_in_dim3A_408 = vector.broadcast %squeeze3A_407 : f32 to vector<16xf32>
      %swap3A_409 = arith.constant 944 : index
      %swap3A_410 = tpu.vector_load %arg6[%swap3A_409] {strides = array<i32>} : memref<2048xf32, #tpu.memory_space<vmem>>, vector<16xf32>,
      tpu.vector_store %arg6[%swap3A_409], %broadcast_in_dim3A_408 {strides = array<i32>} : memref<2048xf32, #tpu.memory_space<vmem>>, vector<16xf32>,
      %slice3A_411 = vector.extract_strided_slice %get3A_97 {offsets = [15], sizes = [1], strides = [1]} : vector<16xf32> to vector<1xf32>
      %squeeze3A_412 = vector.extract %slice3A_411[0] : f32 from vector<1xf32>
      %broadcast_in_dim3A_413 = vector.broadcast %squeeze3A_412 : f32 to vector<16xf32>
      %swap3A_414 = arith.constant 960 : index
      %swap3A_415 = tpu.vector_load %arg6[%swap3A_414] {strides = array<i32>} : memref<2048xf32, #tpu.memory_space<vmem>>, vector<16xf32>,
      tpu.vector_store %arg6[%swap3A_414], %broadcast_in_dim3A_413 {strides = array<i32>} : memref<2048xf32, #tpu.memory_space<vmem>>, vector<16xf32>,
      %slice3A_416 = vector.extract_strided_slice %mul3A_102 {offsets = [15], sizes = [1], strides = [1]} : vector<16xf32> to vector<1xf32>
      %squeeze3A_417 = vector.extract %slice3A_416[0] : f32 from vector<1xf32>
      %broadcast_in_dim3A_418 = vector.broadcast %squeeze3A_417 : f32 to vector<16xf32>
      %swap3A_419 = arith.constant 976 : index
      %swap3A_420 = tpu.vector_load %arg6[%swap3A_419] {strides = array<i32>} : memref<2048xf32, #tpu.memory_space<vmem>>, vector<16xf32>,
      tpu.vector_store %arg6[%swap3A_419], %broadcast_in_dim3A_418 {strides = array<i32>} : memref<2048xf32, #tpu.memory_space<vmem>>, vector<16xf32>,
      %slice3A_421 = vector.extract_strided_slice %mul3A_107 {offsets = [15], sizes = [1], strides = [1]} : vector<16xf32> to vector<1xf32>
      %squeeze3A_422 = vector.extract %slice3A_421[0] : f32 from vector<1xf32>
      %broadcast_in_dim3A_423 = vector.broadcast %squeeze3A_422 : f32 to vector<16xf32>
      %swap3A_424 = arith.constant 992 : index
      %swap3A_425 = tpu.vector_load %arg6[%swap3A_424] {strides = array<i32>} : memref<2048xf32, #tpu.memory_space<vmem>>, vector<16xf32>,
      tpu.vector_store %arg6[%swap3A_424], %broadcast_in_dim3A_423 {strides = array<i32>} : memref<2048xf32, #tpu.memory_space<vmem>>, vector<16xf32>,
      %slice3A_426 = vector.extract_strided_slice %mul3A_112 {offsets = [15], sizes = [1], strides = [1]} : vector<16xf32> to vector<1xf32>
      %squeeze3A_427 = vector.extract %slice3A_426[0] : f32 from vector<1xf32>
      %broadcast_in_dim3A_428 = vector.broadcast %squeeze3A_427 : f32 to vector<16xf32>
      %swap3A_429 = arith.constant 1008 : index
      %swap3A_430 = tpu.vector_load %arg6[%swap3A_429] {strides = array<i32>} : memref<2048xf32, #tpu.memory_space<vmem>>, vector<16xf32>,
      tpu.vector_store %arg6[%swap3A_429], %broadcast_in_dim3A_428 {strides = array<i32>} : memref<2048xf32, #tpu.memory_space<vmem>>, vector<16xf32>,
      %get3A_431 = arith.constant 112 : index
      %get3A_432 = tpu.vector_load %arg9[%get3A_431] {strides = array<i32>} : memref<128xf32, #tpu.memory_space<vmem>>, vector<16xf32>,
      %get3A_433 = arith.constant 16 : index
      %get3A_434 = tpu.vector_load %arg9[%get3A_433] {strides = array<i32>} : memref<128xf32, #tpu.memory_space<vmem>>, vector<16xf32>,
      %mul3A_435 = arith.constant -2.000000e+00 : f32
      %mul3A_436 = vector.broadcast %mul3A_435 : f32 to vector<16xf32>
      %mul3A_437 = arith.mulf %get3A_434, %mul3A_436 : vector<16xf32>
      %get3A_438 = arith.constant 48 : index
      %get3A_439 = tpu.vector_load %arg9[%get3A_438] {strides = array<i32>} : memref<128xf32, #tpu.memory_space<vmem>>, vector<16xf32>,
      %mul3A_440 = arith.constant -2.000000e+00 : f32
      %mul3A_441 = vector.broadcast %mul3A_440 : f32 to vector<16xf32>
      %mul3A_442 = arith.mulf %get3A_439, %mul3A_441 : vector<16xf32>
      %get3A_443 = arith.constant 80 : index
      %get3A_444 = tpu.vector_load %arg9[%get3A_443] {strides = array<i32>} : memref<128xf32, #tpu.memory_space<vmem>>, vector<16xf32>,
      %mul3A_445 = arith.constant -2.000000e+00 : f32
      %mul3A_446 = vector.broadcast %mul3A_445 : f32 to vector<16xf32>
      %mul3A_447 = arith.mulf %get3A_444, %mul3A_446 : vector<16xf32>
      %slice3A_448 = vector.extract_strided_slice %get3A_432 {offsets = [0], sizes = [1], strides = [1]} : vector<16xf32> to vector<1xf32>
      %squeeze3A_449 = vector.extract %slice3A_448[0] : f32 from vector<1xf32>
      %broadcast_in_dim3A_450 = vector.broadcast %squeeze3A_449 : f32 to vector<16xf32>
      %swap3A_451 = arith.constant 1024 : index
      %swap3A_452 = tpu.vector_load %arg6[%swap3A_451] {strides = array<i32>} : memref<2048xf32, #tpu.memory_space<vmem>>, vector<16xf32>,
      tpu.vector_store %arg6[%swap3A_451], %broadcast_in_dim3A_450 {strides = array<i32>} : memref<2048xf32, #tpu.memory_space<vmem>>, vector<16xf32>,
      %slice3A_453 = vector.extract_strided_slice %mul3A_437 {offsets = [0], sizes = [1], strides = [1]} : vector<16xf32> to vector<1xf32>
      %squeeze3A_454 = vector.extract %slice3A_453[0] : f32 from vector<1xf32>
      %broadcast_in_dim3A_455 = vector.broadcast %squeeze3A_454 : f32 to vector<16xf32>
      %swap3A_456 = arith.constant 1040 : index
      %swap3A_457 = tpu.vector_load %arg6[%swap3A_456] {strides = array<i32>} : memref<2048xf32, #tpu.memory_space<vmem>>, vector<16xf32>,
      tpu.vector_store %arg6[%swap3A_456], %broadcast_in_dim3A_455 {strides = array<i32>} : memref<2048xf32, #tpu.memory_space<vmem>>, vector<16xf32>,
      %slice3A_458 = vector.extract_strided_slice %mul3A_442 {offsets = [0], sizes = [1], strides = [1]} : vector<16xf32> to vector<1xf32>
      %squeeze3A_459 = vector.extract %slice3A_458[0] : f32 from vector<1xf32>
      %broadcast_in_dim3A_460 = vector.broadcast %squeeze3A_459 : f32 to vector<16xf32>
      %swap3A_461 = arith.constant 1056 : index
      %swap3A_462 = tpu.vector_load %arg6[%swap3A_461] {strides = array<i32>} : memref<2048xf32, #tpu.memory_space<vmem>>, vector<16xf32>,
      tpu.vector_store %arg6[%swap3A_461], %broadcast_in_dim3A_460 {strides = array<i32>} : memref<2048xf32, #tpu.memory_space<vmem>>, vector<16xf32>,
      %slice3A_463 = vector.extract_strided_slice %mul3A_447 {offsets = [0], sizes = [1], strides = [1]} : vector<16xf32> to vector<1xf32>
      %squeeze3A_464 = vector.extract %slice3A_463[0] : f32 from vector<1xf32>
      %broadcast_in_dim3A_465 = vector.broadcast %squeeze3A_464 : f32 to vector<16xf32>
      %swap3A_466 = arith.constant 1072 : index
      %swap3A_467 = tpu.vector_load %arg6[%swap3A_466] {strides = array<i32>} : memref<2048xf32, #tpu.memory_space<vmem>>, vector<16xf32>,
      tpu.vector_store %arg6[%swap3A_466], %broadcast_in_dim3A_465 {strides = array<i32>} : memref<2048xf32, #tpu.memory_space<vmem>>, vector<16xf32>,
      %slice3A_468 = vector.extract_strided_slice %get3A_432 {offsets = [1], sizes = [1], strides = [1]} : vector<16xf32> to vector<1xf32>
      %squeeze3A_469 = vector.extract %slice3A_468[0] : f32 from vector<1xf32>
      %broadcast_in_dim3A_470 = vector.broadcast %squeeze3A_469 : f32 to vector<16xf32>
      %swap3A_471 = arith.constant 1088 : index
      %swap3A_472 = tpu.vector_load %arg6[%swap3A_471] {strides = array<i32>} : memref<2048xf32, #tpu.memory_space<vmem>>, vector<16xf32>,
      tpu.vector_store %arg6[%swap3A_471], %broadcast_in_dim3A_470 {strides = array<i32>} : memref<2048xf32, #tpu.memory_space<vmem>>, vector<16xf32>,
      %slice3A_473 = vector.extract_strided_slice %mul3A_437 {offsets = [1], sizes = [1], strides = [1]} : vector<16xf32> to vector<1xf32>
      %squeeze3A_474 = vector.extract %slice3A_473[0] : f32 from vector<1xf32>
      %broadcast_in_dim3A_475 = vector.broadcast %squeeze3A_474 : f32 to vector<16xf32>
      %swap3A_476 = arith.constant 1104 : index
      %swap3A_477 = tpu.vector_load %arg6[%swap3A_476] {strides = array<i32>} : memref<2048xf32, #tpu.memory_space<vmem>>, vector<16xf32>,
      tpu.vector_store %arg6[%swap3A_476], %broadcast_in_dim3A_475 {strides = array<i32>} : memref<2048xf32, #tpu.memory_space<vmem>>, vector<16xf32>,
      %slice3A_478 = vector.extract_strided_slice %mul3A_442 {offsets = [1], sizes = [1], strides = [1]} : vector<16xf32> to vector<1xf32>
      %squeeze3A_479 = vector.extract %slice3A_478[0] : f32 from vector<1xf32>
      %broadcast_in_dim3A_480 = vector.broadcast %squeeze3A_479 : f32 to vector<16xf32>
      %swap3A_481 = arith.constant 1120 : index
      %swap3A_482 = tpu.vector_load %arg6[%swap3A_481] {strides = array<i32>} : memref<2048xf32, #tpu.memory_space<vmem>>, vector<16xf32>,
      tpu.vector_store %arg6[%swap3A_481], %broadcast_in_dim3A_480 {strides = array<i32>} : memref<2048xf32, #tpu.memory_space<vmem>>, vector<16xf32>,
      %slice3A_483 = vector.extract_strided_slice %mul3A_447 {offsets = [1], sizes = [1], strides = [1]} : vector<16xf32> to vector<1xf32>
      %squeeze3A_484 = vector.extract %slice3A_483[0] : f32 from vector<1xf32>
      %broadcast_in_dim3A_485 = vector.broadcast %squeeze3A_484 : f32 to vector<16xf32>
      %swap3A_486 = arith.constant 1136 : index
      %swap3A_487 = tpu.vector_load %arg6[%swap3A_486] {strides = array<i32>} : memref<2048xf32, #tpu.memory_space<vmem>>, vector<16xf32>,
      tpu.vector_store %arg6[%swap3A_486], %broadcast_in_dim3A_485 {strides = array<i32>} : memref<2048xf32, #tpu.memory_space<vmem>>, vector<16xf32>,
      %slice3A_488 = vector.extract_strided_slice %get3A_432 {offsets = [2], sizes = [1], strides = [1]} : vector<16xf32> to vector<1xf32>
      %squeeze3A_489 = vector.extract %slice3A_488[0] : f32 from vector<1xf32>
      %broadcast_in_dim3A_490 = vector.broadcast %squeeze3A_489 : f32 to vector<16xf32>
      %swap3A_491 = arith.constant 1152 : index
      %swap3A_492 = tpu.vector_load %arg6[%swap3A_491] {strides = array<i32>} : memref<2048xf32, #tpu.memory_space<vmem>>, vector<16xf32>,
      tpu.vector_store %arg6[%swap3A_491], %broadcast_in_dim3A_490 {strides = array<i32>} : memref<2048xf32, #tpu.memory_space<vmem>>, vector<16xf32>,
      %slice3A_493 = vector.extract_strided_slice %mul3A_437 {offsets = [2], sizes = [1], strides = [1]} : vector<16xf32> to vector<1xf32>
      %squeeze3A_494 = vector.extract %slice3A_493[0] : f32 from vector<1xf32>
      %broadcast_in_dim3A_495 = vector.broadcast %squeeze3A_494 : f32 to vector<16xf32>
      %swap3A_496 = arith.constant 1168 : index
      %swap3A_497 = tpu.vector_load %arg6[%swap3A_496] {strides = array<i32>} : memref<2048xf32, #tpu.memory_space<vmem>>, vector<16xf32>,
      tpu.vector_store %arg6[%swap3A_496], %broadcast_in_dim3A_495 {strides = array<i32>} : memref<2048xf32, #tpu.memory_space<vmem>>, vector<16xf32>,
      %slice3A_498 = vector.extract_strided_slice %mul3A_442 {offsets = [2], sizes = [1], strides = [1]} : vector<16xf32> to vector<1xf32>
      %squeeze3A_499 = vector.extract %slice3A_498[0] : f32 from vector<1xf32>
      %broadcast_in_dim3A_500 = vector.broadcast %squeeze3A_499 : f32 to vector<16xf32>
      %swap3A_501 = arith.constant 1184 : index
      %swap3A_502 = tpu.vector_load %arg6[%swap3A_501] {strides = array<i32>} : memref<2048xf32, #tpu.memory_space<vmem>>, vector<16xf32>,
      tpu.vector_store %arg6[%swap3A_501], %broadcast_in_dim3A_500 {strides = array<i32>} : memref<2048xf32, #tpu.memory_space<vmem>>, vector<16xf32>,
      %slice3A_503 = vector.extract_strided_slice %mul3A_447 {offsets = [2], sizes = [1], strides = [1]} : vector<16xf32> to vector<1xf32>
      %squeeze3A_504 = vector.extract %slice3A_503[0] : f32 from vector<1xf32>
      %broadcast_in_dim3A_505 = vector.broadcast %squeeze3A_504 : f32 to vector<16xf32>
      %swap3A_506 = arith.constant 1200 : index
      %swap3A_507 = tpu.vector_load %arg6[%swap3A_506] {strides = array<i32>} : memref<2048xf32, #tpu.memory_space<vmem>>, vector<16xf32>,
      tpu.vector_store %arg6[%swap3A_506], %broadcast_in_dim3A_505 {strides = array<i32>} : memref<2048xf32, #tpu.memory_space<vmem>>, vector<16xf32>,
      %slice3A_508 = vector.extract_strided_slice %get3A_432 {offsets = [3], sizes = [1], strides = [1]} : vector<16xf32> to vector<1xf32>
      %squeeze3A_509 = vector.extract %slice3A_508[0] : f32 from vector<1xf32>
      %broadcast_in_dim3A_510 = vector.broadcast %squeeze3A_509 : f32 to vector<16xf32>
      %swap3A_511 = arith.constant 1216 : index
      %swap3A_512 = tpu.vector_load %arg6[%swap3A_511] {strides = array<i32>} : memref<2048xf32, #tpu.memory_space<vmem>>, vector<16xf32>,
      tpu.vector_store %arg6[%swap3A_511], %broadcast_in_dim3A_510 {strides = array<i32>} : memref<2048xf32, #tpu.memory_space<vmem>>, vector<16xf32>,
      %slice3A_513 = vector.extract_strided_slice %mul3A_437 {offsets = [3], sizes = [1], strides = [1]} : vector<16xf32> to vector<1xf32>
      %squeeze3A_514 = vector.extract %slice3A_513[0] : f32 from vector<1xf32>
      %broadcast_in_dim3A_515 = vector.broadcast %squeeze3A_514 : f32 to vector<16xf32>
      %swap3A_516 = arith.constant 1232 : index
      %swap3A_517 = tpu.vector_load %arg6[%swap3A_516] {strides = array<i32>} : memref<2048xf32, #tpu.memory_space<vmem>>, vector<16xf32>,
      tpu.vector_store %arg6[%swap3A_516], %broadcast_in_dim3A_515 {strides = array<i32>} : memref<2048xf32, #tpu.memory_space<vmem>>, vector<16xf32>,
      %slice3A_518 = vector.extract_strided_slice %mul3A_442 {offsets = [3], sizes = [1], strides = [1]} : vector<16xf32> to vector<1xf32>
      %squeeze3A_519 = vector.extract %slice3A_518[0] : f32 from vector<1xf32>
      %broadcast_in_dim3A_520 = vector.broadcast %squeeze3A_519 : f32 to vector<16xf32>
      %swap3A_521 = arith.constant 1248 : index
      %swap3A_522 = tpu.vector_load %arg6[%swap3A_521] {strides = array<i32>} : memref<2048xf32, #tpu.memory_space<vmem>>, vector<16xf32>,
      tpu.vector_store %arg6[%swap3A_521], %broadcast_in_dim3A_520 {strides = array<i32>} : memref<2048xf32, #tpu.memory_space<vmem>>, vector<16xf32>,
      %slice3A_523 = vector.extract_strided_slice %mul3A_447 {offsets = [3], sizes = [1], strides = [1]} : vector<16xf32> to vector<1xf32>
      %squeeze3A_524 = vector.extract %slice3A_523[0] : f32 from vector<1xf32>
      %broadcast_in_dim3A_525 = vector.broadcast %squeeze3A_524 : f32 to vector<16xf32>
      %swap3A_526 = arith.constant 1264 : index
      %swap3A_527 = tpu.vector_load %arg6[%swap3A_526] {strides = array<i32>} : memref<2048xf32, #tpu.memory_space<vmem>>, vector<16xf32>,
      tpu.vector_store %arg6[%swap3A_526], %broadcast_in_dim3A_525 {strides = array<i32>} : memref<2048xf32, #tpu.memory_space<vmem>>, vector<16xf32>,
      %slice3A_528 = vector.extract_strided_slice %get3A_432 {offsets = [4], sizes = [1], strides = [1]} : vector<16xf32> to vector<1xf32>
      %squeeze3A_529 = vector.extract %slice3A_528[0] : f32 from vector<1xf32>
      %broadcast_in_dim3A_530 = vector.broadcast %squeeze3A_529 : f32 to vector<16xf32>
      %swap3A_531 = arith.constant 1280 : index
      %swap3A_532 = tpu.vector_load %arg6[%swap3A_531] {strides = array<i32>} : memref<2048xf32, #tpu.memory_space<vmem>>, vector<16xf32>,
      tpu.vector_store %arg6[%swap3A_531], %broadcast_in_dim3A_530 {strides = array<i32>} : memref<2048xf32, #tpu.memory_space<vmem>>, vector<16xf32>,
      %slice3A_533 = vector.extract_strided_slice %mul3A_437 {offsets = [4], sizes = [1], strides = [1]} : vector<16xf32> to vector<1xf32>
      %squeeze3A_534 = vector.extract %slice3A_533[0] : f32 from vector<1xf32>
      %broadcast_in_dim3A_535 = vector.broadcast %squeeze3A_534 : f32 to vector<16xf32>
      %swap3A_536 = arith.constant 1296 : index
      %swap3A_537 = tpu.vector_load %arg6[%swap3A_536] {strides = array<i32>} : memref<2048xf32, #tpu.memory_space<vmem>>, vector<16xf32>,
      tpu.vector_store %arg6[%swap3A_536], %broadcast_in_dim3A_535 {strides = array<i32>} : memref<2048xf32, #tpu.memory_space<vmem>>, vector<16xf32>,
      %slice3A_538 = vector.extract_strided_slice %mul3A_442 {offsets = [4], sizes = [1], strides = [1]} : vector<16xf32> to vector<1xf32>
      %squeeze3A_539 = vector.extract %slice3A_538[0] : f32 from vector<1xf32>
      %broadcast_in_dim3A_540 = vector.broadcast %squeeze3A_539 : f32 to vector<16xf32>
      %swap3A_541 = arith.constant 1312 : index
      %swap3A_542 = tpu.vector_load %arg6[%swap3A_541] {strides = array<i32>} : memref<2048xf32, #tpu.memory_space<vmem>>, vector<16xf32>,
      tpu.vector_store %arg6[%swap3A_541], %broadcast_in_dim3A_540 {strides = array<i32>} : memref<2048xf32, #tpu.memory_space<vmem>>, vector<16xf32>,
      %slice3A_543 = vector.extract_strided_slice %mul3A_447 {offsets = [4], sizes = [1], strides = [1]} : vector<16xf32> to vector<1xf32>
      %squeeze3A_544 = vector.extract %slice3A_543[0] : f32 from vector<1xf32>
      %broadcast_in_dim3A_545 = vector.broadcast %squeeze3A_544 : f32 to vector<16xf32>
      %swap3A_546 = arith.constant 1328 : index
      %swap3A_547 = tpu.vector_load %arg6[%swap3A_546] {strides = array<i32>} : memref<2048xf32, #tpu.memory_space<vmem>>, vector<16xf32>,
      tpu.vector_store %arg6[%swap3A_546], %broadcast_in_dim3A_545 {strides = array<i32>} : memref<2048xf32, #tpu.memory_space<vmem>>, vector<16xf32>,
      %slice3A_548 = vector.extract_strided_slice %get3A_432 {offsets = [5], sizes = [1], strides = [1]} : vector<16xf32> to vector<1xf32>
      %squeeze3A_549 = vector.extract %slice3A_548[0] : f32 from vector<1xf32>
      %broadcast_in_dim3A_550 = vector.broadcast %squeeze3A_549 : f32 to vector<16xf32>
      %swap3A_551 = arith.constant 1344 : index
      %swap3A_552 = tpu.vector_load %arg6[%swap3A_551] {strides = array<i32>} : memref<2048xf32, #tpu.memory_space<vmem>>, vector<16xf32>,
      tpu.vector_store %arg6[%swap3A_551], %broadcast_in_dim3A_550 {strides = array<i32>} : memref<2048xf32, #tpu.memory_space<vmem>>, vector<16xf32>,
      %slice3A_553 = vector.extract_strided_slice %mul3A_437 {offsets = [5], sizes = [1], strides = [1]} : vector<16xf32> to vector<1xf32>
      %squeeze3A_554 = vector.extract %slice3A_553[0] : f32 from vector<1xf32>
      %broadcast_in_dim3A_555 = vector.broadcast %squeeze3A_554 : f32 to vector<16xf32>
      %swap3A_556 = arith.constant 1360 : index
      %swap3A_557 = tpu.vector_load %arg6[%swap3A_556] {strides = array<i32>} : memref<2048xf32, #tpu.memory_space<vmem>>, vector<16xf32>,
      tpu.vector_store %arg6[%swap3A_556], %broadcast_in_dim3A_555 {strides = array<i32>} : memref<2048xf32, #tpu.memory_space<vmem>>, vector<16xf32>,
      %slice3A_558 = vector.extract_strided_slice %mul3A_442 {offsets = [5], sizes = [1], strides = [1]} : vector<16xf32> to vector<1xf32>
      %squeeze3A_559 = vector.extract %slice3A_558[0] : f32 from vector<1xf32>
      %broadcast_in_dim3A_560 = vector.broadcast %squeeze3A_559 : f32 to vector<16xf32>
      %swap3A_561 = arith.constant 1376 : index
      %swap3A_562 = tpu.vector_load %arg6[%swap3A_561] {strides = array<i32>} : memref<2048xf32, #tpu.memory_space<vmem>>, vector<16xf32>,
      tpu.vector_store %arg6[%swap3A_561], %broadcast_in_dim3A_560 {strides = array<i32>} : memref<2048xf32, #tpu.memory_space<vmem>>, vector<16xf32>,
      %slice3A_563 = vector.extract_strided_slice %mul3A_447 {offsets = [5], sizes = [1], strides = [1]} : vector<16xf32> to vector<1xf32>
      %squeeze3A_564 = vector.extract %slice3A_563[0] : f32 from vector<1xf32>
      %broadcast_in_dim3A_565 = vector.broadcast %squeeze3A_564 : f32 to vector<16xf32>
      %swap3A_566 = arith.constant 1392 : index
      %swap3A_567 = tpu.vector_load %arg6[%swap3A_566] {strides = array<i32>} : memref<2048xf32, #tpu.memory_space<vmem>>, vector<16xf32>,
      tpu.vector_store %arg6[%swap3A_566], %broadcast_in_dim3A_565 {strides = array<i32>} : memref<2048xf32, #tpu.memory_space<vmem>>, vector<16xf32>,
      %slice3A_568 = vector.extract_strided_slice %get3A_432 {offsets = [6], sizes = [1], strides = [1]} : vector<16xf32> to vector<1xf32>
      %squeeze3A_569 = vector.extract %slice3A_568[0] : f32 from vector<1xf32>
      %broadcast_in_dim3A_570 = vector.broadcast %squeeze3A_569 : f32 to vector<16xf32>
      %swap3A_571 = arith.constant 1408 : index
      %swap3A_572 = tpu.vector_load %arg6[%swap3A_571] {strides = array<i32>} : memref<2048xf32, #tpu.memory_space<vmem>>, vector<16xf32>,
      tpu.vector_store %arg6[%swap3A_571], %broadcast_in_dim3A_570 {strides = array<i32>} : memref<2048xf32, #tpu.memory_space<vmem>>, vector<16xf32>,
      %slice3A_573 = vector.extract_strided_slice %mul3A_437 {offsets = [6], sizes = [1], strides = [1]} : vector<16xf32> to vector<1xf32>
      %squeeze3A_574 = vector.extract %slice3A_573[0] : f32 from vector<1xf32>
      %broadcast_in_dim3A_575 = vector.broadcast %squeeze3A_574 : f32 to vector<16xf32>
      %swap3A_576 = arith.constant 1424 : index
      %swap3A_577 = tpu.vector_load %arg6[%swap3A_576] {strides = array<i32>} : memref<2048xf32, #tpu.memory_space<vmem>>, vector<16xf32>,
      tpu.vector_store %arg6[%swap3A_576], %broadcast_in_dim3A_575 {strides = array<i32>} : memref<2048xf32, #tpu.memory_space<vmem>>, vector<16xf32>,
      %slice3A_578 = vector.extract_strided_slice %mul3A_442 {offsets = [6], sizes = [1], strides = [1]} : vector<16xf32> to vector<1xf32>
      %squeeze3A_579 = vector.extract %slice3A_578[0] : f32 from vector<1xf32>
      %broadcast_in_dim3A_580 = vector.broadcast %squeeze3A_579 : f32 to vector<16xf32>
      %swap3A_581 = arith.constant 1440 : index
      %swap3A_582 = tpu.vector_load %arg6[%swap3A_581] {strides = array<i32>} : memref<2048xf32, #tpu.memory_space<vmem>>, vector<16xf32>,
      tpu.vector_store %arg6[%swap3A_581], %broadcast_in_dim3A_580 {strides = array<i32>} : memref<2048xf32, #tpu.memory_space<vmem>>, vector<16xf32>,
      %slice3A_583 = vector.extract_strided_slice %mul3A_447 {offsets = [6], sizes = [1], strides = [1]} : vector<16xf32> to vector<1xf32>
      %squeeze3A_584 = vector.extract %slice3A_583[0] : f32 from vector<1xf32>
      %broadcast_in_dim3A_585 = vector.broadcast %squeeze3A_584 : f32 to vector<16xf32>
      %swap3A_586 = arith.constant 1456 : index
      %swap3A_587 = tpu.vector_load %arg6[%swap3A_586] {strides = array<i32>} : memref<2048xf32, #tpu.memory_space<vmem>>, vector<16xf32>,
      tpu.vector_store %arg6[%swap3A_586], %broadcast_in_dim3A_585 {strides = array<i32>} : memref<2048xf32, #tpu.memory_space<vmem>>, vector<16xf32>,
      %slice3A_588 = vector.extract_strided_slice %get3A_432 {offsets = [7], sizes = [1], strides = [1]} : vector<16xf32> to vector<1xf32>
      %squeeze3A_589 = vector.extract %slice3A_588[0] : f32 from vector<1xf32>
      %broadcast_in_dim3A_590 = vector.broadcast %squeeze3A_589 : f32 to vector<16xf32>
      %swap3A_591 = arith.constant 1472 : index
      %swap3A_592 = tpu.vector_load %arg6[%swap3A_591] {strides = array<i32>} : memref<2048xf32, #tpu.memory_space<vmem>>, vector<16xf32>,
      tpu.vector_store %arg6[%swap3A_591], %broadcast_in_dim3A_590 {strides = array<i32>} : memref<2048xf32, #tpu.memory_space<vmem>>, vector<16xf32>,
      %slice3A_593 = vector.extract_strided_slice %mul3A_437 {offsets = [7], sizes = [1], strides = [1]} : vector<16xf32> to vector<1xf32>
      %squeeze3A_594 = vector.extract %slice3A_593[0] : f32 from vector<1xf32>
      %broadcast_in_dim3A_595 = vector.broadcast %squeeze3A_594 : f32 to vector<16xf32>
      %swap3A_596 = arith.constant 1488 : index
      %swap3A_597 = tpu.vector_load %arg6[%swap3A_596] {strides = array<i32>} : memref<2048xf32, #tpu.memory_space<vmem>>, vector<16xf32>,
      tpu.vector_store %arg6[%swap3A_596], %broadcast_in_dim3A_595 {strides = array<i32>} : memref<2048xf32, #tpu.memory_space<vmem>>, vector<16xf32>,
      %slice3A_598 = vector.extract_strided_slice %mul3A_442 {offsets = [7], sizes = [1], strides = [1]} : vector<16xf32> to vector<1xf32>
      %squeeze3A_599 = vector.extract %slice3A_598[0] : f32 from vector<1xf32>
      %broadcast_in_dim3A_600 = vector.broadcast %squeeze3A_599 : f32 to vector<16xf32>
      %swap3A_601 = arith.constant 1504 : index
      %swap3A_602 = tpu.vector_load %arg6[%swap3A_601] {strides = array<i32>} : memref<2048xf32, #tpu.memory_space<vmem>>, vector<16xf32>,
      tpu.vector_store %arg6[%swap3A_601], %broadcast_in_dim3A_600 {strides = array<i32>} : memref<2048xf32, #tpu.memory_space<vmem>>, vector<16xf32>,
      %slice3A_603 = vector.extract_strided_slice %mul3A_447 {offsets = [7], sizes = [1], strides = [1]} : vector<16xf32> to vector<1xf32>
      %squeeze3A_604 = vector.extract %slice3A_603[0] : f32 from vector<1xf32>
      %broadcast_in_dim3A_605 = vector.broadcast %squeeze3A_604 : f32 to vector<16xf32>
      %swap3A_606 = arith.constant 1520 : index
      %swap3A_607 = tpu.vector_load %arg6[%swap3A_606] {strides = array<i32>} : memref<2048xf32, #tpu.memory_space<vmem>>, vector<16xf32>,
      tpu.vector_store %arg6[%swap3A_606], %broadcast_in_dim3A_605 {strides = array<i32>} : memref<2048xf32, #tpu.memory_space<vmem>>, vector<16xf32>,
      %slice3A_608 = vector.extract_strided_slice %get3A_432 {offsets = [8], sizes = [1], strides = [1]} : vector<16xf32> to vector<1xf32>
      %squeeze3A_609 = vector.extract %slice3A_608[0] : f32 from vector<1xf32>
      %broadcast_in_dim3A_610 = vector.broadcast %squeeze3A_609 : f32 to vector<16xf32>
      %swap3A_611 = arith.constant 1536 : index
      %swap3A_612 = tpu.vector_load %arg6[%swap3A_611] {strides = array<i32>} : memref<2048xf32, #tpu.memory_space<vmem>>, vector<16xf32>,
      tpu.vector_store %arg6[%swap3A_611], %broadcast_in_dim3A_610 {strides = array<i32>} : memref<2048xf32, #tpu.memory_space<vmem>>, vector<16xf32>,
      %slice3A_613 = vector.extract_strided_slice %mul3A_437 {offsets = [8], sizes = [1], strides = [1]} : vector<16xf32> to vector<1xf32>
      %squeeze3A_614 = vector.extract %slice3A_613[0] : f32 from vector<1xf32>
      %broadcast_in_dim3A_615 = vector.broadcast %squeeze3A_614 : f32 to vector<16xf32>
      %swap3A_616 = arith.constant 1552 : index
      %swap3A_617 = tpu.vector_load %arg6[%swap3A_616] {strides = array<i32>} : memref<2048xf32, #tpu.memory_space<vmem>>, vector<16xf32>,
      tpu.vector_store %arg6[%swap3A_616], %broadcast_in_dim3A_615 {strides = array<i32>} : memref<2048xf32, #tpu.memory_space<vmem>>, vector<16xf32>,
      %slice3A_618 = vector.extract_strided_slice %mul3A_442 {offsets = [8], sizes = [1], strides = [1]} : vector<16xf32> to vector<1xf32>
      %squeeze3A_619 = vector.extract %slice3A_618[0] : f32 from vector<1xf32>
      %broadcast_in_dim3A_620 = vector.broadcast %squeeze3A_619 : f32 to vector<16xf32>
      %swap3A_621 = arith.constant 1568 : index
      %swap3A_622 = tpu.vector_load %arg6[%swap3A_621] {strides = array<i32>} : memref<2048xf32, #tpu.memory_space<vmem>>, vector<16xf32>,
      tpu.vector_store %arg6[%swap3A_621], %broadcast_in_dim3A_620 {strides = array<i32>} : memref<2048xf32, #tpu.memory_space<vmem>>, vector<16xf32>,
      %slice3A_623 = vector.extract_strided_slice %mul3A_447 {offsets = [8], sizes = [1], strides = [1]} : vector<16xf32> to vector<1xf32>
      %squeeze3A_624 = vector.extract %slice3A_623[0] : f32 from vector<1xf32>
      %broadcast_in_dim3A_625 = vector.broadcast %squeeze3A_624 : f32 to vector<16xf32>
      %swap3A_626 = arith.constant 1584 : index
      %swap3A_627 = tpu.vector_load %arg6[%swap3A_626] {strides = array<i32>} : memref<2048xf32, #tpu.memory_space<vmem>>, vector<16xf32>,
      tpu.vector_store %arg6[%swap3A_626], %broadcast_in_dim3A_625 {strides = array<i32>} : memref<2048xf32, #tpu.memory_space<vmem>>, vector<16xf32>,
      %slice3A_628 = vector.extract_strided_slice %get3A_432 {offsets = [9], sizes = [1], strides = [1]} : vector<16xf32> to vector<1xf32>
      %squeeze3A_629 = vector.extract %slice3A_628[0] : f32 from vector<1xf32>
      %broadcast_in_dim3A_630 = vector.broadcast %squeeze3A_629 : f32 to vector<16xf32>
      %swap3A_631 = arith.constant 1600 : index
      %swap3A_632 = tpu.vector_load %arg6[%swap3A_631] {strides = array<i32>} : memref<2048xf32, #tpu.memory_space<vmem>>, vector<16xf32>,
      tpu.vector_store %arg6[%swap3A_631], %broadcast_in_dim3A_630 {strides = array<i32>} : memref<2048xf32, #tpu.memory_space<vmem>>, vector<16xf32>,
      %slice3A_633 = vector.extract_strided_slice %mul3A_437 {offsets = [9], sizes = [1], strides = [1]} : vector<16xf32> to vector<1xf32>
      %squeeze3A_634 = vector.extract %slice3A_633[0] : f32 from vector<1xf32>
      %broadcast_in_dim3A_635 = vector.broadcast %squeeze3A_634 : f32 to vector<16xf32>
      %swap3A_636 = arith.constant 1616 : index
      %swap3A_637 = tpu.vector_load %arg6[%swap3A_636] {strides = array<i32>} : memref<2048xf32, #tpu.memory_space<vmem>>, vector<16xf32>,
      tpu.vector_store %arg6[%swap3A_636], %broadcast_in_dim3A_635 {strides = array<i32>} : memref<2048xf32, #tpu.memory_space<vmem>>, vector<16xf32>,
      %slice3A_638 = vector.extract_strided_slice %mul3A_442 {offsets = [9], sizes = [1], strides = [1]} : vector<16xf32> to vector<1xf32>
      %squeeze3A_639 = vector.extract %slice3A_638[0] : f32 from vector<1xf32>
      %broadcast_in_dim3A_640 = vector.broadcast %squeeze3A_639 : f32 to vector<16xf32>
      %swap3A_641 = arith.constant 1632 : index
      %swap3A_642 = tpu.vector_load %arg6[%swap3A_641] {strides = array<i32>} : memref<2048xf32, #tpu.memory_space<vmem>>, vector<16xf32>,
      tpu.vector_store %arg6[%swap3A_641], %broadcast_in_dim3A_640 {strides = array<i32>} : memref<2048xf32, #tpu.memory_space<vmem>>, vector<16xf32>,
      %slice3A_643 = vector.extract_strided_slice %mul3A_447 {offsets = [9], sizes = [1], strides = [1]} : vector<16xf32> to vector<1xf32>
      %squeeze3A_644 = vector.extract %slice3A_643[0] : f32 from vector<1xf32>
      %broadcast_in_dim3A_645 = vector.broadcast %squeeze3A_644 : f32 to vector<16xf32>
      %swap3A_646 = arith.constant 1648 : index
      %swap3A_647 = tpu.vector_load %arg6[%swap3A_646] {strides = array<i32>} : memref<2048xf32, #tpu.memory_space<vmem>>, vector<16xf32>,
      tpu.vector_store %arg6[%swap3A_646], %broadcast_in_dim3A_645 {strides = array<i32>} : memref<2048xf32, #tpu.memory_space<vmem>>, vector<16xf32>,
      %slice3A_648 = vector.extract_strided_slice %get3A_432 {offsets = [10], sizes = [1], strides = [1]} : vector<16xf32> to vector<1xf32>
      %squeeze3A_649 = vector.extract %slice3A_648[0] : f32 from vector<1xf32>
      %broadcast_in_dim3A_650 = vector.broadcast %squeeze3A_649 : f32 to vector<16xf32>
      %swap3A_651 = arith.constant 1664 : index
      %swap3A_652 = tpu.vector_load %arg6[%swap3A_651] {strides = array<i32>} : memref<2048xf32, #tpu.memory_space<vmem>>, vector<16xf32>,
      tpu.vector_store %arg6[%swap3A_651], %broadcast_in_dim3A_650 {strides = array<i32>} : memref<2048xf32, #tpu.memory_space<vmem>>, vector<16xf32>,
      %slice3A_653 = vector.extract_strided_slice %mul3A_437 {offsets = [10], sizes = [1], strides = [1]} : vector<16xf32> to vector<1xf32>
      %squeeze3A_654 = vector.extract %slice3A_653[0] : f32 from vector<1xf32>
      %broadcast_in_dim3A_655 = vector.broadcast %squeeze3A_654 : f32 to vector<16xf32>
      %swap3A_656 = arith.constant 1680 : index
      %swap3A_657 = tpu.vector_load %arg6[%swap3A_656] {strides = array<i32>} : memref<2048xf32, #tpu.memory_space<vmem>>, vector<16xf32>,
      tpu.vector_store %arg6[%swap3A_656], %broadcast_in_dim3A_655 {strides = array<i32>} : memref<2048xf32, #tpu.memory_space<vmem>>, vector<16xf32>,
      %slice3A_658 = vector.extract_strided_slice %mul3A_442 {offsets = [10], sizes = [1], strides = [1]} : vector<16xf32> to vector<1xf32>
      %squeeze3A_659 = vector.extract %slice3A_658[0] : f32 from vector<1xf32>
      %broadcast_in_dim3A_660 = vector.broadcast %squeeze3A_659 : f32 to vector<16xf32>
      %swap3A_661 = arith.constant 1696 : index
      %swap3A_662 = tpu.vector_load %arg6[%swap3A_661] {strides = array<i32>} : memref<2048xf32, #tpu.memory_space<vmem>>, vector<16xf32>,
      tpu.vector_store %arg6[%swap3A_661], %broadcast_in_dim3A_660 {strides = array<i32>} : memref<2048xf32, #tpu.memory_space<vmem>>, vector<16xf32>,
      %slice3A_663 = vector.extract_strided_slice %mul3A_447 {offsets = [10], sizes = [1], strides = [1]} : vector<16xf32> to vector<1xf32>
      %squeeze3A_664 = vector.extract %slice3A_663[0] : f32 from vector<1xf32>
      %broadcast_in_dim3A_665 = vector.broadcast %squeeze3A_664 : f32 to vector<16xf32>
      %swap3A_666 = arith.constant 1712 : index
      %swap3A_667 = tpu.vector_load %arg6[%swap3A_666] {strides = array<i32>} : memref<2048xf32, #tpu.memory_space<vmem>>, vector<16xf32>,
      tpu.vector_store %arg6[%swap3A_666], %broadcast_in_dim3A_665 {strides = array<i32>} : memref<2048xf32, #tpu.memory_space<vmem>>, vector<16xf32>,
      %slice3A_668 = vector.extract_strided_slice %get3A_432 {offsets = [11], sizes = [1], strides = [1]} : vector<16xf32> to vector<1xf32>
      %squeeze3A_669 = vector.extract %slice3A_668[0] : f32 from vector<1xf32>
      %broadcast_in_dim3A_670 = vector.broadcast %squeeze3A_669 : f32 to vector<16xf32>
      %swap3A_671 = arith.constant 1728 : index
      %swap3A_672 = tpu.vector_load %arg6[%swap3A_671] {strides = array<i32>} : memref<2048xf32, #tpu.memory_space<vmem>>, vector<16xf32>,
      tpu.vector_store %arg6[%swap3A_671], %broadcast_in_dim3A_670 {strides = array<i32>} : memref<2048xf32, #tpu.memory_space<vmem>>, vector<16xf32>,
      %slice3A_673 = vector.extract_strided_slice %mul3A_437 {offsets = [11], sizes = [1], strides = [1]} : vector<16xf32> to vector<1xf32>
      %squeeze3A_674 = vector.extract %slice3A_673[0] : f32 from vector<1xf32>
      %broadcast_in_dim3A_675 = vector.broadcast %squeeze3A_674 : f32 to vector<16xf32>
      %swap3A_676 = arith.constant 1744 : index
      %swap3A_677 = tpu.vector_load %arg6[%swap3A_676] {strides = array<i32>} : memref<2048xf32, #tpu.memory_space<vmem>>, vector<16xf32>,
      tpu.vector_store %arg6[%swap3A_676], %broadcast_in_dim3A_675 {strides = array<i32>} : memref<2048xf32, #tpu.memory_space<vmem>>, vector<16xf32>,
      %slice3A_678 = vector.extract_strided_slice %mul3A_442 {offsets = [11], sizes = [1], strides = [1]} : vector<16xf32> to vector<1xf32>
      %squeeze3A_679 = vector.extract %slice3A_678[0] : f32 from vector<1xf32>
      %broadcast_in_dim3A_680 = vector.broadcast %squeeze3A_679 : f32 to vector<16xf32>
      %swap3A_681 = arith.constant 1760 : index
      %swap3A_682 = tpu.vector_load %arg6[%swap3A_681] {strides = array<i32>} : memref<2048xf32, #tpu.memory_space<vmem>>, vector<16xf32>,
      tpu.vector_store %arg6[%swap3A_681], %broadcast_in_dim3A_680 {strides = array<i32>} : memref<2048xf32, #tpu.memory_space<vmem>>, vector<16xf32>,
      %slice3A_683 = vector.extract_strided_slice %mul3A_447 {offsets = [11], sizes = [1], strides = [1]} : vector<16xf32> to vector<1xf32>
      %squeeze3A_684 = vector.extract %slice3A_683[0] : f32 from vector<1xf32>
      %broadcast_in_dim3A_685 = vector.broadcast %squeeze3A_684 : f32 to vector<16xf32>
      %swap3A_686 = arith.constant 1776 : index
      %swap3A_687 = tpu.vector_load %arg6[%swap3A_686] {strides = array<i32>} : memref<2048xf32, #tpu.memory_space<vmem>>, vector<16xf32>,
      tpu.vector_store %arg6[%swap3A_686], %broadcast_in_dim3A_685 {strides = array<i32>} : memref<2048xf32, #tpu.memory_space<vmem>>, vector<16xf32>,
      %slice3A_688 = vector.extract_strided_slice %get3A_432 {offsets = [12], sizes = [1], strides = [1]} : vector<16xf32> to vector<1xf32>
      %squeeze3A_689 = vector.extract %slice3A_688[0] : f32 from vector<1xf32>
      %broadcast_in_dim3A_690 = vector.broadcast %squeeze3A_689 : f32 to vector<16xf32>
      %swap3A_691 = arith.constant 1792 : index
      %swap3A_692 = tpu.vector_load %arg6[%swap3A_691] {strides = array<i32>} : memref<2048xf32, #tpu.memory_space<vmem>>, vector<16xf32>,
      tpu.vector_store %arg6[%swap3A_691], %broadcast_in_dim3A_690 {strides = array<i32>} : memref<2048xf32, #tpu.memory_space<vmem>>, vector<16xf32>,
      %slice3A_693 = vector.extract_strided_slice %mul3A_437 {offsets = [12], sizes = [1], strides = [1]} : vector<16xf32> to vector<1xf32>
      %squeeze3A_694 = vector.extract %slice3A_693[0] : f32 from vector<1xf32>
      %broadcast_in_dim3A_695 = vector.broadcast %squeeze3A_694 : f32 to vector<16xf32>
      %swap3A_696 = arith.constant 1808 : index
      %swap3A_697 = tpu.vector_load %arg6[%swap3A_696] {strides = array<i32>} : memref<2048xf32, #tpu.memory_space<vmem>>, vector<16xf32>,
      tpu.vector_store %arg6[%swap3A_696], %broadcast_in_dim3A_695 {strides = array<i32>} : memref<2048xf32, #tpu.memory_space<vmem>>, vector<16xf32>,
      %slice3A_698 = vector.extract_strided_slice %mul3A_442 {offsets = [12], sizes = [1], strides = [1]} : vector<16xf32> to vector<1xf32>
      %squeeze3A_699 = vector.extract %slice3A_698[0] : f32 from vector<1xf32>
      %broadcast_in_dim3A_700 = vector.broadcast %squeeze3A_699 : f32 to vector<16xf32>
      %swap3A_701 = arith.constant 1824 : index
      %swap3A_702 = tpu.vector_load %arg6[%swap3A_701] {strides = array<i32>} : memref<2048xf32, #tpu.memory_space<vmem>>, vector<16xf32>,
      tpu.vector_store %arg6[%swap3A_701], %broadcast_in_dim3A_700 {strides = array<i32>} : memref<2048xf32, #tpu.memory_space<vmem>>, vector<16xf32>,
      %slice3A_703 = vector.extract_strided_slice %mul3A_447 {offsets = [12], sizes = [1], strides = [1]} : vector<16xf32> to vector<1xf32>
      %squeeze3A_704 = vector.extract %slice3A_703[0] : f32 from vector<1xf32>
      %broadcast_in_dim3A_705 = vector.broadcast %squeeze3A_704 : f32 to vector<16xf32>
      %swap3A_706 = arith.constant 1840 : index
      %swap3A_707 = tpu.vector_load %arg6[%swap3A_706] {strides = array<i32>} : memref<2048xf32, #tpu.memory_space<vmem>>, vector<16xf32>,
      tpu.vector_store %arg6[%swap3A_706], %broadcast_in_dim3A_705 {strides = array<i32>} : memref<2048xf32, #tpu.memory_space<vmem>>, vector<16xf32>,
      %slice3A_708 = vector.extract_strided_slice %get3A_432 {offsets = [13], sizes = [1], strides = [1]} : vector<16xf32> to vector<1xf32>
      %squeeze3A_709 = vector.extract %slice3A_708[0] : f32 from vector<1xf32>
      %broadcast_in_dim3A_710 = vector.broadcast %squeeze3A_709 : f32 to vector<16xf32>
      %swap3A_711 = arith.constant 1856 : index
      %swap3A_712 = tpu.vector_load %arg6[%swap3A_711] {strides = array<i32>} : memref<2048xf32, #tpu.memory_space<vmem>>, vector<16xf32>,
      tpu.vector_store %arg6[%swap3A_711], %broadcast_in_dim3A_710 {strides = array<i32>} : memref<2048xf32, #tpu.memory_space<vmem>>, vector<16xf32>,
      %slice3A_713 = vector.extract_strided_slice %mul3A_437 {offsets = [13], sizes = [1], strides = [1]} : vector<16xf32> to vector<1xf32>
      %squeeze3A_714 = vector.extract %slice3A_713[0] : f32 from vector<1xf32>
      %broadcast_in_dim3A_715 = vector.broadcast %squeeze3A_714 : f32 to vector<16xf32>
      %swap3A_716 = arith.constant 1872 : index
      %swap3A_717 = tpu.vector_load %arg6[%swap3A_716] {strides = array<i32>} : memref<2048xf32, #tpu.memory_space<vmem>>, vector<16xf32>,
      tpu.vector_store %arg6[%swap3A_716], %broadcast_in_dim3A_715 {strides = array<i32>} : memref<2048xf32, #tpu.memory_space<vmem>>, vector<16xf32>,
      %slice3A_718 = vector.extract_strided_slice %mul3A_442 {offsets = [13], sizes = [1], strides = [1]} : vector<16xf32> to vector<1xf32>
      %squeeze3A_719 = vector.extract %slice3A_718[0] : f32 from vector<1xf32>
      %broadcast_in_dim3A_720 = vector.broadcast %squeeze3A_719 : f32 to vector<16xf32>
      %swap3A_721 = arith.constant 1888 : index
      %swap3A_722 = tpu.vector_load %arg6[%swap3A_721] {strides = array<i32>} : memref<2048xf32, #tpu.memory_space<vmem>>, vector<16xf32>,
      tpu.vector_store %arg6[%swap3A_721], %broadcast_in_dim3A_720 {strides = array<i32>} : memref<2048xf32, #tpu.memory_space<vmem>>, vector<16xf32>,
      %slice3A_723 = vector.extract_strided_slice %mul3A_447 {offsets = [13], sizes = [1], strides = [1]} : vector<16xf32> to vector<1xf32>
      %squeeze3A_724 = vector.extract %slice3A_723[0] : f32 from vector<1xf32>
      %broadcast_in_dim3A_725 = vector.broadcast %squeeze3A_724 : f32 to vector<16xf32>
      %swap3A_726 = arith.constant 1904 : index
      %swap3A_727 = tpu.vector_load %arg6[%swap3A_726] {strides = array<i32>} : memref<2048xf32, #tpu.memory_space<vmem>>, vector<16xf32>,
      tpu.vector_store %arg6[%swap3A_726], %broadcast_in_dim3A_725 {strides = array<i32>} : memref<2048xf32, #tpu.memory_space<vmem>>, vector<16xf32>,
      %slice3A_728 = vector.extract_strided_slice %get3A_432 {offsets = [14], sizes = [1], strides = [1]} : vector<16xf32> to vector<1xf32>
      %squeeze3A_729 = vector.extract %slice3A_728[0] : f32 from vector<1xf32>
      %broadcast_in_dim3A_730 = vector.broadcast %squeeze3A_729 : f32 to vector<16xf32>
      %swap3A_731 = arith.constant 1920 : index
      %swap3A_732 = tpu.vector_load %arg6[%swap3A_731] {strides = array<i32>} : memref<2048xf32, #tpu.memory_space<vmem>>, vector<16xf32>,
      tpu.vector_store %arg6[%swap3A_731], %broadcast_in_dim3A_730 {strides = array<i32>} : memref<2048xf32, #tpu.memory_space<vmem>>, vector<16xf32>,
      %slice3A_733 = vector.extract_strided_slice %mul3A_437 {offsets = [14], sizes = [1], strides = [1]} : vector<16xf32> to vector<1xf32>
      %squeeze3A_734 = vector.extract %slice3A_733[0] : f32 from vector<1xf32>
      %broadcast_in_dim3A_735 = vector.broadcast %squeeze3A_734 : f32 to vector<16xf32>
      %swap3A_736 = arith.constant 1936 : index
      %swap3A_737 = tpu.vector_load %arg6[%swap3A_736] {strides = array<i32>} : memref<2048xf32, #tpu.memory_space<vmem>>, vector<16xf32>,
      tpu.vector_store %arg6[%swap3A_736], %broadcast_in_dim3A_735 {strides = array<i32>} : memref<2048xf32, #tpu.memory_space<vmem>>, vector<16xf32>,
      %slice3A_738 = vector.extract_strided_slice %mul3A_442 {offsets = [14], sizes = [1], strides = [1]} : vector<16xf32> to vector<1xf32>
      %squeeze3A_739 = vector.extract %slice3A_738[0] : f32 from vector<1xf32>
      %broadcast_in_dim3A_740 = vector.broadcast %squeeze3A_739 : f32 to vector<16xf32>
      %swap3A_741 = arith.constant 1952 : index
      %swap3A_742 = tpu.vector_load %arg6[%swap3A_741] {strides = array<i32>} : memref<2048xf32, #tpu.memory_space<vmem>>, vector<16xf32>,
      tpu.vector_store %arg6[%swap3A_741], %broadcast_in_dim3A_740 {strides = array<i32>} : memref<2048xf32, #tpu.memory_space<vmem>>, vector<16xf32>,
      %slice3A_743 = vector.extract_strided_slice %mul3A_447 {offsets = [14], sizes = [1], strides = [1]} : vector<16xf32> to vector<1xf32>
      %squeeze3A_744 = vector.extract %slice3A_743[0] : f32 from vector<1xf32>
      %broadcast_in_dim3A_745 = vector.broadcast %squeeze3A_744 : f32 to vector<16xf32>
      %swap3A_746 = arith.constant 1968 : index
      %swap3A_747 = tpu.vector_load %arg6[%swap3A_746] {strides = array<i32>} : memref<2048xf32, #tpu.memory_space<vmem>>, vector<16xf32>,
      tpu.vector_store %arg6[%swap3A_746], %broadcast_in_dim3A_745 {strides = array<i32>} : memref<2048xf32, #tpu.memory_space<vmem>>, vector<16xf32>,
      %slice3A_748 = vector.extract_strided_slice %get3A_432 {offsets = [15], sizes = [1], strides = [1]} : vector<16xf32> to vector<1xf32>
      %squeeze3A_749 = vector.extract %slice3A_748[0] : f32 from vector<1xf32>
      %broadcast_in_dim3A_750 = vector.broadcast %squeeze3A_749 : f32 to vector<16xf32>
      %swap3A_751 = arith.constant 1984 : index
      %swap3A_752 = tpu.vector_load %arg6[%swap3A_751] {strides = array<i32>} : memref<2048xf32, #tpu.memory_space<vmem>>, vector<16xf32>,
      tpu.vector_store %arg6[%swap3A_751], %broadcast_in_dim3A_750 {strides = array<i32>} : memref<2048xf32, #tpu.memory_space<vmem>>, vector<16xf32>,
      %slice3A_753 = vector.extract_strided_slice %mul3A_437 {offsets = [15], sizes = [1], strides = [1]} : vector<16xf32> to vector<1xf32>
      %squeeze3A_754 = vector.extract %slice3A_753[0] : f32 from vector<1xf32>
      %broadcast_in_dim3A_755 = vector.broadcast %squeeze3A_754 : f32 to vector<16xf32>
      %swap3A_756 = arith.constant 2000 : index
      %swap3A_757 = tpu.vector_load %arg6[%swap3A_756] {strides = array<i32>} : memref<2048xf32, #tpu.memory_space<vmem>>, vector<16xf32>,
      tpu.vector_store %arg6[%swap3A_756], %broadcast_in_dim3A_755 {strides = array<i32>} : memref<2048xf32, #tpu.memory_space<vmem>>, vector<16xf32>,
      %slice3A_758 = vector.extract_strided_slice %mul3A_442 {offsets = [15], sizes = [1], strides = [1]} : vector<16xf32> to vector<1xf32>
      %squeeze3A_759 = vector.extract %slice3A_758[0] : f32 from vector<1xf32>
      %broadcast_in_dim3A_760 = vector.broadcast %squeeze3A_759 : f32 to vector<16xf32>
      %swap3A_761 = arith.constant 2016 : index
      %swap3A_762 = tpu.vector_load %arg6[%swap3A_761] {strides = array<i32>} : memref<2048xf32, #tpu.memory_space<vmem>>, vector<16xf32>,
      tpu.vector_store %arg6[%swap3A_761], %broadcast_in_dim3A_760 {strides = array<i32>} : memref<2048xf32, #tpu.memory_space<vmem>>, vector<16xf32>,
      %slice3A_763 = vector.extract_strided_slice %mul3A_447 {offsets = [15], sizes = [1], strides = [1]} : vector<16xf32> to vector<1xf32>
      %squeeze3A_764 = vector.extract %slice3A_763[0] : f32 from vector<1xf32>
      %broadcast_in_dim3A_765 = vector.broadcast %squeeze3A_764 : f32 to vector<16xf32>
      %swap3A_766 = arith.constant 2032 : index
      %swap3A_767 = tpu.vector_load %arg6[%swap3A_766] {strides = array<i32>} : memref<2048xf32, #tpu.memory_space<vmem>>, vector<16xf32>,
      tpu.vector_store %arg6[%swap3A_766], %broadcast_in_dim3A_765 {strides = array<i32>} : memref<2048xf32, #tpu.memory_space<vmem>>, vector<16xf32>,
      %broadcast_in_dim3A_768 = arith.constant 0.000000e+00 : f32
      %broadcast_in_dim3A_769 = vector.broadcast %broadcast_in_dim3A_768 : f32 to vector<16xf32>
      %swap3A_770 = arith.constant 0 : index
      %swap3A_771 = tpu.vector_load %arg7[%swap3A_770] {strides = array<i32>} : memref<2048xf32, #tpu.memory_space<vmem>>, vector<16xf32>,
      tpu.vector_store %arg7[%swap3A_770], %broadcast_in_dim3A_769 {strides = array<i32>} : memref<2048xf32, #tpu.memory_space<vmem>>, vector<16xf32>,
      %swap3A_772 = arith.constant 16 : index
      %swap3A_773 = tpu.vector_load %arg7[%swap3A_772] {strides = array<i32>} : memref<2048xf32, #tpu.memory_space<vmem>>, vector<16xf32>,
      tpu.vector_store %arg7[%swap3A_772], %broadcast_in_dim3A_769 {strides = array<i32>} : memref<2048xf32, #tpu.memory_space<vmem>>, vector<16xf32>,
      %swap3A_774 = arith.constant 32 : index
      %swap3A_775 = tpu.vector_load %arg7[%swap3A_774] {strides = array<i32>} : memref<2048xf32, #tpu.memory_space<vmem>>, vector<16xf32>,
      tpu.vector_store %arg7[%swap3A_774], %broadcast_in_dim3A_769 {strides = array<i32>} : memref<2048xf32, #tpu.memory_space<vmem>>, vector<16xf32>,
      %swap3A_776 = arith.constant 48 : index
      %swap3A_777 = tpu.vector_load %arg7[%swap3A_776] {strides = array<i32>} : memref<2048xf32, #tpu.memory_space<vmem>>, vector<16xf32>,
      tpu.vector_store %arg7[%swap3A_776], %broadcast_in_dim3A_769 {strides = array<i32>} : memref<2048xf32, #tpu.memory_space<vmem>>, vector<16xf32>,
      %swap3A_778 = arith.constant 64 : index
      %swap3A_779 = tpu.vector_load %arg7[%swap3A_778] {strides = array<i32>} : memref<2048xf32, #tpu.memory_space<vmem>>, vector<16xf32>,
      tpu.vector_store %arg7[%swap3A_778], %broadcast_in_dim3A_769 {strides = array<i32>} : memref<2048xf32, #tpu.memory_space<vmem>>, vector<16xf32>,
      %swap3A_780 = arith.constant 80 : index
      %swap3A_781 = tpu.vector_load %arg7[%swap3A_780] {strides = array<i32>} : memref<2048xf32, #tpu.memory_space<vmem>>, vector<16xf32>,
      tpu.vector_store %arg7[%swap3A_780], %broadcast_in_dim3A_769 {strides = array<i32>} : memref<2048xf32, #tpu.memory_space<vmem>>, vector<16xf32>,
      %swap3A_782 = arith.constant 96 : index
      %swap3A_783 = tpu.vector_load %arg7[%swap3A_782] {strides = array<i32>} : memref<2048xf32, #tpu.memory_space<vmem>>, vector<16xf32>,
      tpu.vector_store %arg7[%swap3A_782], %broadcast_in_dim3A_769 {strides = array<i32>} : memref<2048xf32, #tpu.memory_space<vmem>>, vector<16xf32>,
      %swap3A_784 = arith.constant 112 : index
      %swap3A_785 = tpu.vector_load %arg7[%swap3A_784] {strides = array<i32>} : memref<2048xf32, #tpu.memory_space<vmem>>, vector<16xf32>,
      tpu.vector_store %arg7[%swap3A_784], %broadcast_in_dim3A_769 {strides = array<i32>} : memref<2048xf32, #tpu.memory_space<vmem>>, vector<16xf32>,
      %swap3A_786 = arith.constant 128 : index
      %swap3A_787 = tpu.vector_load %arg7[%swap3A_786] {strides = array<i32>} : memref<2048xf32, #tpu.memory_space<vmem>>, vector<16xf32>,
      tpu.vector_store %arg7[%swap3A_786], %broadcast_in_dim3A_769 {strides = array<i32>} : memref<2048xf32, #tpu.memory_space<vmem>>, vector<16xf32>,
      %swap3A_788 = arith.constant 144 : index
      %swap3A_789 = tpu.vector_load %arg7[%swap3A_788] {strides = array<i32>} : memref<2048xf32, #tpu.memory_space<vmem>>, vector<16xf32>,
      tpu.vector_store %arg7[%swap3A_788], %broadcast_in_dim3A_769 {strides = array<i32>} : memref<2048xf32, #tpu.memory_space<vmem>>, vector<16xf32>,
      %swap3A_790 = arith.constant 160 : index
      %swap3A_791 = tpu.vector_load %arg7[%swap3A_790] {strides = array<i32>} : memref<2048xf32, #tpu.memory_space<vmem>>, vector<16xf32>,
      tpu.vector_store %arg7[%swap3A_790], %broadcast_in_dim3A_769 {strides = array<i32>} : memref<2048xf32, #tpu.memory_space<vmem>>, vector<16xf32>,
      %swap3A_792 = arith.constant 176 : index
      %swap3A_793 = tpu.vector_load %arg7[%swap3A_792] {strides = array<i32>} : memref<2048xf32, #tpu.memory_space<vmem>>, vector<16xf32>,
      tpu.vector_store %arg7[%swap3A_792], %broadcast_in_dim3A_769 {strides = array<i32>} : memref<2048xf32, #tpu.memory_space<vmem>>, vector<16xf32>,
      %swap3A_794 = arith.constant 192 : index
      %swap3A_795 = tpu.vector_load %arg7[%swap3A_794] {strides = array<i32>} : memref<2048xf32, #tpu.memory_space<vmem>>, vector<16xf32>,
      tpu.vector_store %arg7[%swap3A_794], %broadcast_in_dim3A_769 {strides = array<i32>} : memref<2048xf32, #tpu.memory_space<vmem>>, vector<16xf32>,
      %swap3A_796 = arith.constant 208 : index
      %swap3A_797 = tpu.vector_load %arg7[%swap3A_796] {strides = array<i32>} : memref<2048xf32, #tpu.memory_space<vmem>>, vector<16xf32>,
      tpu.vector_store %arg7[%swap3A_796], %broadcast_in_dim3A_769 {strides = array<i32>} : memref<2048xf32, #tpu.memory_space<vmem>>, vector<16xf32>,
      %swap3A_798 = arith.constant 224 : index
      %swap3A_799 = tpu.vector_load %arg7[%swap3A_798] {strides = array<i32>} : memref<2048xf32, #tpu.memory_space<vmem>>, vector<16xf32>,
      tpu.vector_store %arg7[%swap3A_798], %broadcast_in_dim3A_769 {strides = array<i32>} : memref<2048xf32, #tpu.memory_space<vmem>>, vector<16xf32>,
      %swap3A_800 = arith.constant 240 : index
      %swap3A_801 = tpu.vector_load %arg7[%swap3A_800] {strides = array<i32>} : memref<2048xf32, #tpu.memory_space<vmem>>, vector<16xf32>,
      tpu.vector_store %arg7[%swap3A_800], %broadcast_in_dim3A_769 {strides = array<i32>} : memref<2048xf32, #tpu.memory_space<vmem>>, vector<16xf32>,
      %swap3A_802 = arith.constant 256 : index
      %swap3A_803 = tpu.vector_load %arg7[%swap3A_802] {strides = array<i32>} : memref<2048xf32, #tpu.memory_space<vmem>>, vector<16xf32>,
      tpu.vector_store %arg7[%swap3A_802], %broadcast_in_dim3A_769 {strides = array<i32>} : memref<2048xf32, #tpu.memory_space<vmem>>, vector<16xf32>,
      %swap3A_804 = arith.constant 272 : index
      %swap3A_805 = tpu.vector_load %arg7[%swap3A_804] {strides = array<i32>} : memref<2048xf32, #tpu.memory_space<vmem>>, vector<16xf32>,
      tpu.vector_store %arg7[%swap3A_804], %broadcast_in_dim3A_769 {strides = array<i32>} : memref<2048xf32, #tpu.memory_space<vmem>>, vector<16xf32>,
      %swap3A_806 = arith.constant 288 : index
      %swap3A_807 = tpu.vector_load %arg7[%swap3A_806] {strides = array<i32>} : memref<2048xf32, #tpu.memory_space<vmem>>, vector<16xf32>,
      tpu.vector_store %arg7[%swap3A_806], %broadcast_in_dim3A_769 {strides = array<i32>} : memref<2048xf32, #tpu.memory_space<vmem>>, vector<16xf32>,
      %swap3A_808 = arith.constant 304 : index
      %swap3A_809 = tpu.vector_load %arg7[%swap3A_808] {strides = array<i32>} : memref<2048xf32, #tpu.memory_space<vmem>>, vector<16xf32>,
      tpu.vector_store %arg7[%swap3A_808], %broadcast_in_dim3A_769 {strides = array<i32>} : memref<2048xf32, #tpu.memory_space<vmem>>, vector<16xf32>,
      %swap3A_810 = arith.constant 320 : index
      %swap3A_811 = tpu.vector_load %arg7[%swap3A_810] {strides = array<i32>} : memref<2048xf32, #tpu.memory_space<vmem>>, vector<16xf32>,
      tpu.vector_store %arg7[%swap3A_810], %broadcast_in_dim3A_769 {strides = array<i32>} : memref<2048xf32, #tpu.memory_space<vmem>>, vector<16xf32>,
      %swap3A_812 = arith.constant 336 : index
      %swap3A_813 = tpu.vector_load %arg7[%swap3A_812] {strides = array<i32>} : memref<2048xf32, #tpu.memory_space<vmem>>, vector<16xf32>,
      tpu.vector_store %arg7[%swap3A_812], %broadcast_in_dim3A_769 {strides = array<i32>} : memref<2048xf32, #tpu.memory_space<vmem>>, vector<16xf32>,
      %swap3A_814 = arith.constant 352 : index
      %swap3A_815 = tpu.vector_load %arg7[%swap3A_814] {strides = array<i32>} : memref<2048xf32, #tpu.memory_space<vmem>>, vector<16xf32>,
      tpu.vector_store %arg7[%swap3A_814], %broadcast_in_dim3A_769 {strides = array<i32>} : memref<2048xf32, #tpu.memory_space<vmem>>, vector<16xf32>,
      %swap3A_816 = arith.constant 368 : index
      %swap3A_817 = tpu.vector_load %arg7[%swap3A_816] {strides = array<i32>} : memref<2048xf32, #tpu.memory_space<vmem>>, vector<16xf32>,
      tpu.vector_store %arg7[%swap3A_816], %broadcast_in_dim3A_769 {strides = array<i32>} : memref<2048xf32, #tpu.memory_space<vmem>>, vector<16xf32>,
      %swap3A_818 = arith.constant 384 : index
      %swap3A_819 = tpu.vector_load %arg7[%swap3A_818] {strides = array<i32>} : memref<2048xf32, #tpu.memory_space<vmem>>, vector<16xf32>,
      tpu.vector_store %arg7[%swap3A_818], %broadcast_in_dim3A_769 {strides = array<i32>} : memref<2048xf32, #tpu.memory_space<vmem>>, vector<16xf32>,
      %swap3A_820 = arith.constant 400 : index
      %swap3A_821 = tpu.vector_load %arg7[%swap3A_820] {strides = array<i32>} : memref<2048xf32, #tpu.memory_space<vmem>>, vector<16xf32>,
      tpu.vector_store %arg7[%swap3A_820], %broadcast_in_dim3A_769 {strides = array<i32>} : memref<2048xf32, #tpu.memory_space<vmem>>, vector<16xf32>,
      %swap3A_822 = arith.constant 416 : index
      %swap3A_823 = tpu.vector_load %arg7[%swap3A_822] {strides = array<i32>} : memref<2048xf32, #tpu.memory_space<vmem>>, vector<16xf32>,
      tpu.vector_store %arg7[%swap3A_822], %broadcast_in_dim3A_769 {strides = array<i32>} : memref<2048xf32, #tpu.memory_space<vmem>>, vector<16xf32>,
      %swap3A_824 = arith.constant 432 : index
      %swap3A_825 = tpu.vector_load %arg7[%swap3A_824] {strides = array<i32>} : memref<2048xf32, #tpu.memory_space<vmem>>, vector<16xf32>,
      tpu.vector_store %arg7[%swap3A_824], %broadcast_in_dim3A_769 {strides = array<i32>} : memref<2048xf32, #tpu.memory_space<vmem>>, vector<16xf32>,
      %swap3A_826 = arith.constant 448 : index
      %swap3A_827 = tpu.vector_load %arg7[%swap3A_826] {strides = array<i32>} : memref<2048xf32, #tpu.memory_space<vmem>>, vector<16xf32>,
      tpu.vector_store %arg7[%swap3A_826], %broadcast_in_dim3A_769 {strides = array<i32>} : memref<2048xf32, #tpu.memory_space<vmem>>, vector<16xf32>,
      %swap3A_828 = arith.constant 464 : index
      %swap3A_829 = tpu.vector_load %arg7[%swap3A_828] {strides = array<i32>} : memref<2048xf32, #tpu.memory_space<vmem>>, vector<16xf32>,
      tpu.vector_store %arg7[%swap3A_828], %broadcast_in_dim3A_769 {strides = array<i32>} : memref<2048xf32, #tpu.memory_space<vmem>>, vector<16xf32>,
      %swap3A_830 = arith.constant 480 : index
      %swap3A_831 = tpu.vector_load %arg7[%swap3A_830] {strides = array<i32>} : memref<2048xf32, #tpu.memory_space<vmem>>, vector<16xf32>,
      tpu.vector_store %arg7[%swap3A_830], %broadcast_in_dim3A_769 {strides = array<i32>} : memref<2048xf32, #tpu.memory_space<vmem>>, vector<16xf32>,
      %swap3A_832 = arith.constant 496 : index
      %swap3A_833 = tpu.vector_load %arg7[%swap3A_832] {strides = array<i32>} : memref<2048xf32, #tpu.memory_space<vmem>>, vector<16xf32>,
      tpu.vector_store %arg7[%swap3A_832], %broadcast_in_dim3A_769 {strides = array<i32>} : memref<2048xf32, #tpu.memory_space<vmem>>, vector<16xf32>,
      %swap3A_834 = arith.constant 512 : index
      %swap3A_835 = tpu.vector_load %arg7[%swap3A_834] {strides = array<i32>} : memref<2048xf32, #tpu.memory_space<vmem>>, vector<16xf32>,
      tpu.vector_store %arg7[%swap3A_834], %broadcast_in_dim3A_769 {strides = array<i32>} : memref<2048xf32, #tpu.memory_space<vmem>>, vector<16xf32>,
      %swap3A_836 = arith.constant 528 : index
      %swap3A_837 = tpu.vector_load %arg7[%swap3A_836] {strides = array<i32>} : memref<2048xf32, #tpu.memory_space<vmem>>, vector<16xf32>,
      tpu.vector_store %arg7[%swap3A_836], %broadcast_in_dim3A_769 {strides = array<i32>} : memref<2048xf32, #tpu.memory_space<vmem>>, vector<16xf32>,
      %swap3A_838 = arith.constant 544 : index
      %swap3A_839 = tpu.vector_load %arg7[%swap3A_838] {strides = array<i32>} : memref<2048xf32, #tpu.memory_space<vmem>>, vector<16xf32>,
      tpu.vector_store %arg7[%swap3A_838], %broadcast_in_dim3A_769 {strides = array<i32>} : memref<2048xf32, #tpu.memory_space<vmem>>, vector<16xf32>,
      %swap3A_840 = arith.constant 560 : index
      %swap3A_841 = tpu.vector_load %arg7[%swap3A_840] {strides = array<i32>} : memref<2048xf32, #tpu.memory_space<vmem>>, vector<16xf32>,
      tpu.vector_store %arg7[%swap3A_840], %broadcast_in_dim3A_769 {strides = array<i32>} : memref<2048xf32, #tpu.memory_space<vmem>>, vector<16xf32>,
      %swap3A_842 = arith.constant 576 : index
      %swap3A_843 = tpu.vector_load %arg7[%swap3A_842] {strides = array<i32>} : memref<2048xf32, #tpu.memory_space<vmem>>, vector<16xf32>,
      tpu.vector_store %arg7[%swap3A_842], %broadcast_in_dim3A_769 {strides = array<i32>} : memref<2048xf32, #tpu.memory_space<vmem>>, vector<16xf32>,
      %swap3A_844 = arith.constant 592 : index
      %swap3A_845 = tpu.vector_load %arg7[%swap3A_844] {strides = array<i32>} : memref<2048xf32, #tpu.memory_space<vmem>>, vector<16xf32>,
      tpu.vector_store %arg7[%swap3A_844], %broadcast_in_dim3A_769 {strides = array<i32>} : memref<2048xf32, #tpu.memory_space<vmem>>, vector<16xf32>,
      %swap3A_846 = arith.constant 608 : index
      %swap3A_847 = tpu.vector_load %arg7[%swap3A_846] {strides = array<i32>} : memref<2048xf32, #tpu.memory_space<vmem>>, vector<16xf32>,
      tpu.vector_store %arg7[%swap3A_846], %broadcast_in_dim3A_769 {strides = array<i32>} : memref<2048xf32, #tpu.memory_space<vmem>>, vector<16xf32>,
      %swap3A_848 = arith.constant 624 : index
      %swap3A_849 = tpu.vector_load %arg7[%swap3A_848] {strides = array<i32>} : memref<2048xf32, #tpu.memory_space<vmem>>, vector<16xf32>,
      tpu.vector_store %arg7[%swap3A_848], %broadcast_in_dim3A_769 {strides = array<i32>} : memref<2048xf32, #tpu.memory_space<vmem>>, vector<16xf32>,
      %swap3A_850 = arith.constant 640 : index
      %swap3A_851 = tpu.vector_load %arg7[%swap3A_850] {strides = array<i32>} : memref<2048xf32, #tpu.memory_space<vmem>>, vector<16xf32>,
      tpu.vector_store %arg7[%swap3A_850], %broadcast_in_dim3A_769 {strides = array<i32>} : memref<2048xf32, #tpu.memory_space<vmem>>, vector<16xf32>,
      %swap3A_852 = arith.constant 656 : index
      %swap3A_853 = tpu.vector_load %arg7[%swap3A_852] {strides = array<i32>} : memref<2048xf32, #tpu.memory_space<vmem>>, vector<16xf32>,
      tpu.vector_store %arg7[%swap3A_852], %broadcast_in_dim3A_769 {strides = array<i32>} : memref<2048xf32, #tpu.memory_space<vmem>>, vector<16xf32>,
      %swap3A_854 = arith.constant 672 : index
      %swap3A_855 = tpu.vector_load %arg7[%swap3A_854] {strides = array<i32>} : memref<2048xf32, #tpu.memory_space<vmem>>, vector<16xf32>,
      tpu.vector_store %arg7[%swap3A_854], %broadcast_in_dim3A_769 {strides = array<i32>} : memref<2048xf32, #tpu.memory_space<vmem>>, vector<16xf32>,
      %swap3A_856 = arith.constant 688 : index
      %swap3A_857 = tpu.vector_load %arg7[%swap3A_856] {strides = array<i32>} : memref<2048xf32, #tpu.memory_space<vmem>>, vector<16xf32>,
      tpu.vector_store %arg7[%swap3A_856], %broadcast_in_dim3A_769 {strides = array<i32>} : memref<2048xf32, #tpu.memory_space<vmem>>, vector<16xf32>,
      %swap3A_858 = arith.constant 704 : index
      %swap3A_859 = tpu.vector_load %arg7[%swap3A_858] {strides = array<i32>} : memref<2048xf32, #tpu.memory_space<vmem>>, vector<16xf32>,
      tpu.vector_store %arg7[%swap3A_858], %broadcast_in_dim3A_769 {strides = array<i32>} : memref<2048xf32, #tpu.memory_space<vmem>>, vector<16xf32>,
      %swap3A_860 = arith.constant 720 : index
      %swap3A_861 = tpu.vector_load %arg7[%swap3A_860] {strides = array<i32>} : memref<2048xf32, #tpu.memory_space<vmem>>, vector<16xf32>,
      tpu.vector_store %arg7[%swap3A_860], %broadcast_in_dim3A_769 {strides = array<i32>} : memref<2048xf32, #tpu.memory_space<vmem>>, vector<16xf32>,
      %swap3A_862 = arith.constant 736 : index
      %swap3A_863 = tpu.vector_load %arg7[%swap3A_862] {strides = array<i32>} : memref<2048xf32, #tpu.memory_space<vmem>>, vector<16xf32>,
      tpu.vector_store %arg7[%swap3A_862], %broadcast_in_dim3A_769 {strides = array<i32>} : memref<2048xf32, #tpu.memory_space<vmem>>, vector<16xf32>,
      %swap3A_864 = arith.constant 752 : index
      %swap3A_865 = tpu.vector_load %arg7[%swap3A_864] {strides = array<i32>} : memref<2048xf32, #tpu.memory_space<vmem>>, vector<16xf32>,
      tpu.vector_store %arg7[%swap3A_864], %broadcast_in_dim3A_769 {strides = array<i32>} : memref<2048xf32, #tpu.memory_space<vmem>>, vector<16xf32>,
      %swap3A_866 = arith.constant 768 : index
      %swap3A_867 = tpu.vector_load %arg7[%swap3A_866] {strides = array<i32>} : memref<2048xf32, #tpu.memory_space<vmem>>, vector<16xf32>,
      tpu.vector_store %arg7[%swap3A_866], %broadcast_in_dim3A_769 {strides = array<i32>} : memref<2048xf32, #tpu.memory_space<vmem>>, vector<16xf32>,
      %swap3A_868 = arith.constant 784 : index
      %swap3A_869 = tpu.vector_load %arg7[%swap3A_868] {strides = array<i32>} : memref<2048xf32, #tpu.memory_space<vmem>>, vector<16xf32>,
      tpu.vector_store %arg7[%swap3A_868], %broadcast_in_dim3A_769 {strides = array<i32>} : memref<2048xf32, #tpu.memory_space<vmem>>, vector<16xf32>,
      %swap3A_870 = arith.constant 800 : index
      %swap3A_871 = tpu.vector_load %arg7[%swap3A_870] {strides = array<i32>} : memref<2048xf32, #tpu.memory_space<vmem>>, vector<16xf32>,
      tpu.vector_store %arg7[%swap3A_870], %broadcast_in_dim3A_769 {strides = array<i32>} : memref<2048xf32, #tpu.memory_space<vmem>>, vector<16xf32>,
      %swap3A_872 = arith.constant 816 : index
      %swap3A_873 = tpu.vector_load %arg7[%swap3A_872] {strides = array<i32>} : memref<2048xf32, #tpu.memory_space<vmem>>, vector<16xf32>,
      tpu.vector_store %arg7[%swap3A_872], %broadcast_in_dim3A_769 {strides = array<i32>} : memref<2048xf32, #tpu.memory_space<vmem>>, vector<16xf32>,
      %swap3A_874 = arith.constant 832 : index
      %swap3A_875 = tpu.vector_load %arg7[%swap3A_874] {strides = array<i32>} : memref<2048xf32, #tpu.memory_space<vmem>>, vector<16xf32>,
      tpu.vector_store %arg7[%swap3A_874], %broadcast_in_dim3A_769 {strides = array<i32>} : memref<2048xf32, #tpu.memory_space<vmem>>, vector<16xf32>,
      %swap3A_876 = arith.constant 848 : index
      %swap3A_877 = tpu.vector_load %arg7[%swap3A_876] {strides = array<i32>} : memref<2048xf32, #tpu.memory_space<vmem>>, vector<16xf32>,
      tpu.vector_store %arg7[%swap3A_876], %broadcast_in_dim3A_769 {strides = array<i32>} : memref<2048xf32, #tpu.memory_space<vmem>>, vector<16xf32>,
      %swap3A_878 = arith.constant 864 : index
      %swap3A_879 = tpu.vector_load %arg7[%swap3A_878] {strides = array<i32>} : memref<2048xf32, #tpu.memory_space<vmem>>, vector<16xf32>,
      tpu.vector_store %arg7[%swap3A_878], %broadcast_in_dim3A_769 {strides = array<i32>} : memref<2048xf32, #tpu.memory_space<vmem>>, vector<16xf32>,
      %swap3A_880 = arith.constant 880 : index
      %swap3A_881 = tpu.vector_load %arg7[%swap3A_880] {strides = array<i32>} : memref<2048xf32, #tpu.memory_space<vmem>>, vector<16xf32>,
      tpu.vector_store %arg7[%swap3A_880], %broadcast_in_dim3A_769 {strides = array<i32>} : memref<2048xf32, #tpu.memory_space<vmem>>, vector<16xf32>,
      %swap3A_882 = arith.constant 896 : index
      %swap3A_883 = tpu.vector_load %arg7[%swap3A_882] {strides = array<i32>} : memref<2048xf32, #tpu.memory_space<vmem>>, vector<16xf32>,
      tpu.vector_store %arg7[%swap3A_882], %broadcast_in_dim3A_769 {strides = array<i32>} : memref<2048xf32, #tpu.memory_space<vmem>>, vector<16xf32>,
      %swap3A_884 = arith.constant 912 : index
      %swap3A_885 = tpu.vector_load %arg7[%swap3A_884] {strides = array<i32>} : memref<2048xf32, #tpu.memory_space<vmem>>, vector<16xf32>,
      tpu.vector_store %arg7[%swap3A_884], %broadcast_in_dim3A_769 {strides = array<i32>} : memref<2048xf32, #tpu.memory_space<vmem>>, vector<16xf32>,
      %swap3A_886 = arith.constant 928 : index
      %swap3A_887 = tpu.vector_load %arg7[%swap3A_886] {strides = array<i32>} : memref<2048xf32, #tpu.memory_space<vmem>>, vector<16xf32>,
      tpu.vector_store %arg7[%swap3A_886], %broadcast_in_dim3A_769 {strides = array<i32>} : memref<2048xf32, #tpu.memory_space<vmem>>, vector<16xf32>,
      %swap3A_888 = arith.constant 944 : index
      %swap3A_889 = tpu.vector_load %arg7[%swap3A_888] {strides = array<i32>} : memref<2048xf32, #tpu.memory_space<vmem>>, vector<16xf32>,
      tpu.vector_store %arg7[%swap3A_888], %broadcast_in_dim3A_769 {strides = array<i32>} : memref<2048xf32, #tpu.memory_space<vmem>>, vector<16xf32>,
      %swap3A_890 = arith.constant 960 : index
      %swap3A_891 = tpu.vector_load %arg7[%swap3A_890] {strides = array<i32>} : memref<2048xf32, #tpu.memory_space<vmem>>, vector<16xf32>,
      tpu.vector_store %arg7[%swap3A_890], %broadcast_in_dim3A_769 {strides = array<i32>} : memref<2048xf32, #tpu.memory_space<vmem>>, vector<16xf32>,
      %swap3A_892 = arith.constant 976 : index
      %swap3A_893 = tpu.vector_load %arg7[%swap3A_892] {strides = array<i32>} : memref<2048xf32, #tpu.memory_space<vmem>>, vector<16xf32>,
      tpu.vector_store %arg7[%swap3A_892], %broadcast_in_dim3A_769 {strides = array<i32>} : memref<2048xf32, #tpu.memory_space<vmem>>, vector<16xf32>,
      %swap3A_894 = arith.constant 992 : index
      %swap3A_895 = tpu.vector_load %arg7[%swap3A_894] {strides = array<i32>} : memref<2048xf32, #tpu.memory_space<vmem>>, vector<16xf32>,
      tpu.vector_store %arg7[%swap3A_894], %broadcast_in_dim3A_769 {strides = array<i32>} : memref<2048xf32, #tpu.memory_space<vmem>>, vector<16xf32>,
      %swap3A_896 = arith.constant 1008 : index
      %swap3A_897 = tpu.vector_load %arg7[%swap3A_896] {strides = array<i32>} : memref<2048xf32, #tpu.memory_space<vmem>>, vector<16xf32>,
      tpu.vector_store %arg7[%swap3A_896], %broadcast_in_dim3A_769 {strides = array<i32>} : memref<2048xf32, #tpu.memory_space<vmem>>, vector<16xf32>,
      %swap3A_898 = arith.constant 1024 : index
      %swap3A_899 = tpu.vector_load %arg7[%swap3A_898] {strides = array<i32>} : memref<2048xf32, #tpu.memory_space<vmem>>, vector<16xf32>,
      tpu.vector_store %arg7[%swap3A_898], %broadcast_in_dim3A_769 {strides = array<i32>} : memref<2048xf32, #tpu.memory_space<vmem>>, vector<16xf32>,
      %swap3A_900 = arith.constant 1040 : index
      %swap3A_901 = tpu.vector_load %arg7[%swap3A_900] {strides = array<i32>} : memref<2048xf32, #tpu.memory_space<vmem>>, vector<16xf32>,
      tpu.vector_store %arg7[%swap3A_900], %broadcast_in_dim3A_769 {strides = array<i32>} : memref<2048xf32, #tpu.memory_space<vmem>>, vector<16xf32>,
      %swap3A_902 = arith.constant 1056 : index
      %swap3A_903 = tpu.vector_load %arg7[%swap3A_902] {strides = array<i32>} : memref<2048xf32, #tpu.memory_space<vmem>>, vector<16xf32>,
      tpu.vector_store %arg7[%swap3A_902], %broadcast_in_dim3A_769 {strides = array<i32>} : memref<2048xf32, #tpu.memory_space<vmem>>, vector<16xf32>,
      %swap3A_904 = arith.constant 1072 : index
      %swap3A_905 = tpu.vector_load %arg7[%swap3A_904] {strides = array<i32>} : memref<2048xf32, #tpu.memory_space<vmem>>, vector<16xf32>,
      tpu.vector_store %arg7[%swap3A_904], %broadcast_in_dim3A_769 {strides = array<i32>} : memref<2048xf32, #tpu.memory_space<vmem>>, vector<16xf32>,
      %swap3A_906 = arith.constant 1088 : index
      %swap3A_907 = tpu.vector_load %arg7[%swap3A_906] {strides = array<i32>} : memref<2048xf32, #tpu.memory_space<vmem>>, vector<16xf32>,
      tpu.vector_store %arg7[%swap3A_906], %broadcast_in_dim3A_769 {strides = array<i32>} : memref<2048xf32, #tpu.memory_space<vmem>>, vector<16xf32>,
      %swap3A_908 = arith.constant 1104 : index
      %swap3A_909 = tpu.vector_load %arg7[%swap3A_908] {strides = array<i32>} : memref<2048xf32, #tpu.memory_space<vmem>>, vector<16xf32>,
      tpu.vector_store %arg7[%swap3A_908], %broadcast_in_dim3A_769 {strides = array<i32>} : memref<2048xf32, #tpu.memory_space<vmem>>, vector<16xf32>,
      %swap3A_910 = arith.constant 1120 : index
      %swap3A_911 = tpu.vector_load %arg7[%swap3A_910] {strides = array<i32>} : memref<2048xf32, #tpu.memory_space<vmem>>, vector<16xf32>,
      tpu.vector_store %arg7[%swap3A_910], %broadcast_in_dim3A_769 {strides = array<i32>} : memref<2048xf32, #tpu.memory_space<vmem>>, vector<16xf32>,
      %swap3A_912 = arith.constant 1136 : index
      %swap3A_913 = tpu.vector_load %arg7[%swap3A_912] {strides = array<i32>} : memref<2048xf32, #tpu.memory_space<vmem>>, vector<16xf32>,
      tpu.vector_store %arg7[%swap3A_912], %broadcast_in_dim3A_769 {strides = array<i32>} : memref<2048xf32, #tpu.memory_space<vmem>>, vector<16xf32>,
      %swap3A_914 = arith.constant 1152 : index
      %swap3A_915 = tpu.vector_load %arg7[%swap3A_914] {strides = array<i32>} : memref<2048xf32, #tpu.memory_space<vmem>>, vector<16xf32>,
      tpu.vector_store %arg7[%swap3A_914], %broadcast_in_dim3A_769 {strides = array<i32>} : memref<2048xf32, #tpu.memory_space<vmem>>, vector<16xf32>,
      %swap3A_916 = arith.constant 1168 : index
      %swap3A_917 = tpu.vector_load %arg7[%swap3A_916] {strides = array<i32>} : memref<2048xf32, #tpu.memory_space<vmem>>, vector<16xf32>,
      tpu.vector_store %arg7[%swap3A_916], %broadcast_in_dim3A_769 {strides = array<i32>} : memref<2048xf32, #tpu.memory_space<vmem>>, vector<16xf32>,
      %swap3A_918 = arith.constant 1184 : index
      %swap3A_919 = tpu.vector_load %arg7[%swap3A_918] {strides = array<i32>} : memref<2048xf32, #tpu.memory_space<vmem>>, vector<16xf32>,
      tpu.vector_store %arg7[%swap3A_918], %broadcast_in_dim3A_769 {strides = array<i32>} : memref<2048xf32, #tpu.memory_space<vmem>>, vector<16xf32>,
      %swap3A_920 = arith.constant 1200 : index
      %swap3A_921 = tpu.vector_load %arg7[%swap3A_920] {strides = array<i32>} : memref<2048xf32, #tpu.memory_space<vmem>>, vector<16xf32>,
      tpu.vector_store %arg7[%swap3A_920], %broadcast_in_dim3A_769 {strides = array<i32>} : memref<2048xf32, #tpu.memory_space<vmem>>, vector<16xf32>,
      %swap3A_922 = arith.constant 1216 : index
      %swap3A_923 = tpu.vector_load %arg7[%swap3A_922] {strides = array<i32>} : memref<2048xf32, #tpu.memory_space<vmem>>, vector<16xf32>,
      tpu.vector_store %arg7[%swap3A_922], %broadcast_in_dim3A_769 {strides = array<i32>} : memref<2048xf32, #tpu.memory_space<vmem>>, vector<16xf32>,
      %swap3A_924 = arith.constant 1232 : index
      %swap3A_925 = tpu.vector_load %arg7[%swap3A_924] {strides = array<i32>} : memref<2048xf32, #tpu.memory_space<vmem>>, vector<16xf32>,
      tpu.vector_store %arg7[%swap3A_924], %broadcast_in_dim3A_769 {strides = array<i32>} : memref<2048xf32, #tpu.memory_space<vmem>>, vector<16xf32>,
      %swap3A_926 = arith.constant 1248 : index
      %swap3A_927 = tpu.vector_load %arg7[%swap3A_926] {strides = array<i32>} : memref<2048xf32, #tpu.memory_space<vmem>>, vector<16xf32>,
      tpu.vector_store %arg7[%swap3A_926], %broadcast_in_dim3A_769 {strides = array<i32>} : memref<2048xf32, #tpu.memory_space<vmem>>, vector<16xf32>,
      %swap3A_928 = arith.constant 1264 : index
      %swap3A_929 = tpu.vector_load %arg7[%swap3A_928] {strides = array<i32>} : memref<2048xf32, #tpu.memory_space<vmem>>, vector<16xf32>,
      tpu.vector_store %arg7[%swap3A_928], %broadcast_in_dim3A_769 {strides = array<i32>} : memref<2048xf32, #tpu.memory_space<vmem>>, vector<16xf32>,
      %swap3A_930 = arith.constant 1280 : index
      %swap3A_931 = tpu.vector_load %arg7[%swap3A_930] {strides = array<i32>} : memref<2048xf32, #tpu.memory_space<vmem>>, vector<16xf32>,
      tpu.vector_store %arg7[%swap3A_930], %broadcast_in_dim3A_769 {strides = array<i32>} : memref<2048xf32, #tpu.memory_space<vmem>>, vector<16xf32>,
      %swap3A_932 = arith.constant 1296 : index
      %swap3A_933 = tpu.vector_load %arg7[%swap3A_932] {strides = array<i32>} : memref<2048xf32, #tpu.memory_space<vmem>>, vector<16xf32>,
      tpu.vector_store %arg7[%swap3A_932], %broadcast_in_dim3A_769 {strides = array<i32>} : memref<2048xf32, #tpu.memory_space<vmem>>, vector<16xf32>,
      %swap3A_934 = arith.constant 1312 : index
      %swap3A_935 = tpu.vector_load %arg7[%swap3A_934] {strides = array<i32>} : memref<2048xf32, #tpu.memory_space<vmem>>, vector<16xf32>,
      tpu.vector_store %arg7[%swap3A_934], %broadcast_in_dim3A_769 {strides = array<i32>} : memref<2048xf32, #tpu.memory_space<vmem>>, vector<16xf32>,
      %swap3A_936 = arith.constant 1328 : index
      %swap3A_937 = tpu.vector_load %arg7[%swap3A_936] {strides = array<i32>} : memref<2048xf32, #tpu.memory_space<vmem>>, vector<16xf32>,
      tpu.vector_store %arg7[%swap3A_936], %broadcast_in_dim3A_769 {strides = array<i32>} : memref<2048xf32, #tpu.memory_space<vmem>>, vector<16xf32>,
      %swap3A_938 = arith.constant 1344 : index
      %swap3A_939 = tpu.vector_load %arg7[%swap3A_938] {strides = array<i32>} : memref<2048xf32, #tpu.memory_space<vmem>>, vector<16xf32>,
      tpu.vector_store %arg7[%swap3A_938], %broadcast_in_dim3A_769 {strides = array<i32>} : memref<2048xf32, #tpu.memory_space<vmem>>, vector<16xf32>,
      %swap3A_940 = arith.constant 1360 : index
      %swap3A_941 = tpu.vector_load %arg7[%swap3A_940] {strides = array<i32>} : memref<2048xf32, #tpu.memory_space<vmem>>, vector<16xf32>,
      tpu.vector_store %arg7[%swap3A_940], %broadcast_in_dim3A_769 {strides = array<i32>} : memref<2048xf32, #tpu.memory_space<vmem>>, vector<16xf32>,
      %swap3A_942 = arith.constant 1376 : index
      %swap3A_943 = tpu.vector_load %arg7[%swap3A_942] {strides = array<i32>} : memref<2048xf32, #tpu.memory_space<vmem>>, vector<16xf32>,
      tpu.vector_store %arg7[%swap3A_942], %broadcast_in_dim3A_769 {strides = array<i32>} : memref<2048xf32, #tpu.memory_space<vmem>>, vector<16xf32>,
      %swap3A_944 = arith.constant 1392 : index
      %swap3A_945 = tpu.vector_load %arg7[%swap3A_944] {strides = array<i32>} : memref<2048xf32, #tpu.memory_space<vmem>>, vector<16xf32>,
      tpu.vector_store %arg7[%swap3A_944], %broadcast_in_dim3A_769 {strides = array<i32>} : memref<2048xf32, #tpu.memory_space<vmem>>, vector<16xf32>,
      %swap3A_946 = arith.constant 1408 : index
      %swap3A_947 = tpu.vector_load %arg7[%swap3A_946] {strides = array<i32>} : memref<2048xf32, #tpu.memory_space<vmem>>, vector<16xf32>,
      tpu.vector_store %arg7[%swap3A_946], %broadcast_in_dim3A_769 {strides = array<i32>} : memref<2048xf32, #tpu.memory_space<vmem>>, vector<16xf32>,
      %swap3A_948 = arith.constant 1424 : index
      %swap3A_949 = tpu.vector_load %arg7[%swap3A_948] {strides = array<i32>} : memref<2048xf32, #tpu.memory_space<vmem>>, vector<16xf32>,
      tpu.vector_store %arg7[%swap3A_948], %broadcast_in_dim3A_769 {strides = array<i32>} : memref<2048xf32, #tpu.memory_space<vmem>>, vector<16xf32>,
      %swap3A_950 = arith.constant 1440 : index
      %swap3A_951 = tpu.vector_load %arg7[%swap3A_950] {strides = array<i32>} : memref<2048xf32, #tpu.memory_space<vmem>>, vector<16xf32>,
      tpu.vector_store %arg7[%swap3A_950], %broadcast_in_dim3A_769 {strides = array<i32>} : memref<2048xf32, #tpu.memory_space<vmem>>, vector<16xf32>,
      %swap3A_952 = arith.constant 1456 : index
      %swap3A_953 = tpu.vector_load %arg7[%swap3A_952] {strides = array<i32>} : memref<2048xf32, #tpu.memory_space<vmem>>, vector<16xf32>,
      tpu.vector_store %arg7[%swap3A_952], %broadcast_in_dim3A_769 {strides = array<i32>} : memref<2048xf32, #tpu.memory_space<vmem>>, vector<16xf32>,
      %swap3A_954 = arith.constant 1472 : index
      %swap3A_955 = tpu.vector_load %arg7[%swap3A_954] {strides = array<i32>} : memref<2048xf32, #tpu.memory_space<vmem>>, vector<16xf32>,
      tpu.vector_store %arg7[%swap3A_954], %broadcast_in_dim3A_769 {strides = array<i32>} : memref<2048xf32, #tpu.memory_space<vmem>>, vector<16xf32>,
      %swap3A_956 = arith.constant 1488 : index
      %swap3A_957 = tpu.vector_load %arg7[%swap3A_956] {strides = array<i32>} : memref<2048xf32, #tpu.memory_space<vmem>>, vector<16xf32>,
      tpu.vector_store %arg7[%swap3A_956], %broadcast_in_dim3A_769 {strides = array<i32>} : memref<2048xf32, #tpu.memory_space<vmem>>, vector<16xf32>,
      %swap3A_958 = arith.constant 1504 : index
      %swap3A_959 = tpu.vector_load %arg7[%swap3A_958] {strides = array<i32>} : memref<2048xf32, #tpu.memory_space<vmem>>, vector<16xf32>,
      tpu.vector_store %arg7[%swap3A_958], %broadcast_in_dim3A_769 {strides = array<i32>} : memref<2048xf32, #tpu.memory_space<vmem>>, vector<16xf32>,
      %swap3A_960 = arith.constant 1520 : index
      %swap3A_961 = tpu.vector_load %arg7[%swap3A_960] {strides = array<i32>} : memref<2048xf32, #tpu.memory_space<vmem>>, vector<16xf32>,
      tpu.vector_store %arg7[%swap3A_960], %broadcast_in_dim3A_769 {strides = array<i32>} : memref<2048xf32, #tpu.memory_space<vmem>>, vector<16xf32>,
      %swap3A_962 = arith.constant 1536 : index
      %swap3A_963 = tpu.vector_load %arg7[%swap3A_962] {strides = array<i32>} : memref<2048xf32, #tpu.memory_space<vmem>>, vector<16xf32>,
      tpu.vector_store %arg7[%swap3A_962], %broadcast_in_dim3A_769 {strides = array<i32>} : memref<2048xf32, #tpu.memory_space<vmem>>, vector<16xf32>,
      %swap3A_964 = arith.constant 1552 : index
      %swap3A_965 = tpu.vector_load %arg7[%swap3A_964] {strides = array<i32>} : memref<2048xf32, #tpu.memory_space<vmem>>, vector<16xf32>,
      tpu.vector_store %arg7[%swap3A_964], %broadcast_in_dim3A_769 {strides = array<i32>} : memref<2048xf32, #tpu.memory_space<vmem>>, vector<16xf32>,
      %swap3A_966 = arith.constant 1568 : index
      %swap3A_967 = tpu.vector_load %arg7[%swap3A_966] {strides = array<i32>} : memref<2048xf32, #tpu.memory_space<vmem>>, vector<16xf32>,
      tpu.vector_store %arg7[%swap3A_966], %broadcast_in_dim3A_769 {strides = array<i32>} : memref<2048xf32, #tpu.memory_space<vmem>>, vector<16xf32>,
      %swap3A_968 = arith.constant 1584 : index
      %swap3A_969 = tpu.vector_load %arg7[%swap3A_968] {strides = array<i32>} : memref<2048xf32, #tpu.memory_space<vmem>>, vector<16xf32>,
      tpu.vector_store %arg7[%swap3A_968], %broadcast_in_dim3A_769 {strides = array<i32>} : memref<2048xf32, #tpu.memory_space<vmem>>, vector<16xf32>,
      %swap3A_970 = arith.constant 1600 : index
      %swap3A_971 = tpu.vector_load %arg7[%swap3A_970] {strides = array<i32>} : memref<2048xf32, #tpu.memory_space<vmem>>, vector<16xf32>,
      tpu.vector_store %arg7[%swap3A_970], %broadcast_in_dim3A_769 {strides = array<i32>} : memref<2048xf32, #tpu.memory_space<vmem>>, vector<16xf32>,
      %swap3A_972 = arith.constant 1616 : index
      %swap3A_973 = tpu.vector_load %arg7[%swap3A_972] {strides = array<i32>} : memref<2048xf32, #tpu.memory_space<vmem>>, vector<16xf32>,
      tpu.vector_store %arg7[%swap3A_972], %broadcast_in_dim3A_769 {strides = array<i32>} : memref<2048xf32, #tpu.memory_space<vmem>>, vector<16xf32>,
      %swap3A_974 = arith.constant 1632 : index
      %swap3A_975 = tpu.vector_load %arg7[%swap3A_974] {strides = array<i32>} : memref<2048xf32, #tpu.memory_space<vmem>>, vector<16xf32>,
      tpu.vector_store %arg7[%swap3A_974], %broadcast_in_dim3A_769 {strides = array<i32>} : memref<2048xf32, #tpu.memory_space<vmem>>, vector<16xf32>,
      %swap3A_976 = arith.constant 1648 : index
      %swap3A_977 = tpu.vector_load %arg7[%swap3A_976] {strides = array<i32>} : memref<2048xf32, #tpu.memory_space<vmem>>, vector<16xf32>,
      tpu.vector_store %arg7[%swap3A_976], %broadcast_in_dim3A_769 {strides = array<i32>} : memref<2048xf32, #tpu.memory_space<vmem>>, vector<16xf32>,
      %swap3A_978 = arith.constant 1664 : index
      %swap3A_979 = tpu.vector_load %arg7[%swap3A_978] {strides = array<i32>} : memref<2048xf32, #tpu.memory_space<vmem>>, vector<16xf32>,
      tpu.vector_store %arg7[%swap3A_978], %broadcast_in_dim3A_769 {strides = array<i32>} : memref<2048xf32, #tpu.memory_space<vmem>>, vector<16xf32>,
      %swap3A_980 = arith.constant 1680 : index
      %swap3A_981 = tpu.vector_load %arg7[%swap3A_980] {strides = array<i32>} : memref<2048xf32, #tpu.memory_space<vmem>>, vector<16xf32>,
      tpu.vector_store %arg7[%swap3A_980], %broadcast_in_dim3A_769 {strides = array<i32>} : memref<2048xf32, #tpu.memory_space<vmem>>, vector<16xf32>,
      %swap3A_982 = arith.constant 1696 : index
      %swap3A_983 = tpu.vector_load %arg7[%swap3A_982] {strides = array<i32>} : memref<2048xf32, #tpu.memory_space<vmem>>, vector<16xf32>,
      tpu.vector_store %arg7[%swap3A_982], %broadcast_in_dim3A_769 {strides = array<i32>} : memref<2048xf32, #tpu.memory_space<vmem>>, vector<16xf32>,
      %swap3A_984 = arith.constant 1712 : index
      %swap3A_985 = tpu.vector_load %arg7[%swap3A_984] {strides = array<i32>} : memref<2048xf32, #tpu.memory_space<vmem>>, vector<16xf32>,
      tpu.vector_store %arg7[%swap3A_984], %broadcast_in_dim3A_769 {strides = array<i32>} : memref<2048xf32, #tpu.memory_space<vmem>>, vector<16xf32>,
      %swap3A_986 = arith.constant 1728 : index
      %swap3A_987 = tpu.vector_load %arg7[%swap3A_986] {strides = array<i32>} : memref<2048xf32, #tpu.memory_space<vmem>>, vector<16xf32>,
      tpu.vector_store %arg7[%swap3A_986], %broadcast_in_dim3A_769 {strides = array<i32>} : memref<2048xf32, #tpu.memory_space<vmem>>, vector<16xf32>,
      %swap3A_988 = arith.constant 1744 : index
      %swap3A_989 = tpu.vector_load %arg7[%swap3A_988] {strides = array<i32>} : memref<2048xf32, #tpu.memory_space<vmem>>, vector<16xf32>,
      tpu.vector_store %arg7[%swap3A_988], %broadcast_in_dim3A_769 {strides = array<i32>} : memref<2048xf32, #tpu.memory_space<vmem>>, vector<16xf32>,
      %swap3A_990 = arith.constant 1760 : index
      %swap3A_991 = tpu.vector_load %arg7[%swap3A_990] {strides = array<i32>} : memref<2048xf32, #tpu.memory_space<vmem>>, vector<16xf32>,
      tpu.vector_store %arg7[%swap3A_990], %broadcast_in_dim3A_769 {strides = array<i32>} : memref<2048xf32, #tpu.memory_space<vmem>>, vector<16xf32>,
      %swap3A_992 = arith.constant 1776 : index
      %swap3A_993 = tpu.vector_load %arg7[%swap3A_992] {strides = array<i32>} : memref<2048xf32, #tpu.memory_space<vmem>>, vector<16xf32>,
      tpu.vector_store %arg7[%swap3A_992], %broadcast_in_dim3A_769 {strides = array<i32>} : memref<2048xf32, #tpu.memory_space<vmem>>, vector<16xf32>,
      %swap3A_994 = arith.constant 1792 : index
      %swap3A_995 = tpu.vector_load %arg7[%swap3A_994] {strides = array<i32>} : memref<2048xf32, #tpu.memory_space<vmem>>, vector<16xf32>,
      tpu.vector_store %arg7[%swap3A_994], %broadcast_in_dim3A_769 {strides = array<i32>} : memref<2048xf32, #tpu.memory_space<vmem>>, vector<16xf32>,
      %swap3A_996 = arith.constant 1808 : index
      %swap3A_997 = tpu.vector_load %arg7[%swap3A_996] {strides = array<i32>} : memref<2048xf32, #tpu.memory_space<vmem>>, vector<16xf32>,
      tpu.vector_store %arg7[%swap3A_996], %broadcast_in_dim3A_769 {strides = array<i32>} : memref<2048xf32, #tpu.memory_space<vmem>>, vector<16xf32>,
      %swap3A_998 = arith.constant 1824 : index
      %swap3A_999 = tpu.vector_load %arg7[%swap3A_998] {strides = array<i32>} : memref<2048xf32, #tpu.memory_space<vmem>>, vector<16xf32>,
      tpu.vector_store %arg7[%swap3A_998], %broadcast_in_dim3A_769 {strides = array<i32>} : memref<2048xf32, #tpu.memory_space<vmem>>, vector<16xf32>,
      %swap3A_1000 = arith.constant 1840 : index
      %swap3A_1001 = tpu.vector_load %arg7[%swap3A_1000] {strides = array<i32>} : memref<2048xf32, #tpu.memory_space<vmem>>, vector<16xf32>,
      tpu.vector_store %arg7[%swap3A_1000], %broadcast_in_dim3A_769 {strides = array<i32>} : memref<2048xf32, #tpu.memory_space<vmem>>, vector<16xf32>,
      %swap3A_1002 = arith.constant 1856 : index
      %swap3A_1003 = tpu.vector_load %arg7[%swap3A_1002] {strides = array<i32>} : memref<2048xf32, #tpu.memory_space<vmem>>, vector<16xf32>,
      tpu.vector_store %arg7[%swap3A_1002], %broadcast_in_dim3A_769 {strides = array<i32>} : memref<2048xf32, #tpu.memory_space<vmem>>, vector<16xf32>,
      %swap3A_1004 = arith.constant 1872 : index
      %swap3A_1005 = tpu.vector_load %arg7[%swap3A_1004] {strides = array<i32>} : memref<2048xf32, #tpu.memory_space<vmem>>, vector<16xf32>,
      tpu.vector_store %arg7[%swap3A_1004], %broadcast_in_dim3A_769 {strides = array<i32>} : memref<2048xf32, #tpu.memory_space<vmem>>, vector<16xf32>,
      %swap3A_1006 = arith.constant 1888 : index
      %swap3A_1007 = tpu.vector_load %arg7[%swap3A_1006] {strides = array<i32>} : memref<2048xf32, #tpu.memory_space<vmem>>, vector<16xf32>,
      tpu.vector_store %arg7[%swap3A_1006], %broadcast_in_dim3A_769 {strides = array<i32>} : memref<2048xf32, #tpu.memory_space<vmem>>, vector<16xf32>,
      %swap3A_1008 = arith.constant 1904 : index
      %swap3A_1009 = tpu.vector_load %arg7[%swap3A_1008] {strides = array<i32>} : memref<2048xf32, #tpu.memory_space<vmem>>, vector<16xf32>,
      tpu.vector_store %arg7[%swap3A_1008], %broadcast_in_dim3A_769 {strides = array<i32>} : memref<2048xf32, #tpu.memory_space<vmem>>, vector<16xf32>,
      %swap3A_1010 = arith.constant 1920 : index
      %swap3A_1011 = tpu.vector_load %arg7[%swap3A_1010] {strides = array<i32>} : memref<2048xf32, #tpu.memory_space<vmem>>, vector<16xf32>,
      tpu.vector_store %arg7[%swap3A_1010], %broadcast_in_dim3A_769 {strides = array<i32>} : memref<2048xf32, #tpu.memory_space<vmem>>, vector<16xf32>,
      %swap3A_1012 = arith.constant 1936 : index
      %swap3A_1013 = tpu.vector_load %arg7[%swap3A_1012] {strides = array<i32>} : memref<2048xf32, #tpu.memory_space<vmem>>, vector<16xf32>,
      tpu.vector_store %arg7[%swap3A_1012], %broadcast_in_dim3A_769 {strides = array<i32>} : memref<2048xf32, #tpu.memory_space<vmem>>, vector<16xf32>,
      %swap3A_1014 = arith.constant 1952 : index
      %swap3A_1015 = tpu.vector_load %arg7[%swap3A_1014] {strides = array<i32>} : memref<2048xf32, #tpu.memory_space<vmem>>, vector<16xf32>,
      tpu.vector_store %arg7[%swap3A_1014], %broadcast_in_dim3A_769 {strides = array<i32>} : memref<2048xf32, #tpu.memory_space<vmem>>, vector<16xf32>,
      %swap3A_1016 = arith.constant 1968 : index
      %swap3A_1017 = tpu.vector_load %arg7[%swap3A_1016] {strides = array<i32>} : memref<2048xf32, #tpu.memory_space<vmem>>, vector<16xf32>,
      tpu.vector_store %arg7[%swap3A_1016], %broadcast_in_dim3A_769 {strides = array<i32>} : memref<2048xf32, #tpu.memory_space<vmem>>, vector<16xf32>,
      %swap3A_1018 = arith.constant 1984 : index
      %swap3A_1019 = tpu.vector_load %arg7[%swap3A_1018] {strides = array<i32>} : memref<2048xf32, #tpu.memory_space<vmem>>, vector<16xf32>,
      tpu.vector_store %arg7[%swap3A_1018], %broadcast_in_dim3A_769 {strides = array<i32>} : memref<2048xf32, #tpu.memory_space<vmem>>, vector<16xf32>,
      %swap3A_1020 = arith.constant 2000 : index
      %swap3A_1021 = tpu.vector_load %arg7[%swap3A_1020] {strides = array<i32>} : memref<2048xf32, #tpu.memory_space<vmem>>, vector<16xf32>,
      tpu.vector_store %arg7[%swap3A_1020], %broadcast_in_dim3A_769 {strides = array<i32>} : memref<2048xf32, #tpu.memory_space<vmem>>, vector<16xf32>,
      %swap3A_1022 = arith.constant 2016 : index
      %swap3A_1023 = tpu.vector_load %arg7[%swap3A_1022] {strides = array<i32>} : memref<2048xf32, #tpu.memory_space<vmem>>, vector<16xf32>,
      tpu.vector_store %arg7[%swap3A_1022], %broadcast_in_dim3A_769 {strides = array<i32>} : memref<2048xf32, #tpu.memory_space<vmem>>, vector<16xf32>,
      %swap3A_1024 = arith.constant 2032 : index
      %swap3A_1025 = tpu.vector_load %arg7[%swap3A_1024] {strides = array<i32>} : memref<2048xf32, #tpu.memory_space<vmem>>, vector<16xf32>,
      tpu.vector_store %arg7[%swap3A_1024], %broadcast_in_dim3A_769 {strides = array<i32>} : memref<2048xf32, #tpu.memory_space<vmem>>, vector<16xf32>,
      %scan3A_1026 = arith.constant 0 : i32
      %scan3A_1027 = arith.constant 0 : i32
      %scan3A_1028 = arith.constant 1152 : i32
      %scan3A_1029 = arith.addi %scan3A_1027, %scan3A_1028 : i32
      %scan3A_1030 = arith.constant 1 : i32
      %scan3A_1031 = scf.for %scan3A_1604 = %scan3A_1027 to %scan3A_1029 step %scan3A_1030 iter_args(%scan3A_1605 = %scan3A_1026) -> (i32)  : i32 {
        %mul3A_1606 = arith.constant 2 : i32
        %mul3A_1607 = arith.muli %mul3A_1606, %scan3A_1604 : i32
        %mul3A_1608 = arith.constant 16 : i32
        %mul3A_1609 = arith.muli %mul3A_1607, %mul3A_1608 : i32
        %add3A_1610 = arith.constant 0 : i32
        %add3A_1611 = arith.addi %add3A_1610, %mul3A_1609 : i32
        %get3A_1612 = arith.index_cast %add3A_1611 : i32 to index
        %get3A_1613 = tpu.vector_load %arg5[%get3A_1612] {strides = array<i32>} : memref<110592xf32, #tpu.memory_space<vmem>>, vector<16xf32>,
        %mul3A_1614 = arith.constant 2 : i32
        %mul3A_1615 = arith.muli %mul3A_1614, %scan3A_1604 : i32
        %mul3A_1616 = arith.constant 16 : i32
        %mul3A_1617 = arith.muli %mul3A_1615, %mul3A_1616 : i32
        %add3A_1618 = arith.constant 36864 : i32
        %add3A_1619 = arith.addi %add3A_1618, %mul3A_1617 : i32
        %get3A_1620 = arith.index_cast %add3A_1619 : i32 to index
        %get3A_1621 = tpu.vector_load %arg5[%get3A_1620] {strides = array<i32>} : memref<110592xf32, #tpu.memory_space<vmem>>, vector<16xf32>,
        %mul3A_1622 = arith.constant 2 : i32
        %mul3A_1623 = arith.muli %mul3A_1622, %scan3A_1604 : i32
        %mul3A_1624 = arith.constant 16 : i32
        %mul3A_1625 = arith.muli %mul3A_1623, %mul3A_1624 : i32
        %add3A_1626 = arith.constant 73728 : i32
        %add3A_1627 = arith.addi %add3A_1626, %mul3A_1625 : i32
        %get3A_1628 = arith.index_cast %add3A_1627 : i32 to index
        %get3A_1629 = tpu.vector_load %arg5[%get3A_1628] {strides = array<i32>} : memref<110592xf32, #tpu.memory_space<vmem>>, vector<16xf32>,
        %mul3A_1630 = arith.constant 2 : i32
        %mul3A_1631 = arith.muli %mul3A_1630, %scan3A_1604 : i32
        %mul3A_1632 = arith.constant 16 : i32
        %mul3A_1633 = arith.muli %mul3A_1631, %mul3A_1632 : i32
        %add3A_1634 = arith.constant 0 : i32
        %add3A_1635 = arith.addi %add3A_1634, %mul3A_1633 : i32
        %add3A_1636 = arith.constant 16 : i32
        %add3A_1637 = arith.addi %add3A_1635, %add3A_1636 : i32
        %get3A_1638 = arith.index_cast %add3A_1637 : i32 to index
        %get3A_1639 = tpu.vector_load %arg5[%get3A_1638] {strides = array<i32>} : memref<110592xf32, #tpu.memory_space<vmem>>, vector<16xf32>,
        %mul3A_1640 = arith.constant 2 : i32
        %mul3A_1641 = arith.muli %mul3A_1640, %scan3A_1604 : i32
        %mul3A_1642 = arith.constant 16 : i32
        %mul3A_1643 = arith.muli %mul3A_1641, %mul3A_1642 : i32
        %add3A_1644 = arith.constant 36864 : i32
        %add3A_1645 = arith.addi %add3A_1644, %mul3A_1643 : i32
        %add3A_1646 = arith.constant 16 : i32
        %add3A_1647 = arith.addi %add3A_1645, %add3A_1646 : i32
        %get3A_1648 = arith.index_cast %add3A_1647 : i32 to index
        %get3A_1649 = tpu.vector_load %arg5[%get3A_1648] {strides = array<i32>} : memref<110592xf32, #tpu.memory_space<vmem>>, vector<16xf32>,
        %mul3A_1650 = arith.constant 2 : i32
        %mul3A_1651 = arith.muli %mul3A_1650, %scan3A_1604 : i32
        %mul3A_1652 = arith.constant 16 : i32
        %mul3A_1653 = arith.muli %mul3A_1651, %mul3A_1652 : i32
        %add3A_1654 = arith.constant 73728 : i32
        %add3A_1655 = arith.addi %add3A_1654, %mul3A_1653 : i32
        %add3A_1656 = arith.constant 16 : i32
        %add3A_1657 = arith.addi %add3A_1655, %add3A_1656 : i32
        %get3A_1658 = arith.index_cast %add3A_1657 : i32 to index
        %get3A_1659 = tpu.vector_load %arg5[%get3A_1658] {strides = array<i32>} : memref<110592xf32, #tpu.memory_space<vmem>>, vector<16xf32>,
        %broadcast_in_dim3A_1660 = arith.constant 0 : i32
        %broadcast_in_dim3A_1661 = vector.broadcast %broadcast_in_dim3A_1660 : i32 to vector<16xi32>
        %broadcast_in_dim3A_1662 = arith.constant 0 : i32
        %broadcast_in_dim3A_1663 = vector.broadcast %broadcast_in_dim3A_1662 : i32 to vector<16xi32>
        %get3A_1664 = arith.constant 0 : index
        %get3A_1665 = tpu.vector_load %arg6[%get3A_1664] {strides = array<i32>} : memref<2048xf32, #tpu.memory_space<vmem>>, vector<16xf32>,
        %get3A_1666 = arith.constant 16 : index
        %get3A_1667 = tpu.vector_load %arg6[%get3A_1666] {strides = array<i32>} : memref<2048xf32, #tpu.memory_space<vmem>>, vector<16xf32>,
        %get3A_1668 = arith.constant 32 : index
        %get3A_1669 = tpu.vector_load %arg6[%get3A_1668] {strides = array<i32>} : memref<2048xf32, #tpu.memory_space<vmem>>, vector<16xf32>,
        %get3A_1670 = arith.constant 48 : index
        %get3A_1671 = tpu.vector_load %arg6[%get3A_1670] {strides = array<i32>} : memref<2048xf32, #tpu.memory_space<vmem>>, vector<16xf32>,
        %broadcast_in_dim3A_1672 = arith.constant 0 : i32
        %broadcast_in_dim3A_1673 = vector.broadcast %broadcast_in_dim3A_1672 : i32 to vector<16xi32>
        %mul3A_1674 = arith.mulf %get3A_1613, %get3A_1667 : vector<16xf32>
        %mul3A_1675 = arith.mulf %get3A_1621, %get3A_1669 : vector<16xf32>
        %mul3A_1676 = arith.mulf %get3A_1629, %get3A_1671 : vector<16xf32>
        %add3A_1677 = arith.addf %mul3A_1676, %get3A_1665 : vector<16xf32>
        %add3A_1678 = arith.addf %mul3A_1675, %add3A_1677 : vector<16xf32>
        %add3A_1679 = arith.addf %mul3A_1674, %add3A_1678 : vector<16xf32>
        %mul3A_1680 = arith.mulf %get3A_1639, %get3A_1667 : vector<16xf32>
        %mul3A_1681 = arith.mulf %get3A_1649, %get3A_1669 : vector<16xf32>
        %mul3A_1682 = arith.mulf %get3A_1659, %get3A_1671 : vector<16xf32>
        %add3A_1683 = arith.addf %mul3A_1682, %get3A_1665 : vector<16xf32>
        %add3A_1684 = arith.addf %mul3A_1681, %add3A_1683 : vector<16xf32>
        %add3A_1685 = arith.addf %mul3A_1680, %add3A_1684 : vector<16xf32>
        %lt3A_1686 = arith.cmpf olt, %add3A_1679, %broadcast_in_dim3A_62 : vector<16xf32>
        %lt3A_1687 = arith.cmpf olt, %add3A_1685, %broadcast_in_dim3A_62 : vector<16xf32>
        %select_n3A_1688 = arith.select %lt3A_1686, %add3A_1679, %broadcast_in_dim3A_62 : vector<16xi1>, vector<16xf32>
        %select_n3A_1689 = arith.select %lt3A_1687, %add3A_1685, %broadcast_in_dim3A_62 : vector<16xi1>, vector<16xf32>
        %select_n3A_1690 = arith.select %lt3A_1686, %broadcast_in_dim3A_1673, %broadcast_in_dim3A_1661 : vector<16xi1>, vector<16xi32>
        %select_n3A_1691 = arith.select %lt3A_1687, %broadcast_in_dim3A_1673, %broadcast_in_dim3A_1663 : vector<16xi1>, vector<16xi32>
        %get3A_1692 = arith.constant 64 : index
        %get3A_1693 = tpu.vector_load %arg6[%get3A_1692] {strides = array<i32>} : memref<2048xf32, #tpu.memory_space<vmem>>, vector<16xf32>,
        %get3A_1694 = arith.constant 80 : index
        %get3A_1695 = tpu.vector_load %arg6[%get3A_1694] {strides = array<i32>} : memref<2048xf32, #tpu.memory_space<vmem>>, vector<16xf32>,
        %get3A_1696 = arith.constant 96 : index
        %get3A_1697 = tpu.vector_load %arg6[%get3A_1696] {strides = array<i32>} : memref<2048xf32, #tpu.memory_space<vmem>>, vector<16xf32>,
        %get3A_1698 = arith.constant 112 : index
        %get3A_1699 = tpu.vector_load %arg6[%get3A_1698] {strides = array<i32>} : memref<2048xf32, #tpu.memory_space<vmem>>, vector<16xf32>,
        %broadcast_in_dim3A_1700 = arith.constant 1 : i32
        %broadcast_in_dim3A_1701 = vector.broadcast %broadcast_in_dim3A_1700 : i32 to vector<16xi32>
        %mul3A_1702 = arith.mulf %get3A_1613, %get3A_1695 : vector<16xf32>
        %mul3A_1703 = arith.mulf %get3A_1621, %get3A_1697 : vector<16xf32>
        %mul3A_1704 = arith.mulf %get3A_1629, %get3A_1699 : vector<16xf32>
        %add3A_1705 = arith.addf %mul3A_1704, %get3A_1693 : vector<16xf32>
        %add3A_1706 = arith.addf %mul3A_1703, %add3A_1705 : vector<16xf32>
        %add3A_1707 = arith.addf %mul3A_1702, %add3A_1706 : vector<16xf32>
        %mul3A_1708 = arith.mulf %get3A_1639, %get3A_1695 : vector<16xf32>
        %mul3A_1709 = arith.mulf %get3A_1649, %get3A_1697 : vector<16xf32>
        %mul3A_1710 = arith.mulf %get3A_1659, %get3A_1699 : vector<16xf32>
        %add3A_1711 = arith.addf %mul3A_1710, %get3A_1693 : vector<16xf32>
        %add3A_1712 = arith.addf %mul3A_1709, %add3A_1711 : vector<16xf32>
        %add3A_1713 = arith.addf %mul3A_1708, %add3A_1712 : vector<16xf32>
        %lt3A_1714 = arith.cmpf olt, %add3A_1707, %select_n3A_1688 : vector<16xf32>
        %lt3A_1715 = arith.cmpf olt, %add3A_1713, %select_n3A_1689 : vector<16xf32>
        %select_n3A_1716 = arith.select %lt3A_1714, %add3A_1707, %select_n3A_1688 : vector<16xi1>, vector<16xf32>
        %select_n3A_1717 = arith.select %lt3A_1715, %add3A_1713, %select_n3A_1689 : vector<16xi1>, vector<16xf32>
        %select_n3A_1718 = arith.select %lt3A_1714, %broadcast_in_dim3A_1701, %select_n3A_1690 : vector<16xi1>, vector<16xi32>
        %select_n3A_1719 = arith.select %lt3A_1715, %broadcast_in_dim3A_1701, %select_n3A_1691 : vector<16xi1>, vector<16xi32>
        %get3A_1720 = arith.constant 128 : index
        %get3A_1721 = tpu.vector_load %arg6[%get3A_1720] {strides = array<i32>} : memref<2048xf32, #tpu.memory_space<vmem>>, vector<16xf32>,
        %get3A_1722 = arith.constant 144 : index
        %get3A_1723 = tpu.vector_load %arg6[%get3A_1722] {strides = array<i32>} : memref<2048xf32, #tpu.memory_space<vmem>>, vector<16xf32>,
        %get3A_1724 = arith.constant 160 : index
        %get3A_1725 = tpu.vector_load %arg6[%get3A_1724] {strides = array<i32>} : memref<2048xf32, #tpu.memory_space<vmem>>, vector<16xf32>,
        %get3A_1726 = arith.constant 176 : index
        %get3A_1727 = tpu.vector_load %arg6[%get3A_1726] {strides = array<i32>} : memref<2048xf32, #tpu.memory_space<vmem>>, vector<16xf32>,
        %broadcast_in_dim3A_1728 = arith.constant 2 : i32
        %broadcast_in_dim3A_1729 = vector.broadcast %broadcast_in_dim3A_1728 : i32 to vector<16xi32>
        %mul3A_1730 = arith.mulf %get3A_1613, %get3A_1723 : vector<16xf32>
        %mul3A_1731 = arith.mulf %get3A_1621, %get3A_1725 : vector<16xf32>
        %mul3A_1732 = arith.mulf %get3A_1629, %get3A_1727 : vector<16xf32>
        %add3A_1733 = arith.addf %mul3A_1732, %get3A_1721 : vector<16xf32>
        %add3A_1734 = arith.addf %mul3A_1731, %add3A_1733 : vector<16xf32>
        %add3A_1735 = arith.addf %mul3A_1730, %add3A_1734 : vector<16xf32>
        %mul3A_1736 = arith.mulf %get3A_1639, %get3A_1723 : vector<16xf32>
        %mul3A_1737 = arith.mulf %get3A_1649, %get3A_1725 : vector<16xf32>
        %mul3A_1738 = arith.mulf %get3A_1659, %get3A_1727 : vector<16xf32>
        %add3A_1739 = arith.addf %mul3A_1738, %get3A_1721 : vector<16xf32>
        %add3A_1740 = arith.addf %mul3A_1737, %add3A_1739 : vector<16xf32>
        %add3A_1741 = arith.addf %mul3A_1736, %add3A_1740 : vector<16xf32>
        %lt3A_1742 = arith.cmpf olt, %add3A_1735, %select_n3A_1716 : vector<16xf32>
        %lt3A_1743 = arith.cmpf olt, %add3A_1741, %select_n3A_1717 : vector<16xf32>
        %select_n3A_1744 = arith.select %lt3A_1742, %add3A_1735, %select_n3A_1716 : vector<16xi1>, vector<16xf32>
        %select_n3A_1745 = arith.select %lt3A_1743, %add3A_1741, %select_n3A_1717 : vector<16xi1>, vector<16xf32>
        %select_n3A_1746 = arith.select %lt3A_1742, %broadcast_in_dim3A_1729, %select_n3A_1718 : vector<16xi1>, vector<16xi32>
        %select_n3A_1747 = arith.select %lt3A_1743, %broadcast_in_dim3A_1729, %select_n3A_1719 : vector<16xi1>, vector<16xi32>
        %get3A_1748 = arith.constant 192 : index
        %get3A_1749 = tpu.vector_load %arg6[%get3A_1748] {strides = array<i32>} : memref<2048xf32, #tpu.memory_space<vmem>>, vector<16xf32>,
        %get3A_1750 = arith.constant 208 : index
        %get3A_1751 = tpu.vector_load %arg6[%get3A_1750] {strides = array<i32>} : memref<2048xf32, #tpu.memory_space<vmem>>, vector<16xf32>,
        %get3A_1752 = arith.constant 224 : index
        %get3A_1753 = tpu.vector_load %arg6[%get3A_1752] {strides = array<i32>} : memref<2048xf32, #tpu.memory_space<vmem>>, vector<16xf32>,
        %get3A_1754 = arith.constant 240 : index
        %get3A_1755 = tpu.vector_load %arg6[%get3A_1754] {strides = array<i32>} : memref<2048xf32, #tpu.memory_space<vmem>>, vector<16xf32>,
        %broadcast_in_dim3A_1756 = arith.constant 3 : i32
        %broadcast_in_dim3A_1757 = vector.broadcast %broadcast_in_dim3A_1756 : i32 to vector<16xi32>
        %mul3A_1758 = arith.mulf %get3A_1613, %get3A_1751 : vector<16xf32>
        %mul3A_1759 = arith.mulf %get3A_1621, %get3A_1753 : vector<16xf32>
        %mul3A_1760 = arith.mulf %get3A_1629, %get3A_1755 : vector<16xf32>
        %add3A_1761 = arith.addf %mul3A_1760, %get3A_1749 : vector<16xf32>
        %add3A_1762 = arith.addf %mul3A_1759, %add3A_1761 : vector<16xf32>
        %add3A_1763 = arith.addf %mul3A_1758, %add3A_1762 : vector<16xf32>
        %mul3A_1764 = arith.mulf %get3A_1639, %get3A_1751 : vector<16xf32>
        %mul3A_1765 = arith.mulf %get3A_1649, %get3A_1753 : vector<16xf32>
        %mul3A_1766 = arith.mulf %get3A_1659, %get3A_1755 : vector<16xf32>
        %add3A_1767 = arith.addf %mul3A_1766, %get3A_1749 : vector<16xf32>
        %add3A_1768 = arith.addf %mul3A_1765, %add3A_1767 : vector<16xf32>
        %add3A_1769 = arith.addf %mul3A_1764, %add3A_1768 : vector<16xf32>
        %lt3A_1770 = arith.cmpf olt, %add3A_1763, %select_n3A_1744 : vector<16xf32>
        %lt3A_1771 = arith.cmpf olt, %add3A_1769, %select_n3A_1745 : vector<16xf32>
        %select_n3A_1772 = arith.select %lt3A_1770, %add3A_1763, %select_n3A_1744 : vector<16xi1>, vector<16xf32>
        %select_n3A_1773 = arith.select %lt3A_1771, %add3A_1769, %select_n3A_1745 : vector<16xi1>, vector<16xf32>
        %select_n3A_1774 = arith.select %lt3A_1770, %broadcast_in_dim3A_1757, %select_n3A_1746 : vector<16xi1>, vector<16xi32>
        %select_n3A_1775 = arith.select %lt3A_1771, %broadcast_in_dim3A_1757, %select_n3A_1747 : vector<16xi1>, vector<16xi32>
        %get3A_1776 = arith.constant 256 : index
        %get3A_1777 = tpu.vector_load %arg6[%get3A_1776] {strides = array<i32>} : memref<2048xf32, #tpu.memory_space<vmem>>, vector<16xf32>,
        %get3A_1778 = arith.constant 272 : index
        %get3A_1779 = tpu.vector_load %arg6[%get3A_1778] {strides = array<i32>} : memref<2048xf32, #tpu.memory_space<vmem>>, vector<16xf32>,
        %get3A_1780 = arith.constant 288 : index
        %get3A_1781 = tpu.vector_load %arg6[%get3A_1780] {strides = array<i32>} : memref<2048xf32, #tpu.memory_space<vmem>>, vector<16xf32>,
        %get3A_1782 = arith.constant 304 : index
        %get3A_1783 = tpu.vector_load %arg6[%get3A_1782] {strides = array<i32>} : memref<2048xf32, #tpu.memory_space<vmem>>, vector<16xf32>,
        %broadcast_in_dim3A_1784 = arith.constant 4 : i32
        %broadcast_in_dim3A_1785 = vector.broadcast %broadcast_in_dim3A_1784 : i32 to vector<16xi32>
        %mul3A_1786 = arith.mulf %get3A_1613, %get3A_1779 : vector<16xf32>
        %mul3A_1787 = arith.mulf %get3A_1621, %get3A_1781 : vector<16xf32>
        %mul3A_1788 = arith.mulf %get3A_1629, %get3A_1783 : vector<16xf32>
        %add3A_1789 = arith.addf %mul3A_1788, %get3A_1777 : vector<16xf32>
        %add3A_1790 = arith.addf %mul3A_1787, %add3A_1789 : vector<16xf32>
        %add3A_1791 = arith.addf %mul3A_1786, %add3A_1790 : vector<16xf32>
        %mul3A_1792 = arith.mulf %get3A_1639, %get3A_1779 : vector<16xf32>
        %mul3A_1793 = arith.mulf %get3A_1649, %get3A_1781 : vector<16xf32>
        %mul3A_1794 = arith.mulf %get3A_1659, %get3A_1783 : vector<16xf32>
        %add3A_1795 = arith.addf %mul3A_1794, %get3A_1777 : vector<16xf32>
        %add3A_1796 = arith.addf %mul3A_1793, %add3A_1795 : vector<16xf32>
        %add3A_1797 = arith.addf %mul3A_1792, %add3A_1796 : vector<16xf32>
        %lt3A_1798 = arith.cmpf olt, %add3A_1791, %select_n3A_1772 : vector<16xf32>
        %lt3A_1799 = arith.cmpf olt, %add3A_1797, %select_n3A_1773 : vector<16xf32>
        %select_n3A_1800 = arith.select %lt3A_1798, %add3A_1791, %select_n3A_1772 : vector<16xi1>, vector<16xf32>
        %select_n3A_1801 = arith.select %lt3A_1799, %add3A_1797, %select_n3A_1773 : vector<16xi1>, vector<16xf32>
        %select_n3A_1802 = arith.select %lt3A_1798, %broadcast_in_dim3A_1785, %select_n3A_1774 : vector<16xi1>, vector<16xi32>
        %select_n3A_1803 = arith.select %lt3A_1799, %broadcast_in_dim3A_1785, %select_n3A_1775 : vector<16xi1>, vector<16xi32>
        %get3A_1804 = arith.constant 320 : index
        %get3A_1805 = tpu.vector_load %arg6[%get3A_1804] {strides = array<i32>} : memref<2048xf32, #tpu.memory_space<vmem>>, vector<16xf32>,
        %get3A_1806 = arith.constant 336 : index
        %get3A_1807 = tpu.vector_load %arg6[%get3A_1806] {strides = array<i32>} : memref<2048xf32, #tpu.memory_space<vmem>>, vector<16xf32>,
        %get3A_1808 = arith.constant 352 : index
        %get3A_1809 = tpu.vector_load %arg6[%get3A_1808] {strides = array<i32>} : memref<2048xf32, #tpu.memory_space<vmem>>, vector<16xf32>,
        %get3A_1810 = arith.constant 368 : index
        %get3A_1811 = tpu.vector_load %arg6[%get3A_1810] {strides = array<i32>} : memref<2048xf32, #tpu.memory_space<vmem>>, vector<16xf32>,
        %broadcast_in_dim3A_1812 = arith.constant 5 : i32
        %broadcast_in_dim3A_1813 = vector.broadcast %broadcast_in_dim3A_1812 : i32 to vector<16xi32>
        %mul3A_1814 = arith.mulf %get3A_1613, %get3A_1807 : vector<16xf32>
        %mul3A_1815 = arith.mulf %get3A_1621, %get3A_1809 : vector<16xf32>
        %mul3A_1816 = arith.mulf %get3A_1629, %get3A_1811 : vector<16xf32>
        %add3A_1817 = arith.addf %mul3A_1816, %get3A_1805 : vector<16xf32>
        %add3A_1818 = arith.addf %mul3A_1815, %add3A_1817 : vector<16xf32>
        %add3A_1819 = arith.addf %mul3A_1814, %add3A_1818 : vector<16xf32>
        %mul3A_1820 = arith.mulf %get3A_1639, %get3A_1807 : vector<16xf32>
        %mul3A_1821 = arith.mulf %get3A_1649, %get3A_1809 : vector<16xf32>
        %mul3A_1822 = arith.mulf %get3A_1659, %get3A_1811 : vector<16xf32>
        %add3A_1823 = arith.addf %mul3A_1822, %get3A_1805 : vector<16xf32>
        %add3A_1824 = arith.addf %mul3A_1821, %add3A_1823 : vector<16xf32>
        %add3A_1825 = arith.addf %mul3A_1820, %add3A_1824 : vector<16xf32>
        %lt3A_1826 = arith.cmpf olt, %add3A_1819, %select_n3A_1800 : vector<16xf32>
        %lt3A_1827 = arith.cmpf olt, %add3A_1825, %select_n3A_1801 : vector<16xf32>
        %select_n3A_1828 = arith.select %lt3A_1826, %add3A_1819, %select_n3A_1800 : vector<16xi1>, vector<16xf32>
        %select_n3A_1829 = arith.select %lt3A_1827, %add3A_1825, %select_n3A_1801 : vector<16xi1>, vector<16xf32>
        %select_n3A_1830 = arith.select %lt3A_1826, %broadcast_in_dim3A_1813, %select_n3A_1802 : vector<16xi1>, vector<16xi32>
        %select_n3A_1831 = arith.select %lt3A_1827, %broadcast_in_dim3A_1813, %select_n3A_1803 : vector<16xi1>, vector<16xi32>
        %get3A_1832 = arith.constant 384 : index
        %get3A_1833 = tpu.vector_load %arg6[%get3A_1832] {strides = array<i32>} : memref<2048xf32, #tpu.memory_space<vmem>>, vector<16xf32>,
        %get3A_1834 = arith.constant 400 : index
        %get3A_1835 = tpu.vector_load %arg6[%get3A_1834] {strides = array<i32>} : memref<2048xf32, #tpu.memory_space<vmem>>, vector<16xf32>,
        %get3A_1836 = arith.constant 416 : index
        %get3A_1837 = tpu.vector_load %arg6[%get3A_1836] {strides = array<i32>} : memref<2048xf32, #tpu.memory_space<vmem>>, vector<16xf32>,
        %get3A_1838 = arith.constant 432 : index
        %get3A_1839 = tpu.vector_load %arg6[%get3A_1838] {strides = array<i32>} : memref<2048xf32, #tpu.memory_space<vmem>>, vector<16xf32>,
        %broadcast_in_dim3A_1840 = arith.constant 6 : i32
        %broadcast_in_dim3A_1841 = vector.broadcast %broadcast_in_dim3A_1840 : i32 to vector<16xi32>
        %mul3A_1842 = arith.mulf %get3A_1613, %get3A_1835 : vector<16xf32>
        %mul3A_1843 = arith.mulf %get3A_1621, %get3A_1837 : vector<16xf32>
        %mul3A_1844 = arith.mulf %get3A_1629, %get3A_1839 : vector<16xf32>
        %add3A_1845 = arith.addf %mul3A_1844, %get3A_1833 : vector<16xf32>
        %add3A_1846 = arith.addf %mul3A_1843, %add3A_1845 : vector<16xf32>
        %add3A_1847 = arith.addf %mul3A_1842, %add3A_1846 : vector<16xf32>
        %mul3A_1848 = arith.mulf %get3A_1639, %get3A_1835 : vector<16xf32>
        %mul3A_1849 = arith.mulf %get3A_1649, %get3A_1837 : vector<16xf32>
        %mul3A_1850 = arith.mulf %get3A_1659, %get3A_1839 : vector<16xf32>
        %add3A_1851 = arith.addf %mul3A_1850, %get3A_1833 : vector<16xf32>
        %add3A_1852 = arith.addf %mul3A_1849, %add3A_1851 : vector<16xf32>
        %add3A_1853 = arith.addf %mul3A_1848, %add3A_1852 : vector<16xf32>
        %lt3A_1854 = arith.cmpf olt, %add3A_1847, %select_n3A_1828 : vector<16xf32>
        %lt3A_1855 = arith.cmpf olt, %add3A_1853, %select_n3A_1829 : vector<16xf32>
        %select_n3A_1856 = arith.select %lt3A_1854, %add3A_1847, %select_n3A_1828 : vector<16xi1>, vector<16xf32>
        %select_n3A_1857 = arith.select %lt3A_1855, %add3A_1853, %select_n3A_1829 : vector<16xi1>, vector<16xf32>
        %select_n3A_1858 = arith.select %lt3A_1854, %broadcast_in_dim3A_1841, %select_n3A_1830 : vector<16xi1>, vector<16xi32>
        %select_n3A_1859 = arith.select %lt3A_1855, %broadcast_in_dim3A_1841, %select_n3A_1831 : vector<16xi1>, vector<16xi32>
        %get3A_1860 = arith.constant 448 : index
        %get3A_1861 = tpu.vector_load %arg6[%get3A_1860] {strides = array<i32>} : memref<2048xf32, #tpu.memory_space<vmem>>, vector<16xf32>,
        %get3A_1862 = arith.constant 464 : index
        %get3A_1863 = tpu.vector_load %arg6[%get3A_1862] {strides = array<i32>} : memref<2048xf32, #tpu.memory_space<vmem>>, vector<16xf32>,
        %get3A_1864 = arith.constant 480 : index
        %get3A_1865 = tpu.vector_load %arg6[%get3A_1864] {strides = array<i32>} : memref<2048xf32, #tpu.memory_space<vmem>>, vector<16xf32>,
        %get3A_1866 = arith.constant 496 : index
        %get3A_1867 = tpu.vector_load %arg6[%get3A_1866] {strides = array<i32>} : memref<2048xf32, #tpu.memory_space<vmem>>, vector<16xf32>,
        %broadcast_in_dim3A_1868 = arith.constant 7 : i32
        %broadcast_in_dim3A_1869 = vector.broadcast %broadcast_in_dim3A_1868 : i32 to vector<16xi32>
        %mul3A_1870 = arith.mulf %get3A_1613, %get3A_1863 : vector<16xf32>
        %mul3A_1871 = arith.mulf %get3A_1621, %get3A_1865 : vector<16xf32>
        %mul3A_1872 = arith.mulf %get3A_1629, %get3A_1867 : vector<16xf32>
        %add3A_1873 = arith.addf %mul3A_1872, %get3A_1861 : vector<16xf32>
        %add3A_1874 = arith.addf %mul3A_1871, %add3A_1873 : vector<16xf32>
        %add3A_1875 = arith.addf %mul3A_1870, %add3A_1874 : vector<16xf32>
        %mul3A_1876 = arith.mulf %get3A_1639, %get3A_1863 : vector<16xf32>
        %mul3A_1877 = arith.mulf %get3A_1649, %get3A_1865 : vector<16xf32>
        %mul3A_1878 = arith.mulf %get3A_1659, %get3A_1867 : vector<16xf32>
        %add3A_1879 = arith.addf %mul3A_1878, %get3A_1861 : vector<16xf32>
        %add3A_1880 = arith.addf %mul3A_1877, %add3A_1879 : vector<16xf32>
        %add3A_1881 = arith.addf %mul3A_1876, %add3A_1880 : vector<16xf32>
        %lt3A_1882 = arith.cmpf olt, %add3A_1875, %select_n3A_1856 : vector<16xf32>
        %lt3A_1883 = arith.cmpf olt, %add3A_1881, %select_n3A_1857 : vector<16xf32>
        %select_n3A_1884 = arith.select %lt3A_1882, %add3A_1875, %select_n3A_1856 : vector<16xi1>, vector<16xf32>
        %select_n3A_1885 = arith.select %lt3A_1883, %add3A_1881, %select_n3A_1857 : vector<16xi1>, vector<16xf32>
        %select_n3A_1886 = arith.select %lt3A_1882, %broadcast_in_dim3A_1869, %select_n3A_1858 : vector<16xi1>, vector<16xi32>
        %select_n3A_1887 = arith.select %lt3A_1883, %broadcast_in_dim3A_1869, %select_n3A_1859 : vector<16xi1>, vector<16xi32>
        %get3A_1888 = arith.constant 512 : index
        %get3A_1889 = tpu.vector_load %arg6[%get3A_1888] {strides = array<i32>} : memref<2048xf32, #tpu.memory_space<vmem>>, vector<16xf32>,
        %get3A_1890 = arith.constant 528 : index
        %get3A_1891 = tpu.vector_load %arg6[%get3A_1890] {strides = array<i32>} : memref<2048xf32, #tpu.memory_space<vmem>>, vector<16xf32>,
        %get3A_1892 = arith.constant 544 : index
        %get3A_1893 = tpu.vector_load %arg6[%get3A_1892] {strides = array<i32>} : memref<2048xf32, #tpu.memory_space<vmem>>, vector<16xf32>,
        %get3A_1894 = arith.constant 560 : index
        %get3A_1895 = tpu.vector_load %arg6[%get3A_1894] {strides = array<i32>} : memref<2048xf32, #tpu.memory_space<vmem>>, vector<16xf32>,
        %broadcast_in_dim3A_1896 = arith.constant 8 : i32
        %broadcast_in_dim3A_1897 = vector.broadcast %broadcast_in_dim3A_1896 : i32 to vector<16xi32>
        %mul3A_1898 = arith.mulf %get3A_1613, %get3A_1891 : vector<16xf32>
        %mul3A_1899 = arith.mulf %get3A_1621, %get3A_1893 : vector<16xf32>
        %mul3A_1900 = arith.mulf %get3A_1629, %get3A_1895 : vector<16xf32>
        %add3A_1901 = arith.addf %mul3A_1900, %get3A_1889 : vector<16xf32>
        %add3A_1902 = arith.addf %mul3A_1899, %add3A_1901 : vector<16xf32>
        %add3A_1903 = arith.addf %mul3A_1898, %add3A_1902 : vector<16xf32>
        %mul3A_1904 = arith.mulf %get3A_1639, %get3A_1891 : vector<16xf32>
        %mul3A_1905 = arith.mulf %get3A_1649, %get3A_1893 : vector<16xf32>
        %mul3A_1906 = arith.mulf %get3A_1659, %get3A_1895 : vector<16xf32>
        %add3A_1907 = arith.addf %mul3A_1906, %get3A_1889 : vector<16xf32>
        %add3A_1908 = arith.addf %mul3A_1905, %add3A_1907 : vector<16xf32>
        %add3A_1909 = arith.addf %mul3A_1904, %add3A_1908 : vector<16xf32>
        %lt3A_1910 = arith.cmpf olt, %add3A_1903, %select_n3A_1884 : vector<16xf32>
        %lt3A_1911 = arith.cmpf olt, %add3A_1909, %select_n3A_1885 : vector<16xf32>
        %select_n3A_1912 = arith.select %lt3A_1910, %add3A_1903, %select_n3A_1884 : vector<16xi1>, vector<16xf32>
        %select_n3A_1913 = arith.select %lt3A_1911, %add3A_1909, %select_n3A_1885 : vector<16xi1>, vector<16xf32>
        %select_n3A_1914 = arith.select %lt3A_1910, %broadcast_in_dim3A_1897, %select_n3A_1886 : vector<16xi1>, vector<16xi32>
        %select_n3A_1915 = arith.select %lt3A_1911, %broadcast_in_dim3A_1897, %select_n3A_1887 : vector<16xi1>, vector<16xi32>
        %get3A_1916 = arith.constant 576 : index
        %get3A_1917 = tpu.vector_load %arg6[%get3A_1916] {strides = array<i32>} : memref<2048xf32, #tpu.memory_space<vmem>>, vector<16xf32>,
        %get3A_1918 = arith.constant 592 : index
        %get3A_1919 = tpu.vector_load %arg6[%get3A_1918] {strides = array<i32>} : memref<2048xf32, #tpu.memory_space<vmem>>, vector<16xf32>,
        %get3A_1920 = arith.constant 608 : index
        %get3A_1921 = tpu.vector_load %arg6[%get3A_1920] {strides = array<i32>} : memref<2048xf32, #tpu.memory_space<vmem>>, vector<16xf32>,
        %get3A_1922 = arith.constant 624 : index
        %get3A_1923 = tpu.vector_load %arg6[%get3A_1922] {strides = array<i32>} : memref<2048xf32, #tpu.memory_space<vmem>>, vector<16xf32>,
        %broadcast_in_dim3A_1924 = arith.constant 9 : i32
        %broadcast_in_dim3A_1925 = vector.broadcast %broadcast_in_dim3A_1924 : i32 to vector<16xi32>
        %mul3A_1926 = arith.mulf %get3A_1613, %get3A_1919 : vector<16xf32>
        %mul3A_1927 = arith.mulf %get3A_1621, %get3A_1921 : vector<16xf32>
        %mul3A_1928 = arith.mulf %get3A_1629, %get3A_1923 : vector<16xf32>
        %add3A_1929 = arith.addf %mul3A_1928, %get3A_1917 : vector<16xf32>
        %add3A_1930 = arith.addf %mul3A_1927, %add3A_1929 : vector<16xf32>
        %add3A_1931 = arith.addf %mul3A_1926, %add3A_1930 : vector<16xf32>
        %mul3A_1932 = arith.mulf %get3A_1639, %get3A_1919 : vector<16xf32>
        %mul3A_1933 = arith.mulf %get3A_1649, %get3A_1921 : vector<16xf32>
        %mul3A_1934 = arith.mulf %get3A_1659, %get3A_1923 : vector<16xf32>
        %add3A_1935 = arith.addf %mul3A_1934, %get3A_1917 : vector<16xf32>
        %add3A_1936 = arith.addf %mul3A_1933, %add3A_1935 : vector<16xf32>
        %add3A_1937 = arith.addf %mul3A_1932, %add3A_1936 : vector<16xf32>
        %lt3A_1938 = arith.cmpf olt, %add3A_1931, %select_n3A_1912 : vector<16xf32>
        %lt3A_1939 = arith.cmpf olt, %add3A_1937, %select_n3A_1913 : vector<16xf32>
        %select_n3A_1940 = arith.select %lt3A_1938, %add3A_1931, %select_n3A_1912 : vector<16xi1>, vector<16xf32>
        %select_n3A_1941 = arith.select %lt3A_1939, %add3A_1937, %select_n3A_1913 : vector<16xi1>, vector<16xf32>
        %select_n3A_1942 = arith.select %lt3A_1938, %broadcast_in_dim3A_1925, %select_n3A_1914 : vector<16xi1>, vector<16xi32>
        %select_n3A_1943 = arith.select %lt3A_1939, %broadcast_in_dim3A_1925, %select_n3A_1915 : vector<16xi1>, vector<16xi32>
        %get3A_1944 = arith.constant 640 : index
        %get3A_1945 = tpu.vector_load %arg6[%get3A_1944] {strides = array<i32>} : memref<2048xf32, #tpu.memory_space<vmem>>, vector<16xf32>,
        %get3A_1946 = arith.constant 656 : index
        %get3A_1947 = tpu.vector_load %arg6[%get3A_1946] {strides = array<i32>} : memref<2048xf32, #tpu.memory_space<vmem>>, vector<16xf32>,
        %get3A_1948 = arith.constant 672 : index
        %get3A_1949 = tpu.vector_load %arg6[%get3A_1948] {strides = array<i32>} : memref<2048xf32, #tpu.memory_space<vmem>>, vector<16xf32>,
        %get3A_1950 = arith.constant 688 : index
        %get3A_1951 = tpu.vector_load %arg6[%get3A_1950] {strides = array<i32>} : memref<2048xf32, #tpu.memory_space<vmem>>, vector<16xf32>,
        %broadcast_in_dim3A_1952 = arith.constant 10 : i32
        %broadcast_in_dim3A_1953 = vector.broadcast %broadcast_in_dim3A_1952 : i32 to vector<16xi32>
        %mul3A_1954 = arith.mulf %get3A_1613, %get3A_1947 : vector<16xf32>
        %mul3A_1955 = arith.mulf %get3A_1621, %get3A_1949 : vector<16xf32>
        %mul3A_1956 = arith.mulf %get3A_1629, %get3A_1951 : vector<16xf32>
        %add3A_1957 = arith.addf %mul3A_1956, %get3A_1945 : vector<16xf32>
        %add3A_1958 = arith.addf %mul3A_1955, %add3A_1957 : vector<16xf32>
        %add3A_1959 = arith.addf %mul3A_1954, %add3A_1958 : vector<16xf32>
        %mul3A_1960 = arith.mulf %get3A_1639, %get3A_1947 : vector<16xf32>
        %mul3A_1961 = arith.mulf %get3A_1649, %get3A_1949 : vector<16xf32>
        %mul3A_1962 = arith.mulf %get3A_1659, %get3A_1951 : vector<16xf32>
        %add3A_1963 = arith.addf %mul3A_1962, %get3A_1945 : vector<16xf32>
        %add3A_1964 = arith.addf %mul3A_1961, %add3A_1963 : vector<16xf32>
        %add3A_1965 = arith.addf %mul3A_1960, %add3A_1964 : vector<16xf32>
        %lt3A_1966 = arith.cmpf olt, %add3A_1959, %select_n3A_1940 : vector<16xf32>
        %lt3A_1967 = arith.cmpf olt, %add3A_1965, %select_n3A_1941 : vector<16xf32>
        %select_n3A_1968 = arith.select %lt3A_1966, %add3A_1959, %select_n3A_1940 : vector<16xi1>, vector<16xf32>
        %select_n3A_1969 = arith.select %lt3A_1967, %add3A_1965, %select_n3A_1941 : vector<16xi1>, vector<16xf32>
        %select_n3A_1970 = arith.select %lt3A_1966, %broadcast_in_dim3A_1953, %select_n3A_1942 : vector<16xi1>, vector<16xi32>
        %select_n3A_1971 = arith.select %lt3A_1967, %broadcast_in_dim3A_1953, %select_n3A_1943 : vector<16xi1>, vector<16xi32>
        %get3A_1972 = arith.constant 704 : index
        %get3A_1973 = tpu.vector_load %arg6[%get3A_1972] {strides = array<i32>} : memref<2048xf32, #tpu.memory_space<vmem>>, vector<16xf32>,
        %get3A_1974 = arith.constant 720 : index
        %get3A_1975 = tpu.vector_load %arg6[%get3A_1974] {strides = array<i32>} : memref<2048xf32, #tpu.memory_space<vmem>>, vector<16xf32>,
        %get3A_1976 = arith.constant 736 : index
        %get3A_1977 = tpu.vector_load %arg6[%get3A_1976] {strides = array<i32>} : memref<2048xf32, #tpu.memory_space<vmem>>, vector<16xf32>,
        %get3A_1978 = arith.constant 752 : index
        %get3A_1979 = tpu.vector_load %arg6[%get3A_1978] {strides = array<i32>} : memref<2048xf32, #tpu.memory_space<vmem>>, vector<16xf32>,
        %broadcast_in_dim3A_1980 = arith.constant 11 : i32
        %broadcast_in_dim3A_1981 = vector.broadcast %broadcast_in_dim3A_1980 : i32 to vector<16xi32>
        %mul3A_1982 = arith.mulf %get3A_1613, %get3A_1975 : vector<16xf32>
        %mul3A_1983 = arith.mulf %get3A_1621, %get3A_1977 : vector<16xf32>
        %mul3A_1984 = arith.mulf %get3A_1629, %get3A_1979 : vector<16xf32>
        %add3A_1985 = arith.addf %mul3A_1984, %get3A_1973 : vector<16xf32>
        %add3A_1986 = arith.addf %mul3A_1983, %add3A_1985 : vector<16xf32>
        %add3A_1987 = arith.addf %mul3A_1982, %add3A_1986 : vector<16xf32>
        %mul3A_1988 = arith.mulf %get3A_1639, %get3A_1975 : vector<16xf32>
        %mul3A_1989 = arith.mulf %get3A_1649, %get3A_1977 : vector<16xf32>
        %mul3A_1990 = arith.mulf %get3A_1659, %get3A_1979 : vector<16xf32>
        %add3A_1991 = arith.addf %mul3A_1990, %get3A_1973 : vector<16xf32>
        %add3A_1992 = arith.addf %mul3A_1989, %add3A_1991 : vector<16xf32>
        %add3A_1993 = arith.addf %mul3A_1988, %add3A_1992 : vector<16xf32>
        %lt3A_1994 = arith.cmpf olt, %add3A_1987, %select_n3A_1968 : vector<16xf32>
        %lt3A_1995 = arith.cmpf olt, %add3A_1993, %select_n3A_1969 : vector<16xf32>
        %select_n3A_1996 = arith.select %lt3A_1994, %add3A_1987, %select_n3A_1968 : vector<16xi1>, vector<16xf32>
        %select_n3A_1997 = arith.select %lt3A_1995, %add3A_1993, %select_n3A_1969 : vector<16xi1>, vector<16xf32>
        %select_n3A_1998 = arith.select %lt3A_1994, %broadcast_in_dim3A_1981, %select_n3A_1970 : vector<16xi1>, vector<16xi32>
        %select_n3A_1999 = arith.select %lt3A_1995, %broadcast_in_dim3A_1981, %select_n3A_1971 : vector<16xi1>, vector<16xi32>
        %get3A_2000 = arith.constant 768 : index
        %get3A_2001 = tpu.vector_load %arg6[%get3A_2000] {strides = array<i32>} : memref<2048xf32, #tpu.memory_space<vmem>>, vector<16xf32>,
        %get3A_2002 = arith.constant 784 : index
        %get3A_2003 = tpu.vector_load %arg6[%get3A_2002] {strides = array<i32>} : memref<2048xf32, #tpu.memory_space<vmem>>, vector<16xf32>,
        %get3A_2004 = arith.constant 800 : index
        %get3A_2005 = tpu.vector_load %arg6[%get3A_2004] {strides = array<i32>} : memref<2048xf32, #tpu.memory_space<vmem>>, vector<16xf32>,
        %get3A_2006 = arith.constant 816 : index
        %get3A_2007 = tpu.vector_load %arg6[%get3A_2006] {strides = array<i32>} : memref<2048xf32, #tpu.memory_space<vmem>>, vector<16xf32>,
        %broadcast_in_dim3A_2008 = arith.constant 12 : i32
        %broadcast_in_dim3A_2009 = vector.broadcast %broadcast_in_dim3A_2008 : i32 to vector<16xi32>
        %mul3A_2010 = arith.mulf %get3A_1613, %get3A_2003 : vector<16xf32>
        %mul3A_2011 = arith.mulf %get3A_1621, %get3A_2005 : vector<16xf32>
        %mul3A_2012 = arith.mulf %get3A_1629, %get3A_2007 : vector<16xf32>
        %add3A_2013 = arith.addf %mul3A_2012, %get3A_2001 : vector<16xf32>
        %add3A_2014 = arith.addf %mul3A_2011, %add3A_2013 : vector<16xf32>
        %add3A_2015 = arith.addf %mul3A_2010, %add3A_2014 : vector<16xf32>
        %mul3A_2016 = arith.mulf %get3A_1639, %get3A_2003 : vector<16xf32>
        %mul3A_2017 = arith.mulf %get3A_1649, %get3A_2005 : vector<16xf32>
        %mul3A_2018 = arith.mulf %get3A_1659, %get3A_2007 : vector<16xf32>
        %add3A_2019 = arith.addf %mul3A_2018, %get3A_2001 : vector<16xf32>
        %add3A_2020 = arith.addf %mul3A_2017, %add3A_2019 : vector<16xf32>
        %add3A_2021 = arith.addf %mul3A_2016, %add3A_2020 : vector<16xf32>
        %lt3A_2022 = arith.cmpf olt, %add3A_2015, %select_n3A_1996 : vector<16xf32>
        %lt3A_2023 = arith.cmpf olt, %add3A_2021, %select_n3A_1997 : vector<16xf32>
        %select_n3A_2024 = arith.select %lt3A_2022, %add3A_2015, %select_n3A_1996 : vector<16xi1>, vector<16xf32>
        %select_n3A_2025 = arith.select %lt3A_2023, %add3A_2021, %select_n3A_1997 : vector<16xi1>, vector<16xf32>
        %select_n3A_2026 = arith.select %lt3A_2022, %broadcast_in_dim3A_2009, %select_n3A_1998 : vector<16xi1>, vector<16xi32>
        %select_n3A_2027 = arith.select %lt3A_2023, %broadcast_in_dim3A_2009, %select_n3A_1999 : vector<16xi1>, vector<16xi32>
        %get3A_2028 = arith.constant 832 : index
        %get3A_2029 = tpu.vector_load %arg6[%get3A_2028] {strides = array<i32>} : memref<2048xf32, #tpu.memory_space<vmem>>, vector<16xf32>,
        %get3A_2030 = arith.constant 848 : index
        %get3A_2031 = tpu.vector_load %arg6[%get3A_2030] {strides = array<i32>} : memref<2048xf32, #tpu.memory_space<vmem>>, vector<16xf32>,
        %get3A_2032 = arith.constant 864 : index
        %get3A_2033 = tpu.vector_load %arg6[%get3A_2032] {strides = array<i32>} : memref<2048xf32, #tpu.memory_space<vmem>>, vector<16xf32>,
        %get3A_2034 = arith.constant 880 : index
        %get3A_2035 = tpu.vector_load %arg6[%get3A_2034] {strides = array<i32>} : memref<2048xf32, #tpu.memory_space<vmem>>, vector<16xf32>,
        %broadcast_in_dim3A_2036 = arith.constant 13 : i32
        %broadcast_in_dim3A_2037 = vector.broadcast %broadcast_in_dim3A_2036 : i32 to vector<16xi32>
        %mul3A_2038 = arith.mulf %get3A_1613, %get3A_2031 : vector<16xf32>
        %mul3A_2039 = arith.mulf %get3A_1621, %get3A_2033 : vector<16xf32>
        %mul3A_2040 = arith.mulf %get3A_1629, %get3A_2035 : vector<16xf32>
        %add3A_2041 = arith.addf %mul3A_2040, %get3A_2029 : vector<16xf32>
        %add3A_2042 = arith.addf %mul3A_2039, %add3A_2041 : vector<16xf32>
        %add3A_2043 = arith.addf %mul3A_2038, %add3A_2042 : vector<16xf32>
        %mul3A_2044 = arith.mulf %get3A_1639, %get3A_2031 : vector<16xf32>
        %mul3A_2045 = arith.mulf %get3A_1649, %get3A_2033 : vector<16xf32>
        %mul3A_2046 = arith.mulf %get3A_1659, %get3A_2035 : vector<16xf32>
        %add3A_2047 = arith.addf %mul3A_2046, %get3A_2029 : vector<16xf32>
        %add3A_2048 = arith.addf %mul3A_2045, %add3A_2047 : vector<16xf32>
        %add3A_2049 = arith.addf %mul3A_2044, %add3A_2048 : vector<16xf32>
        %lt3A_2050 = arith.cmpf olt, %add3A_2043, %select_n3A_2024 : vector<16xf32>
        %lt3A_2051 = arith.cmpf olt, %add3A_2049, %select_n3A_2025 : vector<16xf32>
        %select_n3A_2052 = arith.select %lt3A_2050, %add3A_2043, %select_n3A_2024 : vector<16xi1>, vector<16xf32>
        %select_n3A_2053 = arith.select %lt3A_2051, %add3A_2049, %select_n3A_2025 : vector<16xi1>, vector<16xf32>
        %select_n3A_2054 = arith.select %lt3A_2050, %broadcast_in_dim3A_2037, %select_n3A_2026 : vector<16xi1>, vector<16xi32>
        %select_n3A_2055 = arith.select %lt3A_2051, %broadcast_in_dim3A_2037, %select_n3A_2027 : vector<16xi1>, vector<16xi32>
        %get3A_2056 = arith.constant 896 : index
        %get3A_2057 = tpu.vector_load %arg6[%get3A_2056] {strides = array<i32>} : memref<2048xf32, #tpu.memory_space<vmem>>, vector<16xf32>,
        %get3A_2058 = arith.constant 912 : index
        %get3A_2059 = tpu.vector_load %arg6[%get3A_2058] {strides = array<i32>} : memref<2048xf32, #tpu.memory_space<vmem>>, vector<16xf32>,
        %get3A_2060 = arith.constant 928 : index
        %get3A_2061 = tpu.vector_load %arg6[%get3A_2060] {strides = array<i32>} : memref<2048xf32, #tpu.memory_space<vmem>>, vector<16xf32>,
        %get3A_2062 = arith.constant 944 : index
        %get3A_2063 = tpu.vector_load %arg6[%get3A_2062] {strides = array<i32>} : memref<2048xf32, #tpu.memory_space<vmem>>, vector<16xf32>,
        %broadcast_in_dim3A_2064 = arith.constant 14 : i32
        %broadcast_in_dim3A_2065 = vector.broadcast %broadcast_in_dim3A_2064 : i32 to vector<16xi32>
        %mul3A_2066 = arith.mulf %get3A_1613, %get3A_2059 : vector<16xf32>
        %mul3A_2067 = arith.mulf %get3A_1621, %get3A_2061 : vector<16xf32>
        %mul3A_2068 = arith.mulf %get3A_1629, %get3A_2063 : vector<16xf32>
        %add3A_2069 = arith.addf %mul3A_2068, %get3A_2057 : vector<16xf32>
        %add3A_2070 = arith.addf %mul3A_2067, %add3A_2069 : vector<16xf32>
        %add3A_2071 = arith.addf %mul3A_2066, %add3A_2070 : vector<16xf32>
        %mul3A_2072 = arith.mulf %get3A_1639, %get3A_2059 : vector<16xf32>
        %mul3A_2073 = arith.mulf %get3A_1649, %get3A_2061 : vector<16xf32>
        %mul3A_2074 = arith.mulf %get3A_1659, %get3A_2063 : vector<16xf32>
        %add3A_2075 = arith.addf %mul3A_2074, %get3A_2057 : vector<16xf32>
        %add3A_2076 = arith.addf %mul3A_2073, %add3A_2075 : vector<16xf32>
        %add3A_2077 = arith.addf %mul3A_2072, %add3A_2076 : vector<16xf32>
        %lt3A_2078 = arith.cmpf olt, %add3A_2071, %select_n3A_2052 : vector<16xf32>
        %lt3A_2079 = arith.cmpf olt, %add3A_2077, %select_n3A_2053 : vector<16xf32>
        %select_n3A_2080 = arith.select %lt3A_2078, %add3A_2071, %select_n3A_2052 : vector<16xi1>, vector<16xf32>
        %select_n3A_2081 = arith.select %lt3A_2079, %add3A_2077, %select_n3A_2053 : vector<16xi1>, vector<16xf32>
        %select_n3A_2082 = arith.select %lt3A_2078, %broadcast_in_dim3A_2065, %select_n3A_2054 : vector<16xi1>, vector<16xi32>
        %select_n3A_2083 = arith.select %lt3A_2079, %broadcast_in_dim3A_2065, %select_n3A_2055 : vector<16xi1>, vector<16xi32>
        %get3A_2084 = arith.constant 960 : index
        %get3A_2085 = tpu.vector_load %arg6[%get3A_2084] {strides = array<i32>} : memref<2048xf32, #tpu.memory_space<vmem>>, vector<16xf32>,
        %get3A_2086 = arith.constant 976 : index
        %get3A_2087 = tpu.vector_load %arg6[%get3A_2086] {strides = array<i32>} : memref<2048xf32, #tpu.memory_space<vmem>>, vector<16xf32>,
        %get3A_2088 = arith.constant 992 : index
        %get3A_2089 = tpu.vector_load %arg6[%get3A_2088] {strides = array<i32>} : memref<2048xf32, #tpu.memory_space<vmem>>, vector<16xf32>,
        %get3A_2090 = arith.constant 1008 : index
        %get3A_2091 = tpu.vector_load %arg6[%get3A_2090] {strides = array<i32>} : memref<2048xf32, #tpu.memory_space<vmem>>, vector<16xf32>,
        %broadcast_in_dim3A_2092 = arith.constant 15 : i32
        %broadcast_in_dim3A_2093 = vector.broadcast %broadcast_in_dim3A_2092 : i32 to vector<16xi32>
        %mul3A_2094 = arith.mulf %get3A_1613, %get3A_2087 : vector<16xf32>
        %mul3A_2095 = arith.mulf %get3A_1621, %get3A_2089 : vector<16xf32>
        %mul3A_2096 = arith.mulf %get3A_1629, %get3A_2091 : vector<16xf32>
        %add3A_2097 = arith.addf %mul3A_2096, %get3A_2085 : vector<16xf32>
        %add3A_2098 = arith.addf %mul3A_2095, %add3A_2097 : vector<16xf32>
        %add3A_2099 = arith.addf %mul3A_2094, %add3A_2098 : vector<16xf32>
        %mul3A_2100 = arith.mulf %get3A_1639, %get3A_2087 : vector<16xf32>
        %mul3A_2101 = arith.mulf %get3A_1649, %get3A_2089 : vector<16xf32>
        %mul3A_2102 = arith.mulf %get3A_1659, %get3A_2091 : vector<16xf32>
        %add3A_2103 = arith.addf %mul3A_2102, %get3A_2085 : vector<16xf32>
        %add3A_2104 = arith.addf %mul3A_2101, %add3A_2103 : vector<16xf32>
        %add3A_2105 = arith.addf %mul3A_2100, %add3A_2104 : vector<16xf32>
        %lt3A_2106 = arith.cmpf olt, %add3A_2099, %select_n3A_2080 : vector<16xf32>
        %lt3A_2107 = arith.cmpf olt, %add3A_2105, %select_n3A_2081 : vector<16xf32>
        %select_n3A_2108 = arith.select %lt3A_2106, %add3A_2099, %select_n3A_2080 : vector<16xi1>, vector<16xf32>
        %select_n3A_2109 = arith.select %lt3A_2107, %add3A_2105, %select_n3A_2081 : vector<16xi1>, vector<16xf32>
        %select_n3A_2110 = arith.select %lt3A_2106, %broadcast_in_dim3A_2093, %select_n3A_2082 : vector<16xi1>, vector<16xi32>
        %select_n3A_2111 = arith.select %lt3A_2107, %broadcast_in_dim3A_2093, %select_n3A_2083 : vector<16xi1>, vector<16xi32>
        %get3A_2112 = arith.constant 1024 : index
        %get3A_2113 = tpu.vector_load %arg6[%get3A_2112] {strides = array<i32>} : memref<2048xf32, #tpu.memory_space<vmem>>, vector<16xf32>,
        %get3A_2114 = arith.constant 1040 : index
        %get3A_2115 = tpu.vector_load %arg6[%get3A_2114] {strides = array<i32>} : memref<2048xf32, #tpu.memory_space<vmem>>, vector<16xf32>,
        %get3A_2116 = arith.constant 1056 : index
        %get3A_2117 = tpu.vector_load %arg6[%get3A_2116] {strides = array<i32>} : memref<2048xf32, #tpu.memory_space<vmem>>, vector<16xf32>,
        %get3A_2118 = arith.constant 1072 : index
        %get3A_2119 = tpu.vector_load %arg6[%get3A_2118] {strides = array<i32>} : memref<2048xf32, #tpu.memory_space<vmem>>, vector<16xf32>,
        %broadcast_in_dim3A_2120 = arith.constant 16 : i32
        %broadcast_in_dim3A_2121 = vector.broadcast %broadcast_in_dim3A_2120 : i32 to vector<16xi32>
        %mul3A_2122 = arith.mulf %get3A_1613, %get3A_2115 : vector<16xf32>
        %mul3A_2123 = arith.mulf %get3A_1621, %get3A_2117 : vector<16xf32>
        %mul3A_2124 = arith.mulf %get3A_1629, %get3A_2119 : vector<16xf32>
        %add3A_2125 = arith.addf %mul3A_2124, %get3A_2113 : vector<16xf32>
        %add3A_2126 = arith.addf %mul3A_2123, %add3A_2125 : vector<16xf32>
        %add3A_2127 = arith.addf %mul3A_2122, %add3A_2126 : vector<16xf32>
        %mul3A_2128 = arith.mulf %get3A_1639, %get3A_2115 : vector<16xf32>
        %mul3A_2129 = arith.mulf %get3A_1649, %get3A_2117 : vector<16xf32>
        %mul3A_2130 = arith.mulf %get3A_1659, %get3A_2119 : vector<16xf32>
        %add3A_2131 = arith.addf %mul3A_2130, %get3A_2113 : vector<16xf32>
        %add3A_2132 = arith.addf %mul3A_2129, %add3A_2131 : vector<16xf32>
        %add3A_2133 = arith.addf %mul3A_2128, %add3A_2132 : vector<16xf32>
        %lt3A_2134 = arith.cmpf olt, %add3A_2127, %select_n3A_2108 : vector<16xf32>
        %lt3A_2135 = arith.cmpf olt, %add3A_2133, %select_n3A_2109 : vector<16xf32>
        %select_n3A_2136 = arith.select %lt3A_2134, %add3A_2127, %select_n3A_2108 : vector<16xi1>, vector<16xf32>
        %select_n3A_2137 = arith.select %lt3A_2135, %add3A_2133, %select_n3A_2109 : vector<16xi1>, vector<16xf32>
        %select_n3A_2138 = arith.select %lt3A_2134, %broadcast_in_dim3A_2121, %select_n3A_2110 : vector<16xi1>, vector<16xi32>
        %select_n3A_2139 = arith.select %lt3A_2135, %broadcast_in_dim3A_2121, %select_n3A_2111 : vector<16xi1>, vector<16xi32>
        %get3A_2140 = arith.constant 1088 : index
        %get3A_2141 = tpu.vector_load %arg6[%get3A_2140] {strides = array<i32>} : memref<2048xf32, #tpu.memory_space<vmem>>, vector<16xf32>,
        %get3A_2142 = arith.constant 1104 : index
        %get3A_2143 = tpu.vector_load %arg6[%get3A_2142] {strides = array<i32>} : memref<2048xf32, #tpu.memory_space<vmem>>, vector<16xf32>,
        %get3A_2144 = arith.constant 1120 : index
        %get3A_2145 = tpu.vector_load %arg6[%get3A_2144] {strides = array<i32>} : memref<2048xf32, #tpu.memory_space<vmem>>, vector<16xf32>,
        %get3A_2146 = arith.constant 1136 : index
        %get3A_2147 = tpu.vector_load %arg6[%get3A_2146] {strides = array<i32>} : memref<2048xf32, #tpu.memory_space<vmem>>, vector<16xf32>,
        %broadcast_in_dim3A_2148 = arith.constant 17 : i32
        %broadcast_in_dim3A_2149 = vector.broadcast %broadcast_in_dim3A_2148 : i32 to vector<16xi32>
        %mul3A_2150 = arith.mulf %get3A_1613, %get3A_2143 : vector<16xf32>
        %mul3A_2151 = arith.mulf %get3A_1621, %get3A_2145 : vector<16xf32>
        %mul3A_2152 = arith.mulf %get3A_1629, %get3A_2147 : vector<16xf32>
        %add3A_2153 = arith.addf %mul3A_2152, %get3A_2141 : vector<16xf32>
        %add3A_2154 = arith.addf %mul3A_2151, %add3A_2153 : vector<16xf32>
        %add3A_2155 = arith.addf %mul3A_2150, %add3A_2154 : vector<16xf32>
        %mul3A_2156 = arith.mulf %get3A_1639, %get3A_2143 : vector<16xf32>
        %mul3A_2157 = arith.mulf %get3A_1649, %get3A_2145 : vector<16xf32>
        %mul3A_2158 = arith.mulf %get3A_1659, %get3A_2147 : vector<16xf32>
        %add3A_2159 = arith.addf %mul3A_2158, %get3A_2141 : vector<16xf32>
        %add3A_2160 = arith.addf %mul3A_2157, %add3A_2159 : vector<16xf32>
        %add3A_2161 = arith.addf %mul3A_2156, %add3A_2160 : vector<16xf32>
        %lt3A_2162 = arith.cmpf olt, %add3A_2155, %select_n3A_2136 : vector<16xf32>
        %lt3A_2163 = arith.cmpf olt, %add3A_2161, %select_n3A_2137 : vector<16xf32>
        %select_n3A_2164 = arith.select %lt3A_2162, %add3A_2155, %select_n3A_2136 : vector<16xi1>, vector<16xf32>
        %select_n3A_2165 = arith.select %lt3A_2163, %add3A_2161, %select_n3A_2137 : vector<16xi1>, vector<16xf32>
        %select_n3A_2166 = arith.select %lt3A_2162, %broadcast_in_dim3A_2149, %select_n3A_2138 : vector<16xi1>, vector<16xi32>
        %select_n3A_2167 = arith.select %lt3A_2163, %broadcast_in_dim3A_2149, %select_n3A_2139 : vector<16xi1>, vector<16xi32>
        %get3A_2168 = arith.constant 1152 : index
        %get3A_2169 = tpu.vector_load %arg6[%get3A_2168] {strides = array<i32>} : memref<2048xf32, #tpu.memory_space<vmem>>, vector<16xf32>,
        %get3A_2170 = arith.constant 1168 : index
        %get3A_2171 = tpu.vector_load %arg6[%get3A_2170] {strides = array<i32>} : memref<2048xf32, #tpu.memory_space<vmem>>, vector<16xf32>,
        %get3A_2172 = arith.constant 1184 : index
        %get3A_2173 = tpu.vector_load %arg6[%get3A_2172] {strides = array<i32>} : memref<2048xf32, #tpu.memory_space<vmem>>, vector<16xf32>,
        %get3A_2174 = arith.constant 1200 : index
        %get3A_2175 = tpu.vector_load %arg6[%get3A_2174] {strides = array<i32>} : memref<2048xf32, #tpu.memory_space<vmem>>, vector<16xf32>,
        %broadcast_in_dim3A_2176 = arith.constant 18 : i32
        %broadcast_in_dim3A_2177 = vector.broadcast %broadcast_in_dim3A_2176 : i32 to vector<16xi32>
        %mul3A_2178 = arith.mulf %get3A_1613, %get3A_2171 : vector<16xf32>
        %mul3A_2179 = arith.mulf %get3A_1621, %get3A_2173 : vector<16xf32>
        %mul3A_2180 = arith.mulf %get3A_1629, %get3A_2175 : vector<16xf32>
        %add3A_2181 = arith.addf %mul3A_2180, %get3A_2169 : vector<16xf32>
        %add3A_2182 = arith.addf %mul3A_2179, %add3A_2181 : vector<16xf32>
        %add3A_2183 = arith.addf %mul3A_2178, %add3A_2182 : vector<16xf32>
        %mul3A_2184 = arith.mulf %get3A_1639, %get3A_2171 : vector<16xf32>
        %mul3A_2185 = arith.mulf %get3A_1649, %get3A_2173 : vector<16xf32>
        %mul3A_2186 = arith.mulf %get3A_1659, %get3A_2175 : vector<16xf32>
        %add3A_2187 = arith.addf %mul3A_2186, %get3A_2169 : vector<16xf32>
        %add3A_2188 = arith.addf %mul3A_2185, %add3A_2187 : vector<16xf32>
        %add3A_2189 = arith.addf %mul3A_2184, %add3A_2188 : vector<16xf32>
        %lt3A_2190 = arith.cmpf olt, %add3A_2183, %select_n3A_2164 : vector<16xf32>
        %lt3A_2191 = arith.cmpf olt, %add3A_2189, %select_n3A_2165 : vector<16xf32>
        %select_n3A_2192 = arith.select %lt3A_2190, %add3A_2183, %select_n3A_2164 : vector<16xi1>, vector<16xf32>
        %select_n3A_2193 = arith.select %lt3A_2191, %add3A_2189, %select_n3A_2165 : vector<16xi1>, vector<16xf32>
        %select_n3A_2194 = arith.select %lt3A_2190, %broadcast_in_dim3A_2177, %select_n3A_2166 : vector<16xi1>, vector<16xi32>
        %select_n3A_2195 = arith.select %lt3A_2191, %broadcast_in_dim3A_2177, %select_n3A_2167 : vector<16xi1>, vector<16xi32>
        %get3A_2196 = arith.constant 1216 : index
        %get3A_2197 = tpu.vector_load %arg6[%get3A_2196] {strides = array<i32>} : memref<2048xf32, #tpu.memory_space<vmem>>, vector<16xf32>,
        %get3A_2198 = arith.constant 1232 : index
        %get3A_2199 = tpu.vector_load %arg6[%get3A_2198] {strides = array<i32>} : memref<2048xf32, #tpu.memory_space<vmem>>, vector<16xf32>,
        %get3A_2200 = arith.constant 1248 : index
        %get3A_2201 = tpu.vector_load %arg6[%get3A_2200] {strides = array<i32>} : memref<2048xf32, #tpu.memory_space<vmem>>, vector<16xf32>,
        %get3A_2202 = arith.constant 1264 : index
        %get3A_2203 = tpu.vector_load %arg6[%get3A_2202] {strides = array<i32>} : memref<2048xf32, #tpu.memory_space<vmem>>, vector<16xf32>,
        %broadcast_in_dim3A_2204 = arith.constant 19 : i32
        %broadcast_in_dim3A_2205 = vector.broadcast %broadcast_in_dim3A_2204 : i32 to vector<16xi32>
        %mul3A_2206 = arith.mulf %get3A_1613, %get3A_2199 : vector<16xf32>
        %mul3A_2207 = arith.mulf %get3A_1621, %get3A_2201 : vector<16xf32>
        %mul3A_2208 = arith.mulf %get3A_1629, %get3A_2203 : vector<16xf32>
        %add3A_2209 = arith.addf %mul3A_2208, %get3A_2197 : vector<16xf32>
        %add3A_2210 = arith.addf %mul3A_2207, %add3A_2209 : vector<16xf32>
        %add3A_2211 = arith.addf %mul3A_2206, %add3A_2210 : vector<16xf32>
        %mul3A_2212 = arith.mulf %get3A_1639, %get3A_2199 : vector<16xf32>
        %mul3A_2213 = arith.mulf %get3A_1649, %get3A_2201 : vector<16xf32>
        %mul3A_2214 = arith.mulf %get3A_1659, %get3A_2203 : vector<16xf32>
        %add3A_2215 = arith.addf %mul3A_2214, %get3A_2197 : vector<16xf32>
        %add3A_2216 = arith.addf %mul3A_2213, %add3A_2215 : vector<16xf32>
        %add3A_2217 = arith.addf %mul3A_2212, %add3A_2216 : vector<16xf32>
        %lt3A_2218 = arith.cmpf olt, %add3A_2211, %select_n3A_2192 : vector<16xf32>
        %lt3A_2219 = arith.cmpf olt, %add3A_2217, %select_n3A_2193 : vector<16xf32>
        %select_n3A_2220 = arith.select %lt3A_2218, %add3A_2211, %select_n3A_2192 : vector<16xi1>, vector<16xf32>
        %select_n3A_2221 = arith.select %lt3A_2219, %add3A_2217, %select_n3A_2193 : vector<16xi1>, vector<16xf32>
        %select_n3A_2222 = arith.select %lt3A_2218, %broadcast_in_dim3A_2205, %select_n3A_2194 : vector<16xi1>, vector<16xi32>
        %select_n3A_2223 = arith.select %lt3A_2219, %broadcast_in_dim3A_2205, %select_n3A_2195 : vector<16xi1>, vector<16xi32>
        %get3A_2224 = arith.constant 1280 : index
        %get3A_2225 = tpu.vector_load %arg6[%get3A_2224] {strides = array<i32>} : memref<2048xf32, #tpu.memory_space<vmem>>, vector<16xf32>,
        %get3A_2226 = arith.constant 1296 : index
        %get3A_2227 = tpu.vector_load %arg6[%get3A_2226] {strides = array<i32>} : memref<2048xf32, #tpu.memory_space<vmem>>, vector<16xf32>,
        %get3A_2228 = arith.constant 1312 : index
        %get3A_2229 = tpu.vector_load %arg6[%get3A_2228] {strides = array<i32>} : memref<2048xf32, #tpu.memory_space<vmem>>, vector<16xf32>,
        %get3A_2230 = arith.constant 1328 : index
        %get3A_2231 = tpu.vector_load %arg6[%get3A_2230] {strides = array<i32>} : memref<2048xf32, #tpu.memory_space<vmem>>, vector<16xf32>,
        %broadcast_in_dim3A_2232 = arith.constant 20 : i32
        %broadcast_in_dim3A_2233 = vector.broadcast %broadcast_in_dim3A_2232 : i32 to vector<16xi32>
        %mul3A_2234 = arith.mulf %get3A_1613, %get3A_2227 : vector<16xf32>
        %mul3A_2235 = arith.mulf %get3A_1621, %get3A_2229 : vector<16xf32>
        %mul3A_2236 = arith.mulf %get3A_1629, %get3A_2231 : vector<16xf32>
        %add3A_2237 = arith.addf %mul3A_2236, %get3A_2225 : vector<16xf32>
        %add3A_2238 = arith.addf %mul3A_2235, %add3A_2237 : vector<16xf32>
        %add3A_2239 = arith.addf %mul3A_2234, %add3A_2238 : vector<16xf32>
        %mul3A_2240 = arith.mulf %get3A_1639, %get3A_2227 : vector<16xf32>
        %mul3A_2241 = arith.mulf %get3A_1649, %get3A_2229 : vector<16xf32>
        %mul3A_2242 = arith.mulf %get3A_1659, %get3A_2231 : vector<16xf32>
        %add3A_2243 = arith.addf %mul3A_2242, %get3A_2225 : vector<16xf32>
        %add3A_2244 = arith.addf %mul3A_2241, %add3A_2243 : vector<16xf32>
        %add3A_2245 = arith.addf %mul3A_2240, %add3A_2244 : vector<16xf32>
        %lt3A_2246 = arith.cmpf olt, %add3A_2239, %select_n3A_2220 : vector<16xf32>
        %lt3A_2247 = arith.cmpf olt, %add3A_2245, %select_n3A_2221 : vector<16xf32>
        %select_n3A_2248 = arith.select %lt3A_2246, %add3A_2239, %select_n3A_2220 : vector<16xi1>, vector<16xf32>
        %select_n3A_2249 = arith.select %lt3A_2247, %add3A_2245, %select_n3A_2221 : vector<16xi1>, vector<16xf32>
        %select_n3A_2250 = arith.select %lt3A_2246, %broadcast_in_dim3A_2233, %select_n3A_2222 : vector<16xi1>, vector<16xi32>
        %select_n3A_2251 = arith.select %lt3A_2247, %broadcast_in_dim3A_2233, %select_n3A_2223 : vector<16xi1>, vector<16xi32>
        %get3A_2252 = arith.constant 1344 : index
        %get3A_2253 = tpu.vector_load %arg6[%get3A_2252] {strides = array<i32>} : memref<2048xf32, #tpu.memory_space<vmem>>, vector<16xf32>,
        %get3A_2254 = arith.constant 1360 : index
        %get3A_2255 = tpu.vector_load %arg6[%get3A_2254] {strides = array<i32>} : memref<2048xf32, #tpu.memory_space<vmem>>, vector<16xf32>,
        %get3A_2256 = arith.constant 1376 : index
        %get3A_2257 = tpu.vector_load %arg6[%get3A_2256] {strides = array<i32>} : memref<2048xf32, #tpu.memory_space<vmem>>, vector<16xf32>,
        %get3A_2258 = arith.constant 1392 : index
        %get3A_2259 = tpu.vector_load %arg6[%get3A_2258] {strides = array<i32>} : memref<2048xf32, #tpu.memory_space<vmem>>, vector<16xf32>,
        %broadcast_in_dim3A_2260 = arith.constant 21 : i32
        %broadcast_in_dim3A_2261 = vector.broadcast %broadcast_in_dim3A_2260 : i32 to vector<16xi32>
        %mul3A_2262 = arith.mulf %get3A_1613, %get3A_2255 : vector<16xf32>
        %mul3A_2263 = arith.mulf %get3A_1621, %get3A_2257 : vector<16xf32>
        %mul3A_2264 = arith.mulf %get3A_1629, %get3A_2259 : vector<16xf32>
        %add3A_2265 = arith.addf %mul3A_2264, %get3A_2253 : vector<16xf32>
        %add3A_2266 = arith.addf %mul3A_2263, %add3A_2265 : vector<16xf32>
        %add3A_2267 = arith.addf %mul3A_2262, %add3A_2266 : vector<16xf32>
        %mul3A_2268 = arith.mulf %get3A_1639, %get3A_2255 : vector<16xf32>
        %mul3A_2269 = arith.mulf %get3A_1649, %get3A_2257 : vector<16xf32>
        %mul3A_2270 = arith.mulf %get3A_1659, %get3A_2259 : vector<16xf32>
        %add3A_2271 = arith.addf %mul3A_2270, %get3A_2253 : vector<16xf32>
        %add3A_2272 = arith.addf %mul3A_2269, %add3A_2271 : vector<16xf32>
        %add3A_2273 = arith.addf %mul3A_2268, %add3A_2272 : vector<16xf32>
        %lt3A_2274 = arith.cmpf olt, %add3A_2267, %select_n3A_2248 : vector<16xf32>
        %lt3A_2275 = arith.cmpf olt, %add3A_2273, %select_n3A_2249 : vector<16xf32>
        %select_n3A_2276 = arith.select %lt3A_2274, %add3A_2267, %select_n3A_2248 : vector<16xi1>, vector<16xf32>
        %select_n3A_2277 = arith.select %lt3A_2275, %add3A_2273, %select_n3A_2249 : vector<16xi1>, vector<16xf32>
        %select_n3A_2278 = arith.select %lt3A_2274, %broadcast_in_dim3A_2261, %select_n3A_2250 : vector<16xi1>, vector<16xi32>
        %select_n3A_2279 = arith.select %lt3A_2275, %broadcast_in_dim3A_2261, %select_n3A_2251 : vector<16xi1>, vector<16xi32>
        %get3A_2280 = arith.constant 1408 : index
        %get3A_2281 = tpu.vector_load %arg6[%get3A_2280] {strides = array<i32>} : memref<2048xf32, #tpu.memory_space<vmem>>, vector<16xf32>,
        %get3A_2282 = arith.constant 1424 : index
        %get3A_2283 = tpu.vector_load %arg6[%get3A_2282] {strides = array<i32>} : memref<2048xf32, #tpu.memory_space<vmem>>, vector<16xf32>,
        %get3A_2284 = arith.constant 1440 : index
        %get3A_2285 = tpu.vector_load %arg6[%get3A_2284] {strides = array<i32>} : memref<2048xf32, #tpu.memory_space<vmem>>, vector<16xf32>,
        %get3A_2286 = arith.constant 1456 : index
        %get3A_2287 = tpu.vector_load %arg6[%get3A_2286] {strides = array<i32>} : memref<2048xf32, #tpu.memory_space<vmem>>, vector<16xf32>,
        %broadcast_in_dim3A_2288 = arith.constant 22 : i32
        %broadcast_in_dim3A_2289 = vector.broadcast %broadcast_in_dim3A_2288 : i32 to vector<16xi32>
        %mul3A_2290 = arith.mulf %get3A_1613, %get3A_2283 : vector<16xf32>
        %mul3A_2291 = arith.mulf %get3A_1621, %get3A_2285 : vector<16xf32>
        %mul3A_2292 = arith.mulf %get3A_1629, %get3A_2287 : vector<16xf32>
        %add3A_2293 = arith.addf %mul3A_2292, %get3A_2281 : vector<16xf32>
        %add3A_2294 = arith.addf %mul3A_2291, %add3A_2293 : vector<16xf32>
        %add3A_2295 = arith.addf %mul3A_2290, %add3A_2294 : vector<16xf32>
        %mul3A_2296 = arith.mulf %get3A_1639, %get3A_2283 : vector<16xf32>
        %mul3A_2297 = arith.mulf %get3A_1649, %get3A_2285 : vector<16xf32>
        %mul3A_2298 = arith.mulf %get3A_1659, %get3A_2287 : vector<16xf32>
        %add3A_2299 = arith.addf %mul3A_2298, %get3A_2281 : vector<16xf32>
        %add3A_2300 = arith.addf %mul3A_2297, %add3A_2299 : vector<16xf32>
        %add3A_2301 = arith.addf %mul3A_2296, %add3A_2300 : vector<16xf32>
        %lt3A_2302 = arith.cmpf olt, %add3A_2295, %select_n3A_2276 : vector<16xf32>
        %lt3A_2303 = arith.cmpf olt, %add3A_2301, %select_n3A_2277 : vector<16xf32>
        %select_n3A_2304 = arith.select %lt3A_2302, %add3A_2295, %select_n3A_2276 : vector<16xi1>, vector<16xf32>
        %select_n3A_2305 = arith.select %lt3A_2303, %add3A_2301, %select_n3A_2277 : vector<16xi1>, vector<16xf32>
        %select_n3A_2306 = arith.select %lt3A_2302, %broadcast_in_dim3A_2289, %select_n3A_2278 : vector<16xi1>, vector<16xi32>
        %select_n3A_2307 = arith.select %lt3A_2303, %broadcast_in_dim3A_2289, %select_n3A_2279 : vector<16xi1>, vector<16xi32>
        %get3A_2308 = arith.constant 1472 : index
        %get3A_2309 = tpu.vector_load %arg6[%get3A_2308] {strides = array<i32>} : memref<2048xf32, #tpu.memory_space<vmem>>, vector<16xf32>,
        %get3A_2310 = arith.constant 1488 : index
        %get3A_2311 = tpu.vector_load %arg6[%get3A_2310] {strides = array<i32>} : memref<2048xf32, #tpu.memory_space<vmem>>, vector<16xf32>,
        %get3A_2312 = arith.constant 1504 : index
        %get3A_2313 = tpu.vector_load %arg6[%get3A_2312] {strides = array<i32>} : memref<2048xf32, #tpu.memory_space<vmem>>, vector<16xf32>,
        %get3A_2314 = arith.constant 1520 : index
        %get3A_2315 = tpu.vector_load %arg6[%get3A_2314] {strides = array<i32>} : memref<2048xf32, #tpu.memory_space<vmem>>, vector<16xf32>,
        %broadcast_in_dim3A_2316 = arith.constant 23 : i32
        %broadcast_in_dim3A_2317 = vector.broadcast %broadcast_in_dim3A_2316 : i32 to vector<16xi32>
        %mul3A_2318 = arith.mulf %get3A_1613, %get3A_2311 : vector<16xf32>
        %mul3A_2319 = arith.mulf %get3A_1621, %get3A_2313 : vector<16xf32>
        %mul3A_2320 = arith.mulf %get3A_1629, %get3A_2315 : vector<16xf32>
        %add3A_2321 = arith.addf %mul3A_2320, %get3A_2309 : vector<16xf32>
        %add3A_2322 = arith.addf %mul3A_2319, %add3A_2321 : vector<16xf32>
        %add3A_2323 = arith.addf %mul3A_2318, %add3A_2322 : vector<16xf32>
        %mul3A_2324 = arith.mulf %get3A_1639, %get3A_2311 : vector<16xf32>
        %mul3A_2325 = arith.mulf %get3A_1649, %get3A_2313 : vector<16xf32>
        %mul3A_2326 = arith.mulf %get3A_1659, %get3A_2315 : vector<16xf32>
        %add3A_2327 = arith.addf %mul3A_2326, %get3A_2309 : vector<16xf32>
        %add3A_2328 = arith.addf %mul3A_2325, %add3A_2327 : vector<16xf32>
        %add3A_2329 = arith.addf %mul3A_2324, %add3A_2328 : vector<16xf32>
        %lt3A_2330 = arith.cmpf olt, %add3A_2323, %select_n3A_2304 : vector<16xf32>
        %lt3A_2331 = arith.cmpf olt, %add3A_2329, %select_n3A_2305 : vector<16xf32>
        %select_n3A_2332 = arith.select %lt3A_2330, %add3A_2323, %select_n3A_2304 : vector<16xi1>, vector<16xf32>
        %select_n3A_2333 = arith.select %lt3A_2331, %add3A_2329, %select_n3A_2305 : vector<16xi1>, vector<16xf32>
        %select_n3A_2334 = arith.select %lt3A_2330, %broadcast_in_dim3A_2317, %select_n3A_2306 : vector<16xi1>, vector<16xi32>
        %select_n3A_2335 = arith.select %lt3A_2331, %broadcast_in_dim3A_2317, %select_n3A_2307 : vector<16xi1>, vector<16xi32>
        %get3A_2336 = arith.constant 1536 : index
        %get3A_2337 = tpu.vector_load %arg6[%get3A_2336] {strides = array<i32>} : memref<2048xf32, #tpu.memory_space<vmem>>, vector<16xf32>,
        %get3A_2338 = arith.constant 1552 : index
        %get3A_2339 = tpu.vector_load %arg6[%get3A_2338] {strides = array<i32>} : memref<2048xf32, #tpu.memory_space<vmem>>, vector<16xf32>,
        %get3A_2340 = arith.constant 1568 : index
        %get3A_2341 = tpu.vector_load %arg6[%get3A_2340] {strides = array<i32>} : memref<2048xf32, #tpu.memory_space<vmem>>, vector<16xf32>,
        %get3A_2342 = arith.constant 1584 : index
        %get3A_2343 = tpu.vector_load %arg6[%get3A_2342] {strides = array<i32>} : memref<2048xf32, #tpu.memory_space<vmem>>, vector<16xf32>,
        %broadcast_in_dim3A_2344 = arith.constant 24 : i32
        %broadcast_in_dim3A_2345 = vector.broadcast %broadcast_in_dim3A_2344 : i32 to vector<16xi32>
        %mul3A_2346 = arith.mulf %get3A_1613, %get3A_2339 : vector<16xf32>
        %mul3A_2347 = arith.mulf %get3A_1621, %get3A_2341 : vector<16xf32>
        %mul3A_2348 = arith.mulf %get3A_1629, %get3A_2343 : vector<16xf32>
        %add3A_2349 = arith.addf %mul3A_2348, %get3A_2337 : vector<16xf32>
        %add3A_2350 = arith.addf %mul3A_2347, %add3A_2349 : vector<16xf32>
        %add3A_2351 = arith.addf %mul3A_2346, %add3A_2350 : vector<16xf32>
        %mul3A_2352 = arith.mulf %get3A_1639, %get3A_2339 : vector<16xf32>
        %mul3A_2353 = arith.mulf %get3A_1649, %get3A_2341 : vector<16xf32>
        %mul3A_2354 = arith.mulf %get3A_1659, %get3A_2343 : vector<16xf32>
        %add3A_2355 = arith.addf %mul3A_2354, %get3A_2337 : vector<16xf32>
        %add3A_2356 = arith.addf %mul3A_2353, %add3A_2355 : vector<16xf32>
        %add3A_2357 = arith.addf %mul3A_2352, %add3A_2356 : vector<16xf32>
        %lt3A_2358 = arith.cmpf olt, %add3A_2351, %select_n3A_2332 : vector<16xf32>
        %lt3A_2359 = arith.cmpf olt, %add3A_2357, %select_n3A_2333 : vector<16xf32>
        %select_n3A_2360 = arith.select %lt3A_2358, %add3A_2351, %select_n3A_2332 : vector<16xi1>, vector<16xf32>
        %select_n3A_2361 = arith.select %lt3A_2359, %add3A_2357, %select_n3A_2333 : vector<16xi1>, vector<16xf32>
        %select_n3A_2362 = arith.select %lt3A_2358, %broadcast_in_dim3A_2345, %select_n3A_2334 : vector<16xi1>, vector<16xi32>
        %select_n3A_2363 = arith.select %lt3A_2359, %broadcast_in_dim3A_2345, %select_n3A_2335 : vector<16xi1>, vector<16xi32>
        %get3A_2364 = arith.constant 1600 : index
        %get3A_2365 = tpu.vector_load %arg6[%get3A_2364] {strides = array<i32>} : memref<2048xf32, #tpu.memory_space<vmem>>, vector<16xf32>,
        %get3A_2366 = arith.constant 1616 : index
        %get3A_2367 = tpu.vector_load %arg6[%get3A_2366] {strides = array<i32>} : memref<2048xf32, #tpu.memory_space<vmem>>, vector<16xf32>,
        %get3A_2368 = arith.constant 1632 : index
        %get3A_2369 = tpu.vector_load %arg6[%get3A_2368] {strides = array<i32>} : memref<2048xf32, #tpu.memory_space<vmem>>, vector<16xf32>,
        %get3A_2370 = arith.constant 1648 : index
        %get3A_2371 = tpu.vector_load %arg6[%get3A_2370] {strides = array<i32>} : memref<2048xf32, #tpu.memory_space<vmem>>, vector<16xf32>,
        %broadcast_in_dim3A_2372 = arith.constant 25 : i32
        %broadcast_in_dim3A_2373 = vector.broadcast %broadcast_in_dim3A_2372 : i32 to vector<16xi32>
        %mul3A_2374 = arith.mulf %get3A_1613, %get3A_2367 : vector<16xf32>
        %mul3A_2375 = arith.mulf %get3A_1621, %get3A_2369 : vector<16xf32>
        %mul3A_2376 = arith.mulf %get3A_1629, %get3A_2371 : vector<16xf32>
        %add3A_2377 = arith.addf %mul3A_2376, %get3A_2365 : vector<16xf32>
        %add3A_2378 = arith.addf %mul3A_2375, %add3A_2377 : vector<16xf32>
        %add3A_2379 = arith.addf %mul3A_2374, %add3A_2378 : vector<16xf32>
        %mul3A_2380 = arith.mulf %get3A_1639, %get3A_2367 : vector<16xf32>
        %mul3A_2381 = arith.mulf %get3A_1649, %get3A_2369 : vector<16xf32>
        %mul3A_2382 = arith.mulf %get3A_1659, %get3A_2371 : vector<16xf32>
        %add3A_2383 = arith.addf %mul3A_2382, %get3A_2365 : vector<16xf32>
        %add3A_2384 = arith.addf %mul3A_2381, %add3A_2383 : vector<16xf32>
        %add3A_2385 = arith.addf %mul3A_2380, %add3A_2384 : vector<16xf32>
        %lt3A_2386 = arith.cmpf olt, %add3A_2379, %select_n3A_2360 : vector<16xf32>
        %lt3A_2387 = arith.cmpf olt, %add3A_2385, %select_n3A_2361 : vector<16xf32>
        %select_n3A_2388 = arith.select %lt3A_2386, %add3A_2379, %select_n3A_2360 : vector<16xi1>, vector<16xf32>
        %select_n3A_2389 = arith.select %lt3A_2387, %add3A_2385, %select_n3A_2361 : vector<16xi1>, vector<16xf32>
        %select_n3A_2390 = arith.select %lt3A_2386, %broadcast_in_dim3A_2373, %select_n3A_2362 : vector<16xi1>, vector<16xi32>
        %select_n3A_2391 = arith.select %lt3A_2387, %broadcast_in_dim3A_2373, %select_n3A_2363 : vector<16xi1>, vector<16xi32>
        %get3A_2392 = arith.constant 1664 : index
        %get3A_2393 = tpu.vector_load %arg6[%get3A_2392] {strides = array<i32>} : memref<2048xf32, #tpu.memory_space<vmem>>, vector<16xf32>,
        %get3A_2394 = arith.constant 1680 : index
        %get3A_2395 = tpu.vector_load %arg6[%get3A_2394] {strides = array<i32>} : memref<2048xf32, #tpu.memory_space<vmem>>, vector<16xf32>,
        %get3A_2396 = arith.constant 1696 : index
        %get3A_2397 = tpu.vector_load %arg6[%get3A_2396] {strides = array<i32>} : memref<2048xf32, #tpu.memory_space<vmem>>, vector<16xf32>,
        %get3A_2398 = arith.constant 1712 : index
        %get3A_2399 = tpu.vector_load %arg6[%get3A_2398] {strides = array<i32>} : memref<2048xf32, #tpu.memory_space<vmem>>, vector<16xf32>,
        %broadcast_in_dim3A_2400 = arith.constant 26 : i32
        %broadcast_in_dim3A_2401 = vector.broadcast %broadcast_in_dim3A_2400 : i32 to vector<16xi32>
        %mul3A_2402 = arith.mulf %get3A_1613, %get3A_2395 : vector<16xf32>
        %mul3A_2403 = arith.mulf %get3A_1621, %get3A_2397 : vector<16xf32>
        %mul3A_2404 = arith.mulf %get3A_1629, %get3A_2399 : vector<16xf32>
        %add3A_2405 = arith.addf %mul3A_2404, %get3A_2393 : vector<16xf32>
        %add3A_2406 = arith.addf %mul3A_2403, %add3A_2405 : vector<16xf32>
        %add3A_2407 = arith.addf %mul3A_2402, %add3A_2406 : vector<16xf32>
        %mul3A_2408 = arith.mulf %get3A_1639, %get3A_2395 : vector<16xf32>
        %mul3A_2409 = arith.mulf %get3A_1649, %get3A_2397 : vector<16xf32>
        %mul3A_2410 = arith.mulf %get3A_1659, %get3A_2399 : vector<16xf32>
        %add3A_2411 = arith.addf %mul3A_2410, %get3A_2393 : vector<16xf32>
        %add3A_2412 = arith.addf %mul3A_2409, %add3A_2411 : vector<16xf32>
        %add3A_2413 = arith.addf %mul3A_2408, %add3A_2412 : vector<16xf32>
        %lt3A_2414 = arith.cmpf olt, %add3A_2407, %select_n3A_2388 : vector<16xf32>
        %lt3A_2415 = arith.cmpf olt, %add3A_2413, %select_n3A_2389 : vector<16xf32>
        %select_n3A_2416 = arith.select %lt3A_2414, %add3A_2407, %select_n3A_2388 : vector<16xi1>, vector<16xf32>
        %select_n3A_2417 = arith.select %lt3A_2415, %add3A_2413, %select_n3A_2389 : vector<16xi1>, vector<16xf32>
        %select_n3A_2418 = arith.select %lt3A_2414, %broadcast_in_dim3A_2401, %select_n3A_2390 : vector<16xi1>, vector<16xi32>
        %select_n3A_2419 = arith.select %lt3A_2415, %broadcast_in_dim3A_2401, %select_n3A_2391 : vector<16xi1>, vector<16xi32>
        %get3A_2420 = arith.constant 1728 : index
        %get3A_2421 = tpu.vector_load %arg6[%get3A_2420] {strides = array<i32>} : memref<2048xf32, #tpu.memory_space<vmem>>, vector<16xf32>,
        %get3A_2422 = arith.constant 1744 : index
        %get3A_2423 = tpu.vector_load %arg6[%get3A_2422] {strides = array<i32>} : memref<2048xf32, #tpu.memory_space<vmem>>, vector<16xf32>,
        %get3A_2424 = arith.constant 1760 : index
        %get3A_2425 = tpu.vector_load %arg6[%get3A_2424] {strides = array<i32>} : memref<2048xf32, #tpu.memory_space<vmem>>, vector<16xf32>,
        %get3A_2426 = arith.constant 1776 : index
        %get3A_2427 = tpu.vector_load %arg6[%get3A_2426] {strides = array<i32>} : memref<2048xf32, #tpu.memory_space<vmem>>, vector<16xf32>,
        %broadcast_in_dim3A_2428 = arith.constant 27 : i32
        %broadcast_in_dim3A_2429 = vector.broadcast %broadcast_in_dim3A_2428 : i32 to vector<16xi32>
        %mul3A_2430 = arith.mulf %get3A_1613, %get3A_2423 : vector<16xf32>
        %mul3A_2431 = arith.mulf %get3A_1621, %get3A_2425 : vector<16xf32>
        %mul3A_2432 = arith.mulf %get3A_1629, %get3A_2427 : vector<16xf32>
        %add3A_2433 = arith.addf %mul3A_2432, %get3A_2421 : vector<16xf32>
        %add3A_2434 = arith.addf %mul3A_2431, %add3A_2433 : vector<16xf32>
        %add3A_2435 = arith.addf %mul3A_2430, %add3A_2434 : vector<16xf32>
        %mul3A_2436 = arith.mulf %get3A_1639, %get3A_2423 : vector<16xf32>
        %mul3A_2437 = arith.mulf %get3A_1649, %get3A_2425 : vector<16xf32>
        %mul3A_2438 = arith.mulf %get3A_1659, %get3A_2427 : vector<16xf32>
        %add3A_2439 = arith.addf %mul3A_2438, %get3A_2421 : vector<16xf32>
        %add3A_2440 = arith.addf %mul3A_2437, %add3A_2439 : vector<16xf32>
        %add3A_2441 = arith.addf %mul3A_2436, %add3A_2440 : vector<16xf32>
        %lt3A_2442 = arith.cmpf olt, %add3A_2435, %select_n3A_2416 : vector<16xf32>
        %lt3A_2443 = arith.cmpf olt, %add3A_2441, %select_n3A_2417 : vector<16xf32>
        %select_n3A_2444 = arith.select %lt3A_2442, %add3A_2435, %select_n3A_2416 : vector<16xi1>, vector<16xf32>
        %select_n3A_2445 = arith.select %lt3A_2443, %add3A_2441, %select_n3A_2417 : vector<16xi1>, vector<16xf32>
        %select_n3A_2446 = arith.select %lt3A_2442, %broadcast_in_dim3A_2429, %select_n3A_2418 : vector<16xi1>, vector<16xi32>
        %select_n3A_2447 = arith.select %lt3A_2443, %broadcast_in_dim3A_2429, %select_n3A_2419 : vector<16xi1>, vector<16xi32>
        %get3A_2448 = arith.constant 1792 : index
        %get3A_2449 = tpu.vector_load %arg6[%get3A_2448] {strides = array<i32>} : memref<2048xf32, #tpu.memory_space<vmem>>, vector<16xf32>,
        %get3A_2450 = arith.constant 1808 : index
        %get3A_2451 = tpu.vector_load %arg6[%get3A_2450] {strides = array<i32>} : memref<2048xf32, #tpu.memory_space<vmem>>, vector<16xf32>,
        %get3A_2452 = arith.constant 1824 : index
        %get3A_2453 = tpu.vector_load %arg6[%get3A_2452] {strides = array<i32>} : memref<2048xf32, #tpu.memory_space<vmem>>, vector<16xf32>,
        %get3A_2454 = arith.constant 1840 : index
        %get3A_2455 = tpu.vector_load %arg6[%get3A_2454] {strides = array<i32>} : memref<2048xf32, #tpu.memory_space<vmem>>, vector<16xf32>,
        %broadcast_in_dim3A_2456 = arith.constant 28 : i32
        %broadcast_in_dim3A_2457 = vector.broadcast %broadcast_in_dim3A_2456 : i32 to vector<16xi32>
        %mul3A_2458 = arith.mulf %get3A_1613, %get3A_2451 : vector<16xf32>
        %mul3A_2459 = arith.mulf %get3A_1621, %get3A_2453 : vector<16xf32>
        %mul3A_2460 = arith.mulf %get3A_1629, %get3A_2455 : vector<16xf32>
        %add3A_2461 = arith.addf %mul3A_2460, %get3A_2449 : vector<16xf32>
        %add3A_2462 = arith.addf %mul3A_2459, %add3A_2461 : vector<16xf32>
        %add3A_2463 = arith.addf %mul3A_2458, %add3A_2462 : vector<16xf32>
        %mul3A_2464 = arith.mulf %get3A_1639, %get3A_2451 : vector<16xf32>
        %mul3A_2465 = arith.mulf %get3A_1649, %get3A_2453 : vector<16xf32>
        %mul3A_2466 = arith.mulf %get3A_1659, %get3A_2455 : vector<16xf32>
        %add3A_2467 = arith.addf %mul3A_2466, %get3A_2449 : vector<16xf32>
        %add3A_2468 = arith.addf %mul3A_2465, %add3A_2467 : vector<16xf32>
        %add3A_2469 = arith.addf %mul3A_2464, %add3A_2468 : vector<16xf32>
        %lt3A_2470 = arith.cmpf olt, %add3A_2463, %select_n3A_2444 : vector<16xf32>
        %lt3A_2471 = arith.cmpf olt, %add3A_2469, %select_n3A_2445 : vector<16xf32>
        %select_n3A_2472 = arith.select %lt3A_2470, %add3A_2463, %select_n3A_2444 : vector<16xi1>, vector<16xf32>
        %select_n3A_2473 = arith.select %lt3A_2471, %add3A_2469, %select_n3A_2445 : vector<16xi1>, vector<16xf32>
        %select_n3A_2474 = arith.select %lt3A_2470, %broadcast_in_dim3A_2457, %select_n3A_2446 : vector<16xi1>, vector<16xi32>
        %select_n3A_2475 = arith.select %lt3A_2471, %broadcast_in_dim3A_2457, %select_n3A_2447 : vector<16xi1>, vector<16xi32>
        %get3A_2476 = arith.constant 1856 : index
        %get3A_2477 = tpu.vector_load %arg6[%get3A_2476] {strides = array<i32>} : memref<2048xf32, #tpu.memory_space<vmem>>, vector<16xf32>,
        %get3A_2478 = arith.constant 1872 : index
        %get3A_2479 = tpu.vector_load %arg6[%get3A_2478] {strides = array<i32>} : memref<2048xf32, #tpu.memory_space<vmem>>, vector<16xf32>,
        %get3A_2480 = arith.constant 1888 : index
        %get3A_2481 = tpu.vector_load %arg6[%get3A_2480] {strides = array<i32>} : memref<2048xf32, #tpu.memory_space<vmem>>, vector<16xf32>,
        %get3A_2482 = arith.constant 1904 : index
        %get3A_2483 = tpu.vector_load %arg6[%get3A_2482] {strides = array<i32>} : memref<2048xf32, #tpu.memory_space<vmem>>, vector<16xf32>,
        %broadcast_in_dim3A_2484 = arith.constant 29 : i32
        %broadcast_in_dim3A_2485 = vector.broadcast %broadcast_in_dim3A_2484 : i32 to vector<16xi32>
        %mul3A_2486 = arith.mulf %get3A_1613, %get3A_2479 : vector<16xf32>
        %mul3A_2487 = arith.mulf %get3A_1621, %get3A_2481 : vector<16xf32>
        %mul3A_2488 = arith.mulf %get3A_1629, %get3A_2483 : vector<16xf32>
        %add3A_2489 = arith.addf %mul3A_2488, %get3A_2477 : vector<16xf32>
        %add3A_2490 = arith.addf %mul3A_2487, %add3A_2489 : vector<16xf32>
        %add3A_2491 = arith.addf %mul3A_2486, %add3A_2490 : vector<16xf32>
        %mul3A_2492 = arith.mulf %get3A_1639, %get3A_2479 : vector<16xf32>
        %mul3A_2493 = arith.mulf %get3A_1649, %get3A_2481 : vector<16xf32>
        %mul3A_2494 = arith.mulf %get3A_1659, %get3A_2483 : vector<16xf32>
        %add3A_2495 = arith.addf %mul3A_2494, %get3A_2477 : vector<16xf32>
        %add3A_2496 = arith.addf %mul3A_2493, %add3A_2495 : vector<16xf32>
        %add3A_2497 = arith.addf %mul3A_2492, %add3A_2496 : vector<16xf32>
        %lt3A_2498 = arith.cmpf olt, %add3A_2491, %select_n3A_2472 : vector<16xf32>
        %lt3A_2499 = arith.cmpf olt, %add3A_2497, %select_n3A_2473 : vector<16xf32>
        %select_n3A_2500 = arith.select %lt3A_2498, %add3A_2491, %select_n3A_2472 : vector<16xi1>, vector<16xf32>
        %select_n3A_2501 = arith.select %lt3A_2499, %add3A_2497, %select_n3A_2473 : vector<16xi1>, vector<16xf32>
        %select_n3A_2502 = arith.select %lt3A_2498, %broadcast_in_dim3A_2485, %select_n3A_2474 : vector<16xi1>, vector<16xi32>
        %select_n3A_2503 = arith.select %lt3A_2499, %broadcast_in_dim3A_2485, %select_n3A_2475 : vector<16xi1>, vector<16xi32>
        %get3A_2504 = arith.constant 1920 : index
        %get3A_2505 = tpu.vector_load %arg6[%get3A_2504] {strides = array<i32>} : memref<2048xf32, #tpu.memory_space<vmem>>, vector<16xf32>,
        %get3A_2506 = arith.constant 1936 : index
        %get3A_2507 = tpu.vector_load %arg6[%get3A_2506] {strides = array<i32>} : memref<2048xf32, #tpu.memory_space<vmem>>, vector<16xf32>,
        %get3A_2508 = arith.constant 1952 : index
        %get3A_2509 = tpu.vector_load %arg6[%get3A_2508] {strides = array<i32>} : memref<2048xf32, #tpu.memory_space<vmem>>, vector<16xf32>,
        %get3A_2510 = arith.constant 1968 : index
        %get3A_2511 = tpu.vector_load %arg6[%get3A_2510] {strides = array<i32>} : memref<2048xf32, #tpu.memory_space<vmem>>, vector<16xf32>,
        %broadcast_in_dim3A_2512 = arith.constant 30 : i32
        %broadcast_in_dim3A_2513 = vector.broadcast %broadcast_in_dim3A_2512 : i32 to vector<16xi32>
        %mul3A_2514 = arith.mulf %get3A_1613, %get3A_2507 : vector<16xf32>
        %mul3A_2515 = arith.mulf %get3A_1621, %get3A_2509 : vector<16xf32>
        %mul3A_2516 = arith.mulf %get3A_1629, %get3A_2511 : vector<16xf32>
        %add3A_2517 = arith.addf %mul3A_2516, %get3A_2505 : vector<16xf32>
        %add3A_2518 = arith.addf %mul3A_2515, %add3A_2517 : vector<16xf32>
        %add3A_2519 = arith.addf %mul3A_2514, %add3A_2518 : vector<16xf32>
        %mul3A_2520 = arith.mulf %get3A_1639, %get3A_2507 : vector<16xf32>
        %mul3A_2521 = arith.mulf %get3A_1649, %get3A_2509 : vector<16xf32>
        %mul3A_2522 = arith.mulf %get3A_1659, %get3A_2511 : vector<16xf32>
        %add3A_2523 = arith.addf %mul3A_2522, %get3A_2505 : vector<16xf32>
        %add3A_2524 = arith.addf %mul3A_2521, %add3A_2523 : vector<16xf32>
        %add3A_2525 = arith.addf %mul3A_2520, %add3A_2524 : vector<16xf32>
        %lt3A_2526 = arith.cmpf olt, %add3A_2519, %select_n3A_2500 : vector<16xf32>
        %lt3A_2527 = arith.cmpf olt, %add3A_2525, %select_n3A_2501 : vector<16xf32>
        %select_n3A_2528 = arith.select %lt3A_2526, %add3A_2519, %select_n3A_2500 : vector<16xi1>, vector<16xf32>
        %select_n3A_2529 = arith.select %lt3A_2527, %add3A_2525, %select_n3A_2501 : vector<16xi1>, vector<16xf32>
        %select_n3A_2530 = arith.select %lt3A_2526, %broadcast_in_dim3A_2513, %select_n3A_2502 : vector<16xi1>, vector<16xi32>
        %select_n3A_2531 = arith.select %lt3A_2527, %broadcast_in_dim3A_2513, %select_n3A_2503 : vector<16xi1>, vector<16xi32>
        %get3A_2532 = arith.constant 1984 : index
        %get3A_2533 = tpu.vector_load %arg6[%get3A_2532] {strides = array<i32>} : memref<2048xf32, #tpu.memory_space<vmem>>, vector<16xf32>,
        %get3A_2534 = arith.constant 2000 : index
        %get3A_2535 = tpu.vector_load %arg6[%get3A_2534] {strides = array<i32>} : memref<2048xf32, #tpu.memory_space<vmem>>, vector<16xf32>,
        %get3A_2536 = arith.constant 2016 : index
        %get3A_2537 = tpu.vector_load %arg6[%get3A_2536] {strides = array<i32>} : memref<2048xf32, #tpu.memory_space<vmem>>, vector<16xf32>,
        %get3A_2538 = arith.constant 2032 : index
        %get3A_2539 = tpu.vector_load %arg6[%get3A_2538] {strides = array<i32>} : memref<2048xf32, #tpu.memory_space<vmem>>, vector<16xf32>,
        %broadcast_in_dim3A_2540 = arith.constant 31 : i32
        %broadcast_in_dim3A_2541 = vector.broadcast %broadcast_in_dim3A_2540 : i32 to vector<16xi32>
        %mul3A_2542 = arith.mulf %get3A_1613, %get3A_2535 : vector<16xf32>
        %mul3A_2543 = arith.mulf %get3A_1621, %get3A_2537 : vector<16xf32>
        %mul3A_2544 = arith.mulf %get3A_1629, %get3A_2539 : vector<16xf32>
        %add3A_2545 = arith.addf %mul3A_2544, %get3A_2533 : vector<16xf32>
        %add3A_2546 = arith.addf %mul3A_2543, %add3A_2545 : vector<16xf32>
        %add3A_2547 = arith.addf %mul3A_2542, %add3A_2546 : vector<16xf32>
        %mul3A_2548 = arith.mulf %get3A_1639, %get3A_2535 : vector<16xf32>
        %mul3A_2549 = arith.mulf %get3A_1649, %get3A_2537 : vector<16xf32>
        %mul3A_2550 = arith.mulf %get3A_1659, %get3A_2539 : vector<16xf32>
        %add3A_2551 = arith.addf %mul3A_2550, %get3A_2533 : vector<16xf32>
        %add3A_2552 = arith.addf %mul3A_2549, %add3A_2551 : vector<16xf32>
        %add3A_2553 = arith.addf %mul3A_2548, %add3A_2552 : vector<16xf32>
        %lt3A_2554 = arith.cmpf olt, %add3A_2547, %select_n3A_2528 : vector<16xf32>
        %lt3A_2555 = arith.cmpf olt, %add3A_2553, %select_n3A_2529 : vector<16xf32>
        %select_n3A_2556 = arith.select %lt3A_2554, %add3A_2547, %select_n3A_2528 : vector<16xi1>, vector<16xf32>
        %select_n3A_2557 = arith.select %lt3A_2555, %add3A_2553, %select_n3A_2529 : vector<16xi1>, vector<16xf32>
        %select_n3A_2558 = arith.select %lt3A_2554, %broadcast_in_dim3A_2541, %select_n3A_2530 : vector<16xi1>, vector<16xi32>
        %select_n3A_2559 = arith.select %lt3A_2555, %broadcast_in_dim3A_2541, %select_n3A_2531 : vector<16xi1>, vector<16xi32>
        %mul3A_2560 = arith.constant 128 : i32
        %mul3A_2561 = vector.broadcast %mul3A_2560 : i32 to vector<16xi32>
        %mul3A_2562 = arith.muli %iota3A, %mul3A_2561 : vector<16xi32>
        %add3A_2563 = arith.addi %mul3A_2562, %select_n3A_2558 : vector<16xi32>
        tpu.vector_store_idx %arg7[%add3A_2563], %get3A_1613 {add = true} : memref<2048xf32, #tpu.memory_space<vmem>>[vector<16xi32>], vector<16xf32>,
        %add3A_2564 = arith.constant 32 : i32
        %add3A_2565 = vector.broadcast %add3A_2564 : i32 to vector<16xi32>
        %add3A_2566 = arith.addi %add3A_2563, %add3A_2565 : vector<16xi32>
        tpu.vector_store_idx %arg7[%add3A_2566], %get3A_1621 {add = true} : memref<2048xf32, #tpu.memory_space<vmem>>[vector<16xi32>], vector<16xf32>,
        %add3A_2567 = arith.constant 64 : i32
        %add3A_2568 = vector.broadcast %add3A_2567 : i32 to vector<16xi32>
        %add3A_2569 = arith.addi %add3A_2563, %add3A_2568 : vector<16xi32>
        tpu.vector_store_idx %arg7[%add3A_2569], %get3A_1629 {add = true} : memref<2048xf32, #tpu.memory_space<vmem>>[vector<16xi32>], vector<16xf32>,
        %add3A_2570 = arith.constant 96 : i32
        %add3A_2571 = vector.broadcast %add3A_2570 : i32 to vector<16xi32>
        %add3A_2572 = arith.addi %add3A_2563, %add3A_2571 : vector<16xi32>
        tpu.vector_store_idx %arg7[%add3A_2572], %broadcast_in_dim3A_60 {add = true} : memref<2048xf32, #tpu.memory_space<vmem>>[vector<16xi32>], vector<16xf32>,
        %mul3A_2573 = arith.constant 128 : i32
        %mul3A_2574 = vector.broadcast %mul3A_2573 : i32 to vector<16xi32>
        %mul3A_2575 = arith.muli %iota3A, %mul3A_2574 : vector<16xi32>
        %add3A_2576 = arith.addi %mul3A_2575, %select_n3A_2559 : vector<16xi32>
        tpu.vector_store_idx %arg7[%add3A_2576], %get3A_1639 {add = true} : memref<2048xf32, #tpu.memory_space<vmem>>[vector<16xi32>], vector<16xf32>,
        %add3A_2577 = arith.constant 32 : i32
        %add3A_2578 = vector.broadcast %add3A_2577 : i32 to vector<16xi32>
        %add3A_2579 = arith.addi %add3A_2576, %add3A_2578 : vector<16xi32>
        tpu.vector_store_idx %arg7[%add3A_2579], %get3A_1649 {add = true} : memref<2048xf32, #tpu.memory_space<vmem>>[vector<16xi32>], vector<16xf32>,
        %add3A_2580 = arith.constant 64 : i32
        %add3A_2581 = vector.broadcast %add3A_2580 : i32 to vector<16xi32>
        %add3A_2582 = arith.addi %add3A_2576, %add3A_2581 : vector<16xi32>
        tpu.vector_store_idx %arg7[%add3A_2582], %get3A_1659 {add = true} : memref<2048xf32, #tpu.memory_space<vmem>>[vector<16xi32>], vector<16xf32>,
        %add3A_2583 = arith.constant 96 : i32
        %add3A_2584 = vector.broadcast %add3A_2583 : i32 to vector<16xi32>
        %add3A_2585 = arith.addi %add3A_2576, %add3A_2584 : vector<16xi32>
        tpu.vector_store_idx %arg7[%add3A_2585], %broadcast_in_dim3A_60 {add = true} : memref<2048xf32, #tpu.memory_space<vmem>>[vector<16xi32>], vector<16xf32>,
        %scan3A_2586 = arith.constant 0 : i32
        scf.yield %scan3A_2586 : i32
      }
      %scan3A_1032 = arith.constant 1152 : i32
      %get3A_1033 = arith.constant 0 : index
      %get3A_1034 = tpu.vector_load %arg7[%get3A_1033] {strides = array<i32>} : memref<2048xf32, #tpu.memory_space<vmem>>, vector<16xf32>,
      %get3A_1035 = arith.constant 128 : index
      %get3A_1036 = tpu.vector_load %arg7[%get3A_1035] {strides = array<i32>} : memref<2048xf32, #tpu.memory_space<vmem>>, vector<16xf32>,
      %add3A_1037 = arith.addf %get3A_1034, %get3A_1036 : vector<16xf32>
      %get3A_1038 = arith.constant 256 : index
      %get3A_1039 = tpu.vector_load %arg7[%get3A_1038] {strides = array<i32>} : memref<2048xf32, #tpu.memory_space<vmem>>, vector<16xf32>,
      %add3A_1040 = arith.addf %add3A_1037, %get3A_1039 : vector<16xf32>
      %get3A_1041 = arith.constant 384 : index
      %get3A_1042 = tpu.vector_load %arg7[%get3A_1041] {strides = array<i32>} : memref<2048xf32, #tpu.memory_space<vmem>>, vector<16xf32>,
      %add3A_1043 = arith.addf %add3A_1040, %get3A_1042 : vector<16xf32>
      %get3A_1044 = arith.constant 512 : index
      %get3A_1045 = tpu.vector_load %arg7[%get3A_1044] {strides = array<i32>} : memref<2048xf32, #tpu.memory_space<vmem>>, vector<16xf32>,
      %add3A_1046 = arith.addf %add3A_1043, %get3A_1045 : vector<16xf32>
      %get3A_1047 = arith.constant 640 : index
      %get3A_1048 = tpu.vector_load %arg7[%get3A_1047] {strides = array<i32>} : memref<2048xf32, #tpu.memory_space<vmem>>, vector<16xf32>,
      %add3A_1049 = arith.addf %add3A_1046, %get3A_1048 : vector<16xf32>
      %get3A_1050 = arith.constant 768 : index
      %get3A_1051 = tpu.vector_load %arg7[%get3A_1050] {strides = array<i32>} : memref<2048xf32, #tpu.memory_space<vmem>>, vector<16xf32>,
      %add3A_1052 = arith.addf %add3A_1049, %get3A_1051 : vector<16xf32>
      %get3A_1053 = arith.constant 896 : index
      %get3A_1054 = tpu.vector_load %arg7[%get3A_1053] {strides = array<i32>} : memref<2048xf32, #tpu.memory_space<vmem>>, vector<16xf32>,
      %add3A_1055 = arith.addf %add3A_1052, %get3A_1054 : vector<16xf32>
      %get3A_1056 = arith.constant 1024 : index
      %get3A_1057 = tpu.vector_load %arg7[%get3A_1056] {strides = array<i32>} : memref<2048xf32, #tpu.memory_space<vmem>>, vector<16xf32>,
      %add3A_1058 = arith.addf %add3A_1055, %get3A_1057 : vector<16xf32>
      %get3A_1059 = arith.constant 1152 : index
      %get3A_1060 = tpu.vector_load %arg7[%get3A_1059] {strides = array<i32>} : memref<2048xf32, #tpu.memory_space<vmem>>, vector<16xf32>,
      %add3A_1061 = arith.addf %add3A_1058, %get3A_1060 : vector<16xf32>
      %get3A_1062 = arith.constant 1280 : index
      %get3A_1063 = tpu.vector_load %arg7[%get3A_1062] {strides = array<i32>} : memref<2048xf32, #tpu.memory_space<vmem>>, vector<16xf32>,
      %add3A_1064 = arith.addf %add3A_1061, %get3A_1063 : vector<16xf32>
      %get3A_1065 = arith.constant 1408 : index
      %get3A_1066 = tpu.vector_load %arg7[%get3A_1065] {strides = array<i32>} : memref<2048xf32, #tpu.memory_space<vmem>>, vector<16xf32>,
      %add3A_1067 = arith.addf %add3A_1064, %get3A_1066 : vector<16xf32>
      %get3A_1068 = arith.constant 1536 : index
      %get3A_1069 = tpu.vector_load %arg7[%get3A_1068] {strides = array<i32>} : memref<2048xf32, #tpu.memory_space<vmem>>, vector<16xf32>,
      %add3A_1070 = arith.addf %add3A_1067, %get3A_1069 : vector<16xf32>
      %get3A_1071 = arith.constant 1664 : index
      %get3A_1072 = tpu.vector_load %arg7[%get3A_1071] {strides = array<i32>} : memref<2048xf32, #tpu.memory_space<vmem>>, vector<16xf32>,
      %add3A_1073 = arith.addf %add3A_1070, %get3A_1072 : vector<16xf32>
      %get3A_1074 = arith.constant 1792 : index
      %get3A_1075 = tpu.vector_load %arg7[%get3A_1074] {strides = array<i32>} : memref<2048xf32, #tpu.memory_space<vmem>>, vector<16xf32>,
      %add3A_1076 = arith.addf %add3A_1073, %get3A_1075 : vector<16xf32>
      %get3A_1077 = arith.constant 1920 : index
      %get3A_1078 = tpu.vector_load %arg7[%get3A_1077] {strides = array<i32>} : memref<2048xf32, #tpu.memory_space<vmem>>, vector<16xf32>,
      %add3A_1079 = arith.addf %add3A_1076, %get3A_1078 : vector<16xf32>
      %swap3A_1080 = arith.constant 0 : index
      %swap3A_1081 = tpu.vector_load %arg8[%swap3A_1080] {strides = array<i32>} : memref<128xf32, #tpu.memory_space<vmem>>, vector<16xf32>,
      tpu.vector_store %arg8[%swap3A_1080], %add3A_1079 {strides = array<i32>} : memref<128xf32, #tpu.memory_space<vmem>>, vector<16xf32>,
      %get3A_1082 = arith.constant 16 : index
      %get3A_1083 = tpu.vector_load %arg7[%get3A_1082] {strides = array<i32>} : memref<2048xf32, #tpu.memory_space<vmem>>, vector<16xf32>,
      %get3A_1084 = arith.constant 144 : index
      %get3A_1085 = tpu.vector_load %arg7[%get3A_1084] {strides = array<i32>} : memref<2048xf32, #tpu.memory_space<vmem>>, vector<16xf32>,
      %add3A_1086 = arith.addf %get3A_1083, %get3A_1085 : vector<16xf32>
      %get3A_1087 = arith.constant 272 : index
      %get3A_1088 = tpu.vector_load %arg7[%get3A_1087] {strides = array<i32>} : memref<2048xf32, #tpu.memory_space<vmem>>, vector<16xf32>,
      %add3A_1089 = arith.addf %add3A_1086, %get3A_1088 : vector<16xf32>
      %get3A_1090 = arith.constant 400 : index
      %get3A_1091 = tpu.vector_load %arg7[%get3A_1090] {strides = array<i32>} : memref<2048xf32, #tpu.memory_space<vmem>>, vector<16xf32>,
      %add3A_1092 = arith.addf %add3A_1089, %get3A_1091 : vector<16xf32>
      %get3A_1093 = arith.constant 528 : index
      %get3A_1094 = tpu.vector_load %arg7[%get3A_1093] {strides = array<i32>} : memref<2048xf32, #tpu.memory_space<vmem>>, vector<16xf32>,
      %add3A_1095 = arith.addf %add3A_1092, %get3A_1094 : vector<16xf32>
      %get3A_1096 = arith.constant 656 : index
      %get3A_1097 = tpu.vector_load %arg7[%get3A_1096] {strides = array<i32>} : memref<2048xf32, #tpu.memory_space<vmem>>, vector<16xf32>,
      %add3A_1098 = arith.addf %add3A_1095, %get3A_1097 : vector<16xf32>
      %get3A_1099 = arith.constant 784 : index
      %get3A_1100 = tpu.vector_load %arg7[%get3A_1099] {strides = array<i32>} : memref<2048xf32, #tpu.memory_space<vmem>>, vector<16xf32>,
      %add3A_1101 = arith.addf %add3A_1098, %get3A_1100 : vector<16xf32>
      %get3A_1102 = arith.constant 912 : index
      %get3A_1103 = tpu.vector_load %arg7[%get3A_1102] {strides = array<i32>} : memref<2048xf32, #tpu.memory_space<vmem>>, vector<16xf32>,
      %add3A_1104 = arith.addf %add3A_1101, %get3A_1103 : vector<16xf32>
      %get3A_1105 = arith.constant 1040 : index
      %get3A_1106 = tpu.vector_load %arg7[%get3A_1105] {strides = array<i32>} : memref<2048xf32, #tpu.memory_space<vmem>>, vector<16xf32>,
      %add3A_1107 = arith.addf %add3A_1104, %get3A_1106 : vector<16xf32>
      %get3A_1108 = arith.constant 1168 : index
      %get3A_1109 = tpu.vector_load %arg7[%get3A_1108] {strides = array<i32>} : memref<2048xf32, #tpu.memory_space<vmem>>, vector<16xf32>,
      %add3A_1110 = arith.addf %add3A_1107, %get3A_1109 : vector<16xf32>
      %get3A_1111 = arith.constant 1296 : index
      %get3A_1112 = tpu.vector_load %arg7[%get3A_1111] {strides = array<i32>} : memref<2048xf32, #tpu.memory_space<vmem>>, vector<16xf32>,
      %add3A_1113 = arith.addf %add3A_1110, %get3A_1112 : vector<16xf32>
      %get3A_1114 = arith.constant 1424 : index
      %get3A_1115 = tpu.vector_load %arg7[%get3A_1114] {strides = array<i32>} : memref<2048xf32, #tpu.memory_space<vmem>>, vector<16xf32>,
      %add3A_1116 = arith.addf %add3A_1113, %get3A_1115 : vector<16xf32>
      %get3A_1117 = arith.constant 1552 : index
      %get3A_1118 = tpu.vector_load %arg7[%get3A_1117] {strides = array<i32>} : memref<2048xf32, #tpu.memory_space<vmem>>, vector<16xf32>,
      %add3A_1119 = arith.addf %add3A_1116, %get3A_1118 : vector<16xf32>
      %get3A_1120 = arith.constant 1680 : index
      %get3A_1121 = tpu.vector_load %arg7[%get3A_1120] {strides = array<i32>} : memref<2048xf32, #tpu.memory_space<vmem>>, vector<16xf32>,
      %add3A_1122 = arith.addf %add3A_1119, %get3A_1121 : vector<16xf32>
      %get3A_1123 = arith.constant 1808 : index
      %get3A_1124 = tpu.vector_load %arg7[%get3A_1123] {strides = array<i32>} : memref<2048xf32, #tpu.memory_space<vmem>>, vector<16xf32>,
      %add3A_1125 = arith.addf %add3A_1122, %get3A_1124 : vector<16xf32>
      %get3A_1126 = arith.constant 1936 : index
      %get3A_1127 = tpu.vector_load %arg7[%get3A_1126] {strides = array<i32>} : memref<2048xf32, #tpu.memory_space<vmem>>, vector<16xf32>,
      %add3A_1128 = arith.addf %add3A_1125, %get3A_1127 : vector<16xf32>
      %swap3A_1129 = arith.constant 16 : index
      %swap3A_1130 = tpu.vector_load %arg8[%swap3A_1129] {strides = array<i32>} : memref<128xf32, #tpu.memory_space<vmem>>, vector<16xf32>,
      tpu.vector_store %arg8[%swap3A_1129], %add3A_1128 {strides = array<i32>} : memref<128xf32, #tpu.memory_space<vmem>>, vector<16xf32>,
      %get3A_1131 = arith.constant 32 : index
      %get3A_1132 = tpu.vector_load %arg7[%get3A_1131] {strides = array<i32>} : memref<2048xf32, #tpu.memory_space<vmem>>, vector<16xf32>,
      %get3A_1133 = arith.constant 160 : index
      %get3A_1134 = tpu.vector_load %arg7[%get3A_1133] {strides = array<i32>} : memref<2048xf32, #tpu.memory_space<vmem>>, vector<16xf32>,
      %add3A_1135 = arith.addf %get3A_1132, %get3A_1134 : vector<16xf32>
      %get3A_1136 = arith.constant 288 : index
      %get3A_1137 = tpu.vector_load %arg7[%get3A_1136] {strides = array<i32>} : memref<2048xf32, #tpu.memory_space<vmem>>, vector<16xf32>,
      %add3A_1138 = arith.addf %add3A_1135, %get3A_1137 : vector<16xf32>
      %get3A_1139 = arith.constant 416 : index
      %get3A_1140 = tpu.vector_load %arg7[%get3A_1139] {strides = array<i32>} : memref<2048xf32, #tpu.memory_space<vmem>>, vector<16xf32>,
      %add3A_1141 = arith.addf %add3A_1138, %get3A_1140 : vector<16xf32>
      %get3A_1142 = arith.constant 544 : index
      %get3A_1143 = tpu.vector_load %arg7[%get3A_1142] {strides = array<i32>} : memref<2048xf32, #tpu.memory_space<vmem>>, vector<16xf32>,
      %add3A_1144 = arith.addf %add3A_1141, %get3A_1143 : vector<16xf32>
      %get3A_1145 = arith.constant 672 : index
      %get3A_1146 = tpu.vector_load %arg7[%get3A_1145] {strides = array<i32>} : memref<2048xf32, #tpu.memory_space<vmem>>, vector<16xf32>,
      %add3A_1147 = arith.addf %add3A_1144, %get3A_1146 : vector<16xf32>
      %get3A_1148 = arith.constant 800 : index
      %get3A_1149 = tpu.vector_load %arg7[%get3A_1148] {strides = array<i32>} : memref<2048xf32, #tpu.memory_space<vmem>>, vector<16xf32>,
      %add3A_1150 = arith.addf %add3A_1147, %get3A_1149 : vector<16xf32>
      %get3A_1151 = arith.constant 928 : index
      %get3A_1152 = tpu.vector_load %arg7[%get3A_1151] {strides = array<i32>} : memref<2048xf32, #tpu.memory_space<vmem>>, vector<16xf32>,
      %add3A_1153 = arith.addf %add3A_1150, %get3A_1152 : vector<16xf32>
      %get3A_1154 = arith.constant 1056 : index
      %get3A_1155 = tpu.vector_load %arg7[%get3A_1154] {strides = array<i32>} : memref<2048xf32, #tpu.memory_space<vmem>>, vector<16xf32>,
      %add3A_1156 = arith.addf %add3A_1153, %get3A_1155 : vector<16xf32>
      %get3A_1157 = arith.constant 1184 : index
      %get3A_1158 = tpu.vector_load %arg7[%get3A_1157] {strides = array<i32>} : memref<2048xf32, #tpu.memory_space<vmem>>, vector<16xf32>,
      %add3A_1159 = arith.addf %add3A_1156, %get3A_1158 : vector<16xf32>
      %get3A_1160 = arith.constant 1312 : index
      %get3A_1161 = tpu.vector_load %arg7[%get3A_1160] {strides = array<i32>} : memref<2048xf32, #tpu.memory_space<vmem>>, vector<16xf32>,
      %add3A_1162 = arith.addf %add3A_1159, %get3A_1161 : vector<16xf32>
      %get3A_1163 = arith.constant 1440 : index
      %get3A_1164 = tpu.vector_load %arg7[%get3A_1163] {strides = array<i32>} : memref<2048xf32, #tpu.memory_space<vmem>>, vector<16xf32>,
      %add3A_1165 = arith.addf %add3A_1162, %get3A_1164 : vector<16xf32>
      %get3A_1166 = arith.constant 1568 : index
      %get3A_1167 = tpu.vector_load %arg7[%get3A_1166] {strides = array<i32>} : memref<2048xf32, #tpu.memory_space<vmem>>, vector<16xf32>,
      %add3A_1168 = arith.addf %add3A_1165, %get3A_1167 : vector<16xf32>
      %get3A_1169 = arith.constant 1696 : index
      %get3A_1170 = tpu.vector_load %arg7[%get3A_1169] {strides = array<i32>} : memref<2048xf32, #tpu.memory_space<vmem>>, vector<16xf32>,
      %add3A_1171 = arith.addf %add3A_1168, %get3A_1170 : vector<16xf32>
      %get3A_1172 = arith.constant 1824 : index
      %get3A_1173 = tpu.vector_load %arg7[%get3A_1172] {strides = array<i32>} : memref<2048xf32, #tpu.memory_space<vmem>>, vector<16xf32>,
      %add3A_1174 = arith.addf %add3A_1171, %get3A_1173 : vector<16xf32>
      %get3A_1175 = arith.constant 1952 : index
      %get3A_1176 = tpu.vector_load %arg7[%get3A_1175] {strides = array<i32>} : memref<2048xf32, #tpu.memory_space<vmem>>, vector<16xf32>,
      %add3A_1177 = arith.addf %add3A_1174, %get3A_1176 : vector<16xf32>
      %swap3A_1178 = arith.constant 32 : index
      %swap3A_1179 = tpu.vector_load %arg8[%swap3A_1178] {strides = array<i32>} : memref<128xf32, #tpu.memory_space<vmem>>, vector<16xf32>,
      tpu.vector_store %arg8[%swap3A_1178], %add3A_1177 {strides = array<i32>} : memref<128xf32, #tpu.memory_space<vmem>>, vector<16xf32>,
      %get3A_1180 = arith.constant 48 : index
      %get3A_1181 = tpu.vector_load %arg7[%get3A_1180] {strides = array<i32>} : memref<2048xf32, #tpu.memory_space<vmem>>, vector<16xf32>,
      %get3A_1182 = arith.constant 176 : index
      %get3A_1183 = tpu.vector_load %arg7[%get3A_1182] {strides = array<i32>} : memref<2048xf32, #tpu.memory_space<vmem>>, vector<16xf32>,
      %add3A_1184 = arith.addf %get3A_1181, %get3A_1183 : vector<16xf32>
      %get3A_1185 = arith.constant 304 : index
      %get3A_1186 = tpu.vector_load %arg7[%get3A_1185] {strides = array<i32>} : memref<2048xf32, #tpu.memory_space<vmem>>, vector<16xf32>,
      %add3A_1187 = arith.addf %add3A_1184, %get3A_1186 : vector<16xf32>
      %get3A_1188 = arith.constant 432 : index
      %get3A_1189 = tpu.vector_load %arg7[%get3A_1188] {strides = array<i32>} : memref<2048xf32, #tpu.memory_space<vmem>>, vector<16xf32>,
      %add3A_1190 = arith.addf %add3A_1187, %get3A_1189 : vector<16xf32>
      %get3A_1191 = arith.constant 560 : index
      %get3A_1192 = tpu.vector_load %arg7[%get3A_1191] {strides = array<i32>} : memref<2048xf32, #tpu.memory_space<vmem>>, vector<16xf32>,
      %add3A_1193 = arith.addf %add3A_1190, %get3A_1192 : vector<16xf32>
      %get3A_1194 = arith.constant 688 : index
      %get3A_1195 = tpu.vector_load %arg7[%get3A_1194] {strides = array<i32>} : memref<2048xf32, #tpu.memory_space<vmem>>, vector<16xf32>,
      %add3A_1196 = arith.addf %add3A_1193, %get3A_1195 : vector<16xf32>
      %get3A_1197 = arith.constant 816 : index
      %get3A_1198 = tpu.vector_load %arg7[%get3A_1197] {strides = array<i32>} : memref<2048xf32, #tpu.memory_space<vmem>>, vector<16xf32>,
      %add3A_1199 = arith.addf %add3A_1196, %get3A_1198 : vector<16xf32>
      %get3A_1200 = arith.constant 944 : index
      %get3A_1201 = tpu.vector_load %arg7[%get3A_1200] {strides = array<i32>} : memref<2048xf32, #tpu.memory_space<vmem>>, vector<16xf32>,
      %add3A_1202 = arith.addf %add3A_1199, %get3A_1201 : vector<16xf32>
      %get3A_1203 = arith.constant 1072 : index
      %get3A_1204 = tpu.vector_load %arg7[%get3A_1203] {strides = array<i32>} : memref<2048xf32, #tpu.memory_space<vmem>>, vector<16xf32>,
      %add3A_1205 = arith.addf %add3A_1202, %get3A_1204 : vector<16xf32>
      %get3A_1206 = arith.constant 1200 : index
      %get3A_1207 = tpu.vector_load %arg7[%get3A_1206] {strides = array<i32>} : memref<2048xf32, #tpu.memory_space<vmem>>, vector<16xf32>,
      %add3A_1208 = arith.addf %add3A_1205, %get3A_1207 : vector<16xf32>
      %get3A_1209 = arith.constant 1328 : index
      %get3A_1210 = tpu.vector_load %arg7[%get3A_1209] {strides = array<i32>} : memref<2048xf32, #tpu.memory_space<vmem>>, vector<16xf32>,
      %add3A_1211 = arith.addf %add3A_1208, %get3A_1210 : vector<16xf32>
      %get3A_1212 = arith.constant 1456 : index
      %get3A_1213 = tpu.vector_load %arg7[%get3A_1212] {strides = array<i32>} : memref<2048xf32, #tpu.memory_space<vmem>>, vector<16xf32>,
      %add3A_1214 = arith.addf %add3A_1211, %get3A_1213 : vector<16xf32>
      %get3A_1215 = arith.constant 1584 : index
      %get3A_1216 = tpu.vector_load %arg7[%get3A_1215] {strides = array<i32>} : memref<2048xf32, #tpu.memory_space<vmem>>, vector<16xf32>,
      %add3A_1217 = arith.addf %add3A_1214, %get3A_1216 : vector<16xf32>
      %get3A_1218 = arith.constant 1712 : index
      %get3A_1219 = tpu.vector_load %arg7[%get3A_1218] {strides = array<i32>} : memref<2048xf32, #tpu.memory_space<vmem>>, vector<16xf32>,
      %add3A_1220 = arith.addf %add3A_1217, %get3A_1219 : vector<16xf32>
      %get3A_1221 = arith.constant 1840 : index
      %get3A_1222 = tpu.vector_load %arg7[%get3A_1221] {strides = array<i32>} : memref<2048xf32, #tpu.memory_space<vmem>>, vector<16xf32>,
      %add3A_1223 = arith.addf %add3A_1220, %get3A_1222 : vector<16xf32>
      %get3A_1224 = arith.constant 1968 : index
      %get3A_1225 = tpu.vector_load %arg7[%get3A_1224] {strides = array<i32>} : memref<2048xf32, #tpu.memory_space<vmem>>, vector<16xf32>,
      %add3A_1226 = arith.addf %add3A_1223, %get3A_1225 : vector<16xf32>
      %swap3A_1227 = arith.constant 48 : index
      %swap3A_1228 = tpu.vector_load %arg8[%swap3A_1227] {strides = array<i32>} : memref<128xf32, #tpu.memory_space<vmem>>, vector<16xf32>,
      tpu.vector_store %arg8[%swap3A_1227], %add3A_1226 {strides = array<i32>} : memref<128xf32, #tpu.memory_space<vmem>>, vector<16xf32>,
      %get3A_1229 = arith.constant 64 : index
      %get3A_1230 = tpu.vector_load %arg7[%get3A_1229] {strides = array<i32>} : memref<2048xf32, #tpu.memory_space<vmem>>, vector<16xf32>,
      %get3A_1231 = arith.constant 192 : index
      %get3A_1232 = tpu.vector_load %arg7[%get3A_1231] {strides = array<i32>} : memref<2048xf32, #tpu.memory_space<vmem>>, vector<16xf32>,
      %add3A_1233 = arith.addf %get3A_1230, %get3A_1232 : vector<16xf32>
      %get3A_1234 = arith.constant 320 : index
      %get3A_1235 = tpu.vector_load %arg7[%get3A_1234] {strides = array<i32>} : memref<2048xf32, #tpu.memory_space<vmem>>, vector<16xf32>,
      %add3A_1236 = arith.addf %add3A_1233, %get3A_1235 : vector<16xf32>
      %get3A_1237 = arith.constant 448 : index
      %get3A_1238 = tpu.vector_load %arg7[%get3A_1237] {strides = array<i32>} : memref<2048xf32, #tpu.memory_space<vmem>>, vector<16xf32>,
      %add3A_1239 = arith.addf %add3A_1236, %get3A_1238 : vector<16xf32>
      %get3A_1240 = arith.constant 576 : index
      %get3A_1241 = tpu.vector_load %arg7[%get3A_1240] {strides = array<i32>} : memref<2048xf32, #tpu.memory_space<vmem>>, vector<16xf32>,
      %add3A_1242 = arith.addf %add3A_1239, %get3A_1241 : vector<16xf32>
      %get3A_1243 = arith.constant 704 : index
      %get3A_1244 = tpu.vector_load %arg7[%get3A_1243] {strides = array<i32>} : memref<2048xf32, #tpu.memory_space<vmem>>, vector<16xf32>,
      %add3A_1245 = arith.addf %add3A_1242, %get3A_1244 : vector<16xf32>
      %get3A_1246 = arith.constant 832 : index
      %get3A_1247 = tpu.vector_load %arg7[%get3A_1246] {strides = array<i32>} : memref<2048xf32, #tpu.memory_space<vmem>>, vector<16xf32>,
      %add3A_1248 = arith.addf %add3A_1245, %get3A_1247 : vector<16xf32>
      %get3A_1249 = arith.constant 960 : index
      %get3A_1250 = tpu.vector_load %arg7[%get3A_1249] {strides = array<i32>} : memref<2048xf32, #tpu.memory_space<vmem>>, vector<16xf32>,
      %add3A_1251 = arith.addf %add3A_1248, %get3A_1250 : vector<16xf32>
      %get3A_1252 = arith.constant 1088 : index
      %get3A_1253 = tpu.vector_load %arg7[%get3A_1252] {strides = array<i32>} : memref<2048xf32, #tpu.memory_space<vmem>>, vector<16xf32>,
      %add3A_1254 = arith.addf %add3A_1251, %get3A_1253 : vector<16xf32>
      %get3A_1255 = arith.constant 1216 : index
      %get3A_1256 = tpu.vector_load %arg7[%get3A_1255] {strides = array<i32>} : memref<2048xf32, #tpu.memory_space<vmem>>, vector<16xf32>,
      %add3A_1257 = arith.addf %add3A_1254, %get3A_1256 : vector<16xf32>
      %get3A_1258 = arith.constant 1344 : index
      %get3A_1259 = tpu.vector_load %arg7[%get3A_1258] {strides = array<i32>} : memref<2048xf32, #tpu.memory_space<vmem>>, vector<16xf32>,
      %add3A_1260 = arith.addf %add3A_1257, %get3A_1259 : vector<16xf32>
      %get3A_1261 = arith.constant 1472 : index
      %get3A_1262 = tpu.vector_load %arg7[%get3A_1261] {strides = array<i32>} : memref<2048xf32, #tpu.memory_space<vmem>>, vector<16xf32>,
      %add3A_1263 = arith.addf %add3A_1260, %get3A_1262 : vector<16xf32>
      %get3A_1264 = arith.constant 1600 : index
      %get3A_1265 = tpu.vector_load %arg7[%get3A_1264] {strides = array<i32>} : memref<2048xf32, #tpu.memory_space<vmem>>, vector<16xf32>,
      %add3A_1266 = arith.addf %add3A_1263, %get3A_1265 : vector<16xf32>
      %get3A_1267 = arith.constant 1728 : index
      %get3A_1268 = tpu.vector_load %arg7[%get3A_1267] {strides = array<i32>} : memref<2048xf32, #tpu.memory_space<vmem>>, vector<16xf32>,
      %add3A_1269 = arith.addf %add3A_1266, %get3A_1268 : vector<16xf32>
      %get3A_1270 = arith.constant 1856 : index
      %get3A_1271 = tpu.vector_load %arg7[%get3A_1270] {strides = array<i32>} : memref<2048xf32, #tpu.memory_space<vmem>>, vector<16xf32>,
      %add3A_1272 = arith.addf %add3A_1269, %get3A_1271 : vector<16xf32>
      %get3A_1273 = arith.constant 1984 : index
      %get3A_1274 = tpu.vector_load %arg7[%get3A_1273] {strides = array<i32>} : memref<2048xf32, #tpu.memory_space<vmem>>, vector<16xf32>,
      %add3A_1275 = arith.addf %add3A_1272, %get3A_1274 : vector<16xf32>
      %swap3A_1276 = arith.constant 64 : index
      %swap3A_1277 = tpu.vector_load %arg8[%swap3A_1276] {strides = array<i32>} : memref<128xf32, #tpu.memory_space<vmem>>, vector<16xf32>,
      tpu.vector_store %arg8[%swap3A_1276], %add3A_1275 {strides = array<i32>} : memref<128xf32, #tpu.memory_space<vmem>>, vector<16xf32>,
      %get3A_1278 = arith.constant 80 : index
      %get3A_1279 = tpu.vector_load %arg7[%get3A_1278] {strides = array<i32>} : memref<2048xf32, #tpu.memory_space<vmem>>, vector<16xf32>,
      %get3A_1280 = arith.constant 208 : index
      %get3A_1281 = tpu.vector_load %arg7[%get3A_1280] {strides = array<i32>} : memref<2048xf32, #tpu.memory_space<vmem>>, vector<16xf32>,
      %add3A_1282 = arith.addf %get3A_1279, %get3A_1281 : vector<16xf32>
      %get3A_1283 = arith.constant 336 : index
      %get3A_1284 = tpu.vector_load %arg7[%get3A_1283] {strides = array<i32>} : memref<2048xf32, #tpu.memory_space<vmem>>, vector<16xf32>,
      %add3A_1285 = arith.addf %add3A_1282, %get3A_1284 : vector<16xf32>
      %get3A_1286 = arith.constant 464 : index
      %get3A_1287 = tpu.vector_load %arg7[%get3A_1286] {strides = array<i32>} : memref<2048xf32, #tpu.memory_space<vmem>>, vector<16xf32>,
      %add3A_1288 = arith.addf %add3A_1285, %get3A_1287 : vector<16xf32>
      %get3A_1289 = arith.constant 592 : index
      %get3A_1290 = tpu.vector_load %arg7[%get3A_1289] {strides = array<i32>} : memref<2048xf32, #tpu.memory_space<vmem>>, vector<16xf32>,
      %add3A_1291 = arith.addf %add3A_1288, %get3A_1290 : vector<16xf32>
      %get3A_1292 = arith.constant 720 : index
      %get3A_1293 = tpu.vector_load %arg7[%get3A_1292] {strides = array<i32>} : memref<2048xf32, #tpu.memory_space<vmem>>, vector<16xf32>,
      %add3A_1294 = arith.addf %add3A_1291, %get3A_1293 : vector<16xf32>
      %get3A_1295 = arith.constant 848 : index
      %get3A_1296 = tpu.vector_load %arg7[%get3A_1295] {strides = array<i32>} : memref<2048xf32, #tpu.memory_space<vmem>>, vector<16xf32>,
      %add3A_1297 = arith.addf %add3A_1294, %get3A_1296 : vector<16xf32>
      %get3A_1298 = arith.constant 976 : index
      %get3A_1299 = tpu.vector_load %arg7[%get3A_1298] {strides = array<i32>} : memref<2048xf32, #tpu.memory_space<vmem>>, vector<16xf32>,
      %add3A_1300 = arith.addf %add3A_1297, %get3A_1299 : vector<16xf32>
      %get3A_1301 = arith.constant 1104 : index
      %get3A_1302 = tpu.vector_load %arg7[%get3A_1301] {strides = array<i32>} : memref<2048xf32, #tpu.memory_space<vmem>>, vector<16xf32>,
      %add3A_1303 = arith.addf %add3A_1300, %get3A_1302 : vector<16xf32>
      %get3A_1304 = arith.constant 1232 : index
      %get3A_1305 = tpu.vector_load %arg7[%get3A_1304] {strides = array<i32>} : memref<2048xf32, #tpu.memory_space<vmem>>, vector<16xf32>,
      %add3A_1306 = arith.addf %add3A_1303, %get3A_1305 : vector<16xf32>
      %get3A_1307 = arith.constant 1360 : index
      %get3A_1308 = tpu.vector_load %arg7[%get3A_1307] {strides = array<i32>} : memref<2048xf32, #tpu.memory_space<vmem>>, vector<16xf32>,
      %add3A_1309 = arith.addf %add3A_1306, %get3A_1308 : vector<16xf32>
      %get3A_1310 = arith.constant 1488 : index
      %get3A_1311 = tpu.vector_load %arg7[%get3A_1310] {strides = array<i32>} : memref<2048xf32, #tpu.memory_space<vmem>>, vector<16xf32>,
      %add3A_1312 = arith.addf %add3A_1309, %get3A_1311 : vector<16xf32>
      %get3A_1313 = arith.constant 1616 : index
      %get3A_1314 = tpu.vector_load %arg7[%get3A_1313] {strides = array<i32>} : memref<2048xf32, #tpu.memory_space<vmem>>, vector<16xf32>,
      %add3A_1315 = arith.addf %add3A_1312, %get3A_1314 : vector<16xf32>
      %get3A_1316 = arith.constant 1744 : index
      %get3A_1317 = tpu.vector_load %arg7[%get3A_1316] {strides = array<i32>} : memref<2048xf32, #tpu.memory_space<vmem>>, vector<16xf32>,
      %add3A_1318 = arith.addf %add3A_1315, %get3A_1317 : vector<16xf32>
      %get3A_1319 = arith.constant 1872 : index
      %get3A_1320 = tpu.vector_load %arg7[%get3A_1319] {strides = array<i32>} : memref<2048xf32, #tpu.memory_space<vmem>>, vector<16xf32>,
      %add3A_1321 = arith.addf %add3A_1318, %get3A_1320 : vector<16xf32>
      %get3A_1322 = arith.constant 2000 : index
      %get3A_1323 = tpu.vector_load %arg7[%get3A_1322] {strides = array<i32>} : memref<2048xf32, #tpu.memory_space<vmem>>, vector<16xf32>,
      %add3A_1324 = arith.addf %add3A_1321, %get3A_1323 : vector<16xf32>
      %swap3A_1325 = arith.constant 80 : index
      %swap3A_1326 = tpu.vector_load %arg8[%swap3A_1325] {strides = array<i32>} : memref<128xf32, #tpu.memory_space<vmem>>, vector<16xf32>,
      tpu.vector_store %arg8[%swap3A_1325], %add3A_1324 {strides = array<i32>} : memref<128xf32, #tpu.memory_space<vmem>>, vector<16xf32>,
      %get3A_1327 = arith.constant 96 : index
      %get3A_1328 = tpu.vector_load %arg7[%get3A_1327] {strides = array<i32>} : memref<2048xf32, #tpu.memory_space<vmem>>, vector<16xf32>,
      %get3A_1329 = arith.constant 224 : index
      %get3A_1330 = tpu.vector_load %arg7[%get3A_1329] {strides = array<i32>} : memref<2048xf32, #tpu.memory_space<vmem>>, vector<16xf32>,
      %add3A_1331 = arith.addf %get3A_1328, %get3A_1330 : vector<16xf32>
      %get3A_1332 = arith.constant 352 : index
      %get3A_1333 = tpu.vector_load %arg7[%get3A_1332] {strides = array<i32>} : memref<2048xf32, #tpu.memory_space<vmem>>, vector<16xf32>,
      %add3A_1334 = arith.addf %add3A_1331, %get3A_1333 : vector<16xf32>
      %get3A_1335 = arith.constant 480 : index
      %get3A_1336 = tpu.vector_load %arg7[%get3A_1335] {strides = array<i32>} : memref<2048xf32, #tpu.memory_space<vmem>>, vector<16xf32>,
      %add3A_1337 = arith.addf %add3A_1334, %get3A_1336 : vector<16xf32>
      %get3A_1338 = arith.constant 608 : index
      %get3A_1339 = tpu.vector_load %arg7[%get3A_1338] {strides = array<i32>} : memref<2048xf32, #tpu.memory_space<vmem>>, vector<16xf32>,
      %add3A_1340 = arith.addf %add3A_1337, %get3A_1339 : vector<16xf32>
      %get3A_1341 = arith.constant 736 : index
      %get3A_1342 = tpu.vector_load %arg7[%get3A_1341] {strides = array<i32>} : memref<2048xf32, #tpu.memory_space<vmem>>, vector<16xf32>,
      %add3A_1343 = arith.addf %add3A_1340, %get3A_1342 : vector<16xf32>
      %get3A_1344 = arith.constant 864 : index
      %get3A_1345 = tpu.vector_load %arg7[%get3A_1344] {strides = array<i32>} : memref<2048xf32, #tpu.memory_space<vmem>>, vector<16xf32>,
      %add3A_1346 = arith.addf %add3A_1343, %get3A_1345 : vector<16xf32>
      %get3A_1347 = arith.constant 992 : index
      %get3A_1348 = tpu.vector_load %arg7[%get3A_1347] {strides = array<i32>} : memref<2048xf32, #tpu.memory_space<vmem>>, vector<16xf32>,
      %add3A_1349 = arith.addf %add3A_1346, %get3A_1348 : vector<16xf32>
      %get3A_1350 = arith.constant 1120 : index
      %get3A_1351 = tpu.vector_load %arg7[%get3A_1350] {strides = array<i32>} : memref<2048xf32, #tpu.memory_space<vmem>>, vector<16xf32>,
      %add3A_1352 = arith.addf %add3A_1349, %get3A_1351 : vector<16xf32>
      %get3A_1353 = arith.constant 1248 : index
      %get3A_1354 = tpu.vector_load %arg7[%get3A_1353] {strides = array<i32>} : memref<2048xf32, #tpu.memory_space<vmem>>, vector<16xf32>,
      %add3A_1355 = arith.addf %add3A_1352, %get3A_1354 : vector<16xf32>
      %get3A_1356 = arith.constant 1376 : index
      %get3A_1357 = tpu.vector_load %arg7[%get3A_1356] {strides = array<i32>} : memref<2048xf32, #tpu.memory_space<vmem>>, vector<16xf32>,
      %add3A_1358 = arith.addf %add3A_1355, %get3A_1357 : vector<16xf32>
      %get3A_1359 = arith.constant 1504 : index
      %get3A_1360 = tpu.vector_load %arg7[%get3A_1359] {strides = array<i32>} : memref<2048xf32, #tpu.memory_space<vmem>>, vector<16xf32>,
      %add3A_1361 = arith.addf %add3A_1358, %get3A_1360 : vector<16xf32>
      %get3A_1362 = arith.constant 1632 : index
      %get3A_1363 = tpu.vector_load %arg7[%get3A_1362] {strides = array<i32>} : memref<2048xf32, #tpu.memory_space<vmem>>, vector<16xf32>,
      %add3A_1364 = arith.addf %add3A_1361, %get3A_1363 : vector<16xf32>
      %get3A_1365 = arith.constant 1760 : index
      %get3A_1366 = tpu.vector_load %arg7[%get3A_1365] {strides = array<i32>} : memref<2048xf32, #tpu.memory_space<vmem>>, vector<16xf32>,
      %add3A_1367 = arith.addf %add3A_1364, %get3A_1366 : vector<16xf32>
      %get3A_1368 = arith.constant 1888 : index
      %get3A_1369 = tpu.vector_load %arg7[%get3A_1368] {strides = array<i32>} : memref<2048xf32, #tpu.memory_space<vmem>>, vector<16xf32>,
      %add3A_1370 = arith.addf %add3A_1367, %get3A_1369 : vector<16xf32>
      %get3A_1371 = arith.constant 2016 : index
      %get3A_1372 = tpu.vector_load %arg7[%get3A_1371] {strides = array<i32>} : memref<2048xf32, #tpu.memory_space<vmem>>, vector<16xf32>,
      %add3A_1373 = arith.addf %add3A_1370, %get3A_1372 : vector<16xf32>
      %swap3A_1374 = arith.constant 96 : index
      %swap3A_1375 = tpu.vector_load %arg8[%swap3A_1374] {strides = array<i32>} : memref<128xf32, #tpu.memory_space<vmem>>, vector<16xf32>,
      tpu.vector_store %arg8[%swap3A_1374], %add3A_1373 {strides = array<i32>} : memref<128xf32, #tpu.memory_space<vmem>>, vector<16xf32>,
      %get3A_1376 = arith.constant 112 : index
      %get3A_1377 = tpu.vector_load %arg7[%get3A_1376] {strides = array<i32>} : memref<2048xf32, #tpu.memory_space<vmem>>, vector<16xf32>,
      %get3A_1378 = arith.constant 240 : index
      %get3A_1379 = tpu.vector_load %arg7[%get3A_1378] {strides = array<i32>} : memref<2048xf32, #tpu.memory_space<vmem>>, vector<16xf32>,
      %add3A_1380 = arith.addf %get3A_1377, %get3A_1379 : vector<16xf32>
      %get3A_1381 = arith.constant 368 : index
      %get3A_1382 = tpu.vector_load %arg7[%get3A_1381] {strides = array<i32>} : memref<2048xf32, #tpu.memory_space<vmem>>, vector<16xf32>,
      %add3A_1383 = arith.addf %add3A_1380, %get3A_1382 : vector<16xf32>
      %get3A_1384 = arith.constant 496 : index
      %get3A_1385 = tpu.vector_load %arg7[%get3A_1384] {strides = array<i32>} : memref<2048xf32, #tpu.memory_space<vmem>>, vector<16xf32>,
      %add3A_1386 = arith.addf %add3A_1383, %get3A_1385 : vector<16xf32>
      %get3A_1387 = arith.constant 624 : index
      %get3A_1388 = tpu.vector_load %arg7[%get3A_1387] {strides = array<i32>} : memref<2048xf32, #tpu.memory_space<vmem>>, vector<16xf32>,
      %add3A_1389 = arith.addf %add3A_1386, %get3A_1388 : vector<16xf32>
      %get3A_1390 = arith.constant 752 : index
      %get3A_1391 = tpu.vector_load %arg7[%get3A_1390] {strides = array<i32>} : memref<2048xf32, #tpu.memory_space<vmem>>, vector<16xf32>,
      %add3A_1392 = arith.addf %add3A_1389, %get3A_1391 : vector<16xf32>
      %get3A_1393 = arith.constant 880 : index
      %get3A_1394 = tpu.vector_load %arg7[%get3A_1393] {strides = array<i32>} : memref<2048xf32, #tpu.memory_space<vmem>>, vector<16xf32>,
      %add3A_1395 = arith.addf %add3A_1392, %get3A_1394 : vector<16xf32>
      %get3A_1396 = arith.constant 1008 : index
      %get3A_1397 = tpu.vector_load %arg7[%get3A_1396] {strides = array<i32>} : memref<2048xf32, #tpu.memory_space<vmem>>, vector<16xf32>,
      %add3A_1398 = arith.addf %add3A_1395, %get3A_1397 : vector<16xf32>
      %get3A_1399 = arith.constant 1136 : index
      %get3A_1400 = tpu.vector_load %arg7[%get3A_1399] {strides = array<i32>} : memref<2048xf32, #tpu.memory_space<vmem>>, vector<16xf32>,
      %add3A_1401 = arith.addf %add3A_1398, %get3A_1400 : vector<16xf32>
      %get3A_1402 = arith.constant 1264 : index
      %get3A_1403 = tpu.vector_load %arg7[%get3A_1402] {strides = array<i32>} : memref<2048xf32, #tpu.memory_space<vmem>>, vector<16xf32>,
      %add3A_1404 = arith.addf %add3A_1401, %get3A_1403 : vector<16xf32>
      %get3A_1405 = arith.constant 1392 : index
      %get3A_1406 = tpu.vector_load %arg7[%get3A_1405] {strides = array<i32>} : memref<2048xf32, #tpu.memory_space<vmem>>, vector<16xf32>,
      %add3A_1407 = arith.addf %add3A_1404, %get3A_1406 : vector<16xf32>
      %get3A_1408 = arith.constant 1520 : index
      %get3A_1409 = tpu.vector_load %arg7[%get3A_1408] {strides = array<i32>} : memref<2048xf32, #tpu.memory_space<vmem>>, vector<16xf32>,
      %add3A_1410 = arith.addf %add3A_1407, %get3A_1409 : vector<16xf32>
      %get3A_1411 = arith.constant 1648 : index
      %get3A_1412 = tpu.vector_load %arg7[%get3A_1411] {strides = array<i32>} : memref<2048xf32, #tpu.memory_space<vmem>>, vector<16xf32>,
      %add3A_1413 = arith.addf %add3A_1410, %get3A_1412 : vector<16xf32>
      %get3A_1414 = arith.constant 1776 : index
      %get3A_1415 = tpu.vector_load %arg7[%get3A_1414] {strides = array<i32>} : memref<2048xf32, #tpu.memory_space<vmem>>, vector<16xf32>,
      %add3A_1416 = arith.addf %add3A_1413, %get3A_1415 : vector<16xf32>
      %get3A_1417 = arith.constant 1904 : index
      %get3A_1418 = tpu.vector_load %arg7[%get3A_1417] {strides = array<i32>} : memref<2048xf32, #tpu.memory_space<vmem>>, vector<16xf32>,
      %add3A_1419 = arith.addf %add3A_1416, %get3A_1418 : vector<16xf32>
      %get3A_1420 = arith.constant 2032 : index
      %get3A_1421 = tpu.vector_load %arg7[%get3A_1420] {strides = array<i32>} : memref<2048xf32, #tpu.memory_space<vmem>>, vector<16xf32>,
      %add3A_1422 = arith.addf %add3A_1419, %get3A_1421 : vector<16xf32>
      %swap3A_1423 = arith.constant 112 : index
      %swap3A_1424 = tpu.vector_load %arg8[%swap3A_1423] {strides = array<i32>} : memref<128xf32, #tpu.memory_space<vmem>>, vector<16xf32>,
      tpu.vector_store %arg8[%swap3A_1423], %add3A_1422 {strides = array<i32>} : memref<128xf32, #tpu.memory_space<vmem>>, vector<16xf32>,
      %mul3A_1425 = arith.constant 128 : i32
      %mul3A_1426 = arith.muli %arg1, %mul3A_1425 : i32
      "tpu.region"() ({
        %run_scoped3A = tpu.sem_alloc : memref<!tpu.dma_semaphore, #tpu.memory_space<semaphore_mem>>
        %dma_start3A = tpu.memref_slice %arg12[%mul3A_1426] : memref<2048xf32, #tpu.memory_space<vmem_shared>> -> memref<128xf32, #tpu.memory_space<vmem_shared>>
        %dma_start3A_1604 = tpu.memref_slice %arg12[%mul3A_1426] : memref<2048xf32, #tpu.memory_space<vmem_shared>> -> memref<128xf32, #tpu.memory_space<vmem_shared>>
        tpu.enqueue_dma source(%arg8 : memref<128xf32, #tpu.memory_space<vmem>>) target(%dma_start3A_1604 : memref<128xf32, #tpu.memory_space<vmem_shared>>) target_semaphore(%run_scoped3A : memref<!tpu.dma_semaphore, #tpu.memory_space<semaphore_mem>>)
        %dma_wait3A = tpu.memref_slice %arg12[%mul3A_1426] : memref<2048xf32, #tpu.memory_space<vmem_shared>> -> memref<128xf32, #tpu.memory_space<vmem_shared>>
        %dma_wait3A_1605 = tpu.memref_slice %arg12[%mul3A_1426] : memref<2048xf32, #tpu.memory_space<vmem_shared>> -> memref<128xf32, #tpu.memory_space<vmem_shared>>
        tpu.wait_dma2 semaphore(%run_scoped3A : memref<!tpu.dma_semaphore, #tpu.memory_space<semaphore_mem>>) src(%arg8 : memref<128xf32, #tpu.memory_space<vmem>>) dst(%dma_wait3A_1605 : memref<128xf32, #tpu.memory_space<vmem_shared>>)
        tpu.yield
      }) : () -> ()
      %barrier3A = arith.constant 0 : index
      tpu.barrier barrier_id(%barrier3A)
      %jit3A_1427 = arith.constant 4 : i32
      %div3A_1428 = arith.divsi %arg1, %jit3A_1427 : i32
      %sign3A_1429 = arith.constant 0 : i32
      %sign3A_1430 = arith.cmpi sgt, %arg1, %sign3A_1429 : i32
      %sign3A_1431 = arith.extui %sign3A_1430 : i1 to i32
      %sign3A_1432 = arith.constant 0 : i32
      %sign3A_1433 = arith.cmpi slt, %arg1, %sign3A_1432 : i32
      %sign3A_1434 = arith.extui %sign3A_1433 : i1 to i32
      %sign3A_1435 = arith.subi %sign3A_1431, %sign3A_1434 : i32
      %sign3A_1436 = arith.constant 0 : i32
      %sign3A_1437 = arith.cmpi sgt, %jit3A_1427, %sign3A_1436 : i32
      %sign3A_1438 = arith.extui %sign3A_1437 : i1 to i32
      %sign3A_1439 = arith.constant 0 : i32
      %sign3A_1440 = arith.cmpi slt, %jit3A_1427, %sign3A_1439 : i32
      %sign3A_1441 = arith.extui %sign3A_1440 : i1 to i32
      %sign3A_1442 = arith.subi %sign3A_1438, %sign3A_1441 : i32
      %ne3A_1443 = arith.cmpi ne, %sign3A_1435, %sign3A_1442 : i32
      %rem3A_1444 = arith.remsi %arg1, %jit3A_1427 : i32
      %ne3A_1445 = arith.constant 0 : i32
      %ne3A_1446 = arith.cmpi ne, %rem3A_1444, %ne3A_1445 : i32
      %and3A_1447 = arith.andi %ne3A_1443, %ne3A_1446 : i1
      %sub3A_1448 = arith.constant 1 : i32
      %sub3A_1449 = arith.subi %div3A_1428, %sub3A_1448 : i32
      %select_n3A_1450 = arith.select %and3A_1447, %sub3A_1449, %div3A_1428 : i32
      %mul3A_1451 = arith.constant 4 : i32
      %mul3A_1452 = arith.muli %select_n3A_1450, %mul3A_1451 : i32
      %mul3A_1453 = arith.constant 128 : i32
      %mul3A_1454 = arith.muli %mul3A_1452, %mul3A_1453 : i32
      "tpu.region"() ({
        %run_scoped3A = tpu.sem_alloc : memref<!tpu.dma_semaphore, #tpu.memory_space<semaphore_mem>>
        %dma_start3A = tpu.memref_slice %arg12[%mul3A_1454] : memref<2048xf32, #tpu.memory_space<vmem_shared>> -> memref<512xf32, #tpu.memory_space<vmem_shared>>
        %dma_start3A_1604 = tpu.memref_slice %arg12[%mul3A_1454] : memref<2048xf32, #tpu.memory_space<vmem_shared>> -> memref<512xf32, #tpu.memory_space<vmem_shared>>
        tpu.enqueue_dma source(%dma_start3A_1604 : memref<512xf32, #tpu.memory_space<vmem_shared>>) target(%arg10 : memref<512xf32, #tpu.memory_space<vmem>>) target_semaphore(%run_scoped3A : memref<!tpu.dma_semaphore, #tpu.memory_space<semaphore_mem>>)
        %dma_wait3A = tpu.memref_slice %arg12[%mul3A_1454] : memref<2048xf32, #tpu.memory_space<vmem_shared>> -> memref<512xf32, #tpu.memory_space<vmem_shared>>
        %dma_wait3A_1605 = tpu.memref_slice %arg12[%mul3A_1454] : memref<2048xf32, #tpu.memory_space<vmem_shared>> -> memref<512xf32, #tpu.memory_space<vmem_shared>>
        tpu.wait_dma2 semaphore(%run_scoped3A : memref<!tpu.dma_semaphore, #tpu.memory_space<semaphore_mem>>) src(%dma_wait3A_1605 : memref<512xf32, #tpu.memory_space<vmem_shared>>) dst(%arg10 : memref<512xf32, #tpu.memory_space<vmem>>)
        tpu.yield
      }) : () -> ()
      %get3A_1455 = arith.constant 0 : index
      %get3A_1456 = tpu.vector_load %arg10[%get3A_1455] {strides = array<i32>} : memref<512xf32, #tpu.memory_space<vmem>>, vector<16xf32>,
      %get3A_1457 = arith.constant 128 : index
      %get3A_1458 = tpu.vector_load %arg10[%get3A_1457] {strides = array<i32>} : memref<512xf32, #tpu.memory_space<vmem>>, vector<16xf32>,
      %add3A_1459 = arith.addf %get3A_1456, %get3A_1458 : vector<16xf32>
      %get3A_1460 = arith.constant 256 : index
      %get3A_1461 = tpu.vector_load %arg10[%get3A_1460] {strides = array<i32>} : memref<512xf32, #tpu.memory_space<vmem>>, vector<16xf32>,
      %add3A_1462 = arith.addf %add3A_1459, %get3A_1461 : vector<16xf32>
      %get3A_1463 = arith.constant 384 : index
      %get3A_1464 = tpu.vector_load %arg10[%get3A_1463] {strides = array<i32>} : memref<512xf32, #tpu.memory_space<vmem>>, vector<16xf32>,
      %add3A_1465 = arith.addf %add3A_1462, %get3A_1464 : vector<16xf32>
      %get3A_1466 = arith.constant 32 : index
      %get3A_1467 = tpu.vector_load %arg10[%get3A_1466] {strides = array<i32>} : memref<512xf32, #tpu.memory_space<vmem>>, vector<16xf32>,
      %get3A_1468 = arith.constant 160 : index
      %get3A_1469 = tpu.vector_load %arg10[%get3A_1468] {strides = array<i32>} : memref<512xf32, #tpu.memory_space<vmem>>, vector<16xf32>,
      %add3A_1470 = arith.addf %get3A_1467, %get3A_1469 : vector<16xf32>
      %get3A_1471 = arith.constant 288 : index
      %get3A_1472 = tpu.vector_load %arg10[%get3A_1471] {strides = array<i32>} : memref<512xf32, #tpu.memory_space<vmem>>, vector<16xf32>,
      %add3A_1473 = arith.addf %add3A_1470, %get3A_1472 : vector<16xf32>
      %get3A_1474 = arith.constant 416 : index
      %get3A_1475 = tpu.vector_load %arg10[%get3A_1474] {strides = array<i32>} : memref<512xf32, #tpu.memory_space<vmem>>, vector<16xf32>,
      %add3A_1476 = arith.addf %add3A_1473, %get3A_1475 : vector<16xf32>
      %get3A_1477 = arith.constant 64 : index
      %get3A_1478 = tpu.vector_load %arg10[%get3A_1477] {strides = array<i32>} : memref<512xf32, #tpu.memory_space<vmem>>, vector<16xf32>,
      %get3A_1479 = arith.constant 192 : index
      %get3A_1480 = tpu.vector_load %arg10[%get3A_1479] {strides = array<i32>} : memref<512xf32, #tpu.memory_space<vmem>>, vector<16xf32>,
      %add3A_1481 = arith.addf %get3A_1478, %get3A_1480 : vector<16xf32>
      %get3A_1482 = arith.constant 320 : index
      %get3A_1483 = tpu.vector_load %arg10[%get3A_1482] {strides = array<i32>} : memref<512xf32, #tpu.memory_space<vmem>>, vector<16xf32>,
      %add3A_1484 = arith.addf %add3A_1481, %get3A_1483 : vector<16xf32>
      %get3A_1485 = arith.constant 448 : index
      %get3A_1486 = tpu.vector_load %arg10[%get3A_1485] {strides = array<i32>} : memref<512xf32, #tpu.memory_space<vmem>>, vector<16xf32>,
      %add3A_1487 = arith.addf %add3A_1484, %get3A_1486 : vector<16xf32>
      %get3A_1488 = arith.constant 96 : index
      %get3A_1489 = tpu.vector_load %arg10[%get3A_1488] {strides = array<i32>} : memref<512xf32, #tpu.memory_space<vmem>>, vector<16xf32>,
      %get3A_1490 = arith.constant 224 : index
      %get3A_1491 = tpu.vector_load %arg10[%get3A_1490] {strides = array<i32>} : memref<512xf32, #tpu.memory_space<vmem>>, vector<16xf32>,
      %add3A_1492 = arith.addf %get3A_1489, %get3A_1491 : vector<16xf32>
      %get3A_1493 = arith.constant 352 : index
      %get3A_1494 = tpu.vector_load %arg10[%get3A_1493] {strides = array<i32>} : memref<512xf32, #tpu.memory_space<vmem>>, vector<16xf32>,
      %add3A_1495 = arith.addf %add3A_1492, %get3A_1494 : vector<16xf32>
      %get3A_1496 = arith.constant 480 : index
      %get3A_1497 = tpu.vector_load %arg10[%get3A_1496] {strides = array<i32>} : memref<512xf32, #tpu.memory_space<vmem>>, vector<16xf32>,
      %add3A_1498 = arith.addf %add3A_1495, %get3A_1497 : vector<16xf32>
      %max3A = arith.constant 1.000000e+00 : f32
      %max3A_1499 = vector.broadcast %max3A : f32 to vector<16xf32>
      %max3A_1500 = arith.maximumf %add3A_1498, %max3A_1499 : vector<16xf32>
      %gt3A = arith.constant 0.000000e+00 : f32
      %gt3A_1501 = vector.broadcast %gt3A : f32 to vector<16xf32>
      %gt3A_1502 = arith.cmpf ogt, %add3A_1498, %gt3A_1501 : vector<16xf32>
      %div3A_1503 = arith.divf %add3A_1465, %max3A_1500 : vector<16xf32>
      %get3A_1504 = arith.constant 0 : index
      %get3A_1505 = tpu.vector_load %arg9[%get3A_1504] {strides = array<i32>} : memref<128xf32, #tpu.memory_space<vmem>>, vector<16xf32>,
      %select_n3A_1506 = arith.select %gt3A_1502, %div3A_1503, %get3A_1505 : vector<16xi1>, vector<16xf32>
      %swap3A_1507 = arith.constant 0 : index
      %swap3A_1508 = tpu.vector_load %arg9[%swap3A_1507] {strides = array<i32>} : memref<128xf32, #tpu.memory_space<vmem>>, vector<16xf32>,
      tpu.vector_store %arg9[%swap3A_1507], %select_n3A_1506 {strides = array<i32>} : memref<128xf32, #tpu.memory_space<vmem>>, vector<16xf32>,
      %div3A_1509 = arith.divf %add3A_1476, %max3A_1500 : vector<16xf32>
      %get3A_1510 = arith.constant 32 : index
      %get3A_1511 = tpu.vector_load %arg9[%get3A_1510] {strides = array<i32>} : memref<128xf32, #tpu.memory_space<vmem>>, vector<16xf32>,
      %select_n3A_1512 = arith.select %gt3A_1502, %div3A_1509, %get3A_1511 : vector<16xi1>, vector<16xf32>
      %swap3A_1513 = arith.constant 32 : index
      %swap3A_1514 = tpu.vector_load %arg9[%swap3A_1513] {strides = array<i32>} : memref<128xf32, #tpu.memory_space<vmem>>, vector<16xf32>,
      tpu.vector_store %arg9[%swap3A_1513], %select_n3A_1512 {strides = array<i32>} : memref<128xf32, #tpu.memory_space<vmem>>, vector<16xf32>,
      %div3A_1515 = arith.divf %add3A_1487, %max3A_1500 : vector<16xf32>
      %get3A_1516 = arith.constant 64 : index
      %get3A_1517 = tpu.vector_load %arg9[%get3A_1516] {strides = array<i32>} : memref<128xf32, #tpu.memory_space<vmem>>, vector<16xf32>,
      %select_n3A_1518 = arith.select %gt3A_1502, %div3A_1515, %get3A_1517 : vector<16xi1>, vector<16xf32>
      %swap3A_1519 = arith.constant 64 : index
      %swap3A_1520 = tpu.vector_load %arg9[%swap3A_1519] {strides = array<i32>} : memref<128xf32, #tpu.memory_space<vmem>>, vector<16xf32>,
      tpu.vector_store %arg9[%swap3A_1519], %select_n3A_1518 {strides = array<i32>} : memref<128xf32, #tpu.memory_space<vmem>>, vector<16xf32>,
      %mul3A_1521 = arith.mulf %select_n3A_1506, %select_n3A_1506 : vector<16xf32>
      %mul3A_1522 = arith.mulf %select_n3A_1512, %select_n3A_1512 : vector<16xf32>
      %add3A_1523 = arith.addf %mul3A_1521, %mul3A_1522 : vector<16xf32>
      %mul3A_1524 = arith.mulf %select_n3A_1518, %select_n3A_1518 : vector<16xf32>
      %add3A_1525 = arith.addf %add3A_1523, %mul3A_1524 : vector<16xf32>
      %swap3A_1526 = arith.constant 96 : index
      %swap3A_1527 = tpu.vector_load %arg9[%swap3A_1526] {strides = array<i32>} : memref<128xf32, #tpu.memory_space<vmem>>, vector<16xf32>,
      tpu.vector_store %arg9[%swap3A_1526], %add3A_1525 {strides = array<i32>} : memref<128xf32, #tpu.memory_space<vmem>>, vector<16xf32>,
      %get3A_1528 = arith.constant 16 : index
      %get3A_1529 = tpu.vector_load %arg10[%get3A_1528] {strides = array<i32>} : memref<512xf32, #tpu.memory_space<vmem>>, vector<16xf32>,
      %get3A_1530 = arith.constant 144 : index
      %get3A_1531 = tpu.vector_load %arg10[%get3A_1530] {strides = array<i32>} : memref<512xf32, #tpu.memory_space<vmem>>, vector<16xf32>,
      %add3A_1532 = arith.addf %get3A_1529, %get3A_1531 : vector<16xf32>
      %get3A_1533 = arith.constant 272 : index
      %get3A_1534 = tpu.vector_load %arg10[%get3A_1533] {strides = array<i32>} : memref<512xf32, #tpu.memory_space<vmem>>, vector<16xf32>,
      %add3A_1535 = arith.addf %add3A_1532, %get3A_1534 : vector<16xf32>
      %get3A_1536 = arith.constant 400 : index
      %get3A_1537 = tpu.vector_load %arg10[%get3A_1536] {strides = array<i32>} : memref<512xf32, #tpu.memory_space<vmem>>, vector<16xf32>,
      %add3A_1538 = arith.addf %add3A_1535, %get3A_1537 : vector<16xf32>
      %get3A_1539 = arith.constant 48 : index
      %get3A_1540 = tpu.vector_load %arg10[%get3A_1539] {strides = array<i32>} : memref<512xf32, #tpu.memory_space<vmem>>, vector<16xf32>,
      %get3A_1541 = arith.constant 176 : index
      %get3A_1542 = tpu.vector_load %arg10[%get3A_1541] {strides = array<i32>} : memref<512xf32, #tpu.memory_space<vmem>>, vector<16xf32>,
      %add3A_1543 = arith.addf %get3A_1540, %get3A_1542 : vector<16xf32>
      %get3A_1544 = arith.constant 304 : index
      %get3A_1545 = tpu.vector_load %arg10[%get3A_1544] {strides = array<i32>} : memref<512xf32, #tpu.memory_space<vmem>>, vector<16xf32>,
      %add3A_1546 = arith.addf %add3A_1543, %get3A_1545 : vector<16xf32>
      %get3A_1547 = arith.constant 432 : index
      %get3A_1548 = tpu.vector_load %arg10[%get3A_1547] {strides = array<i32>} : memref<512xf32, #tpu.memory_space<vmem>>, vector<16xf32>,
      %add3A_1549 = arith.addf %add3A_1546, %get3A_1548 : vector<16xf32>
      %get3A_1550 = arith.constant 80 : index
      %get3A_1551 = tpu.vector_load %arg10[%get3A_1550] {strides = array<i32>} : memref<512xf32, #tpu.memory_space<vmem>>, vector<16xf32>,
      %get3A_1552 = arith.constant 208 : index
      %get3A_1553 = tpu.vector_load %arg10[%get3A_1552] {strides = array<i32>} : memref<512xf32, #tpu.memory_space<vmem>>, vector<16xf32>,
      %add3A_1554 = arith.addf %get3A_1551, %get3A_1553 : vector<16xf32>
      %get3A_1555 = arith.constant 336 : index
      %get3A_1556 = tpu.vector_load %arg10[%get3A_1555] {strides = array<i32>} : memref<512xf32, #tpu.memory_space<vmem>>, vector<16xf32>,
      %add3A_1557 = arith.addf %add3A_1554, %get3A_1556 : vector<16xf32>
      %get3A_1558 = arith.constant 464 : index
      %get3A_1559 = tpu.vector_load %arg10[%get3A_1558] {strides = array<i32>} : memref<512xf32, #tpu.memory_space<vmem>>, vector<16xf32>,
      %add3A_1560 = arith.addf %add3A_1557, %get3A_1559 : vector<16xf32>
      %get3A_1561 = arith.constant 112 : index
      %get3A_1562 = tpu.vector_load %arg10[%get3A_1561] {strides = array<i32>} : memref<512xf32, #tpu.memory_space<vmem>>, vector<16xf32>,
      %get3A_1563 = arith.constant 240 : index
      %get3A_1564 = tpu.vector_load %arg10[%get3A_1563] {strides = array<i32>} : memref<512xf32, #tpu.memory_space<vmem>>, vector<16xf32>,
      %add3A_1565 = arith.addf %get3A_1562, %get3A_1564 : vector<16xf32>
      %get3A_1566 = arith.constant 368 : index
      %get3A_1567 = tpu.vector_load %arg10[%get3A_1566] {strides = array<i32>} : memref<512xf32, #tpu.memory_space<vmem>>, vector<16xf32>,
      %add3A_1568 = arith.addf %add3A_1565, %get3A_1567 : vector<16xf32>
      %get3A_1569 = arith.constant 496 : index
      %get3A_1570 = tpu.vector_load %arg10[%get3A_1569] {strides = array<i32>} : memref<512xf32, #tpu.memory_space<vmem>>, vector<16xf32>,
      %add3A_1571 = arith.addf %add3A_1568, %get3A_1570 : vector<16xf32>
      %max3A_1572 = arith.constant 1.000000e+00 : f32
      %max3A_1573 = vector.broadcast %max3A_1572 : f32 to vector<16xf32>
      %max3A_1574 = arith.maximumf %add3A_1571, %max3A_1573 : vector<16xf32>
      %gt3A_1575 = arith.constant 0.000000e+00 : f32
      %gt3A_1576 = vector.broadcast %gt3A_1575 : f32 to vector<16xf32>
      %gt3A_1577 = arith.cmpf ogt, %add3A_1571, %gt3A_1576 : vector<16xf32>
      %div3A_1578 = arith.divf %add3A_1538, %max3A_1574 : vector<16xf32>
      %get3A_1579 = arith.constant 16 : index
      %get3A_1580 = tpu.vector_load %arg9[%get3A_1579] {strides = array<i32>} : memref<128xf32, #tpu.memory_space<vmem>>, vector<16xf32>,
      %select_n3A_1581 = arith.select %gt3A_1577, %div3A_1578, %get3A_1580 : vector<16xi1>, vector<16xf32>
      %swap3A_1582 = arith.constant 16 : index
      %swap3A_1583 = tpu.vector_load %arg9[%swap3A_1582] {strides = array<i32>} : memref<128xf32, #tpu.memory_space<vmem>>, vector<16xf32>,
      tpu.vector_store %arg9[%swap3A_1582], %select_n3A_1581 {strides = array<i32>} : memref<128xf32, #tpu.memory_space<vmem>>, vector<16xf32>,
      %div3A_1584 = arith.divf %add3A_1549, %max3A_1574 : vector<16xf32>
      %get3A_1585 = arith.constant 48 : index
      %get3A_1586 = tpu.vector_load %arg9[%get3A_1585] {strides = array<i32>} : memref<128xf32, #tpu.memory_space<vmem>>, vector<16xf32>,
      %select_n3A_1587 = arith.select %gt3A_1577, %div3A_1584, %get3A_1586 : vector<16xi1>, vector<16xf32>
      %swap3A_1588 = arith.constant 48 : index
      %swap3A_1589 = tpu.vector_load %arg9[%swap3A_1588] {strides = array<i32>} : memref<128xf32, #tpu.memory_space<vmem>>, vector<16xf32>,
      tpu.vector_store %arg9[%swap3A_1588], %select_n3A_1587 {strides = array<i32>} : memref<128xf32, #tpu.memory_space<vmem>>, vector<16xf32>,
      %div3A_1590 = arith.divf %add3A_1560, %max3A_1574 : vector<16xf32>
      %get3A_1591 = arith.constant 80 : index
      %get3A_1592 = tpu.vector_load %arg9[%get3A_1591] {strides = array<i32>} : memref<128xf32, #tpu.memory_space<vmem>>, vector<16xf32>,
      %select_n3A_1593 = arith.select %gt3A_1577, %div3A_1590, %get3A_1592 : vector<16xi1>, vector<16xf32>
      %swap3A_1594 = arith.constant 80 : index
      %swap3A_1595 = tpu.vector_load %arg9[%swap3A_1594] {strides = array<i32>} : memref<128xf32, #tpu.memory_space<vmem>>, vector<16xf32>,
      tpu.vector_store %arg9[%swap3A_1594], %select_n3A_1593 {strides = array<i32>} : memref<128xf32, #tpu.memory_space<vmem>>, vector<16xf32>,
      %mul3A_1596 = arith.mulf %select_n3A_1581, %select_n3A_1581 : vector<16xf32>
      %mul3A_1597 = arith.mulf %select_n3A_1587, %select_n3A_1587 : vector<16xf32>
      %add3A_1598 = arith.addf %mul3A_1596, %mul3A_1597 : vector<16xf32>
      %mul3A_1599 = arith.mulf %select_n3A_1593, %select_n3A_1593 : vector<16xf32>
      %add3A_1600 = arith.addf %add3A_1598, %mul3A_1599 : vector<16xf32>
      %swap3A_1601 = arith.constant 112 : index
      %swap3A_1602 = tpu.vector_load %arg9[%swap3A_1601] {strides = array<i32>} : memref<128xf32, #tpu.memory_space<vmem>>, vector<16xf32>,
      tpu.vector_store %arg9[%swap3A_1601], %add3A_1600 {strides = array<i32>} : memref<128xf32, #tpu.memory_space<vmem>>, vector<16xf32>,
      %barrier3A_1603 = arith.constant 0 : index
      tpu.barrier barrier_id(%barrier3A_1603)
    }
    %scan3A_91 = arith.constant 10 : i32
    %eq3A_92 = arith.constant 0 : i32
    %eq3A_93 = arith.cmpi eq, %select_n3A_30, %eq3A_92 : i32
    %convert_element_type3A = arith.extui %eq3A_93 : i1 to i32
    %cond3A = arith.constant 0 : i32
    %cond3A_94 = arith.cmpi ne, %convert_element_type3A, %cond3A : i32
    scf.if %cond3A_94 {
      %add3A_95 = arith.constant 0 : i32
      %add3A_96 = vector.broadcast %add3A_95 : i32 to vector<16xi32>
      %add3A_97 = arith.addi %iota3A, %add3A_96 : vector<16xi32>
      %mul3A_98 = arith.constant 3 : i32
      %mul3A_99 = vector.broadcast %mul3A_98 : i32 to vector<16xi32>
      %mul3A_100 = arith.muli %add3A_97, %mul3A_99 : vector<16xi32>
      %add3A_101 = arith.constant 0 : i32
      %add3A_102 = vector.broadcast %add3A_101 : i32 to vector<16xi32>
      %add3A_103 = arith.addi %mul3A_100, %add3A_102 : vector<16xi32>
      %get3A_104 = arith.constant 0 : index
      %get3A_105 = tpu.vector_load %arg9[%get3A_104] {strides = array<i32>} : memref<128xf32, #tpu.memory_space<vmem>>, vector<16xf32>,
      tpu.vector_store_idx %arg11[%add3A_103], %get3A_105 : memref<96xf32, #tpu.memory_space<vmem>>[vector<16xi32>], vector<16xf32>,
      %add3A_106 = arith.constant 16 : i32
      %add3A_107 = vector.broadcast %add3A_106 : i32 to vector<16xi32>
      %add3A_108 = arith.addi %iota3A, %add3A_107 : vector<16xi32>
      %mul3A_109 = arith.constant 3 : i32
      %mul3A_110 = vector.broadcast %mul3A_109 : i32 to vector<16xi32>
      %mul3A_111 = arith.muli %add3A_108, %mul3A_110 : vector<16xi32>
      %add3A_112 = arith.constant 0 : i32
      %add3A_113 = vector.broadcast %add3A_112 : i32 to vector<16xi32>
      %add3A_114 = arith.addi %mul3A_111, %add3A_113 : vector<16xi32>
      %get3A_115 = arith.constant 16 : index
      %get3A_116 = tpu.vector_load %arg9[%get3A_115] {strides = array<i32>} : memref<128xf32, #tpu.memory_space<vmem>>, vector<16xf32>,
      tpu.vector_store_idx %arg11[%add3A_114], %get3A_116 : memref<96xf32, #tpu.memory_space<vmem>>[vector<16xi32>], vector<16xf32>,
      %add3A_117 = arith.constant 0 : i32
      %add3A_118 = vector.broadcast %add3A_117 : i32 to vector<16xi32>
      %add3A_119 = arith.addi %iota3A, %add3A_118 : vector<16xi32>
      %mul3A_120 = arith.constant 3 : i32
      %mul3A_121 = vector.broadcast %mul3A_120 : i32 to vector<16xi32>
      %mul3A_122 = arith.muli %add3A_119, %mul3A_121 : vector<16xi32>
      %add3A_123 = arith.constant 1 : i32
      %add3A_124 = vector.broadcast %add3A_123 : i32 to vector<16xi32>
      %add3A_125 = arith.addi %mul3A_122, %add3A_124 : vector<16xi32>
      %get3A_126 = arith.constant 32 : index
      %get3A_127 = tpu.vector_load %arg9[%get3A_126] {strides = array<i32>} : memref<128xf32, #tpu.memory_space<vmem>>, vector<16xf32>,
      tpu.vector_store_idx %arg11[%add3A_125], %get3A_127 : memref<96xf32, #tpu.memory_space<vmem>>[vector<16xi32>], vector<16xf32>,
      %add3A_128 = arith.constant 16 : i32
      %add3A_129 = vector.broadcast %add3A_128 : i32 to vector<16xi32>
      %add3A_130 = arith.addi %iota3A, %add3A_129 : vector<16xi32>
      %mul3A_131 = arith.constant 3 : i32
      %mul3A_132 = vector.broadcast %mul3A_131 : i32 to vector<16xi32>
      %mul3A_133 = arith.muli %add3A_130, %mul3A_132 : vector<16xi32>
      %add3A_134 = arith.constant 1 : i32
      %add3A_135 = vector.broadcast %add3A_134 : i32 to vector<16xi32>
      %add3A_136 = arith.addi %mul3A_133, %add3A_135 : vector<16xi32>
      %get3A_137 = arith.constant 48 : index
      %get3A_138 = tpu.vector_load %arg9[%get3A_137] {strides = array<i32>} : memref<128xf32, #tpu.memory_space<vmem>>, vector<16xf32>,
      tpu.vector_store_idx %arg11[%add3A_136], %get3A_138 : memref<96xf32, #tpu.memory_space<vmem>>[vector<16xi32>], vector<16xf32>,
      %add3A_139 = arith.constant 0 : i32
      %add3A_140 = vector.broadcast %add3A_139 : i32 to vector<16xi32>
      %add3A_141 = arith.addi %iota3A, %add3A_140 : vector<16xi32>
      %mul3A_142 = arith.constant 3 : i32
      %mul3A_143 = vector.broadcast %mul3A_142 : i32 to vector<16xi32>
      %mul3A_144 = arith.muli %add3A_141, %mul3A_143 : vector<16xi32>
      %add3A_145 = arith.constant 2 : i32
      %add3A_146 = vector.broadcast %add3A_145 : i32 to vector<16xi32>
      %add3A_147 = arith.addi %mul3A_144, %add3A_146 : vector<16xi32>
      %get3A_148 = arith.constant 64 : index
      %get3A_149 = tpu.vector_load %arg9[%get3A_148] {strides = array<i32>} : memref<128xf32, #tpu.memory_space<vmem>>, vector<16xf32>,
      tpu.vector_store_idx %arg11[%add3A_147], %get3A_149 : memref<96xf32, #tpu.memory_space<vmem>>[vector<16xi32>], vector<16xf32>,
      %add3A_150 = arith.constant 16 : i32
      %add3A_151 = vector.broadcast %add3A_150 : i32 to vector<16xi32>
      %add3A_152 = arith.addi %iota3A, %add3A_151 : vector<16xi32>
      %mul3A_153 = arith.constant 3 : i32
      %mul3A_154 = vector.broadcast %mul3A_153 : i32 to vector<16xi32>
      %mul3A_155 = arith.muli %add3A_152, %mul3A_154 : vector<16xi32>
      %add3A_156 = arith.constant 2 : i32
      %add3A_157 = vector.broadcast %add3A_156 : i32 to vector<16xi32>
      %add3A_158 = arith.addi %mul3A_155, %add3A_157 : vector<16xi32>
      %get3A_159 = arith.constant 80 : index
      %get3A_160 = tpu.vector_load %arg9[%get3A_159] {strides = array<i32>} : memref<128xf32, #tpu.memory_space<vmem>>, vector<16xf32>,
      tpu.vector_store_idx %arg11[%add3A_158], %get3A_160 : memref<96xf32, #tpu.memory_space<vmem>>[vector<16xi32>], vector<16xf32>,
      %mul3A_161 = arith.constant 96 : i32
      %mul3A_162 = arith.muli %add3A, %mul3A_161 : i32
      "tpu.region"() ({
        %run_scoped3A = tpu.sem_alloc : memref<!tpu.dma_semaphore, #tpu.memory_space<semaphore_mem>>
        %dma_start3A = tpu.memref_slice %arg4[%mul3A_162] : memref<768xf32, #tpu.memory_space<hbm>> -> memref<96xf32, #tpu.memory_space<hbm>>
        %dma_start3A_163 = tpu.memref_slice %arg4[%mul3A_162] : memref<768xf32, #tpu.memory_space<hbm>> -> memref<96xf32, #tpu.memory_space<hbm>>
        tpu.enqueue_dma source(%arg11 : memref<96xf32, #tpu.memory_space<vmem>>) target(%dma_start3A_163 : memref<96xf32, #tpu.memory_space<hbm>>) target_semaphore(%run_scoped3A : memref<!tpu.dma_semaphore, #tpu.memory_space<semaphore_mem>>)
        %dma_wait3A = tpu.memref_slice %arg4[%mul3A_162] : memref<768xf32, #tpu.memory_space<hbm>> -> memref<96xf32, #tpu.memory_space<hbm>>
        %dma_wait3A_164 = tpu.memref_slice %arg4[%mul3A_162] : memref<768xf32, #tpu.memory_space<hbm>> -> memref<96xf32, #tpu.memory_space<hbm>>
        tpu.wait_dma2 semaphore(%run_scoped3A : memref<!tpu.dma_semaphore, #tpu.memory_space<semaphore_mem>>) src(%arg11 : memref<96xf32, #tpu.memory_space<vmem>>) dst(%dma_wait3A_164 : memref<96xf32, #tpu.memory_space<hbm>>)
        tpu.yield
      }) : () -> ()
    } else {
    }
    return
  }
}

</mosaic_0001>

<sc_bundles>
// kernel: _sc_kmeans.3.cloned.1.call-start
scs
__scs_entry_jumppad:
0x0: {  	(pc) =	sbr.rel $0x88, $3  }
0x1: {  	(tag) =	ssettag $0x0;
	lr =	simm.s32 $0x1  }
0x2: {  	[smem:$0x3F9F] =	sst lr;
	_ =	strace $0xD0000000  }
0x3: {  	_ = 	snop  }
0x4: {  	_ = 	snop  }
0x5: {  	_ = 	snop  }
0x6: {  	_ = 	snop  }
0x7: {  	_ = 	snop  }
__scs_overlays_trampoline_lowered:
0x8: {  	[smem:$0x3FAE] =	sst s0  }
0x9: {  	[smem:$0x3FAF] =	sst s1  }
0xa: {  	[smem:$0x3FB0] =	sst s2  }
0xb: {  	[smem:$0x3FB1] =	sst s3  }
0xc: {  	[smem:$0x3FB2] =	sst s4  }
0xd: {  	[smem:$0x3FB3] =	sst s5  }
0xe: {  	[smem:$0x3FB4] =	sst s6  }
0xf: {  	[smem:$0x3FB5] =	sst s7  }
0x10: {  	[smem:$0x3FB6] =	sst s8  }
0x11: {  	[smem:$0x3FB7] =	sst s9;
	s0 =	simm.s32 @!p0 $0x0  }
0x12: {  	s1 =	sld [smem:$0x3F9D];
	s0 =	simm.s32 @p0 $0x1  }
0x13: {  	[smem:$0x3FB8] =	sst s0;
	s0 =	simm.s32 @!p1 $0x0  }
0x14: {  	s2 =	sld [smem:$0x3F9C];
	s0 =	simm.s32 @p1 $0x1  }
0x15: {  	[smem:$0x3FB9] =	sst s0;
	s0 =	simm.s32 @!p2 $0x0  }
0x16: {  	s3 =	sld [smem:$0x3FDB];
	s0 =	simm.s32 @p2 $0x1  }
0x17: {  	s4 =	simm.s32 $0x1BF5;
	[smem:$0x3FBB] =	sst s0  }
0x18: {  	s0 =	sld [smem:$0x3F9E];
	_ =	swait.ge [sflag:s4], $0x0  }
0x19: {  	s7 =	sld [smem:$0x3F9F]  }
0x1a: {  	s8 =	sadd.s32 $0xFFFFE003, lr  }
0x1b: {  	s9 =	sadd.s32 $0xFFFFFEF7, lr;
	s5 =	simm.s32 $0xFFFFFFFF;
	p2 =	slt.u32 s8, $0xFFFFF086  }
0x1c: {  	p1 =	slt.u32 s9, $0xF7A;
	s5 =	simm.s32 @!p2 $0x0  }
0x1d: {  	s5 =	simm.s32 @p1 $0x1;
	p0 =	seq.s32 s7, s2  }
0x1e: {  	s7 =	smul.u32 @!p0 $0xF7A, s2;
	p2 =	seq.s32 @!p0 s5, $0x0  }
0x1f: {  	s9 =	smul.u32 $0xF7A, s1;
	s8 =	simm.s32 @!p0 $0x1BF5;
	p2 =	por !p2, p0  }
0x20: {  	[sflag:s8] =	ssyncset.s32 @!p0 $0xFFFFF086;
	s6 =	sadd.s32 @!p0 s3, s7;
	s7 =	simm.s32 @!p0 $0x108  }
0x21: {  	s3 =	sadd.s32 s3, s9;
	s6 =	sadd.s32 @!p0 $0x88, s6;
	s7 =	simm.s32 @p2 $0x1082  }
0x22: {  	[simem:s7], [sflag:s8] =	dma.local @!p0 [hbm:s6], $0xF7A  }
0x23: {  	s9 =	sor.u32 $0xD0000000, s2;
	s6 =	simm.s32 $0x108;
	_ =	swait.ge @!p0 [sflag:s8], $0x0  }
0x24: {  	s3 =	sadd.s32 $0x88, s3;
	s6 =	simm.s32 @!p1 $0x1082;
	[sflag:s4] =	ssyncset.s32 $0xFFFFF086  }
0x25: {  	[simem:s6], [sflag:s4] =	dma.local [hbm:s3], $0xF7A  }
0x26: {  	[smem:$0x3F9F] =	sst s1;
	(tag) =	ssettag s2;
	_ =	strace s9  }
0x27: {  	s1 =	sld [smem:$0x3FAF]  }
0x28: {  	s2 =	sld [smem:$0x3FB0]  }
0x29: {  	s4 =	sld [smem:$0x3FB2]  }
0x2a: {  	p0 =	seq.s32 s5, $0x0;
	s5 =	sld [smem:$0x3FB3]  }
0x2b: {  	s6 =	sld [smem:$0x3FB4]  }
0x2c: {  	s7 =	sld [smem:$0x3FB5]  }
0x2d: {  	s3 =	simm.s32 $0x108;
	s8 =	sld [smem:$0x3FB6]  }
0x2e: {  	s3 =	simm.s32 @!p0 $0x1082;
	s9 =	sld [smem:$0x3FB7]  }
0x2f: {  	lr =	sadd.s32 s0, s3;
	s0 =	sld [smem:$0x3FAE]  }
0x30: {  	s3 =	sld [smem:$0x3FB1]  }
0x31: {  	[smem:$0x3FBA] =	sst s10  }
0x32: {  	s10 =	sld [smem:$0x3FB8];
	_ =	sdelay $0x3  }
0x33: {  	p0 =	seq.s32 s10, $0x1;
	s10 =	sld [smem:$0x3FBA];
	_ =	sdelay $0x3  }
0x34: {  	[smem:$0x3FBA] =	sst s10  }
0x35: {  	s10 =	sld [smem:$0x3FB9];
	_ =	sdelay $0x3  }
0x36: {  	p1 =	seq.s32 s10, $0x1;
	s10 =	sld [smem:$0x3FBA];
	_ =	sdelay $0x3  }
0x37: {  	[smem:$0x3FBA] =	sst s10  }
0x38: {  	s10 =	sld [smem:$0x3FBB]  }
0x39: {  	_ = 	snop;
	(pc) =	sbr.ind lr, $3  }
0x3a: {  	_ = 	snop  }
0x3b: {  	_ = 	snop  }
0x3c: {  	p2 =	seq.s32 s10, $0x1;
	s10 =	sld [smem:$0x3FBA]  }
0x3d: {  	_ =	shalt  }
0x3e: {  	_ =	shalt  }
0x3f: {  	_ =	shalt  }
0x40: {  	_ =	shalt  }
0x41: {  	_ =	shalt  }
0x42: {  	_ =	shalt  }
0x43: {  	_ =	shalt  }
0x44: {  	_ =	shalt  }
0x45: {  	_ =	shalt  }
0x46: {  	_ =	shalt  }
0x47: {  	_ =	shalt  }
0x48: {  	_ =	shalt  }
0x49: {  	_ =	shalt  }
0x4a: {  	_ =	shalt  }
0x4b: {  	_ =	shalt  }
0x4c: {  	_ =	shalt  }
0x4d: {  	_ =	shalt  }
0x4e: {  	_ =	shalt  }
0x4f: {  	_ =	shalt  }
0x50: {  	_ =	shalt  }
0x51: {  	_ =	shalt  }
0x52: {  	_ =	shalt  }
0x53: {  	_ =	shalt  }
0x54: {  	_ =	shalt  }
0x55: {  	_ =	shalt  }
0x56: {  	_ =	shalt  }
0x57: {  	_ =	shalt  }
0x58: {  	_ =	shalt  }
0x59: {  	_ =	shalt  }
0x5a: {  	_ =	shalt  }
0x5b: {  	_ =	shalt  }
0x5c: {  	_ =	shalt  }
0x5d: {  	_ =	shalt  }
0x5e: {  	_ =	shalt  }
0x5f: {  	_ =	shalt  }
0x60: {  	_ =	shalt  }
0x61: {  	_ =	shalt  }
0x62: {  	_ =	shalt  }
0x63: {  	_ =	shalt  }
0x64: {  	_ =	shalt  }
0x65: {  	_ =	shalt  }
0x66: {  	_ =	shalt  }
0x67: {  	_ =	shalt  }
0x68: {  	_ =	shalt  }
0x69: {  	_ =	shalt  }
0x6a: {  	_ =	shalt  }
0x6b: {  	_ =	shalt  }
0x6c: {  	_ =	shalt  }
0x6d: {  	_ =	shalt  }
0x6e: {  	_ =	shalt  }
0x6f: {  	_ =	shalt  }
0x70: {  	_ =	shalt  }
0x71: {  	_ =	shalt  }
0x72: {  	_ =	shalt  }
0x73: {  	_ =	shalt  }
0x74: {  	_ =	shalt  }
0x75: {  	_ =	shalt  }
0x76: {  	_ =	shalt  }
0x77: {  	_ =	shalt  }
0x78: {  	_ =	shalt  }
0x79: {  	_ =	shalt  }
0x7a: {  	_ =	shalt  }
0x7b: {  	_ =	shalt  }
0x7c: {  	_ =	shalt  }
0x7d: {  	_ =	shalt  }
0x7e: {  	_ =	shalt  }
0x7f: {  	_ =	shalt  }
0x80: {  	_ =	shalt  }
0x81: {  	_ =	shalt  }
0x82: {  	_ =	shalt  }
0x83: {  	_ =	shalt  }
0x84: {  	_ =	shalt  }
0x85: {  	_ =	shalt  }
0x86: {  	_ =	shalt  }
0x87: {  	_ =	shalt  }
.Lfunc_end0:
.L_simem_size_0:
called_computation_lowered:
.L_overlay_start_0:
0x88: {  	s2 =	sld [smem:$0x3FD9]  }
0x89: {  	s3 =	sld [smem:$0x3FFE];
	_ =	sdelay $0x1  }
0x8a: {  	s1 =	srdreg.scid  }
0x8b: {  	s0 =	sand.u32 $0x1, s1  }
0x8c: {  	s18 =	sshll.u32 s0, $0xA;
	s2 =	sadd.s32 s3, s2  }
0x8d: {  	s2 =	sadd.s32 s2, s18  }
0x8e: {  	[smem:$0x3FC6] =	sst s2  }
0x8f: {  	_ = 	snop  }
0x90: {  	s2 =	sld [smem:$0x3FC9]  }
0x91: {  	s19 =	sld [smem:$0x3FC8]  }
0x92: {  	s4 =	sld [smem:$0x3FD0];
	(tm) =	ssettm $0x1  }
0x93: {  	s5 =	sld [smem:$0x3FFB];
	_ =	sdelay $0x3  }
0x94: {  	_ =	strace s5  }
0x95: {  	s5 =	sld [smem:$0x3FFC];
	_ =	sdelay $0x3  }
0x96: {  	_ =	strace s5  }
0x97: {  	s5 =	sld [smem:$0x3FFD];
	_ =	sdelay $0x3  }
0x98: {  	_ =	strace s5  }
0x99: {  	_ =	strace $0x8FFFFFFF  }
0x9a: {  	s20 =	sld [smem:$0x3FDB];
	_ =	sdelay $0x1  }
0x9b: {  	s6 =	simm.s32 $_scs_section_size  }
0x9c: {  	s7 =	simm.s32 $_size__tile_overlayer_lowered;
	s8 =	simm.s32 $_tile_overlayer_lowered  }
0x9d: {  	s23 =	simm.s32 $0x1BFF;
	s22 =	sshll.u32 s8, $0x1;
	s5 =	sadd.s32 s6, s20  }
0x9e: {  	s9 =	simm.s32 $0x0;
	s21 =	sshll.u32 s7, $0x1;
	s7 =	sadd.s32 s22, s5  }
0x9f: {  	[timem:s9], [sflag:s23] =	dma.local [hbm:s7], s21  }
0xa0: {  	_ =	swait.ge [sflag:s23], s21  }
0xa1: {  	s6 =	ssub.s32 $0x0, s21;
	[sflag:s23] =	ssyncset.done $0x0  }
0xa2: {  	[sflag:s23] =	ssyncadd.s32 s6;
	_ =	sdelay $0x1  }
0xa3: {  	s24 =	simm.s32 $0x1B8B  }
0xa4: {  	_ =	swait.ge [sflag:s24], $0x1  }
0xa5: {  	[sflag:s24] =	ssyncset.done $0x0  }
0xa6: {  	s25 =	simm.s32 $0x1B8E;
	[sflag:s24] =	ssyncadd.s32 $0xFFFFFFFF  }
0xa7: {  	s26 =	simm.s32 $execute0_lowered;
	[smem:$0x3FD2] =	sst s25  }
0xa8: {  	s6 =	sshll.u32 s26, $0x1;
	_ =	strace $0x80000046;
	[dreg:$0x1] =	wrdreg $0xFFFFFFFF  }
0xa9: {  	s28 =	simm.s32 $_size_execute0_lowered;
	s5 =	sadd.s32 s5, s6;
	[dreg:$0x0] =	wrdreg $0x0  }
0xaa: {  	s6 =	sshll.u32 s28, $0x1;
	[dreg:$0x2] =	wrdreg s5  }
0xab: {  	[dreg:$0x3] =	wrdreg s6  }
0xac: {  	[dreg:$0x4] =	wrdreg $0xC0  }
0xad: {  	_ =	task [dreg:s9], $0x5FFFF  }
0xae: {  	[dreg:$0x1] =	wrdreg $0xFFFFFFFF  }
0xaf: {  	[dreg:$0x0] =	wrdreg $0x60  }
0xb0: {  	[dreg:$0x2] =	wrdreg s2  }
0xb1: {  	[dreg:$0x3] =	wrdreg s19  }
0xb2: {  	[dreg:$0x4] =	wrdreg s4  }
0xb3: {  	[dreg:$0x5] =	wrdreg $0x1C3800  }
0xb4: {  	[dreg:$0x6] =	wrdreg $0x9  }
0xb5: {  	_ =	task.clear_ibuf [dreg:s9], $0x7FFFF;
	_ =	strace $0x90000046  }
0xb6: {  	s29 =	simm.s32 $0x9;
	_ =	strace $0x80000048  }
0xb7: {  	_ =	swait.ge [sflag:s29], $0x1  }
0xb8: {  	[sflag:s29] =	ssyncadd.s32 $0xFFFFFFFF  }
0xb9: {  	_ =	strace $0x90000048  }
0xba: {  	_ =	sfence  }
0xbb: {  	s30 =	sld [smem:$0x0];
	_ =	sdelay $0x2  }
0xbc: {  	s31 =	sshll.u32 s1, $0xD;
	s1 =	sshrl.u32 s1, $0x2  }
0xbd: {  	s3 =	sand.u32 $0x4000, s31;
	s1 =	sadd.s32 s1, s30  }
0xbe: {  	s0 =	sor.u32 s3, s0;
	s1 =	sshll.u32 s1, $0x11  }
0xbf: {  	s0 =	sor.u32 s1, s0  }
0xc0: {  	s0 =	sadd.s32 $0x8F2B, s0  }
0xc1: {  	[sflag:s0] =	ssyncadd.remote.s32 $0x1  }
0xc2: {  	_ =	sfence.sel $0xFFFF  }
0xc3: {  	[dreg:$0x0] =	wrdreg $0xFFFFFFFF;
	(pc) =	sbr.abs _section_cstart, $3  }
0xc4: {  	[dreg:$0x1] =	wrdreg $0xFFFFFFFF  }
0xc5: {  	_ =	task.clear_ibuf [dreg:s9], $0x2FFFF;
	_ =	strace $0x9FFFFFFF  }
0xc6: {  	(tm) =	ssettm $0x7FFFFFFF  }
0xc7: {  	_ =	shalt  }
tec
execute0_lowered:
.L_overlay_start_1:
0x0: {  	(tag) =	ssettag $0x1  }
0x1: {  	v0 =	vlaneseq.u32  }
0x2: {  	v0 =	vmul.u32 $0x80, v0;
	_ =	sdelay $0x1  }
0x3: {  	v1 =	vor.u32 $0x1, v0  }
0x4: {  	v36 =	vor.u32 $0x2, v0;
	[tilespmem:$0x1FE00] =	vst v1  }
0x5: {  	v37 =	vor.u32 $0x3, v0;
	[tilespmem:$0x1FE10] =	vst v36  }
0x6: {  	v38 =	vor.u32 $0x4, v0;
	[tilespmem:$0x1FE20] =	vst v37  }
0x7: {  	s4 =	rddreg [dreg:$0x0];
	v39 =	vor.u32 $0x5, v0;
	[tilespmem:$0x1FE30] =	vst v38  }
0x8: {  	s1 =	srdreg.scid;
	s6 =	rddreg [dreg:$0x1];
	v40 =	vor.u32 $0x6, v0;
	[tilespmem:$0x1FE40] =	vst v39  }
0x9: {  	s0 =	stileid.u32;
	s9 =	rddreg [dreg:$0x2];
	v41 =	vor.u32 $0x7, v0;
	[tilespmem:$0x1FE50] =	vst v40  }
0xa: {  	s10 =	rddreg [dreg:$0x3];
	s2 =	simm.s32 $0x0;
	s3 =	sand.u32 $0x1, s1;
	v42 =	vor.u32 $0x8, v0;
	[tilespmem:$0x1FE60] =	vst v41  }
0xb: {  	s8 =	sshrl.u32 s0, $0x2;
	[smem:$0x7FF] =	sst s2;
	s1 =	sshll.u32 s3, $0x2;
	v43 =	vor.u32 $0x9, v0;
	[tilespmem:$0x1FE70] =	vst v42  }
0xc: {  	s5 =	sor.u32 s8, s1;
	s1 =	rddreg [dreg:$0x4];
	v44 =	vor.u32 $0xA, v0;
	_ =	strace $0x80000047;
	[tilespmem:$0x1FE80] =	vst v43  }
0xd: {  	v45 =	vor.u32 $0xB, v0;
	[tilespmem:$0x1FE90] =	vst v44  }
0xe: {  	v46 =	vor.u32 $0xC, v0;
	[tilespmem:$0x1FEA0] =	vst v45  }
0xf: {  	v47 =	vor.u32 $0xD, v0;
	[tilespmem:$0x1FEB0] =	vst v46  }
0x10: {  	v48 =	vor.u32 $0x12, v0;
	[tilespmem:$0x1FEC0] =	vst v47  }
0x11: {  	v49 =	vor.u32 $0x13, v0;
	[tilespmem:$0x1FED0] =	vst v48  }
0x12: {  	v50 =	vor.u32 $0x14, v0;
	[tilespmem:$0x1FEE0] =	vst v49  }
0x13: {  	v51 =	vor.u32 $0x15, v0;
	[tilespmem:$0x1FEF0] =	vst v50  }
0x14: {  	v52 =	vor.u32 $0x16, v0;
	[tilespmem:$0x1FF00] =	vst v51  }
0x15: {  	v53 =	vor.u32 $0x17, v0;
	[tilespmem:$0x1FF10] =	vst v52  }
0x16: {  	v55 =	vor.u32 $0x18, v0;
	[tilespmem:$0x1FF20] =	vst v53  }
0x17: {  	v56 =	vor.u32 $0x19, v0;
	[tilespmem:$0x1FF30] =	vst v55  }
0x18: {  	v57 =	vor.u32 $0x1A, v0;
	[tilespmem:$0x1FF40] =	vst v56  }
0x19: {  	v58 =	vor.u32 $0x1B, v0;
	[tilespmem:$0x1FF50] =	vst v57  }
0x1a: {  	s13 =	simm.s32 $0x12000;
	v59 =	vor.u32 $0x1C, v0;
	[tilespmem:$0x1FF60] =	vst v58  }
0x1b: {  	s14 =	simm.s32 $0x1C080;
	s15 =	simm.s32 $0x1B800;
	s18 =	sand.u32 $0x3, s0;
	v60 =	vor.u32 $0x1D, v0;
	[tilespmem:$0x1FF70] =	vst v59  }
0x1c: {  	s16 =	simm.s32 $0x1C000;
	s17 =	simm.s32 $0x1C100;
	s11 =	smul.u32 $0x9000, s18;
	v62 =	vor.u32 $0x1E, v0;
	[tilespmem:$0x1FF80] =	vst v60  }
0x1d: {  	s31 =	sshll.u32 s0, $0x7;
	s3 =	ssub.s32 $0x2, s3;
	s7 =	smul.u32 $0x6C000, s5;
	[tilespmem:$0x1FF90] =	vst v62  }
0x1e: {  	p0 =	sne.s32 s18, $0x0;
	v63 =	vor.u32 $0xE, v0;
	s8 =	sshll.u32 s8, $0x9;
	s12 =	smul.u32 $0xC, s5;
	[tilespmem:$0x1FFA0] =	vst v0  }
0x1f: {  	s18 =	simm.s32 $0x0;
	s30 =	sshrl.u32 s3, $0x1;
	v61 =	vor.u32 $0xF, v0;
	s8 =	sadd.s32 s8, s10;
	[tilespmem:$0x1FFC0] =	vst v63  }
0x20: {  	v30 =	vor.u32 $0x10, v0;
	[tilespmem:$0x1FFD0] =	vst v61;
	s7 =	sadd.s32 s11, s7;
	s11 =	ssub.s32 s3, s30;
	s6 =	sadd.s32 s6, s12  }
0x21: {  	v54 =	vor.u32 $0x11, v0;
	[tilespmem:$0x1FFE0] =	vst v30;
	s9 =	sadd.s32 s9, s12;
	s12 =	simm.s32 $0x9000;
	s7 =	sshrl.u32 s7, $0x3  }
0x22: {  	v0 =	vor.u32 $0x1F, v0;
	[tilespmem:$0x1FFF0] =	vst v54;
	s3 =	sadd.s32 s4, s7;
	s7 =	sadd.s32 s31, s10;
	s10 =	smax.u32 s11, $0x1  }
0x23: {  	[tilespmem:$0x1FFB0] =	vst v0;
	s11 =	simm.s32 $0x1;
	s4 =	sadd.s32 $0x4800, s3;
	s5 =	sadd.s32 $0x9000, s3  }
.LBB2_1:
0x24: {  	[tilespmem:s2], [sflag:$0x1] =	stream.linear.gather [hbm4b:s3+s2], $0x9000, $0x38;
	[tilespmem:$0x1C400] =	vst v63  }
0x25: {  	_ =	swait.ge [sflag:s11], $0x9000  }
0x26: {  	[sflag:s11] =	ssyncset.done $0x0  }
0x27: {  	[sflag:s11] =	ssyncadd.s32 $0xFFFF7000  }
0x28: {  	[tilespmem:s12], [sflag:$0x1] =	stream.linear.gather [hbm4b:s4+s2], $0x9000, $0x38;
	[tilespmem:$0x1C400] =	vst v63  }
0x29: {  	_ =	swait.ge [sflag:s11], $0x9000  }
0x2a: {  	[sflag:s11] =	ssyncset.done $0x0  }
0x2b: {  	[sflag:s11] =	ssyncadd.s32 $0xFFFF7000  }
0x2c: {  	[tilespmem:s13], [sflag:$0x1] =	stream.linear.gather [hbm4b:s5+s2], $0x9000, $0x38;
	[tilespmem:$0x1C400] =	vst v63  }
0x2d: {  	_ =	swait.ge [sflag:s11], $0x9000  }
0x2e: {  	[sflag:s11] =	ssyncset.done $0x0  }
0x2f: {  	[sflag:s11] =	ssyncadd.s32 $0xFFFF7000  }
0x30: {  	[tilespmem:s14], [sflag:$0x1] =	stream.linear.gather [hbm4b:s6+s2], $0x60, $0x38;
	[tilespmem:$0x1C400] =	vst v63  }
0x31: {  	_ =	swait.ge [sflag:s11], $0x60  }
0x32: {  	[sflag:s11] =	ssyncset.done $0x0  }
0x33: {  	[sflag:s11] =	ssyncadd.s32 $0xFFFFFFA0  }
0x34: {  	v0 =	vld [tilespmem:$0x1C080]  }
0x35: {  	v1 =	vld [tilespmem:$0x1C0A0]  }
0x36: {  	v2 =	vld [tilespmem:$0x1C090]  }
0x37: {  	v3 =	vld [tilespmem:$0x1C0B0]  }
0x38: {  	v4 =	vld [tilespmem:$0x1C0C0]  }
0x39: {  	v5 =	vld [tilespmem:$0x1C0D0];
	_ =	sdelay $0x1  }
0x3a: {  	v0 =	vmul.f32 v0, v0;
	v1 =	vmul.f32 v1, v1  }
0x3b: {  	v2 =	vmul.f32 v2, v2;
	v3 =	vmul.f32 v3, v3  }
0x3c: {  	v59 =	vmul.f32 v4, v4;
	v0 =	vadd.f32 v1, v0  }
0x3d: {  	v60 =	vmul.f32 v5, v5;
	v2 =	vadd.f32 v3, v2  }
0x3e: {  	v0 =	vadd.f32 v59, v0  }
0x3f: {  	v62 =	vadd.f32 v60, v2  }
0x40: {  	[tilespmem:$0x1C0E0] =	vst v0  }
0x41: {  	s19 =	simm.s32 $0x0;
	[tilespmem:$0x1C0F0] =	vst v62  }
.LBB2_2:
0x42: {  	v1 =	vld [tilespmem:$0x1C0E0];
	_ =	sdelay $0x4  }
0x43: {  	v35 =	vbroadcast v1, $0x0  }
0x44: {  	v38 =	vbroadcast v1, $0x1  }
0x45: {  	v42 =	vbroadcast v1, $0x2;
	[tilespmem:$0x1B000] =	vst v35  }
0x46: {  	v46 =	vbroadcast v1, $0x3;
	[tilespmem:$0x1B040] =	vst v38  }
0x47: {  	v50 =	vbroadcast v1, $0x4;
	[tilespmem:$0x1B080] =	vst v42  }
0x48: {  	v55 =	vbroadcast v1, $0x5;
	[tilespmem:$0x1B0C0] =	vst v46  }
0x49: {  	v59 =	vbroadcast v1, $0x6;
	[tilespmem:$0x1B100] =	vst v50  }
0x4a: {  	v0 =	vld [tilespmem:$0x1C080];
	v9 =	vbroadcast v1, $0x7;
	[tilespmem:$0x1B140] =	vst v55  }
0x4b: {  	v2 =	vld [tilespmem:$0x1C0A0];
	v13 =	vbroadcast v1, $0x8;
	[tilespmem:$0x1B180] =	vst v59  }
0x4c: {  	v3 =	vld [tilespmem:$0x1C0C0];
	v17 =	vbroadcast v1, $0x9;
	[tilespmem:$0x1B1C0] =	vst v9  }
0x4d: {  	v21 =	vbroadcast v1, $0xA;
	[tilespmem:$0x1B200] =	vst v13  }
0x4e: {  	v25 =	vbroadcast v1, $0xB;
	[tilespmem:$0x1B240] =	vst v17  }
0x4f: {  	v4 =	vmul.f32 $-2.000000000e+00, v0;
	v33 =	vbroadcast v1, $0xC;
	[tilespmem:$0x1B280] =	vst v21  }
0x50: {  	v2 =	vmul.f32 $-2.000000000e+00, v2;
	v6 =	vbroadcast v1, $0xE;
	[tilespmem:$0x1B2C0] =	vst v25  }
0x51: {  	v3 =	vmul.f32 $-2.000000000e+00, v3;
	v5 =	vbroadcast v4, $0x0;
	[tilespmem:$0x1B300] =	vst v33  }
0x52: {  	v36 =	vbroadcast v2, $0x0;
	[tilespmem:$0x1B380] =	vst v6  }
0x53: {  	v37 =	vbroadcast v3, $0x0;
	[tilespmem:$0x1B010] =	vst v5  }
0x54: {  	v39 =	vbroadcast v4, $0x1;
	[tilespmem:$0x1B020] =	vst v36  }
0x55: {  	v40 =	vbroadcast v2, $0x1;
	[tilespmem:$0x1B030] =	vst v37  }
0x56: {  	v41 =	vbroadcast v3, $0x1;
	[tilespmem:$0x1B050] =	vst v39  }
0x57: {  	v43 =	vbroadcast v4, $0x2;
	[tilespmem:$0x1B060] =	vst v40  }
0x58: {  	v44 =	vbroadcast v2, $0x2;
	[tilespmem:$0x1B070] =	vst v41  }
0x59: {  	v45 =	vbroadcast v3, $0x2;
	[tilespmem:$0x1B090] =	vst v43  }
0x5a: {  	v47 =	vbroadcast v4, $0x3;
	[tilespmem:$0x1B0A0] =	vst v44  }
0x5b: {  	v48 =	vbroadcast v2, $0x3;
	[tilespmem:$0x1B0B0] =	vst v45  }
0x5c: {  	v49 =	vbroadcast v3, $0x3;
	[tilespmem:$0x1B0D0] =	vst v47  }
0x5d: {  	v51 =	vbroadcast v4, $0x4;
	[tilespmem:$0x1B0E0] =	vst v48  }
0x5e: {  	v52 =	vbroadcast v2, $0x4;
	[tilespmem:$0x1B0F0] =	vst v49  }
0x5f: {  	v53 =	vbroadcast v3, $0x4;
	[tilespmem:$0x1B110] =	vst v51  }
0x60: {  	v56 =	vbroadcast v4, $0x5;
	[tilespmem:$0x1B120] =	vst v52  }
0x61: {  	v57 =	vbroadcast v2, $0x5;
	[tilespmem:$0x1B130] =	vst v53  }
0x62: {  	v58 =	vbroadcast v3, $0x5;
	[tilespmem:$0x1B150] =	vst v56  }
0x63: {  	v60 =	vbroadcast v4, $0x6;
	[tilespmem:$0x1B160] =	vst v57  }
0x64: {  	v62 =	vbroadcast v2, $0x6;
	[tilespmem:$0x1B170] =	vst v58  }
0x65: {  	v8 =	vbroadcast v3, $0x6;
	[tilespmem:$0x1B190] =	vst v60  }
0x66: {  	v10 =	vbroadcast v4, $0x7;
	[tilespmem:$0x1B1A0] =	vst v62  }
0x67: {  	v11 =	vbroadcast v2, $0x7;
	[tilespmem:$0x1B1B0] =	vst v8  }
0x68: {  	v12 =	vbroadcast v3, $0x7;
	[tilespmem:$0x1B1D0] =	vst v10  }
0x69: {  	v14 =	vbroadcast v4, $0x8;
	[tilespmem:$0x1B1E0] =	vst v11  }
0x6a: {  	v15 =	vbroadcast v2, $0x8;
	[tilespmem:$0x1B1F0] =	vst v12  }
0x6b: {  	v16 =	vbroadcast v3, $0x8;
	[tilespmem:$0x1B210] =	vst v14  }
0x6c: {  	v18 =	vbroadcast v4, $0x9;
	[tilespmem:$0x1B220] =	vst v15  }
0x6d: {  	v19 =	vbroadcast v2, $0x9;
	[tilespmem:$0x1B230] =	vst v16  }
0x6e: {  	v20 =	vbroadcast v3, $0x9;
	[tilespmem:$0x1B250] =	vst v18  }
0x6f: {  	v22 =	vbroadcast v4, $0xA;
	[tilespmem:$0x1B260] =	vst v19  }
0x70: {  	v23 =	vbroadcast v2, $0xA;
	[tilespmem:$0x1B270] =	vst v20  }
0x71: {  	v24 =	vbroadcast v3, $0xA;
	[tilespmem:$0x1B290] =	vst v22  }
0x72: {  	v26 =	vbroadcast v4, $0xB;
	[tilespmem:$0x1B2A0] =	vst v23  }
0x73: {  	v27 =	vbroadcast v2, $0xB;
	[tilespmem:$0x1B2B0] =	vst v24  }
0x74: {  	v32 =	vbroadcast v3, $0xB;
	[tilespmem:$0x1B2D0] =	vst v26  }
0x75: {  	v34 =	vbroadcast v4, $0xC;
	[tilespmem:$0x1B2E0] =	vst v27  }
0x76: {  	v35 =	vbroadcast v2, $0xC;
	[tilespmem:$0x1B2F0] =	vst v32  }
0x77: {  	v38 =	vbroadcast v4, $0xD;
	[tilespmem:$0x1B310] =	vst v34  }
0x78: {  	v42 =	vbroadcast v2, $0xE;
	[tilespmem:$0x1B320] =	vst v35  }
0x79: {  	v46 =	vbroadcast v3, $0xF;
	[tilespmem:$0x1B350] =	vst v38  }
0x7a: {  	v36 =	vbroadcast v3, $0xC;
	[tilespmem:$0x1B3A0] =	vst v42  }
0x7b: {  	v37 =	vbroadcast v1, $0xD;
	[tilespmem:$0x1B3F0] =	vst v46  }
0x7c: {  	v39 =	vbroadcast v2, $0xD;
	[tilespmem:$0x1B330] =	vst v36  }
0x7d: {  	v40 =	vbroadcast v3, $0xD;
	[tilespmem:$0x1B340] =	vst v37  }
0x7e: {  	v0 =	vld [tilespmem:$0x1C0F0];
	v41 =	vbroadcast v4, $0xE;
	[tilespmem:$0x1B360] =	vst v39  }
0x7f: {  	v43 =	vbroadcast v3, $0xE;
	[tilespmem:$0x1B370] =	vst v40  }
0x80: {  	v1 =	vbroadcast v1, $0xF;
	[tilespmem:$0x1B390] =	vst v41  }
0x81: {  	v4 =	vbroadcast v4, $0xF;
	[tilespmem:$0x1B3B0] =	vst v43  }
0x82: {  	v45 =	vbroadcast v2, $0xF;
	[tilespmem:$0x1B3C0] =	vst v1  }
0x83: {  	v47 =	vbroadcast v0, $0x0;
	[tilespmem:$0x1B3D0] =	vst v4  }
0x84: {  	v51 =	vbroadcast v0, $0x1;
	[tilespmem:$0x1B3E0] =	vst v45  }
0x85: {  	v56 =	vbroadcast v0, $0x2;
	[tilespmem:$0x1B400] =	vst v47  }
0x86: {  	v60 =	vbroadcast v0, $0x3;
	[tilespmem:$0x1B440] =	vst v51  }
0x87: {  	v10 =	vbroadcast v0, $0x4;
	[tilespmem:$0x1B480] =	vst v56  }
0x88: {  	v14 =	vbroadcast v0, $0x5;
	[tilespmem:$0x1B4C0] =	vst v60  }
0x89: {  	v7 =	vld [tilespmem:$0x1C090];
	v18 =	vbroadcast v0, $0x6;
	[tilespmem:$0x1B500] =	vst v10  }
0x8a: {  	v22 =	vbroadcast v0, $0x7;
	[tilespmem:$0x1B540] =	vst v14  }
0x8b: {  	v26 =	vbroadcast v0, $0x8;
	[tilespmem:$0x1B580] =	vst v18  }
0x8c: {  	v34 =	vbroadcast v0, $0x9;
	[tilespmem:$0x1B5C0] =	vst v22  }
0x8d: {  	v38 =	vbroadcast v0, $0xA;
	[tilespmem:$0x1B600] =	vst v26  }
0x8e: {  	v3 =	vmul.f32 $-2.000000000e+00, v7;
	v42 =	vbroadcast v0, $0xB;
	[tilespmem:$0x1B640] =	vst v34  }
0x8f: {  	v46 =	vbroadcast v0, $0xC;
	[tilespmem:$0x1B680] =	vst v38  }
0x90: {  	v48 =	vbroadcast v3, $0x0;
	[tilespmem:$0x1B6C0] =	vst v42  }
0x91: {  	v52 =	vbroadcast v3, $0x1;
	[tilespmem:$0x1B700] =	vst v46  }
0x92: {  	v57 =	vbroadcast v3, $0x2;
	[tilespmem:$0x1B410] =	vst v48  }
0x93: {  	v62 =	vbroadcast v3, $0x3;
	[tilespmem:$0x1B450] =	vst v52  }
0x94: {  	v11 =	vbroadcast v3, $0x4;
	[tilespmem:$0x1B490] =	vst v57  }
0x95: {  	v15 =	vbroadcast v3, $0x5;
	[tilespmem:$0x1B4D0] =	vst v62  }
0x96: {  	v19 =	vbroadcast v3, $0x6;
	[tilespmem:$0x1B510] =	vst v11  }
0x97: {  	v23 =	vbroadcast v3, $0x7;
	[tilespmem:$0x1B550] =	vst v15  }
0x98: {  	v27 =	vbroadcast v3, $0x8;
	[tilespmem:$0x1B590] =	vst v19  }
0x99: {  	v35 =	vbroadcast v3, $0x9;
	[tilespmem:$0x1B5D0] =	vst v23  }
0x9a: {  	v39 =	vbroadcast v3, $0xA;
	[tilespmem:$0x1B610] =	vst v27  }
0x9b: {  	v43 =	vbroadcast v3, $0xB;
	[tilespmem:$0x1B650] =	vst v35  }
0x9c: {  	v47 =	vbroadcast v3, $0xC;
	[tilespmem:$0x1B690] =	vst v39  }
0x9d: {  	v51 =	vbroadcast v3, $0xD;
	[tilespmem:$0x1B6D0] =	vst v43  }
0x9e: {  	v56 =	vbroadcast v3, $0xE;
	[tilespmem:$0x1B710] =	vst v47  }
0x9f: {  	v3 =	vbroadcast v3, $0xF;
	[tilespmem:$0x1B750] =	vst v51  }
0xa0: {  	[tilespmem:$0x1B790] =	vst v56  }
0xa1: {  	v62 =	vimm.f32 $0.0e+00;
	[tilespmem:$0x1B7D0] =	vst v3  }
0xa2: {  	[tilespmem:$0x1B800] =	vst v62  }
0xa3: {  	[tilespmem:$0x1B810] =	vst v62  }
0xa4: {  	[tilespmem:$0x1B820] =	vst v62  }
0xa5: {  	[tilespmem:$0x1B830] =	vst v62  }
0xa6: {  	[tilespmem:$0x1B840] =	vst v62  }
0xa7: {  	[tilespmem:$0x1B850] =	vst v62  }
0xa8: {  	[tilespmem:$0x1B860] =	vst v62  }
0xa9: {  	[tilespmem:$0x1B870] =	vst v62  }
0xaa: {  	[tilespmem:$0x1B880] =	vst v62  }
0xab: {  	[tilespmem:$0x1B890] =	vst v62  }
0xac: {  	[tilespmem:$0x1B8A0] =	vst v62  }
0xad: {  	[tilespmem:$0x1B8B0] =	vst v62  }
0xae: {  	[tilespmem:$0x1B8C0] =	vst v62  }
0xaf: {  	[tilespmem:$0x1B8D0] =	vst v62  }
0xb0: {  	[tilespmem:$0x1B8E0] =	vst v62  }
0xb1: {  	[tilespmem:$0x1B8F0] =	vst v62  }
0xb2: {  	[tilespmem:$0x1B900] =	vst v62  }
0xb3: {  	[tilespmem:$0x1B910] =	vst v62  }
0xb4: {  	[tilespmem:$0x1B920] =	vst v62  }
0xb5: {  	[tilespmem:$0x1B930] =	vst v62  }
0xb6: {  	[tilespmem:$0x1B940] =	vst v62  }
0xb7: {  	[tilespmem:$0x1B950] =	vst v62  }
0xb8: {  	[tilespmem:$0x1B960] =	vst v62  }
0xb9: {  	[tilespmem:$0x1B970] =	vst v62  }
0xba: {  	[tilespmem:$0x1B980] =	vst v62  }
0xbb: {  	[tilespmem:$0x1B990] =	vst v62  }
0xbc: {  	[tilespmem:$0x1B9A0] =	vst v62  }
0xbd: {  	[tilespmem:$0x1B9B0] =	vst v62  }
0xbe: {  	[tilespmem:$0x1B9C0] =	vst v62  }
0xbf: {  	[tilespmem:$0x1B9D0] =	vst v62  }
0xc0: {  	[tilespmem:$0x1B9E0] =	vst v62  }
0xc1: {  	[tilespmem:$0x1B9F0] =	vst v62  }
0xc2: {  	[tilespmem:$0x1BA00] =	vst v62  }
0xc3: {  	[tilespmem:$0x1BA10] =	vst v62  }
0xc4: {  	[tilespmem:$0x1BA20] =	vst v62  }
0xc5: {  	[tilespmem:$0x1BA30] =	vst v62  }
0xc6: {  	[tilespmem:$0x1BA40] =	vst v62  }
0xc7: {  	[tilespmem:$0x1BA50] =	vst v62  }
0xc8: {  	[tilespmem:$0x1BA60] =	vst v62  }
0xc9: {  	[tilespmem:$0x1BA70] =	vst v62  }
0xca: {  	[tilespmem:$0x1BA80] =	vst v62  }
0xcb: {  	[tilespmem:$0x1BA90] =	vst v62  }
0xcc: {  	[tilespmem:$0x1BAA0] =	vst v62  }
0xcd: {  	[tilespmem:$0x1BAB0] =	vst v62  }
0xce: {  	[tilespmem:$0x1BAC0] =	vst v62  }
0xcf: {  	[tilespmem:$0x1BAD0] =	vst v62  }
0xd0: {  	[tilespmem:$0x1BAE0] =	vst v62  }
0xd1: {  	[tilespmem:$0x1BAF0] =	vst v62  }
0xd2: {  	[tilespmem:$0x1BB00] =	vst v62  }
0xd3: {  	[tilespmem:$0x1BB10] =	vst v62  }
0xd4: {  	[tilespmem:$0x1BB20] =	vst v62  }
0xd5: {  	[tilespmem:$0x1BB30] =	vst v62  }
0xd6: {  	[tilespmem:$0x1BB40] =	vst v62  }
0xd7: {  	[tilespmem:$0x1BB50] =	vst v62  }
0xd8: {  	[tilespmem:$0x1BB60] =	vst v62  }
0xd9: {  	[tilespmem:$0x1BB70] =	vst v62  }
0xda: {  	[tilespmem:$0x1BB80] =	vst v62  }
0xdb: {  	[tilespmem:$0x1BB90] =	vst v62  }
0xdc: {  	[tilespmem:$0x1BBA0] =	vst v62  }
0xdd: {  	[tilespmem:$0x1BBB0] =	vst v62  }
0xde: {  	[tilespmem:$0x1BBC0] =	vst v62  }
0xdf: {  	[tilespmem:$0x1BBD0] =	vst v62  }
0xe0: {  	[tilespmem:$0x1BBE0] =	vst v62  }
0xe1: {  	[tilespmem:$0x1BBF0] =	vst v62  }
0xe2: {  	[tilespmem:$0x1BC00] =	vst v62  }
0xe3: {  	[tilespmem:$0x1BC10] =	vst v62  }
0xe4: {  	[tilespmem:$0x1BC20] =	vst v62  }
0xe5: {  	[tilespmem:$0x1BC30] =	vst v62  }
0xe6: {  	[tilespmem:$0x1BC40] =	vst v62  }
0xe7: {  	[tilespmem:$0x1BC50] =	vst v62  }
0xe8: {  	[tilespmem:$0x1BC60] =	vst v62  }
0xe9: {  	[tilespmem:$0x1BC70] =	vst v62  }
0xea: {  	[tilespmem:$0x1BC80] =	vst v62  }
0xeb: {  	[tilespmem:$0x1BC90] =	vst v62  }
0xec: {  	[tilespmem:$0x1BCA0] =	vst v62  }
0xed: {  	[tilespmem:$0x1BCB0] =	vst v62  }
0xee: {  	[tilespmem:$0x1BCC0] =	vst v62  }
0xef: {  	[tilespmem:$0x1BCD0] =	vst v62  }
0xf0: {  	[tilespmem:$0x1BCE0] =	vst v62  }
0xf1: {  	[tilespmem:$0x1BCF0] =	vst v62  }
0xf2: {  	[tilespmem:$0x1BD00] =	vst v62  }
0xf3: {  	[tilespmem:$0x1BD10] =	vst v62  }
0xf4: {  	[tilespmem:$0x1BD20] =	vst v62  }
0xf5: {  	[tilespmem:$0x1BD30] =	vst v62  }
0xf6: {  	[tilespmem:$0x1BD40] =	vst v62  }
0xf7: {  	[tilespmem:$0x1BD50] =	vst v62  }
0xf8: {  	[tilespmem:$0x1BD60] =	vst v62  }
0xf9: {  	[tilespmem:$0x1BD70] =	vst v62  }
0xfa: {  	[tilespmem:$0x1BD80] =	vst v62  }
0xfb: {  	[tilespmem:$0x1BD90] =	vst v62  }
0xfc: {  	[tilespmem:$0x1BDA0] =	vst v62  }
0xfd: {  	[tilespmem:$0x1BDB0] =	vst v62  }
0xfe: {  	[tilespmem:$0x1BDC0] =	vst v62  }
0xff: {  	[tilespmem:$0x1BDD0] =	vst v62  }
0x100: {  	[tilespmem:$0x1BDE0] =	vst v62  }
0x101: {  	[tilespmem:$0x1BDF0] =	vst v62  }
0x102: {  	[tilespmem:$0x1BE00] =	vst v62  }
0x103: {  	[tilespmem:$0x1BE10] =	vst v62  }
0x104: {  	[tilespmem:$0x1BE20] =	vst v62  }
0x105: {  	[tilespmem:$0x1BE30] =	vst v62  }
0x106: {  	[tilespmem:$0x1BE40] =	vst v62  }
0x107: {  	[tilespmem:$0x1BE50] =	vst v62  }
0x108: {  	[tilespmem:$0x1BE60] =	vst v62  }
0x109: {  	[tilespmem:$0x1BE70] =	vst v62  }
0x10a: {  	[tilespmem:$0x1BE80] =	vst v62  }
0x10b: {  	[tilespmem:$0x1BE90] =	vst v62  }
0x10c: {  	[tilespmem:$0x1BEA0] =	vst v62  }
0x10d: {  	[tilespmem:$0x1BEB0] =	vst v62  }
0x10e: {  	[tilespmem:$0x1BEC0] =	vst v62  }
0x10f: {  	[tilespmem:$0x1BED0] =	vst v62  }
0x110: {  	[tilespmem:$0x1BEE0] =	vst v62  }
0x111: {  	[tilespmem:$0x1BEF0] =	vst v62  }
0x112: {  	[tilespmem:$0x1BF00] =	vst v62  }
0x113: {  	[tilespmem:$0x1BF10] =	vst v62  }
0x114: {  	[tilespmem:$0x1BF20] =	vst v62  }
0x115: {  	[tilespmem:$0x1BF30] =	vst v62  }
0x116: {  	[tilespmem:$0x1BF40] =	vst v62  }
0x117: {  	[tilespmem:$0x1BF50] =	vst v62  }
0x118: {  	[tilespmem:$0x1BF60] =	vst v62  }
0x119: {  	v8 =	vld [tilespmem:$0x1C0B0];
	[tilespmem:$0x1BF70] =	vst v62  }
0x11a: {  	v44 =	vld [tilespmem:$0x1C0D0];
	[tilespmem:$0x1BF80] =	vst v62  }
0x11b: {  	[tilespmem:$0x1BF90] =	vst v62  }
0x11c: {  	[tilespmem:$0x1BFA0] =	vst v62  }
0x11d: {  	[tilespmem:$0x1BFB0] =	vst v62  }
0x11e: {  	v1 =	vmul.f32 $-2.000000000e+00, v8;
	[tilespmem:$0x1BFC0] =	vst v62  }
0x11f: {  	v2 =	vmul.f32 $-2.000000000e+00, v44;
	[tilespmem:$0x1BFD0] =	vst v62  }
0x120: {  	[tilespmem:$0x1BFE0] =	vst v62;
	v49 =	vbroadcast v1, $0x0  }
0x121: {  	[tilespmem:$0x1BFF0] =	vst v62;
	v50 =	vbroadcast v2, $0x0  }
0x122: {  	v53 =	vbroadcast v1, $0x1;
	[tilespmem:$0x1B420] =	vst v49  }
0x123: {  	v55 =	vbroadcast v2, $0x1;
	[tilespmem:$0x1B430] =	vst v50  }
0x124: {  	v58 =	vbroadcast v1, $0x2;
	[tilespmem:$0x1B460] =	vst v53  }
0x125: {  	v59 =	vbroadcast v2, $0x2;
	[tilespmem:$0x1B470] =	vst v55  }
0x126: {  	v8 =	vbroadcast v1, $0x3;
	[tilespmem:$0x1B4A0] =	vst v58  }
0x127: {  	v9 =	vbroadcast v2, $0x3;
	[tilespmem:$0x1B4B0] =	vst v59  }
0x128: {  	v12 =	vbroadcast v1, $0x4;
	[tilespmem:$0x1B4E0] =	vst v8  }
0x129: {  	v13 =	vbroadcast v2, $0x4;
	[tilespmem:$0x1B4F0] =	vst v9  }
0x12a: {  	v16 =	vbroadcast v1, $0x5;
	[tilespmem:$0x1B520] =	vst v12  }
0x12b: {  	v17 =	vbroadcast v2, $0x5;
	[tilespmem:$0x1B530] =	vst v13  }
0x12c: {  	v20 =	vbroadcast v1, $0x6;
	[tilespmem:$0x1B560] =	vst v16  }
0x12d: {  	v21 =	vbroadcast v2, $0x6;
	[tilespmem:$0x1B570] =	vst v17  }
0x12e: {  	v24 =	vbroadcast v1, $0x7;
	[tilespmem:$0x1B5A0] =	vst v20  }
0x12f: {  	v25 =	vbroadcast v2, $0x7;
	[tilespmem:$0x1B5B0] =	vst v21  }
0x130: {  	v32 =	vbroadcast v1, $0x8;
	[tilespmem:$0x1B5E0] =	vst v24  }
0x131: {  	v33 =	vbroadcast v2, $0x8;
	[tilespmem:$0x1B5F0] =	vst v25  }
0x132: {  	v36 =	vbroadcast v1, $0x9;
	[tilespmem:$0x1B620] =	vst v32  }
0x133: {  	v37 =	vbroadcast v2, $0x9;
	[tilespmem:$0x1B630] =	vst v33  }
0x134: {  	v40 =	vbroadcast v1, $0xA;
	[tilespmem:$0x1B660] =	vst v36  }
0x135: {  	v41 =	vbroadcast v2, $0xA;
	[tilespmem:$0x1B670] =	vst v37  }
0x136: {  	v44 =	vbroadcast v1, $0xB;
	[tilespmem:$0x1B6A0] =	vst v40  }
0x137: {  	v45 =	vbroadcast v2, $0xB;
	[tilespmem:$0x1B6B0] =	vst v41  }
0x138: {  	v48 =	vbroadcast v1, $0xC;
	[tilespmem:$0x1B6E0] =	vst v44  }
0x139: {  	v52 =	vbroadcast v1, $0xD;
	[tilespmem:$0x1B6F0] =	vst v45  }
0x13a: {  	v57 =	vbroadcast v1, $0xE;
	[tilespmem:$0x1B720] =	vst v48  }
0x13b: {  	v60 =	vbroadcast v2, $0xF;
	[tilespmem:$0x1B760] =	vst v52  }
0x13c: {  	v49 =	vbroadcast v2, $0xC;
	[tilespmem:$0x1B7A0] =	vst v57  }
0x13d: {  	v50 =	vbroadcast v0, $0xD;
	[tilespmem:$0x1B7F0] =	vst v60  }
0x13e: {  	v53 =	vbroadcast v2, $0xD;
	[tilespmem:$0x1B730] =	vst v49  }
0x13f: {  	v55 =	vbroadcast v0, $0xE;
	[tilespmem:$0x1B740] =	vst v50  }
0x140: {  	v58 =	vbroadcast v2, $0xE;
	[tilespmem:$0x1B770] =	vst v53  }
0x141: {  	v0 =	vbroadcast v0, $0xF;
	[tilespmem:$0x1B780] =	vst v55  }
0x142: {  	v59 =	vbroadcast v1, $0xF;
	[tilespmem:$0x1B7B0] =	vst v58  }
0x143: {  	[tilespmem:$0x1B7C0] =	vst v0  }
0x144: {  	s20 =	simm.s32 $0x0;
	s21 =	simm.s32 $0x0;
	[tilespmem:$0x1B7E0] =	vst v59  }
.LBB2_3:
0x145: {  	v38 =	vld [tilespmem:s20+$0x0]  }
0x146: {  	v34 =	vld [tilespmem:s20+$0x10]  }
0x147: {  	v35 =	vld [tilespmem:s20+$0x9010]  }
0x148: {  	v36 =	vld [tilespmem:s20+$0x12010]  }
0x149: {  	v0 =	vld [tilespmem:$0x1B030]  }
0x14a: {  	v1 =	vld [tilespmem:$0x1B000]  }
0x14b: {  	v2 =	vld [tilespmem:$0x1B020]  }
0x14c: {  	v3 =	vld [tilespmem:$0x1B010]  }
0x14d: {  	v4 =	vld [tilespmem:$0x1B070]  }
0x14e: {  	v9 =	vld [tilespmem:$0x1B050]  }
0x14f: {  	v59 =	vld [tilespmem:$0x1B090]  }
0x150: {  	v18 =	vld [tilespmem:$0x1B0E0]  }
0x151: {  	v12 =	vld [tilespmem:$0x1B0D0]  }
0x152: {  	v32 =	vld [tilespmem:$0x1B130]  }
0x153: {  	s22 =	sand.u32 $0xFFE0, s21;
	v42 =	vld [tilespmem:$0x1B120];
	v10 =	vmul.f32 v3, v38  }
0x154: {  	v37 =	vld [tilespmem:s22+$0x12000];
	v3 =	vmul.f32 v3, v34;
	v55 =	vmul.f32 v9, v38  }
0x155: {  	v39 =	vld [tilespmem:s22+$0x9000];
	v57 =	vmul.f32 v9, v34;
	v13 =	vmul.f32 v59, v38  }
0x156: {  	v6 =	vld [tilespmem:$0x1B060];
	v25 =	vmul.f32 v59, v34;
	v27 =	vmul.f32 v18, v35  }
0x157: {  	v23 =	vmov v54;
	v54 =	vld [tilespmem:$0x1B0B0];
	v33 =	vmul.f32 v12, v38;
	v41 =	vmul.f32 v12, v34  }
0x158: {  	v58 =	vld [tilespmem:$0x1B0A0];
	v48 =	vmul.f32 v32, v36;
	v9 =	vmul.f32 v42, v35  }
0x159: {  	v62 =	vld [tilespmem:$0x1B0F0];
	v5 =	vmul.f32 v0, v37;
	v0 =	vmul.f32 v0, v36  }
0x15a: {  	v7 =	vld [tilespmem:$0x1B040];
	v8 =	vmul.f32 v2, v39;
	v2 =	vmul.f32 v2, v35  }
0x15b: {  	v24 =	vld [tilespmem:$0x1FEC0];
	v52 =	vmul.f32 v4, v37;
	v4 =	vmul.f32 v4, v36  }
0x15c: {  	v56 =	vld [tilespmem:$0x1B080];
	v11 =	vimm.s32 $0x0;
	v53 =	vmul.f32 v6, v39;
	v6 =	vmul.f32 v6, v35  }
0x15d: {  	v43 =	vld [tilespmem:$0x1B110];
	v47 =	vimm.s32 $0x0;
	v14 =	vmul.f32 v54, v37;
	v20 =	vmul.f32 v58, v39  }
0x15e: {  	v46 =	vld [tilespmem:$0x1B160];
	v21 =	vmul.f32 v62, v37;
	v5 =	vadd.f32 v5, v1;
	v0 =	vadd.f32 v0, v1  }
0x15f: {  	v26 =	vmul.f32 v18, v39;
	v45 =	vmul.f32 v32, v37;
	v18 =	vld [tilespmem:$0x1B1E0];
	v4 =	vadd.f32 v4, v7  }
0x160: {  	v44 =	vld [tilespmem:$0x1B170];
	v50 =	vmul.f32 v42, v39;
	v51 =	vadd.f32 v5, v8;
	v0 =	vadd.f32 v0, v2  }
0x161: {  	v22 =	vld [tilespmem:$0x1FEB0];
	v5 =	vadd.f32 v52, v7;
	v4 =	vadd.f32 v4, v6;
	v7 =	vmul.f32 v54, v36  }
0x162: {  	v19 =	vld [tilespmem:$0x1B0C0];
	v6 =	vmul.f32 v58, v35;
	v52 =	vmul.f32 v43, v38;
	v1 =	vadd.f32 v51, v10  }
0x163: {  	v17 =	vld [tilespmem:$0x1FE40];
	v54 =	vmul.f32 v46, v39;
	v0 =	vadd.f32 v0, v3;
	v2 =	vadd.f32 v5, v53  }
0x164: {  	v16 =	vld [tilespmem:$0x1FE30];
	v32 =	vmul.f32 v18, v39;
	v60 =	vadd.f32 v4, v57;
	v5 =	vadd.f32 v14, v56  }
0x165: {  	v49 =	vld [tilespmem:$0x1B140];
	v7 =	vadd.f32 v7, v56;
	v4 =	vmul.f32 v62, v36;
	v53 =	vmul.f32 v44, v37  }
0x166: {  	v59 =	vld [tilespmem:$0x1B1A0];
	v3 =	vmul.f32 v43, v34;
	vm0 =	vlt.f32 v1, $3.399999950e+38;
	v2 =	vadd.f32 v2, v55  }
0x167: {  	v51 =	vld [tilespmem:$0x1B150];
	vm1 =	vlt.f32 v0, $3.399999950e+38;
	v6 =	vadd.f32 v7, v6;
	v4 =	vadd.f32 v4, v19  }
0x168: {  	v62 =	vld [tilespmem:$0x1B1F0];
	v7 =	vmul.f32 v44, v36;
	v1 =	vnsel vm0, $0x7F7FC99E, v1;
	v0 =	vnsel vm1, $0x7F7FC99E, v0  }
0x169: {  	v15 =	vld [tilespmem:$0x1FE20];
	vm8 =	vlt.f32 v2, v1;
	vm6 =	vlt.f32 v60, v0;
	v6 =	vadd.f32 v6, v25  }
0x16a: {  	v55 =	vld [tilespmem:$0x1B1B0];
	v4 =	vadd.f32 v4, v27;
	v7 =	vadd.f32 v7, v49;
	v11 =	vsel vm6, $0xFFFFFFFF, v11  }
0x16b: {  	v44 =	vld [tilespmem:$0x1B220];
	v1 =	vsel vm8, v2, v1;
	v2 =	vadd.f32 v5, v20;
	v5 =	vadd.f32 v21, v19  }
0x16c: {  	v40 =	vld [tilespmem:$0x1B100];
	v0 =	vsel vm6, v60, v0;
	v56 =	vmul.f32 v51, v38;
	v58 =	vmul.f32 v51, v34  }
0x16d: {  	v28 =	vld [tilespmem:$0x1B4C0];
	v21 =	vmul.f32 v59, v39;
	v27 =	vmul.f32 v62, v37;
	v4 =	vadd.f32 v4, v41  }
0x16e: {  	v25 =	vld [tilespmem:$0x1B1D0];
	vm2 =	vlt.f32 v6, v0;
	v2 =	vadd.f32 v2, v13;
	v5 =	vadd.f32 v5, v26  }
0x16f: {  	v60 =	vld [tilespmem:$0x1B190];
	v0 =	vsel vm2, v6, v0;
	v6 =	vmul.f32 v46, v35;
	v14 =	vmul.f32 v55, v37  }
0x170: {  	v57 =	vld [tilespmem:$0x1B180];
	v19 =	vmul.f32 v55, v36;
	v51 =	vmul.f32 v44, v39;
	vm7 =	vlt.f32 v4, v0  }
0x171: {  	v41 =	vld [tilespmem:$0x1B230];
	vm10 =	vlt.f32 v2, v1;
	v5 =	vadd.f32 v5, v33;
	v8 =	vsel vm7, $0xFFFFFFFF, v47  }
0x172: {  	v43 =	vld [tilespmem:$0x1B210];
	v6 =	vadd.f32 v7, v6;
	v0 =	vsel vm7, v4, v0;
	v7 =	vmul.f32 v59, v35  }
0x173: {  	v55 =	vld [tilespmem:$0x1B2B0];
	v42 =	vmul.f32 v25, v34;
	v1 =	vsel vm10, v2, v1;
	v2 =	vadd.f32 v45, v40  }
0x174: {  	v59 =	vld [tilespmem:$0x1B2A0];
	[tilespmem:$0x1FCD0] =	vst v8;
	v8 =	vadd.f32 v48, v40;
	v26 =	vmul.f32 v60, v38;
	v4 =	vmul.f32 v60, v34  }
0x175: {  	v40 =	vmul.f32 v25, v38;
	v45 =	vld [tilespmem:$0x1B270];
	vm9 =	vlt.f32 v5, v1;
	v6 =	vadd.f32 v6, v58  }
0x176: {  	v48 =	vld [tilespmem:$0x1B260];
	v47 =	vmul.f32 v41, v37;
	v2 =	vadd.f32 v2, v50;
	v8 =	vadd.f32 v8, v9  }
0x177: {  	v20 =	vld [tilespmem:$0x1B1C0];
	v1 =	vsel vm9, v5, v1;
	v5 =	vadd.f32 v53, v49;
	v9 =	vadd.f32 v19, v57  }
0x178: {  	v31 =	vld [tilespmem:$0x1B4F0];
	v49 =	vmul.f32 v41, v36;
	v50 =	vmul.f32 v43, v38;
	v2 =	vadd.f32 v2, v52  }
0x179: {  	v29 =	vld [tilespmem:$0x1B540];
	v19 =	vmul.f32 v55, v37;
	v3 =	vadd.f32 v8, v3;
	v5 =	vadd.f32 v5, v54  }
0x17a: {  	v46 =	vld [tilespmem:$0x1B240];
	v8 =	vmul.f32 v62, v36;
	v7 =	vadd.f32 v9, v7;
	v9 =	vmul.f32 v59, v35  }
0x17b: {  	[tilespmem:$0x1FCB0] =	vst v11;
	v11 =	vld [tilespmem:$0x1B400];
	v53 =	vmul.f32 v45, v37;
	v54 =	vmul.f32 v48, v39;
	vm11 =	vlt.f32 v2, v1  }
0x17c: {  	v33 =	vld [tilespmem:$0x1B200];
	vm3 =	vlt.f32 v3, v0;
	v5 =	vadd.f32 v5, v56;
	v8 =	vadd.f32 v8, v20  }
0x17d: {  	v52 =	vld [tilespmem:$0x1B250];
	v4 =	vadd.f32 v7, v4;
	v7 =	vmul.f32 v45, v36;
	v56 =	vmul.f32 v48, v35  }
0x17e: {  	v25 =	vld [tilespmem:$0x1FE00];
	v1 =	vsel vm11, v2, v1;
	v0 =	vsel vm3, v3, v0;
	v2 =	vadd.f32 v14, v57  }
0x17f: {  	v3 =	vmul.f32 v18, v35;
	v10 =	vadd.f32 v53, v46;
	v57 =	vld [tilespmem:$0x1B280];
	vm12 =	vlt.f32 v5, v1  }
0x180: {  	v18 =	vld [tilespmem:$0x1B290];
	vm4 =	vlt.f32 v6, v0;
	v1 =	vsel vm12, v5, v1;
	v2 =	vadd.f32 v2, v21  }
0x181: {  	v14 =	vld [tilespmem:$0x1FE10];
	v5 =	vadd.f32 v27, v20;
	v0 =	vsel vm4, v6, v0;
	v6 =	vmul.f32 v44, v35  }
0x182: {  	v53 =	vld [tilespmem:$0x1B350];
	v3 =	vadd.f32 v8, v3;
	v8 =	vmul.f32 v43, v34;
	v58 =	vmul.f32 v52, v38  }
0x183: {  	v60 =	vmul.f32 v52, v34;
	v20 =	vld [tilespmem:$0x1B2F0];
	vm5 =	vlt.f32 v4, v0;
	v2 =	vadd.f32 v2, v26  }
0x184: {  	v21 =	vld [tilespmem:$0x1FFA0];
	v5 =	vadd.f32 v5, v32;
	v3 =	vadd.f32 v3, v42;
	v0 =	vsel vm5, v4, v0  }
0x185: {  	v27 =	vld [tilespmem:$0x1B2C0];
	v4 =	vadd.f32 v47, v33;
	v26 =	vmul.f32 v55, v36;
	v32 =	vmul.f32 v59, v39  }
0x186: {  	v44 =	vld [tilespmem:$0x1B310];
	v41 =	vmul.f32 v18, v38;
	vm14 =	vlt.f32 v2, v1;
	v5 =	vadd.f32 v5, v40  }
0x187: {  	v42 =	vld [tilespmem:$0x1B300];
	vm6 =	vlt.f32 v3, v0;
	v4 =	vadd.f32 v4, v51;
	v1 =	vsel vm14, v2, v1  }
0x188: {  	v47 =	vld [tilespmem:$0x1B320];
	v0 =	vsel vm6, v3, v0;
	v3 =	vadd.f32 v49, v33;
	v2 =	vadd.f32 v7, v46  }
0x189: {  	v40 =	vld [tilespmem:$0x1B2D0];
	v7 =	vadd.f32 v26, v57;
	v43 =	vmul.f32 v20, v37;
	v46 =	vmul.f32 v20, v36  }
0x18a: {  	v59 =	vld [tilespmem:$0x1B390];
	vm13 =	vlt.f32 v5, v1;
	v4 =	vadd.f32 v4, v50;
	v3 =	vadd.f32 v3, v6  }
0x18b: {  	v51 =	vld [tilespmem:$0x1B340];
	v1 =	vsel vm13, v5, v1;
	v6 =	vadd.f32 v10, v54;
	v2 =	vadd.f32 v2, v56  }
0x18c: {  	v33 =	vld [tilespmem:$0x1B2E0];
	v5 =	vmul.f32 v18, v34;
	v7 =	vadd.f32 v7, v9;
	vm15 =	vlt.f32 v4, v1  }
0x18d: {  	v20 =	vld [tilespmem:$0x1FE70];
	v49 =	vadd.f32 v43, v27;
	v3 =	vadd.f32 v3, v8;
	v1 =	vsel vm15, v4, v1  }
0x18e: {  	v50 =	vld [tilespmem:$0x1B330];
	v62 =	vadd.f32 v6, v58;
	v2 =	vadd.f32 v2, v60;
	v52 =	vmul.f32 v40, v38  }
0x18f: {  	v26 =	vld [tilespmem:$0x1B4A0];
	v8 =	vsel vm8, v25, v21;
	v10 =	vmul.f32 v40, v34;
	v60 =	vmul.f32 v47, v39  }
0x190: {  	v56 =	vld [tilespmem:$0x1B370];
	v5 =	vadd.f32 v7, v5;
	v4 =	vmul.f32 v47, v35;
	v7 =	vmul.f32 v53, v34  }
0x191: {  	v54 =	vld [tilespmem:$0x1B360];
	v8 =	vsel vm10, v14, v8;
	v48 =	vmul.f32 v33, v39;
	v13 =	vmul.f32 v33, v35  }
0x192: {  	v18 =	vld [tilespmem:$0x1FE50];
	v14 =	vmul.f32 v44, v34;
	vm7 =	vlt.f32 v3, v0;
	vm1 =	vlt.f32 v62, v1  }
0x193: {  	v43 =	vld [tilespmem:$0x1B3E0];
	v8 =	vsel vm9, v15, v8;
	v9 =	vmul.f32 v50, v36;
	v0 =	vsel vm7, v3, v0  }
0x194: {  	v58 =	vld [tilespmem:$0x1B380];
	v3 =	vadd.f32 v19, v57;
	v1 =	vsel vm1, v62, v1;
	v6 =	vadd.f32 v49, v48  }
0x195: {  	v25 =	vld [tilespmem:$0x1B450];
	v8 =	vsel vm11, v16, v8;
	v57 =	vmul.f32 v50, v37;
	v40 =	vmul.f32 v56, v37  }
0x196: {  	v21 =	vld [tilespmem:$0x1FE90];
	vm8 =	vlt.f32 v2, v0;
	v8 =	vsel vm12, v17, v8;
	v9 =	vadd.f32 v9, v42  }
0x197: {  	v62 =	vld [tilespmem:$0x1B3A0];
	v3 =	vadd.f32 v3, v32;
	v0 =	vsel vm8, v2, v0;
	v55 =	vadd.f32 v6, v52  }
0x198: {  	v19 =	vld [tilespmem:$0x1FE60];
	v8 =	vsel vm14, v18, v8;
	v32 =	vmul.f32 v44, v38;
	v44 =	vmul.f32 v54, v39  }
0x199: {  	v33 =	vld [tilespmem:$0x1B3C0];
	vm9 =	vlt.f32 v5, v0;
	v4 =	vadd.f32 v9, v4;
	v9 =	vadd.f32 v40, v51  }
0x19a: {  	v15 =	vld [tilespmem:$0x1B500];
	v45 =	vadd.f32 v3, v41;
	v3 =	vadd.f32 v46, v27;
	v0 =	vsel vm9, v5, v0  }
0x19b: {  	v48 =	vld [tilespmem:$0x1B430];
	v5 =	vadd.f32 v57, v42;
	v42 =	vmul.f32 v56, v36;
	v46 =	vmul.f32 v53, v38  }
0x19c: {  	v50 =	vld [tilespmem:$0x1FE80];
	v56 =	vmul.f32 v59, v38;
	v57 =	vmul.f32 v59, v34;
	v4 =	vadd.f32 v4, v14  }
0x19d: {  	v27 =	vld [tilespmem:$0x1B3B0];
	v8 =	vsel vm13, v19, v8;
	v6 =	vadd.f32 v9, v44;
	v52 =	vmul.f32 v62, v39  }
0x19e: {  	v41 =	vld [tilespmem:$0x1B3D0];
	vm0 =	vlt.f32 v45, v1;
	v3 =	vadd.f32 v3, v13;
	v5 =	vadd.f32 v5, v60  }
0x19f: {  	v16 =	vld [tilespmem:$0x1B4D0];
	v13 =	vmul.f32 v54, v35;
	v8 =	vsel vm15, v20, v8;
	v54 =	vmul.f32 v62, v35  }
0x1a0: {  	v17 =	vld [tilespmem:$0x1B490];
	v62 =	vmul.f32 v43, v39;
	v1 =	vsel vm0, v45, v1;
	v47 =	vadd.f32 v6, v46  }
0x1a1: {  	v18 =	vld [tilespmem:$0x1B4E0];
	v6 =	vmul.f32 v48, v36;
	v3 =	vadd.f32 v3, v10;
	vm11 =	vlt.f32 v55, v1  }
0x1a2: {  	v45 =	vld [tilespmem:$0x1B3F0];
	v2 =	vadd.f32 v5, v32;
	v5 =	vmul.f32 v43, v35;
	v1 =	vsel vm11, v55, v1  }
0x1a3: {  	v9 =	vld [tilespmem:$0x1B410];
	v49 =	vmul.f32 v27, v37;
	v40 =	vmul.f32 v41, v34;
	vm10 =	vlt.f32 v3, v0  }
0x1a4: {  	v55 =	vld [tilespmem:$0x1B470];
	vm13 =	vlt.f32 v2, v1;
	v0 =	vsel vm10, v3, v0;
	v3 =	vadd.f32 v42, v51  }
0x1a5: {  	v32 =	vld [tilespmem:$0x1FEA0];
	v1 =	vsel vm13, v2, v1;
	v51 =	vmul.f32 v27, v36;
	v42 =	vmul.f32 v48, v37  }
0x1a6: {  	v53 =	vld [tilespmem:$0x1B460];
	v48 =	vadd.f32 v6, v11;
	vm15 =	vlt.f32 v4, v0;
	v3 =	vadd.f32 v3, v13  }
0x1a7: {  	v19 =	vld [tilespmem:$0x1B440];
	v59 =	vmul.f32 v45, v36;
	v0 =	vsel vm15, v4, v0;
	v4 =	vadd.f32 v49, v58  }
0x1a8: {  	v27 =	vld [tilespmem:$0x1B480];
	v49 =	vmul.f32 v9, v34;
	v3 =	vadd.f32 v3, v7;
	v7 =	vsel vm1, v50, v8  }
0x1a9: {  	v13 =	vld [tilespmem:$0x1B420];
	v46 =	vmul.f32 v55, v37;
	vm1 =	vlt.f32 v47, v1;
	v21 =	vsel vm0, v21, v7  }
0x1aa: {  	v8 =	vadd.f32 v51, v58;
	v58 =	vmul.f32 v45, v37;
	v14 =	vsel vm11, v32, v21;
	v21 =	vld [tilespmem:$0x1B550]  }
0x1ab: {  	v4 =	vadd.f32 v4, v52;
	v45 =	vmul.f32 v9, v38;
	v50 =	vmul.f32 v53, v39;
	v32 =	vld [tilespmem:$0x1B580]  }
0x1ac: {  	v52 =	vmul.f32 v16, v38;
	v7 =	vadd.f32 v8, v54;
	v8 =	vadd.f32 v58, v33;
	v58 =	vld [tilespmem:$0x1B5A0]  }
0x1ad: {  	v1 =	vsel vm1, v47, v1;
	vm12 =	vlt.f32 v3, v0;
	v2 =	vadd.f32 v4, v56;
	v54 =	vld [tilespmem:$0x1B5B0]  }
0x1ae: {  	v56 =	vld [tilespmem:$0x1B600];
	v0 =	vsel vm12, v3, v0;
	v3 =	vadd.f32 v59, v33;
	v33 =	vmul.f32 v41, v38  }
0x1af: {  	v41 =	vsel vm13, v22, v14;
	v44 =	vmul.f32 v13, v39;
	v14 =	vld [tilespmem:$0x1B510];
	v47 =	vmul.f32 v13, v35  }
0x1b0: {  	v22 =	vld [tilespmem:$0x1B520];
	v60 =	vadd.f32 v7, v57;
	vm0 =	vlt.f32 v2, v1;
	v8 =	vadd.f32 v8, v62  }
0x1b1: {  	v59 =	vld [tilespmem:$0x1B5C0];
	v62 =	vmul.f32 v25, v38;
	v3 =	vadd.f32 v3, v5;
	v1 =	vsel vm0, v2, v1  }
0x1b2: {  	v7 =	vld [tilespmem:$0x1B4B0];
	v2 =	vadd.f32 v42, v11;
	v5 =	vsel vm1, v24, v41;
	v41 =	vmul.f32 v55, v36  }
0x1b3: {  	[tilespmem:$0x1FCE0] =	vst v25;
	v25 =	vld [tilespmem:$0x1B590];
	v42 =	vmul.f32 v26, v39;
	v24 =	vmul.f32 v53, v35;
	vm13 =	vlt.f32 v60, v0  }
0x1b4: {  	v57 =	vld [tilespmem:$0x1B5E0];
	v43 =	vadd.f32 v8, v33;
	v5 =	vsel vm0, v63, v5;
	v0 =	vsel vm13, v60, v0  }
0x1b5: {  	v11 =	vld [tilespmem:$0x1B560];
	v3 =	vadd.f32 v3, v40;
	v2 =	vadd.f32 v2, v44;
	v44 =	vmul.f32 v31, v37  }
0x1b6: {  	[tilespmem:$0x1FCF0] =	vst v26;
	v33 =	vld [tilespmem:$0x1B530];
	v26 =	vmul.f32 v21, v38;
	vm11 =	vlt.f32 v43, v1;
	v53 =	vmul.f32 v22, v39  }
0x1b7: {  	v60 =	vld [tilespmem:$0x1B610];
	vm14 =	vlt.f32 v3, v0;
	v1 =	vsel vm11, v43, v1;
	v2 =	vadd.f32 v2, v45  }
0x1b8: {  	v51 =	vsel vm11, v61, v5;
	v61 =	vld [tilespmem:$0x1B570];
	v40 =	vmul.f32 v7, v37;
	v45 =	vmul.f32 v17, v38  }
0x1b9: {  	v6 =	vadd.f32 v44, v28;
	v44 =	vld [tilespmem:$0x1FF30];
	v63 =	vsel vm14, v3, v0;
	v0 =	vadd.f32 v46, v19  }
0x1ba: {  	[tilespmem:$0x1FDA0] =	vst v11;
	v3 =	vadd.f32 v48, v47;
	v46 =	vmul.f32 v18, v39;
	v20 =	vmul.f32 v11, v39;
	v11 =	vld [tilespmem:$0x1B630]  }
0x1bb: {  	[tilespmem:$0x1FD30] =	vst v18;
	v18 =	vmul.f32 v14, v38;
	v48 =	vld [tilespmem:$0x1FEE0];
	vm11 =	vlt.f32 v2, v1;
	v43 =	vadd.f32 v40, v27  }
0x1bc: {  	[tilespmem:$0x1FCC0] =	vst v27;
	v27 =	vadd.f32 v41, v19;
	v47 =	vmul.f32 v33, v37;
	v41 =	vld [tilespmem:$0x1B670];
	v0 =	vadd.f32 v0, v50  }
0x1bd: {  	[tilespmem:$0x1FD40] =	vst v33;
	v33 =	vmul.f32 v58, v39;
	v40 =	vld [tilespmem:$0x1B6B0];
	v12 =	vadd.f32 v3, v49;
	v5 =	vadd.f32 v6, v46  }
0x1be: {  	[tilespmem:$0x1FD60] =	vst v16;
	v1 =	vsel vm11, v2, v1;
	v49 =	vld [tilespmem:$0x1B5F0];
	v3 =	vadd.f32 v43, v42;
	v16 =	vadd.f32 v47, v15  }
0x1bf: {  	[tilespmem:$0x1FD20] =	vst v17;
	v2 =	vld [tilespmem:$0x1B5D0];
	v0 =	vadd.f32 v0, v62;
	v5 =	vadd.f32 v5, v52;
	v17 =	vmul.f32 v61, v37  }
0x1c0: {  	v4 =	vsel vm11, v30, v51;
	v52 =	vld [tilespmem:$0x1FED0];
	v3 =	vadd.f32 v3, v45;
	v9 =	vadd.f32 v16, v53  }
0x1c1: {  	v51 =	vld [tilespmem:$0x1B640];
	vm11 =	vlt.f32 v0, v1;
	v8 =	vadd.f32 v17, v29;
	v42 =	vmul.f32 v41, v37  }
0x1c2: {  	[tilespmem:$0x1FD70] =	vst v22;
	v50 =	vld [tilespmem:$0x1B680];
	v1 =	vsel vm11, v0, v1;
	v4 =	vsel vm11, v23, v4;
	v22 =	vadd.f32 v9, v18  }
0x1c3: {  	v53 =	vld [tilespmem:$0x1B620];
	v23 =	vmul.f32 v54, v37;
	v55 =	vmul.f32 v49, v37;
	vm11 =	vlt.f32 v3, v1  }
0x1c4: {  	[tilespmem:$0x1FD90] =	vst v14;
	v47 =	vld [tilespmem:$0x1B660];
	v0 =	vmul.f32 v25, v38;
	v14 =	vadd.f32 v8, v20;
	v1 =	vsel vm11, v3, v1  }
0x1c5: {  	v43 =	vld [tilespmem:$0x1FEF0];
	v19 =	vsel vm11, v52, v4;
	v9 =	vadd.f32 v23, v32;
	v3 =	vmul.f32 v57, v39  }
0x1c6: {  	[tilespmem:$0x1FD50] =	vst v15;
	v15 =	vld [tilespmem:$0x1FCB0];
	v4 =	vadd.f32 v55, v59;
	vm11 =	vlt.f32 v5, v1;
	v13 =	vadd.f32 v14, v26  }
0x1c7: {  	v8 =	vld [tilespmem:$0x1FF00];
	v14 =	vmul.f32 v2, v38;
	v1 =	vsel vm11, v5, v1;
	v9 =	vadd.f32 v9, v33  }
0x1c8: {  	v62 =	vld [tilespmem:$0x1B650];
	v26 =	vmul.f32 v53, v39;
	v10 =	vsel vm11, v48, v19;
	vm11 =	vlt.f32 v22, v1  }
0x1c9: {  	v5 =	vmul.f32 v11, v37;
	v46 =	vsel vm11, v22, v1;
	v17 =	vadd.f32 v9, v0;
	v9 =	vld [tilespmem:$0x1FF10]  }
0x1ca: {  	v45 =	vld [tilespmem:$0x1B6A0];
	v18 =	vadd.f32 v4, v3;
	v10 =	vsel vm11, v43, v10;
	vm11 =	vlt.f32 v13, v46  }
0x1cb: {  	[tilespmem:$0x1FDB0] =	vst v32;
	v20 =	vld [tilespmem:$0x1B6F0];
	v3 =	vmul.f32 v40, v37;
	v32 =	vadd.f32 v5, v56;
	v16 =	vsel vm11, v13, v46  }
0x1cc: {  	[tilespmem:$0x1FDD0] =	vst v25;
	v55 =	vld [tilespmem:$0x1B690];
	v33 =	vadd.f32 v18, v14;
	v25 =	vsel vm11, v8, v10;
	vm11 =	vlt.f32 v17, v16  }
0x1cd: {  	v0 =	vmul.f32 v60, v38;
	v18 =	vadd.f32 v42, v51;
	v42 =	vld [tilespmem:$0x1FF20];
	v16 =	vsel vm11, v17, v16  }
0x1ce: {  	[tilespmem:$0x1FDC0] =	vst v21;
	v22 =	vadd.f32 v32, v26;
	v17 =	vld [tilespmem:$0x1FE00];
	v21 =	vsel vm11, v9, v25;
	vm11 =	vlt.f32 v33, v16  }
0x1cf: {  	[tilespmem:$0x1FDE0] =	vst v2;
	v1 =	vmul.f32 v47, v39;
	v2 =	vsel vm11, v33, v16;
	v16 =	vld [tilespmem:$0x1FFA0]  }
0x1d0: {  	[tilespmem:$0x1FD80] =	vst v29;
	v29 =	vmul.f32 v45, v39;
	v19 =	vld [tilespmem:$0x1B6E0];
	v30 =	vadd.f32 v3, v50;
	v23 =	vadd.f32 v22, v0  }
0x1d1: {  	[tilespmem:$0x1FD10] =	vst v28;
	v28 =	vmul.f32 v62, v38;
	v10 =	vld [tilespmem:$0x1B6C0];
	v18 =	vadd.f32 v18, v1  }
0x1d2: {  	v46 =	vld [tilespmem:$0x1B6D0];
	v29 =	vadd.f32 v30, v29;
	v21 =	vsel vm11, v42, v21;
	vm11 =	vlt.f32 v23, v2  }
0x1d3: {  	v22 =	vld [tilespmem:$0x1B730];
	v23 =	vsel vm11, v23, v2;
	v30 =	vsel vm11, v44, v21;
	vm11 =	vnez.u8 v15  }
0x1d4: {  	v4 =	vadd.f32 v18, v28;
	v28 =	vmul.f32 v20, v37;
	v18 =	vsel vm11, v17, v16;
	v17 =	vld [tilespmem:$0x1FE10]  }
0x1d5: {  	v25 =	vld [tilespmem:$0x1B720]  }
0x1d6: {  	v5 =	vmul.f32 v19, v39;
	v33 =	vld [tilespmem:$0x1B700];
	v6 =	vadd.f32 v28, v10  }
0x1d7: {  	v14 =	vld [tilespmem:$0x1B710]  }
0x1d8: {  	v13 =	vld [tilespmem:$0x1B740];
	vm0 =	vlt.f32 v4, v23;
	v2 =	vadd.f32 v6, v5  }
0x1d9: {  	v21 =	vsel vm0, v4, v23;
	v23 =	vmul.f32 v22, v37;
	v5 =	vsel vm2, v17, v18;
	v18 =	vld [tilespmem:$0x1FCC0]  }
0x1da: {  	v26 =	vld [tilespmem:$0x1B7B0]  }
0x1db: {  	v28 =	vld [tilespmem:$0x1B770];
	v32 =	vmul.f32 v46, v38;
	v16 =	vmul.f32 v25, v39;
	v15 =	vadd.f32 v23, v33  }
0x1dc: {  	[tilespmem:$0x1FD00] =	vst v31;
	v3 =	vmul.f32 v7, v36;
	v31 =	vmul.f32 v55, v38;
	v6 =	vadd.f32 v27, v24;
	v27 =	vld [tilespmem:$0x1B7A0]  }
0x1dd: {  	v2 =	vadd.f32 v2, v32;
	v32 =	vmul.f32 v14, v38;
	v23 =	vld [tilespmem:$0x1B780];
	v4 =	vadd.f32 v15, v16  }
0x1de: {  	v29 =	vadd.f32 v29, v31;
	v3 =	vadd.f32 v3, v18;
	v18 =	vld [tilespmem:$0x1FCD0]  }
0x1df: {  	v4 =	vadd.f32 v4, v32;
	v32 =	vld [tilespmem:$0x1FE20]  }
0x1e0: {  	v31 =	vld [tilespmem:$0x1B760];
	vm1 =	vlt.f32 v29, v21  }
0x1e1: {  	v21 =	vsel vm1, v29, v21  }
0x1e2: {  	v7 =	vld [tilespmem:$0x1B750];
	v1 =	vmul.f32 v26, v37;
	vm2 =	vlt.f32 v2, v21  }
0x1e3: {  	v24 =	vld [tilespmem:$0x1B790];
	v29 =	vmul.f32 v28, v37;
	v2 =	vsel vm2, v2, v21;
	vm11 =	vnez.u8 v18  }
0x1e4: {  	v1 =	vadd.f32 v1, v23;
	v21 =	vmul.f32 v27, v39;
	v5 =	vsel vm11, v32, v5;
	v32 =	vld [tilespmem:$0x1FF40]  }
0x1e5: {  	v0 =	vmul.f32 v31, v39;
	v29 =	vadd.f32 v29, v13;
	v15 =	vld [tilespmem:$0x1FF50]  }
0x1e6: {  	v1 =	vadd.f32 v1, v21;
	v21 =	vld [tilespmem:$0x1FF60]  }
0x1e7: {  	v0 =	vadd.f32 v29, v0;
	v29 =	vmul.f32 v7, v38  }
0x1e8: {  	v17 =	vmul.f32 v24, v38  }
0x1e9: {  	v0 =	vadd.f32 v0, v29;
	v29 =	vld [tilespmem:$0x1FE30];
	v18 =	vsel vm0, v32, v30  }
0x1ea: {  	v1 =	vadd.f32 v1, v17;
	v17 =	vld [tilespmem:$0x1FE40];
	vm11 =	vlt.f32 v4, v2;
	v16 =	vsel vm1, v15, v18  }
0x1eb: {  	v2 =	vsel vm11, v4, v2;
	v4 =	vsel vm2, v21, v16;
	v16 =	vld [tilespmem:$0x1FE50];
	_ =	sdelay $0x2  }
0x1ec: {  	v5 =	vsel vm3, v29, v5  }
0x1ed: {  	v5 =	vsel vm4, v17, v5;
	v18 =	vld [tilespmem:$0x1FE60]  }
0x1ee: {  	v5 =	vsel vm5, v16, v5;
	v16 =	vld [tilespmem:$0x1FF70]  }
0x1ef: {  	v17 =	vld [tilespmem:$0x1FE70];
	_ =	sdelay $0x2  }
0x1f0: {  	vm5 =	vlt.f32 v0, v2  }
0x1f1: {  	v0 =	vsel vm5, v0, v2;
	v2 =	vsel vm11, v16, v4;
	v4 =	vsel vm6, v18, v5;
	v18 =	vld [tilespmem:$0x1FF80]  }
0x1f2: {  	v4 =	vsel vm7, v17, v4;
	v17 =	vld [tilespmem:$0x1FF90];
	_ =	sdelay $0x3  }
0x1f3: {  	vm7 =	vlt.f32 v1, v0;
	v2 =	vsel vm5, v18, v2  }
0x1f4: {  	v5 =	vsel vm7, v17, v2  }
0x1f5: {  	[tilespmem:$0x1FDF0] =	vst v5;
	v5 =	vld [tilespmem:$0x1FE80];
	_ =	sdelay $0x4  }
0x1f6: {  	v29 =	vsel vm7, v1, v0;
	v0 =	vsel vm8, v5, v4;
	v4 =	vld [tilespmem:$0x1FCE0];
	_ =	sdelay $0x1  }
0x1f7: {  	v5 =	vld [tilespmem:$0x1FE90];
	_ =	sdelay $0x2  }
0x1f8: {  	v1 =	vmul.f32 v4, v34;
	v4 =	vld [tilespmem:$0x1FEA0];
	_ =	sdelay $0x1  }
0x1f9: {  	v0 =	vsel vm9, v5, v0;
	v5 =	vld [tilespmem:$0x1FCF0];
	_ =	sdelay $0x2  }
0x1fa: {  	v0 =	vsel vm10, v4, v0;
	v4 =	vld [tilespmem:$0x1FD00]  }
0x1fb: {  	vm10 =	vlt.f32 v12, v63  }
0x1fc: {  	v2 =	vmul.f32 v5, v35;
	v5 =	vsel vm10, v12, v63;
	v12 =	vld [tilespmem:$0x1FD10]  }
0x1fd: {  	v63 =	vld [tilespmem:$0x1FD20];
	_ =	sdelay $0x1  }
0x1fe: {  	v4 =	vmul.f32 v4, v36;
	_ =	sdelay $0x1  }
0x1ff: {  	v2 =	vadd.f32 v3, v2;
	v3 =	vadd.f32 v4, v12;
	v12 =	vld [tilespmem:$0x1FD30]  }
0x200: {  	v4 =	vmul.f32 v63, v34;
	v63 =	vld [tilespmem:$0x1FD40];
	_ =	sdelay $0x4  }
0x201: {  	v1 =	vadd.f32 v6, v1;
	v6 =	vmul.f32 v12, v35;
	v12 =	vmul.f32 v63, v36;
	v63 =	vld [tilespmem:$0x1FD50];
	_ =	sdelay $0x4  }
0x202: {  	v2 =	vadd.f32 v2, v4;
	v4 =	vadd.f32 v12, v63;
	v63 =	vld [tilespmem:$0x1FD60];
	_ =	sdelay $0x3  }
0x203: {  	v30 =	vld [tilespmem:$0x1FEB0];
	vm11 =	vlt.f32 v1, v5  }
0x204: {  	v1 =	vsel vm11, v1, v5;
	v5 =	vmul.f32 v63, v34;
	v63 =	vld [tilespmem:$0x1FEC0];
	_ =	sdelay $0x2  }
0x205: {  	v12 =	vld [tilespmem:$0x1FD70]  }
0x206: {  	v0 =	vsel vm15, v30, v0  }
0x207: {  	v0 =	vsel vm12, v63, v0;
	v63 =	vld [tilespmem:$0x1FD80];
	_ =	sdelay $0x1  }
0x208: {  	v3 =	vadd.f32 v3, v6  }
0x209: {  	v61 =	vmul.f32 v61, v36;
	v6 =	vmul.f32 v12, v35;
	v12 =	vld [tilespmem:$0x1FDA0];
	vm12 =	vlt.f32 v2, v1  }
0x20a: {  	v1 =	vsel vm12, v2, v1;
	v2 =	vadd.f32 v3, v5  }
0x20b: {  	v3 =	vadd.f32 v4, v6;
	v4 =	vadd.f32 v61, v63;
	v61 =	vld [tilespmem:$0x1FD90]  }
0x20c: {  	v63 =	vld [tilespmem:$0x1FFC0];
	_ =	sdelay $0x1  }
0x20d: {  	v6 =	vmul.f32 v12, v35;
	v12 =	vmul.f32 v54, v36;
	v54 =	vld [tilespmem:$0x1FDB0];
	_ =	sdelay $0x1  }
0x20e: {  	v5 =	vmul.f32 v61, v34  }
0x20f: {  	v0 =	vsel vm13, v63, v0;
	vm13 =	vlt.f32 v2, v1  }
0x210: {  	v1 =	vsel vm13, v2, v1;
	v2 =	vadd.f32 v3, v5  }
0x211: {  	v3 =	vadd.f32 v4, v6;
	v4 =	vadd.f32 v12, v54;
	v54 =	vld [tilespmem:$0x1FDC0]  }
0x212: {  	v61 =	vld [tilespmem:$0x1FFD0];
	_ =	sdelay $0x3  }
0x213: {  	v5 =	vmul.f32 v54, v34;
	v54 =	vmul.f32 v49, v36;
	v49 =	vld [tilespmem:$0x1FDD0]  }
0x214: {  	v11 =	vmul.f32 v11, v36;
	v30 =	vld [tilespmem:$0x1FFE0];
	v0 =	vsel vm14, v61, v0;
	vm14 =	vlt.f32 v2, v1  }
0x215: {  	v1 =	vsel vm14, v2, v1;
	v2 =	vadd.f32 v3, v5  }
0x216: {  	v58 =	vmul.f32 v58, v35;
	v12 =	vadd.f32 v54, v59;
	v59 =	vadd.f32 v11, v56;
	v11 =	vld [tilespmem:$0x1FFF0]  }
0x217: {  	v7 =	vmul.f32 v7, v34  }
0x218: {  	v58 =	vadd.f32 v4, v58;
	vm15 =	vlt.f32 v2, v1;
	v5 =	vmul.f32 v49, v34  }
0x219: {  	v0 =	vsel vm10, v30, v0;
	v54 =	vmul.f32 v57, v35;
	v1 =	vsel vm15, v2, v1  }
0x21a: {  	v49 =	vmul.f32 v53, v35;
	v53 =	vmul.f32 v41, v36;
	v57 =	vadd.f32 v58, v5  }
0x21b: {  	v41 =	vmul.f32 v40, v36;
	v58 =	vadd.f32 v12, v54;
	v0 =	vsel vm11, v11, v0  }
0x21c: {  	v0 =	vsel vm12, v52, v0;
	v52 =	vmul.f32 v22, v36;
	vm5 =	vlt.f32 v57, v1  }
0x21d: {  	v12 =	vld [tilespmem:$0x1FDE0];
	v0 =	vsel vm13, v48, v0;
	v48 =	vadd.f32 v41, v50;
	v1 =	vsel vm5, v57, v1  }
0x21e: {  	v57 =	vadd.f32 v59, v49;
	v59 =	vmul.f32 v60, v34;
	v60 =	vmul.f32 v47, v35  }
0x21f: {  	v0 =	vsel vm14, v43, v0;
	v43 =	vmul.f32 v62, v34;
	v47 =	vmul.f32 v20, v36  }
0x220: {  	v49 =	vmul.f32 v45, v35;
	v4 =	vadd.f32 v52, v33;
	v62 =	vmul.f32 v28, v36  }
0x221: {  	v54 =	vmovc v11;
	v20 =	vld [tilespmem:$0x1B7D0];
	v33 =	vmul.f32 v26, v36;
	v0 =	vsel vm15, v8, v0;
	v11 =	vadd.f32 v57, v59  }
0x222: {  	v5 =	vmul.f32 v12, v34;
	v50 =	vadd.f32 v47, v10;
	v2 =	vadd.f32 v48, v49  }
0x223: {  	v0 =	vsel vm5, v9, v0;
	v59 =	vmul.f32 v25, v35;
	v25 =	vmul.f32 v31, v35  }
0x224: {  	v47 =	vmul.f32 v24, v34;
	v56 =	vadd.f32 v58, v5;
	v58 =	vadd.f32 v53, v51  }
0x225: {  	v51 =	vmul.f32 v19, v35;
	v19 =	vmul.f32 v14, v34;
	v4 =	vadd.f32 v4, v59  }
0x226: {  	v53 =	vld [tilespmem:$0x1B7F0];
	v45 =	vmul.f32 v20, v38;
	vm6 =	vlt.f32 v56, v1;
	v12 =	vadd.f32 v58, v60  }
0x227: {  	v5 =	vadd.f32 v50, v51;
	v58 =	vmul.f32 v46, v34;
	v4 =	vadd.f32 v4, v19  }
0x228: {  	v60 =	vld [tilespmem:$0x1B7E0];
	v50 =	vmul.f32 v20, v34;
	v1 =	vsel vm6, v56, v1;
	v56 =	vmul.f32 v55, v34  }
0x229: {  	v57 =	vld [tilespmem:$0x1B7C0];
	v0 =	vsel vm6, v42, v0;
	v42 =	vadd.f32 v33, v23;
	vm7 =	vlt.f32 v11, v1  }
0x22a: {  	v3 =	vadd.f32 v12, v43;
	v5 =	vadd.f32 v5, v58;
	v43 =	vmul.f32 v27, v35  }
0x22b: {  	v1 =	vsel vm7, v11, v1;
	v2 =	vadd.f32 v2, v56;
	v22 =	vmul.f32 v53, v37  }
0x22c: {  	v0 =	vsel vm7, v44, v0;
	v8 =	vmul.f32 v53, v36;
	vm8 =	vlt.f32 v3, v1  }
0x22d: {  	v1 =	vsel vm8, v3, v1;
	v3 =	vadd.f32 v62, v13;
	v40 =	vmul.f32 v60, v39  }
0x22e: {  	v11 =	vadd.f32 v22, v57;
	v6 =	vadd.f32 v8, v57;
	vm9 =	vlt.f32 v2, v1  }
0x22f: {  	v52 =	vld [tilespmem:$0x1FDF0];
	v0 =	vsel vm8, v32, v0;
	v48 =	vmul.f32 v60, v35;
	v1 =	vsel vm9, v2, v1  }
0x230: {  	v51 =	vld [tilespmem:$0x1FFB0];
	v41 =	vadd.f32 v3, v25;
	v9 =	vadd.f32 v11, v40;
	vm10 =	vlt.f32 v5, v1  }
0x231: {  	v3 =	vadd.f32 v42, v43;
	v49 =	vadd.f32 v6, v48;
	v1 =	vsel vm10, v5, v1  }
0x232: {  	v46 =	vadd.f32 v9, v45;
	v2 =	vadd.f32 v41, v7;
	vm11 =	vlt.f32 v4, v1  }
0x233: {  	v0 =	vsel vm9, v15, v0;
	v3 =	vadd.f32 v3, v47;
	v1 =	vsel vm11, v4, v1  }
0x234: {  	v0 =	vsel vm10, v21, v0;
	vm12 =	vlt.f32 v46, v29;
	vm13 =	vlt.f32 v2, v1  }
0x235: {  	v53 =	vadd.f32 v49, v50;
	v6 =	vsel vm12, v51, v52;
	v1 =	vsel vm13, v2, v1  }
0x236: {  	v0 =	vsel vm11, v16, v0;
	v55 =	vadd.s32 $0x20, v6;
	vm14 =	vlt.f32 v3, v1  }
0x237: {  	v0 =	vsel vm13, v18, v0;
	v56 =	vadd.s32 $0x40, v6;
	v1 =	vsel vm14, v3, v1  }
0x238: {  	v57 =	vadd.s32 $0x60, v6;
	v0 =	vsel vm14, v17, v0;
	vm15 =	vlt.f32 v53, v1  }
0x239: {  	v0 =	vsel vm15, v51, v0  }
0x23a: {  	[tilespmem:v6+s15+$0x0] =	vst.idx.add.f32.msk $0xffff, v38;
	v58 =	vadd.s32 $0x20, v0  }
0x23b: {  	[tilespmem:v55+s15+$0x0] =	vst.idx.add.f32.msk $0xffff, v39;
	v59 =	vadd.s32 $0x40, v0  }
0x23c: {  	p1 =	sne.s32 s21, $0x8FE0;
	v62 =	vimm.f32 $1.000000000e+00;
	v60 =	vadd.s32 $0x60, v0;
	[tilespmem:v56+s15+$0x0] =	vst.idx.add.f32.msk $0xffff, v37  }
.Ltmp0:
0x23d: {  	[tilespmem:v57+s15+$0x0] =	vst.idx.add.f32.msk $0xffff, v62;
	(pc) =	sbr.rel @p1 .LBB2_3-.Ltmp0, $4  }
0x23e: {  	[tilespmem:v0+s15+$0x0] =	vst.idx.add.f32.msk $0xffff, v34  }
0x23f: {  	[tilespmem:v58+s15+$0x0] =	vst.idx.add.f32.msk $0xffff, v35  }
0x240: {  	[tilespmem:v59+s15+$0x0] =	vst.idx.add.f32.msk $0xffff, v36  }
0x241: {  	s20 =	sadd.s32 $0x20, s20;
	s21 =	sadd.s32 $0x20, s21;
	[tilespmem:v60+s15+$0x0] =	vst.idx.add.f32.msk $0xffff, v62  }
0x242: {  	v0 =	vld [tilespmem:$0x1B800]  }
0x243: {  	v1 =	vld [tilespmem:$0x1B880]  }
0x244: {  	v2 =	vld [tilespmem:$0x1B900]  }
0x245: {  	v57 =	vld [tilespmem:$0x1B980]  }
0x246: {  	v9 =	vld [tilespmem:$0x1BA00]  }
0x247: {  	v10 =	vld [tilespmem:$0x1BA80]  }
0x248: {  	v11 =	vld [tilespmem:$0x1BB00]  }
0x249: {  	v12 =	vld [tilespmem:$0x1BB80]  }
0x24a: {  	v14 =	vld [tilespmem:$0x1BC00]  }
0x24b: {  	v16 =	vld [tilespmem:$0x1BC80]  }
0x24c: {  	v18 =	vld [tilespmem:$0x1BD00]  }
0x24d: {  	v61 =	vld [tilespmem:$0x1BD80]  }
0x24e: {  	v3 =	vld [tilespmem:$0x1BE00]  }
0x24f: {  	v56 =	vld [tilespmem:$0x1BE80]  }
0x250: {  	v58 =	vld [tilespmem:$0x1BF00]  }
0x251: {  	v59 =	vld [tilespmem:$0x1BF80]  }
0x252: {  	v5 =	vld [tilespmem:$0x1B810]  }
0x253: {  	v7 =	vld [tilespmem:$0x1B890]  }
0x254: {  	v19 =	vld [tilespmem:$0x1B910]  }
0x255: {  	v20 =	vld [tilespmem:$0x1B990]  }
0x256: {  	v21 =	vld [tilespmem:$0x1BA10]  }
0x257: {  	v22 =	vld [tilespmem:$0x1BA90]  }
0x258: {  	v23 =	vld [tilespmem:$0x1BB10]  }
0x259: {  	v24 =	vld [tilespmem:$0x1BB90]  }
0x25a: {  	v25 =	vld [tilespmem:$0x1BC10]  }
0x25b: {  	v26 =	vld [tilespmem:$0x1BC90]  }
0x25c: {  	v27 =	vld [tilespmem:$0x1BD10]  }
0x25d: {  	v28 =	vld [tilespmem:$0x1BD90]  }
0x25e: {  	v29 =	vld [tilespmem:$0x1BE10]  }
0x25f: {  	v31 =	vld [tilespmem:$0x1BE90]  }
0x260: {  	v60 =	vld [tilespmem:$0x1BF10]  }
0x261: {  	v62 =	vld [tilespmem:$0x1BF90]  }
0x262: {  	v8 =	vld [tilespmem:$0x1B820]  }
0x263: {  	v33 =	vld [tilespmem:$0x1B8A0]  }
0x264: {  	v34 =	vld [tilespmem:$0x1B920]  }
0x265: {  	v35 =	vld [tilespmem:$0x1B9A0]  }
0x266: {  	v36 =	vld [tilespmem:$0x1BA20]  }
0x267: {  	v37 =	vld [tilespmem:$0x1BAA0]  }
0x268: {  	v38 =	vld [tilespmem:$0x1BB20]  }
0x269: {  	v39 =	vld [tilespmem:$0x1BBA0]  }
0x26a: {  	v40 =	vld [tilespmem:$0x1BC20]  }
0x26b: {  	v41 =	vld [tilespmem:$0x1BCA0]  }
0x26c: {  	v42 =	vld [tilespmem:$0x1BD20]  }
0x26d: {  	v43 =	vld [tilespmem:$0x1BDA0]  }
0x26e: {  	v44 =	vld [tilespmem:$0x1BE20]  }
0x26f: {  	v30 =	vld [tilespmem:$0x1BEA0]  }
0x270: {  	v46 =	vld [tilespmem:$0x1BF20]  }
0x271: {  	v47 =	vld [tilespmem:$0x1BFA0]  }
0x272: {  	v48 =	vld [tilespmem:$0x1B830]  }
0x273: {  	v49 =	vld [tilespmem:$0x1B8B0]  }
0x274: {  	v50 =	vld [tilespmem:$0x1B930]  }
0x275: {  	v51 =	vld [tilespmem:$0x1B9B0]  }
0x276: {  	v52 =	vld [tilespmem:$0x1BA30]  }
0x277: {  	v53 =	vld [tilespmem:$0x1BAB0]  }
0x278: {  	v54 =	vld [tilespmem:$0x1BB30]  }
0x279: {  	v55 =	vld [tilespmem:$0x1BBB0]  }
0x27a: {  	v45 =	vld [tilespmem:$0x1BEB0]  }
0x27b: {  	v32 =	vld [tilespmem:$0x1BFB0]  }
0x27c: {  	v6 =	vld [tilespmem:$0x1B840]  }
0x27d: {  	v4 =	vld [tilespmem:$0x1B8C0]  }
0x27e: {  	v13 =	vld [tilespmem:$0x1B940]  }
0x27f: {  	v15 =	vld [tilespmem:$0x1B9C0]  }
0x280: {  	v17 =	vld [tilespmem:$0x1BA40]  }
0x281: {  	v63 =	vld [tilespmem:$0x1BAC0]  }
0x282: {  	[tilespmem:$0x1FC40] =	vst v56;
	v56 =	vld [tilespmem:$0x1BC30]  }
0x283: {  	[tilespmem:$0x1FC30] =	vst v3;
	v3 =	vld [tilespmem:$0x1BCB0]  }
0x284: {  	[tilespmem:$0x1FC50] =	vst v58;
	v58 =	vld [tilespmem:$0x1BD30]  }
0x285: {  	[tilespmem:$0x1FC70] =	vst v59;
	v59 =	vld [tilespmem:$0x1BDB0]  }
0x286: {  	[tilespmem:$0x1FC60] =	vst v60;
	v60 =	vld [tilespmem:$0x1BE30]  }
0x287: {  	[tilespmem:$0x1FC80] =	vst v62;
	v62 =	vld [tilespmem:$0x1BF30]  }
0x288: {  	[tilespmem:$0x1FC90] =	vst v63;
	v63 =	vld [tilespmem:$0x1BB40]  }
0x289: {  	v0 =	vadd.f32 v1, v0;
	v1 =	vld [tilespmem:$0x1BBC0]  }
0x28a: {  	v5 =	vadd.f32 v7, v5;
	v7 =	vld [tilespmem:$0x1BC40]  }
0x28b: {  	v48 =	vadd.f32 v49, v48;
	v49 =	vld [tilespmem:$0x1FC40]  }
0x28c: {  	v0 =	vadd.f32 v2, v0;
	v2 =	vadd.f32 v33, v8;
	v8 =	vld [tilespmem:$0x1BCC0]  }
0x28d: {  	v33 =	vld [tilespmem:$0x1B8D0]  }
0x28e: {  	v0 =	vadd.f32 v57, v0;
	v57 =	vadd.f32 v50, v48;
	v48 =	vld [tilespmem:$0x1BE40]  }
0x28f: {  	v4 =	vadd.f32 v4, v6;
	v50 =	vld [tilespmem:$0x1FC50]  }
0x290: {  	v2 =	vadd.f32 v34, v2;
	[tilespmem:$0x1FCA0] =	vst v63;
	v63 =	vadd.f32 v19, v5;
	v19 =	vld [tilespmem:$0x1BD40]  }
0x291: {  	v5 =	vld [tilespmem:$0x1BDC0]  }
0x292: {  	v4 =	vadd.f32 v13, v4;
	v34 =	vadd.f32 v35, v2;
	v2 =	vld [tilespmem:$0x1BEC0]  }
0x293: {  	v0 =	vadd.f32 v9, v0;
	v9 =	vld [tilespmem:$0x1BF40]  }
0x294: {  	v4 =	vadd.f32 v15, v4;
	v35 =	vld [tilespmem:$0x1BFD0]  }
0x295: {  	v57 =	vadd.f32 v51, v57;
	v51 =	vld [tilespmem:$0x1B8E0]  }
0x296: {  	v4 =	vadd.f32 v17, v4;
	v17 =	vld [tilespmem:$0x1BE70]  }
0x297: {  	v20 =	vadd.f32 v20, v63;
	v10 =	vadd.f32 v10, v0;
	v0 =	vld [tilespmem:$0x1BFC0]  }
0x298: {  	v36 =	vadd.f32 v36, v34;
	v34 =	vld [tilespmem:$0x1BED0]  }
0x299: {  	v20 =	vadd.f32 v21, v20;
	v21 =	vadd.f32 v52, v57;
	v52 =	vld [tilespmem:$0x1FC60]  }
0x29a: {  	v57 =	vld [tilespmem:$0x1FC80]  }
0x29b: {  	v10 =	vadd.f32 v11, v10;
	v20 =	vadd.f32 v22, v20;
	v22 =	vld [tilespmem:$0x1B850]  }
0x29c: {  	v37 =	vadd.f32 v37, v36;
	v21 =	vadd.f32 v53, v21;
	v53 =	vld [tilespmem:$0x1B870]  }
0x29d: {  	v10 =	vadd.f32 v12, v10;
	v12 =	vld [tilespmem:$0x1B9D0]  }
0x29e: {  	v11 =	vadd.f32 v38, v37;
	v20 =	vadd.f32 v23, v20;
	v23 =	vld [tilespmem:$0x1B950]  }
0x29f: {  	v21 =	vadd.f32 v54, v21;
	v10 =	vadd.f32 v14, v10;
	v14 =	vld [tilespmem:$0x1BAD0]  }
0x2a0: {  	v20 =	vadd.f32 v24, v20;
	v24 =	vld [tilespmem:$0x1BA50]  }
0x2a1: {  	v11 =	vadd.f32 v39, v11;
	v21 =	vadd.f32 v55, v21;
	v55 =	vld [tilespmem:$0x1FC70]  }
0x2a2: {  	v10 =	vadd.f32 v16, v10;
	v16 =	vld [tilespmem:$0x1BBD0];
	v20 =	vadd.f32 v25, v20  }
0x2a3: {  	v11 =	vadd.f32 v40, v11;
	v40 =	vld [tilespmem:$0x1BDD0]  }
0x2a4: {  	v25 =	vld [tilespmem:$0x1BB50];
	v21 =	vadd.f32 v56, v21;
	v20 =	vadd.f32 v26, v20  }
0x2a5: {  	v22 =	vadd.f32 v33, v22;
	v56 =	vld [tilespmem:$0x1B8F0];
	v10 =	vadd.f32 v18, v10  }
0x2a6: {  	v18 =	vld [tilespmem:$0x1BCD0];
	v21 =	vadd.f32 v3, v21;
	v20 =	vadd.f32 v27, v20  }
0x2a7: {  	v11 =	vadd.f32 v41, v11;
	v22 =	vadd.f32 v23, v22;
	v41 =	vld [tilespmem:$0x1BA60]  }
0x2a8: {  	v26 =	vld [tilespmem:$0x1BC50];
	v21 =	vadd.f32 v58, v21;
	v20 =	vadd.f32 v28, v20  }
0x2a9: {  	v11 =	vadd.f32 v42, v11;
	v42 =	vld [tilespmem:$0x1FC30];
	v12 =	vadd.f32 v12, v22  }
0x2aa: {  	v27 =	vld [tilespmem:$0x1BD50];
	v21 =	vadd.f32 v59, v21;
	v20 =	vadd.f32 v29, v20  }
0x2ab: {  	v58 =	vld [tilespmem:$0x1B960];
	v11 =	vadd.f32 v43, v11;
	v12 =	vadd.f32 v24, v12  }
0x2ac: {  	v21 =	vadd.f32 v60, v21;
	v20 =	vadd.f32 v31, v20;
	v31 =	vld [tilespmem:$0x1B860]  }
0x2ad: {  	v10 =	vadd.f32 v61, v10;
	v43 =	vld [tilespmem:$0x1BAE0];
	v11 =	vadd.f32 v44, v11  }
0x2ae: {  	v28 =	vld [tilespmem:$0x1BE50];
	v12 =	vadd.f32 v14, v12;
	v21 =	vadd.f32 v45, v21  }
0x2af: {  	v59 =	vld [tilespmem:$0x1B970];
	v10 =	vadd.f32 v42, v10;
	v11 =	vadd.f32 v30, v11  }
0x2b0: {  	v60 =	vld [tilespmem:$0x1B9E0];
	v12 =	vadd.f32 v25, v12;
	v21 =	vadd.f32 v62, v21  }
0x2b1: {  	v10 =	vadd.f32 v49, v10;
	v62 =	vadd.f32 v51, v31;
	v31 =	vld [tilespmem:$0x1B9F0]  }
0x2b2: {  	v42 =	vld [tilespmem:$0x1BA70];
	v21 =	vadd.f32 v32, v21;
	v32 =	vadd.f32 v56, v53  }
0x2b3: {  	v11 =	vadd.f32 v46, v11;
	v46 =	vld [tilespmem:$0x1FC90];
	v13 =	vadd.f32 v58, v62  }
0x2b4: {  	v44 =	vld [tilespmem:$0x1BAF0];
	v12 =	vadd.f32 v16, v12;
	v6 =	vadd.f32 v59, v32  }
0x2b5: {  	v10 =	vadd.f32 v50, v10;
	v50 =	vld [tilespmem:$0x1FCA0];
	v13 =	vadd.f32 v60, v13  }
0x2b6: {  	v45 =	vld [tilespmem:$0x1BB60];
	v20 =	vadd.f32 v52, v20;
	v6 =	vadd.f32 v31, v6  }
0x2b7: {  	v11 =	vadd.f32 v47, v11;
	v47 =	vld [tilespmem:$0x1BB70];
	v13 =	vadd.f32 v41, v13  }
0x2b8: {  	v49 =	vld [tilespmem:$0x1BBE0];
	v4 =	vadd.f32 v46, v4;
	v6 =	vadd.f32 v42, v6  }
0x2b9: {  	v12 =	vadd.f32 v26, v12;
	v51 =	vld [tilespmem:$0x1BBF0];
	v13 =	vadd.f32 v43, v13  }
0x2ba: {  	v52 =	vld [tilespmem:$0x1BC60];
	v4 =	vadd.f32 v50, v4;
	v6 =	vadd.f32 v44, v6  }
0x2bb: {  	v10 =	vadd.f32 v55, v10;
	v55 =	vld [tilespmem:$0x1BC70];
	v53 =	vadd.f32 v45, v13  }
0x2bc: {  	v56 =	vld [tilespmem:$0x1BCE0];
	v1 =	vadd.f32 v1, v4;
	v6 =	vadd.f32 v47, v6  }
0x2bd: {  	v20 =	vadd.f32 v57, v20;
	v57 =	vld [tilespmem:$0x1BCF0];
	v4 =	vadd.f32 v49, v53  }
0x2be: {  	v58 =	vld [tilespmem:$0x1BD60];
	v1 =	vadd.f32 v7, v1;
	v6 =	vadd.f32 v51, v6  }
0x2bf: {  	v12 =	vadd.f32 v18, v12;
	v59 =	vld [tilespmem:$0x1BD70];
	v4 =	vadd.f32 v52, v4  }
0x2c0: {  	v60 =	vld [tilespmem:$0x1BDE0];
	v1 =	vadd.f32 v8, v1;
	v6 =	vadd.f32 v55, v6  }
0x2c1: {  	v62 =	vld [tilespmem:$0x1BDF0];
	v12 =	vadd.f32 v27, v12;
	v4 =	vadd.f32 v56, v4  }
0x2c2: {  	v16 =	vld [tilespmem:$0x1BE60];
	v1 =	vadd.f32 v19, v1;
	v6 =	vadd.f32 v57, v6  }
0x2c3: {  	v29 =	vld [tilespmem:$0x1BF50];
	v12 =	vadd.f32 v40, v12;
	v4 =	vadd.f32 v58, v4  }
0x2c4: {  	v18 =	vld [tilespmem:$0x1BEE0];
	v1 =	vadd.f32 v5, v1;
	v6 =	vadd.f32 v59, v6  }
0x2c5: {  	v22 =	vld [tilespmem:$0x1BEF0];
	v23 =	vadd.f32 v28, v12;
	v19 =	vadd.f32 v60, v4  }
0x2c6: {  	v24 =	vld [tilespmem:$0x1BF60];
	v1 =	vadd.f32 v48, v1;
	v6 =	vadd.f32 v62, v6  }
0x2c7: {  	v26 =	vld [tilespmem:$0x1BF70];
	v27 =	vadd.f32 v34, v23;
	v25 =	vadd.f32 v16, v19  }
0x2c8: {  	v32 =	vld [tilespmem:$0x1BFE0];
	v1 =	vadd.f32 v2, v1;
	v5 =	vadd.f32 v17, v6  }
0x2c9: {  	v33 =	vld [tilespmem:$0x1BFF0];
	[tilespmem:$0x1C020] =	vst v11;
	v7 =	vadd.f32 v29, v27;
	v2 =	vadd.f32 v18, v25  }
0x2ca: {  	[tilespmem:$0x1C000] =	vst v10;
	v1 =	vadd.f32 v9, v1;
	v4 =	vadd.f32 v22, v5  }
0x2cb: {  	[tilespmem:$0x1C010] =	vst v20;
	v35 =	vadd.f32 v35, v7;
	v34 =	vadd.f32 v24, v2  }
0x2cc: {  	[tilespmem:$0x1C030] =	vst v21;
	v0 =	vadd.f32 v0, v1;
	v3 =	vadd.f32 v26, v4  }
0x2cd: {  	[tilespmem:$0x1C050] =	vst v35;
	v36 =	vadd.f32 v32, v34  }
0x2ce: {  	[tilespmem:$0x1C040] =	vst v0;
	v37 =	vadd.f32 v33, v3  }
0x2cf: {  	v63 =	vld [tilespmem:$0x1FFC0];
	[tilespmem:$0x1C060] =	vst v36  }
0x2d0: {  	v54 =	vld [tilespmem:$0x1FFF0];
	[tilespmem:$0x1C070] =	vst v37  }
0x2d1: {  	v61 =	vld [tilespmem:$0x1FFD0];
	[spmem:s7] =	stream.linear.scatter [tilespmem:s16], [sflag:$0x1], $0x80, $0x38  }
0x2d2: {  	v30 =	vld [tilespmem:$0x1FFE0];
	_ =	swait.ge [sflag:s11], $0x80  }
0x2d3: {  	[sflag:s11] =	ssyncset.done $0x0  }
0x2d4: {  	[sflag:s11] =	ssyncadd.s32 $0xFFFFFF80  }
0x2d5: {  	[bflag:$0x0] =	sbarrier.arrive $0xFFFF  }
0x2d6: {  	[tilespmem:s17], [sflag:$0x1] =	stream.linear.gather [spmem:s8], $0x200, $0x38;
	[tilespmem:$0x1C400] =	vst v63  }
0x2d7: {  	_ =	swait.ge [sflag:s11], $0x200  }
0x2d8: {  	[sflag:s11] =	ssyncset.done $0x0  }
0x2d9: {  	[sflag:s11] =	ssyncadd.s32 $0xFFFFFE00  }
0x2da: {  	v38 =	vld [tilespmem:$0x1C100]  }
0x2db: {  	v39 =	vld [tilespmem:$0x1C180]  }
0x2dc: {  	v40 =	vld [tilespmem:$0x1C200]  }
0x2dd: {  	v41 =	vld [tilespmem:$0x1C280]  }
0x2de: {  	v42 =	vld [tilespmem:$0x1C120]  }
0x2df: {  	v43 =	vld [tilespmem:$0x1C1A0]  }
0x2e0: {  	v44 =	vld [tilespmem:$0x1C220]  }
0x2e1: {  	v45 =	vld [tilespmem:$0x1C2A0]  }
0x2e2: {  	v46 =	vld [tilespmem:$0x1C140]  }
0x2e3: {  	v47 =	vld [tilespmem:$0x1C1C0]  }
0x2e4: {  	v48 =	vld [tilespmem:$0x1C240]  }
0x2e5: {  	v49 =	vld [tilespmem:$0x1C160]  }
0x2e6: {  	v50 =	vld [tilespmem:$0x1C1E0]  }
0x2e7: {  	v51 =	vld [tilespmem:$0x1C2C0]  }
0x2e8: {  	v52 =	vld [tilespmem:$0x1C260]  }
0x2e9: {  	v55 =	vld [tilespmem:$0x1C170]  }
0x2ea: {  	v56 =	vld [tilespmem:$0x1C1F0]  }
0x2eb: {  	v53 =	vld [tilespmem:$0x1C2E0]  }
0x2ec: {  	v58 =	vld [tilespmem:$0x1C270]  }
0x2ed: {  	v60 =	vld [tilespmem:$0x1C2F0];
	v11 =	vadd.f32 v50, v49  }
0x2ee: {  	v62 =	vld [tilespmem:$0x1C110]  }
0x2ef: {  	v25 =	vld [tilespmem:$0x1C190];
	v12 =	vadd.f32 v56, v55;
	v11 =	vadd.f32 v52, v11  }
0x2f0: {  	v26 =	vld [tilespmem:$0x1C210]  }
0x2f1: {  	v32 =	vld [tilespmem:$0x1C130];
	v12 =	vadd.f32 v58, v12;
	v11 =	vadd.f32 v53, v11  }
0x2f2: {  	v33 =	vld [tilespmem:$0x1C1B0]  }
0x2f3: {  	v34 =	vld [tilespmem:$0x1C230];
	v12 =	vadd.f32 v60, v12;
	v24 =	vmax.f32 v11, $1.000000000e+00  }
0x2f4: {  	v36 =	vld [tilespmem:$0x1C150];
	(erf) = vrcp.f32 v24  }
0x2f5: {  	v37 =	vld [tilespmem:$0x1C1D0];
	v0 =	vadd.f32 v39, v38;
	v15 =	vmax.f32 v12, $1.000000000e+00  }
0x2f6: {  	v27 =	vld [tilespmem:$0x1C290];
	v4 =	vadd.f32 v43, v42;
	v35 =	vadd.f32 v47, v46;
	(erf) = vrcp.f32 v15  }
0x2f7: {  	v38 =	vld [tilespmem:$0x1C2B0];
	v39 =	vadd.f32 v25, v62;
	v1 =	vadd.f32 v33, v32  }
0x2f8: {  	v0 =	vadd.f32 v40, v0;
	v4 =	vadd.f32 v44, v4;
	v40 =	vld [tilespmem:$0x1C250]  }
0x2f9: {  	v57 =	vld [tilespmem:$0x1C080];
	v2 =	vadd.f32 v48, v35;
	v7 =	vadd.f32 v26, v39  }
0x2fa: {  	v43 =	vld [tilespmem:$0x1C2D0];
	v1 =	vadd.f32 v34, v1;
	v44 =	vadd.f32 v37, v36  }
0x2fb: {  	v59 =	vld [tilespmem:$0x1C0A0];
	v0 =	vadd.f32 v41, v0;
	v4 =	vadd.f32 v45, v4  }
0x2fc: {  	v46 =	vld [tilespmem:$0x1C0B0];
	v2 =	vadd.f32 v51, v2;
	v7 =	vadd.f32 v27, v7  }
0x2fd: {  	v45 =	vld [tilespmem:$0x1C090];
	v1 =	vadd.f32 v38, v1;
	v47 =	vadd.f32 v40, v44;
	v41 =	vpop (erf)  }
0x2fe: {  	v42 =	vld [tilespmem:$0x1C0C0];
	vm0 =	vgt.f32 v11, $0.0e+00;
	vm15 =	vgt.f32 v12, $0.0e+00;
	v0 =	vmul.f32 v41, v0  }
0x2ff: {  	v51 =	vld [tilespmem:$0x1C0D0];
	v3 =	vadd.f32 v43, v47;
	v4 =	vmul.f32 v41, v4;
	v2 =	vmul.f32 v41, v2;
	v50 =	vpop (erf)  }
0x300: {  	v7 =	vmul.f32 v50, v7;
	v1 =	vmul.f32 v50, v1;
	v0 =	vsel vm0, v0, v57  }
0x301: {  	v3 =	vmul.f32 v50, v3;
	v4 =	vsel vm0, v4, v59;
	v48 =	vmul.f32 v0, v0  }
0x302: {  	v49 =	vmul.f32 v4, v4;
	[tilespmem:$0x1C080] =	vst v0;
	v53 =	vsel vm15, v7, v45;
	v1 =	vsel vm15, v1, v46  }
0x303: {  	v2 =	vsel vm0, v2, v42;
	[tilespmem:$0x1C0A0] =	vst v4;
	v56 =	vmul.f32 v53, v53;
	v57 =	vmul.f32 v1, v1  }
0x304: {  	v52 =	vmul.f32 v2, v2;
	[tilespmem:$0x1C0C0] =	vst v2;
	v58 =	vsel vm15, v3, v51;
	v5 =	vadd.f32 v49, v48  }
0x305: {  	s19 =	sadd.s32 $0x1, s19;
	v60 =	vmul.f32 v58, v58;
	[tilespmem:$0x1C090] =	vst v53;
	v59 =	vadd.f32 v57, v56  }
0x306: {  	p1 =	sne.s32 s19, $0xA;
	[tilespmem:$0x1C0B0] =	vst v1;
	v55 =	vadd.f32 v52, v5  }
.Ltmp1:
0x307: {  	[tilespmem:$0x1C0D0] =	vst v58;
	v62 =	vadd.f32 v60, v59;
	(pc) =	sbr.rel @p1 .LBB2_2-.Ltmp1, $3  }
0x308: {  	[tilespmem:$0x1C0E0] =	vst v55  }
0x309: {  	[tilespmem:$0x1C0F0] =	vst v62  }
0x30a: {  	[bflag:$0x0] =	sbarrier.arrive $0xFFFF;
	_ =	sdelay $0x1  }
0x30b: {  	v0 =	vlaneseq.u32 @!p0  }
0x30c: {  	v0 =	vmul.u32 @!p0 $0x3, v0  }
0x30d: {  	v1 =	vld @!p0 [tilespmem:$0x1C080];
	_ =	sdelay $0x3  }
0x30e: {  	s19 =	simm.s32 @!p0 $0x1C300  }
0x30f: {  	[tilespmem:v0+s19+$0x0] =	vst.idx.msk @!p0 $0xffff, v1  }
0x310: {  	v2 =	vadd.s32 @!p0 $0x30, v0;
	v1 =	vld @!p0 [tilespmem:$0x1C090];
	_ =	sdelay $0x4  }
0x311: {  	[tilespmem:v2+s19+$0x0] =	vst.idx.msk @!p0 $0xffff, v1  }
0x312: {  	v2 =	vadd.s32 @!p0 $0x1, v0;
	v1 =	vld @!p0 [tilespmem:$0x1C0A0];
	_ =	sdelay $0x4  }
0x313: {  	[tilespmem:v2+s19+$0x0] =	vst.idx.msk @!p0 $0xffff, v1  }
0x314: {  	v2 =	vadd.s32 @!p0 $0x31, v0;
	v1 =	vld @!p0 [tilespmem:$0x1C0B0];
	_ =	sdelay $0x4  }
0x315: {  	[tilespmem:v2+s19+$0x0] =	vst.idx.msk @!p0 $0xffff, v1  }
0x316: {  	v2 =	vadd.s32 @!p0 $0x2, v0;
	v1 =	vld @!p0 [tilespmem:$0x1C0C0];
	_ =	sdelay $0x4  }
0x317: {  	[tilespmem:v2+s19+$0x0] =	vst.idx.msk @!p0 $0xffff, v1  }
0x318: {  	v0 =	vadd.s32 @!p0 $0x32, v0;
	v1 =	vld @!p0 [tilespmem:$0x1C0D0];
	_ =	sdelay $0x3  }
0x319: {  	s18 =	sadd.s32 $0x1, s18  }
0x31a: {  	s20 =	simm.s32 @!p0 $0x0;
	p1 =	sne.s32 s18, s10;
	[tilespmem:v0+s19+$0x0] =	vst.idx.msk @!p0 $0xffff, v1  }
0x31b: {  	[hbm4b:s9+s20] =	stream.linear.scatter @!p0 [tilespmem:s19], [sflag:$0x1], $0x60, $0x38;
	[tilespmem:$0x1C400] =	vst v63  }
.Ltmp2:
0x31c: {  	_ = 	snop;
	(pc) =	sbr.rel @p1 .LBB2_1-.Ltmp2, $4  }
0x31d: {  	s19 =	simm.s32 @!p0 $0x1  }
0x31e: {  	_ =	swait.ge @!p0 [sflag:s19], $0x60  }
0x31f: {  	[sflag:s19] =	ssyncset.done @!p0 $0x0  }
0x320: {  	[sflag:s19] =	ssyncadd.s32 @!p0 $0xFFFFFFA0  }
0x321: {  	_ =	sfence.sel $0x180000  }
0x322: {  	[bflag:$0x0] =	sbarrier.arrive $0xFFFF  }
0x323: {  	p0 =	sne.s32 s0, $0x0;
	_ =	strace $0x90000047  }
0x324: {  	s0 =	sadd.s32 @!p0 $0x100000, s1;
	[bflag:$0x2] =	sbarrier.arrive $0xFFFF  }
0x325: {  	[sflag:s0] =	ssyncadd.tile.s32 @!p0 $0x1;
	_ =	shalt  }
.Lfunc_end2:
_tile_overlayer_lowered:
.L_overlay_start_2:
0x326: {  	(tag) =	ssettag $0x2  }
0x327: {  	s0 =	rddreg [dreg:$0x0];
	s2 =	stileid.u32  }
0x328: {  	s1 =	rddreg [dreg:$0x1];
	p0 =	sne.s32 s2, $0x0  }
0x329: {  	s3 =	rddreg [dreg:$0x2];
	[bflag:$0x3] =	sbarrier.arrive $0xFFFF;
	s2 =	simm.s32 @!p0 $0x1C01  }
0x32a: {  	[timem:s3], [sflag:s2] =	dma.local @!p0 [hbm:s0], s1  }
0x32b: {  	s0 =	simm.s32 @!p0 $0x1  }
0x32c: {  	_ =	swait.ge @!p0 [sflag:s0], s1  }
0x32d: {  	s1 =	ssub.s32 @!p0 $0x0, s1;
	[sflag:s0] =	ssyncset.done @!p0 $0x0  }
0x32e: {  	[sflag:s0] =	ssyncadd.s32 @!p0 s1  }
0x32f: {  	[bflag:$0x3] =	sbarrier.arrive $0xFFFF  }
0x330: {  	_ =	shalt  }

</sc_bundles>
